<compile_context>
chip_gen: v7x
topology: tpu7x:2x2x1
jax: 0.10.2.dev20260603
libtpu: 0.0.44.dev20260713+nightly
codegen_flags: <defaults>
</compile_context>

<pallas_src>
import jax
import jax.numpy as jnp
from jax import lax
from jax.experimental import pallas as pl
from jax.experimental.pallas import tpu as pltpu
from jax.experimental.pallas import tpu_sc as plsc

N = 10000
E = 320000
DF = 128
DE = 16
PD = 3
H = 128
G = 64

NP = 10240
DZ = 144
FW = 24
NC = 2
NS = 16
NW = NC * NS
EWP = 10240
EP = NW * EWP
CHA = 64
CH = 128
EPP = EP + 3 * CH
RPT = NP // NS
EAT = EWP + 3 * CH
BN = 1024
GRID = NP // BN



def _make_sc_body(ch):
    cpw = EWP // ch

    def body(z_hbm, src_hbm, dst_hbm, zz_hbm, uz_out,
             is0, is1, is2, is3, id0, id1, id2, id3,
             rows0, rows1, rows2, rows3, acc,
             sg0, sg1, sg2, sg3, ss0, ss1, ss2, ss3, si0, si1, si2, si3):
        cid = lax.axis_index("c")
        sid = lax.axis_index("s")
        wid = sid * NC + cid
        base = sid * RPT
        pltpu.sync_copy(zz_hbm.at[pl.ds(base, RPT)], acc.at[pl.ds(base, RPT)])
        ebase = wid * EWP
        idxs = (is0, is1, is2, is3)
        idxd = (id0, id1, id2, id3)
        rows = (rows0, rows1, rows2, rows3)
        sg = (sg0, sg1, sg2, sg3)
        ss = (ss0, ss1, ss2, ss3)
        si = (si0, si1, si2, si3)

        def eoff(j):
            return pl.multiple_of(ebase + j * ch, 8)

        def idx_start(j, b):
            pltpu.async_copy(src_hbm.at[pl.ds(eoff(j), ch)], idxs[b], si[b])
            pltpu.async_copy(dst_hbm.at[pl.ds(eoff(j), ch)], idxd[b], si[b])

        def idx_wait(j, b):
            pltpu.make_async_copy(src_hbm.at[pl.ds(eoff(j), ch)],
                                  idxs[b], si[b]).wait()
            pltpu.make_async_copy(dst_hbm.at[pl.ds(eoff(j), ch)],
                                  idxd[b], si[b]).wait()

        def gather_start(j, b):
            pltpu.async_copy(z_hbm.at[idxs[b]], rows[b], sg[b])

        def gather_wait(j, b):
            pltpu.make_async_copy(z_hbm.at[idxs[b]], rows[b], sg[b]).wait()

        def scatter_start(j, b):
            pltpu.async_copy(rows[b], acc.at[idxd[b]], ss[b], add=True)

        def scatter_wait(j, b):
            pltpu.make_async_copy(rows[b], acc.at[idxd[b]], ss[b]).wait()

        def step(j, b, skip_sw=False):
            if not skip_sw:
                scatter_wait(j - 1, (b - 1) % 4)
            gather_wait(j, b)
            idx_wait(j + 2, (b + 2) % 4)
            gather_start(j + 2, (b + 2) % 4)
            scatter_start(j, b)
            idx_start(j + 3, (b + 3) % 4)

        pltpu.sync_copy(src_hbm.at[pl.ds(eoff(0), ch)], idxs[0])
        pltpu.sync_copy(dst_hbm.at[pl.ds(eoff(0), ch)], idxd[0])
        idx_start(1, 1)
        idx_start(2, 2)
        idx_wait(1, 1)
        gather_start(0, 0)
        gather_start(1, 1)
        step(0, 0, skip_sw=True)
        step(1, 1)
        step(2, 2)
        step(3, 3)

        def group(i, carry):
            j = 4 * i
            step(j, 0)
            step(j + 1, 1)
            step(j + 2, 2)
            step(j + 3, 3)
            return carry

        lax.fori_loop(1, cpw // 4, group, 0)
        scatter_wait(cpw - 1, (cpw - 1) % 4)
        gather_wait(cpw, cpw % 4)
        gather_wait(cpw + 1, (cpw + 1) % 4)
        idx_wait(cpw + 2, (cpw + 2) % 4)
        plsc.subcore_barrier()
        pltpu.sync_copy(acc.at[pl.ds(base, RPT)],
                        uz_out.at[cid, pl.ds(base, RPT)])

    return body


def _sc_ea_body(ea_hbm, eat_hbm, dst_hbm, zze_hbm, ue_out,
                id0, id1, ea0, ea1, acce,
                sg0, sg1, si0, si1):
    cid = lax.axis_index("c")
    sid = lax.axis_index("s")
    wid = sid * NC + cid
    base = sid * RPT
    pltpu.sync_copy(zze_hbm.at[pl.ds(base, RPT)], acce.at[pl.ds(base, RPT)])
    ebase = wid * EWP
    cpw = EWP // CH
    idxd = (id0, id1)
    eab = (ea0, ea1)
    sg = (sg0, sg1)
    si = (si0, si1)
    last = wid == NW - 1

    def eoff(j):
        return pl.multiple_of(ebase + j * CH, 8)

    def toff(j):
        return pl.multiple_of(j * CH, 8)

    def idx_start(j, b):
        pltpu.async_copy(dst_hbm.at[pl.ds(eoff(j), CH)], idxd[b], si[b])

    def idx_wait(j, b):
        pltpu.make_async_copy(dst_hbm.at[pl.ds(eoff(j), CH)],
                              idxd[b], si[b]).wait()

    def ea_start(j, b):
        @pl.when(last)
        def _():
            pltpu.async_copy(eat_hbm.at[pl.ds(toff(j), CH)], eab[b], sg[b])

        @pl.when(jnp.logical_not(last))
        def _():
            pltpu.async_copy(ea_hbm.at[pl.ds(eoff(j), CH)], eab[b], sg[b])

    def ea_wait(j, b):
        @pl.when(last)
        def _():
            pltpu.make_async_copy(eat_hbm.at[pl.ds(toff(j), CH)],
                                  eab[b], sg[b]).wait()

        @pl.when(jnp.logical_not(last))
        def _():
            pltpu.make_async_copy(ea_hbm.at[pl.ds(eoff(j), CH)],
                                  eab[b], sg[b]).wait()

    def scatter(j, b):
        pltpu.sync_copy(eab[b], acce.at[idxd[b]], add=True)

    pltpu.sync_copy(dst_hbm.at[pl.ds(eoff(0), CH)], idxd[0])
    ea_start(0, 0)
    idx_start(1, 1)

    def step(j, b):
        ea_wait(j, b)
        idx_wait(j + 1, 1 - b)
        ea_start(j + 1, 1 - b)
        scatter(j, b)
        idx_start(j + 2, b)

    def pair(i, carry):
        step(2 * i, 0)
        step(2 * i + 1, 1)
        return carry

    lax.fori_loop(0, cpw // 2, pair, 0)
    ea_wait(cpw, 0)
    idx_wait(cpw + 1, 1)
    plsc.subcore_barrier()
    pltpu.sync_copy(acce.at[pl.ds(base, RPT)],
                    ue_out.at[cid, pl.ds(base, RPT)])


import functools


@functools.cache
def _sc_kernels():
    mesh = plsc.VectorSubcoreMesh(core_axis_name="c", subcore_axis_name="s")
    params = pltpu.CompilerParams(use_tc_tiling_on_sc=False)

    def _agg_scratch(width):
        return ([pltpu.VMEM((CHA,), jnp.int32)] * 8
                + [pltpu.VMEM((CHA, width), jnp.float32)] * 4
                + [pltpu.VMEM_SHARED((NP, width), jnp.float32)]
                + [pltpu.SemaphoreType.DMA] * 12)

    sc_agg1 = pl.kernel(
        _make_sc_body(CHA),
        mesh=mesh,
        compiler_params=params,
        out_type=jax.ShapeDtypeStruct((NC, NP, DZ), jnp.float32),
        scratch_types=_agg_scratch(DZ),
    )
    sc_aggh = pl.kernel(
        _make_sc_body(CHA),
        mesh=mesh,
        out_type=jax.ShapeDtypeStruct((NC, NP, H), jnp.float32),
        scratch_types=_agg_scratch(H),
    )
    sc_ea = pl.kernel(
        _sc_ea_body,
        mesh=mesh,
        out_type=jax.ShapeDtypeStruct((NC, NP, DE), jnp.float32),
        scratch_types=(
            [pltpu.VMEM((CH,), jnp.int32)] * 2
            + [pltpu.VMEM((CH, DE), jnp.float32)] * 2
            + [pltpu.VMEM_SHARED((NP, DE), jnp.float32)]
            + [pltpu.SemaphoreType.DMA] * 4),
    )
    return sc_agg1, sc_aggh, sc_ea



def _dot(a, b):
    return jnp.dot(a, b, preferred_element_type=jnp.float32)


def _tc1_body(z_ref, u0_ref, u1_ref, e0_ref, e1_ref,
              wx_ref, v_ref, wr_ref, br_ref,
              h1_ref, f_ref):
    u = u0_ref[...] + u1_ref[...]
    se = e0_ref[...] + e1_ref[...]
    xb = z_ref[:, :DF]
    posb = z_ref[:, DF:DF + PD]
    deg = u[:, DF + PD:DF + PD + 1]
    invd = 1.0 / jnp.maximum(deg, 1.0)
    m = jnp.where(deg > 0, 1.0, 0.0)
    sx = u[:, :DF]
    sp = u[:, DF:DF + PD]
    zero3 = jnp.zeros_like(posb)
    f = jnp.concatenate(
        [se * invd, (sp - deg * posb) * invd, m, invd, zero3], axis=1)
    agg = _dot(sx, wx_ref[...]) * invd + _dot(f, v_ref[...])
    h1_ref[...] = jnp.maximum(_dot(xb, wr_ref[...]) + br_ref[...] + agg, 0.0)
    f_ref[...] = f


def _tc2_body(h_ref, u0_ref, u1_ref, f_ref,
              wx_ref, v_ref, wr_ref, br_ref,
              ho_ref):
    u = u0_ref[...] + u1_ref[...]
    f = f_ref[...]
    agg = _dot(u, wx_ref[...]) * f[:, FW - 4:FW - 3] + _dot(f, v_ref[...])
    ho_ref[...] = jnp.maximum(
        _dot(h_ref[...], wr_ref[...]) + br_ref[...] + agg, 0.0)


def _tc3_body(h_ref, u0_ref, u1_ref, f_ref, batch_ref,
              wx_ref, v_ref, wr_ref, br_ref,
              w1_ref, b1_ref, w2_ref, b2_ref, w3_ref, b3_ref,
              out_ref, p_acc, c_acc):
    i = pl.program_id(0)
    u = u0_ref[...] + u1_ref[...]
    f = f_ref[...]
    agg = _dot(u, wx_ref[...]) * f[:, FW - 4:FW - 3] + _dot(f, v_ref[...])
    h3 = jnp.maximum(_dot(h_ref[...], wr_ref[...]) + br_ref[...] + agg, 0.0)

    @pl.when(i == 0)
    def _():
        p_acc[...] = jnp.zeros_like(p_acc)
        c_acc[...] = jnp.zeros_like(c_acc)

    rowid = i * BN + lax.broadcasted_iota(jnp.int32, (BN, 1), 0)
    valid = rowid < N
    bb = batch_ref[...]
    gid = lax.broadcasted_iota(jnp.int32, (1, G), 1).astype(jnp.float32)
    onehot = jnp.where((bb == gid) & valid, 1.0, 0.0)
    dimnum = (((0,), (0,)), ((), ()))
    p_acc[...] += lax.dot_general(onehot, h3, dimnum,
                                  preferred_element_type=jnp.float32)
    c_acc[...] += lax.dot_general(onehot, jnp.ones_like(h3), dimnum,
                                  preferred_element_type=jnp.float32)

    @pl.when(i == GRID - 1)
    def _():
        g = p_acc[...] / jnp.maximum(c_acc[...], 1.0)
        g = jnp.maximum(_dot(g, w1_ref[...]) + b1_ref[...], 0.0)
        g = jnp.maximum(_dot(g, w2_ref[...]) + b2_ref[...], 0.0)
        lg = _dot(g, w3_ref[...]) + b3_ref[...]
        s = lg - jnp.max(lg, axis=1, keepdims=True)
        out_ref[...] = s - jnp.log(jnp.sum(jnp.exp(s), axis=1, keepdims=True))


def _row_spec(width):
    return pl.BlockSpec((BN, width), lambda i: (i, 0))


def _whole(shape):
    ndim = len(shape)
    return pl.BlockSpec(shape, lambda i: (0,) * ndim)


def _tc1(z, u0, u1, e0, e1, wx, v, wr, br):
    return pl.pallas_call(
        _tc1_body,
        grid=(GRID,),
        in_specs=[_row_spec(DZ), _row_spec(DZ), _row_spec(DZ),
                  _row_spec(DE), _row_spec(DE),
                  _whole((DF, H)), _whole((FW, H)), _whole((DF, H)),
                  _whole((1, H))],
        out_specs=[_row_spec(H), _row_spec(FW)],
        out_shape=[jax.ShapeDtypeStruct((NP, H), jnp.float32),
                   jax.ShapeDtypeStruct((NP, FW), jnp.float32)],
    )(z, u0, u1, e0, e1, wx, v, wr, br)


def _tc2(h, u0, u1, f, wx, v, wr, br):
    return pl.pallas_call(
        _tc2_body,
        grid=(GRID,),
        in_specs=[_row_spec(H), _row_spec(H), _row_spec(H), _row_spec(FW),
                  _whole((H, H)), _whole((FW, H)), _whole((H, H)),
                  _whole((1, H))],
        out_specs=_row_spec(H),
        out_shape=jax.ShapeDtypeStruct((NP, H), jnp.float32),
    )(h, u0, u1, f, wx, v, wr, br)


def _tc3(h, u0, u1, f, batchf, wx, v, wr, br, w1, b1, w2, b2, w3, b3):
    return pl.pallas_call(
        _tc3_body,
        grid=(GRID,),
        in_specs=[_row_spec(H), _row_spec(H), _row_spec(H), _row_spec(FW),
                  _row_spec(1),
                  _whole((H, H)), _whole((FW, H)), _whole((H, H)),
                  _whole((1, H)),
                  _whole((H, H)), _whole((1, H)), _whole((H, H)),
                  _whole((1, H)), _whole((H, 2)), _whole((1, 2))],
        out_specs=_whole((G, 2)),
        out_shape=jax.ShapeDtypeStruct((G, 2), jnp.float32),
        scratch_shapes=[pltpu.VMEM((G, H), jnp.float32),
                        pltpu.VMEM((G, H), jnp.float32)],
    )(h, u0, u1, f, batchf, wx, v, wr, br, w1, b1, w2, b2, w3, b3)



def _mk_v(wm, bm):
    return jnp.concatenate(
        [wm[DF:], bm[None, :], jnp.zeros((FW - DE - PD - 1, H), jnp.float32)],
        axis=0)


def kernel(x, edge_index, batch, edge_attr, pos,
           Wm1, bm1, Wr1, br1, Wm2, bm2, Wr2, br2, Wm3, bm3, Wr3, br3,
           W1, b1, W2, b2, W3, b3):
    f32 = jnp.float32
    padidx = (N + jnp.arange(EPP - E, dtype=jnp.int32) % (NP - N))
    src = jnp.concatenate([edge_index[0].astype(jnp.int32), padidx])
    dst = jnp.concatenate([edge_index[1].astype(jnp.int32), padidx])

    eatail = jnp.pad(edge_attr[(NW - 1) * EWP:], ((0, EAT - (E - (NW - 1) * EWP)), (0, 0)))

    z = jnp.concatenate(
        [x, pos, jnp.ones((N, 1), f32), jnp.zeros((N, DZ - DF - PD - 1), f32)],
        axis=1)
    z = jnp.pad(z, ((0, NP - N), (0, 0)))
    zz = jnp.zeros((NP, DZ), f32)
    zze = jnp.zeros((NP, DE), f32)
    zzh = jnp.zeros((NP, H), f32)
    batchf = jnp.pad(batch.astype(f32), (0, NP - N)).reshape(NP, 1)

    wx1, wx2, wx3 = Wm1[:DF], Wm2[:H], Wm3[:H]
    v1, v2, v3 = _mk_v(Wm1, bm1), _mk_v(Wm2, bm2), _mk_v(Wm3, bm3)
    br1r, br2r, br3r = br1[None, :], br2[None, :], br3[None, :]

    sc_agg1, sc_aggh, sc_ea = _sc_kernels()
    ue = sc_ea(edge_attr, eatail, dst, zze)
    uz = sc_agg1(z, src, dst, zz)
    h1, f = _tc1(z, uz[0], uz[1], ue[0], ue[1], wx1, v1, Wr1, br1r)
    u2 = sc_aggh(h1, src, dst, zzh)
    h2 = _tc2(h1, u2[0], u2[1], f, wx2, v2, Wr2, br2r)
    u3 = sc_aggh(h2, src, dst, zzh)
    return _tc3(h2, u3[0], u3[1], f, batchf, wx3, v3, Wr3, br3r,
                W1, b1[None, :], W2, b2[None, :], W3, b3[None, :])

# --- scband reference (transcript-rebuilt; emitter-appended) ---
"""Pipeline reference for scband-own-graph-nn2-75539884802619 (READ-ONLY COPY).

The authoritative reference and input builder live on the scoring server;
editing this copy changes nothing except your own understanding.
"""

import jax, jax.numpy as jnp
import numpy as np

N = 10000
E = 320000
DF = 128
DE = 16
PD = 3
H = 128
G = 64


def _conv(x, edge_index, edge_attr, pos, Wm, bm, Wr, br):
    # OwnGConv2: message = Linear(cat(x_src, edge_attr, pos_src - pos_dst));
    # mean-aggregate over incoming edges per dst node; add root transform; ReLU.
    src = edge_index[0]
    dst = edge_index[1]
    rel = pos[src] - pos[dst]
    msg = jnp.concatenate([x[src], edge_attr, rel], axis=1) @ Wm + bm
    agg = jax.ops.segment_sum(msg, dst, num_segments=x.shape[0])
    deg = jax.ops.segment_sum(jnp.ones((dst.shape[0],), x.dtype), dst, num_segments=x.shape[0])
    agg = agg / jnp.clip(deg, 1.0)[:, None]
    return jax.nn.relu(x @ Wr + br + agg)


def setup_inputs(seed: int = 0):
    key = jax.random.key(seed)
    ks = jax.random.split(key, 16)
    inp = {}
    inp["x"] = jax.random.normal(ks[0], (N, DF), jnp.float32)
    inp["edge_index"] = jax.random.randint(ks[1], (2, E), 0, N)
    inp["batch"] = jnp.sort(jax.random.randint(ks[2], (N,), 0, G))
    inp["edge_attr"] = jax.random.normal(ks[3], (E, DE), jnp.float32)
    inp["pos"] = jax.random.normal(ks[4], (N, PD), jnp.float32)

    def lin(k, i, o):
        return jax.random.normal(k, (i, o), jnp.float32) * 0.05

    din1 = DF + DE + PD
    dinh = H + DE + PD
    inp["Wm1"] = lin(ks[5], din1, H); inp["bm1"] = jnp.zeros((H,), jnp.float32)
    inp["Wr1"] = lin(ks[6], DF, H);   inp["br1"] = jnp.zeros((H,), jnp.float32)
    inp["Wm2"] = lin(ks[7], dinh, H); inp["bm2"] = jnp.zeros((H,), jnp.float32)
    inp["Wr2"] = lin(ks[8], H, H);    inp["br2"] = jnp.zeros((H,), jnp.float32)
    inp["Wm3"] = lin(ks[9], dinh, H); inp["bm3"] = jnp.zeros((H,), jnp.float32)
    inp["Wr3"] = lin(ks[10], H, H);   inp["br3"] = jnp.zeros((H,), jnp.float32)
    inp["W1"] = lin(ks[11], H, H);    inp["b1"] = jnp.zeros((H,), jnp.float32)
    inp["W2"] = lin(ks[12], H, H);    inp["b2"] = jnp.zeros((H,), jnp.float32)
    inp["W3"] = lin(ks[13], H, 2);    inp["b3"] = jnp.zeros((2,), jnp.float32)
    return inp


def reference(x, edge_index, batch, edge_attr, pos,
              Wm1, bm1, Wr1, br1, Wm2, bm2, Wr2, br2, Wm3, bm3, Wr3, br3,
              W1, b1, W2, b2, W3, b3):
    # eval mode: dropout(p=0.5) is identity
    h = _conv(x, edge_index, edge_attr, pos, Wm1, bm1, Wr1, br1)
    h = _conv(h, edge_index, edge_attr, pos, Wm2, bm2, Wr2, br2)
    h = _conv(h, edge_index, edge_attr, pos, Wm3, bm3, Wr3, br3)
    s = jax.ops.segment_sum(h, batch, num_segments=G)
    cnt = jax.ops.segment_sum(jnp.ones((h.shape[0],), h.dtype), batch, num_segments=G)
    g = s / jnp.clip(cnt, 1.0)[:, None]
    g = jax.nn.relu(g @ W1 + b1)
    g = jax.nn.relu(g @ W2 + b2)
    g = g @ W3 + b3
    return jax.nn.log_softmax(g, axis=-1)

if __name__ == "__main__":
    import jax
    _d = setup_inputs()
    print(jax.jit(kernel)(*tuple(_d.values())))

</pallas_src>

<mosaic_0001>
#map = affine_map<(d0, d1) -> (0, 0)>
#map1 = affine_map<(d0, d1) -> (0)>
#map2 = affine_map<(d0, d1) -> (0, 0, 0)>
module attributes {stable_mosaic.version = 14 : i64} {
  func.func @body(%arg0: i32, %arg1: i32, %arg2: memref<10240x128xf32, #tpu.memory_space<hbm>>, %arg3: memref<328064xi32, #tpu.memory_space<hbm>>, %arg4: memref<328064xi32, #tpu.memory_space<hbm>>, %arg5: memref<10240x128xf32, #tpu.memory_space<hbm>>, %arg6: memref<2x10240x128xf32, #tpu.memory_space<hbm>>, %arg7: memref<64xi32, #tpu.memory_space<vmem>>, %arg8: memref<64xi32, #tpu.memory_space<vmem>>, %arg9: memref<64xi32, #tpu.memory_space<vmem>>, %arg10: memref<64xi32, #tpu.memory_space<vmem>>, %arg11: memref<64xi32, #tpu.memory_space<vmem>>, %arg12: memref<64xi32, #tpu.memory_space<vmem>>, %arg13: memref<64xi32, #tpu.memory_space<vmem>>, %arg14: memref<64xi32, #tpu.memory_space<vmem>>, %arg15: memref<64x128xf32, #tpu.memory_space<vmem>>, %arg16: memref<64x128xf32, #tpu.memory_space<vmem>>, %arg17: memref<64x128xf32, #tpu.memory_space<vmem>>, %arg18: memref<64x128xf32, #tpu.memory_space<vmem>>, %arg19: memref<10240x128xf32, #tpu.memory_space<vmem_shared>>, %arg20: memref<!tpu.dma_semaphore, #tpu.memory_space<semaphore_mem>>, %arg21: memref<!tpu.dma_semaphore, #tpu.memory_space<semaphore_mem>>, %arg22: memref<!tpu.dma_semaphore, #tpu.memory_space<semaphore_mem>>, %arg23: memref<!tpu.dma_semaphore, #tpu.memory_space<semaphore_mem>>, %arg24: memref<!tpu.dma_semaphore, #tpu.memory_space<semaphore_mem>>, %arg25: memref<!tpu.dma_semaphore, #tpu.memory_space<semaphore_mem>>, %arg26: memref<!tpu.dma_semaphore, #tpu.memory_space<semaphore_mem>>, %arg27: memref<!tpu.dma_semaphore, #tpu.memory_space<semaphore_mem>>, %arg28: memref<!tpu.dma_semaphore, #tpu.memory_space<semaphore_mem>>, %arg29: memref<!tpu.dma_semaphore, #tpu.memory_space<semaphore_mem>>, %arg30: memref<!tpu.dma_semaphore, #tpu.memory_space<semaphore_mem>>, %arg31: memref<!tpu.dma_semaphore, #tpu.memory_space<semaphore_mem>>) attributes {dimension_semantics = [#tpu.dimension_semantics<core_parallel>, #tpu.dimension_semantics<subcore_parallel>], iteration_bounds = array<i64: 2, 16>, scalar_prefetch = 0 : i64, scratch_operands = 25 : i64, tpu.core_type = #tpu.core_type<sc_vector_subcore>, window_params = [{transform_indices = #map}, {transform_indices = #map1}, {transform_indices = #map1}, {transform_indices = #map}, {transform_indices = #map2}]} {
    %mul3A = arith.constant 2 : i32
    %mul3A_0 = arith.muli %arg1, %mul3A : i32
    %add3A = arith.addi %mul3A_0, %arg0 : i32
    %mul3A_1 = arith.constant 640 : i32
    %mul3A_2 = arith.muli %arg1, %mul3A_1 : i32
    "tpu.region"() ({
      %run_scoped3A = tpu.sem_alloc : memref<!tpu.dma_semaphore, #tpu.memory_space<semaphore_mem>>
      %dma_start3A_193 = arith.constant 0 : i32
      %dma_start3A_194 = tpu.memref_slice %arg19[%mul3A_2, %dma_start3A_193] : memref<10240x128xf32, #tpu.memory_space<vmem_shared>> -> memref<640x128xf32, #tpu.memory_space<vmem_shared>>
      %dma_start3A_195 = arith.constant 0 : i32
      %dma_start3A_196 = tpu.memref_slice %arg5[%mul3A_2, %dma_start3A_195] : memref<10240x128xf32, #tpu.memory_space<hbm>> -> memref<640x128xf32, #tpu.memory_space<hbm>>
      tpu.enqueue_dma source(%dma_start3A_196 : memref<640x128xf32, #tpu.memory_space<hbm>>) target(%dma_start3A_194 : memref<640x128xf32, #tpu.memory_space<vmem_shared>>) target_semaphore(%run_scoped3A : memref<!tpu.dma_semaphore, #tpu.memory_space<semaphore_mem>>)
      %dma_wait3A_197 = arith.constant 0 : i32
      %dma_wait3A_198 = tpu.memref_slice %arg19[%mul3A_2, %dma_wait3A_197] : memref<10240x128xf32, #tpu.memory_space<vmem_shared>> -> memref<640x128xf32, #tpu.memory_space<vmem_shared>>
      %dma_wait3A_199 = arith.constant 0 : i32
      %dma_wait3A_200 = tpu.memref_slice %arg5[%mul3A_2, %dma_wait3A_199] : memref<10240x128xf32, #tpu.memory_space<hbm>> -> memref<640x128xf32, #tpu.memory_space<hbm>>
      tpu.wait_dma2 semaphore(%run_scoped3A : memref<!tpu.dma_semaphore, #tpu.memory_space<semaphore_mem>>) src(%dma_wait3A_200 : memref<640x128xf32, #tpu.memory_space<hbm>>) dst(%dma_wait3A_198 : memref<640x128xf32, #tpu.memory_space<vmem_shared>>)
      tpu.yield
    }) : () -> ()
    %mul3A_3 = arith.constant 10240 : i32
    %mul3A_4 = arith.muli %add3A, %mul3A_3 : i32
    %add3A_5 = arith.constant 0 : i32
    %add3A_6 = arith.addi %mul3A_4, %add3A_5 : i32
    %multiple_of3A = tpu.assume_multiple %add3A_6, 8 : i32
    "tpu.region"() ({
      %run_scoped3A = tpu.sem_alloc : memref<!tpu.dma_semaphore, #tpu.memory_space<semaphore_mem>>
      %dma_start3A_193 = tpu.memref_slice %arg3[%multiple_of3A] : memref<328064xi32, #tpu.memory_space<hbm>> -> memref<64xi32, #tpu.memory_space<hbm>>
      %dma_start3A_194 = tpu.memref_slice %arg3[%multiple_of3A] : memref<328064xi32, #tpu.memory_space<hbm>> -> memref<64xi32, #tpu.memory_space<hbm>>
      tpu.enqueue_dma source(%dma_start3A_194 : memref<64xi32, #tpu.memory_space<hbm>>) target(%arg7 : memref<64xi32, #tpu.memory_space<vmem>>) target_semaphore(%run_scoped3A : memref<!tpu.dma_semaphore, #tpu.memory_space<semaphore_mem>>)
      %dma_wait3A_195 = tpu.memref_slice %arg3[%multiple_of3A] : memref<328064xi32, #tpu.memory_space<hbm>> -> memref<64xi32, #tpu.memory_space<hbm>>
      %dma_wait3A_196 = tpu.memref_slice %arg3[%multiple_of3A] : memref<328064xi32, #tpu.memory_space<hbm>> -> memref<64xi32, #tpu.memory_space<hbm>>
      tpu.wait_dma2 semaphore(%run_scoped3A : memref<!tpu.dma_semaphore, #tpu.memory_space<semaphore_mem>>) src(%dma_wait3A_196 : memref<64xi32, #tpu.memory_space<hbm>>) dst(%arg7 : memref<64xi32, #tpu.memory_space<vmem>>)
      tpu.yield
    }) : () -> ()
    %add3A_7 = arith.constant 0 : i32
    %add3A_8 = arith.addi %mul3A_4, %add3A_7 : i32
    %multiple_of3A_9 = tpu.assume_multiple %add3A_8, 8 : i32
    "tpu.region"() ({
      %run_scoped3A = tpu.sem_alloc : memref<!tpu.dma_semaphore, #tpu.memory_space<semaphore_mem>>
      %dma_start3A_193 = tpu.memref_slice %arg4[%multiple_of3A_9] : memref<328064xi32, #tpu.memory_space<hbm>> -> memref<64xi32, #tpu.memory_space<hbm>>
      %dma_start3A_194 = tpu.memref_slice %arg4[%multiple_of3A_9] : memref<328064xi32, #tpu.memory_space<hbm>> -> memref<64xi32, #tpu.memory_space<hbm>>
      tpu.enqueue_dma source(%dma_start3A_194 : memref<64xi32, #tpu.memory_space<hbm>>) target(%arg11 : memref<64xi32, #tpu.memory_space<vmem>>) target_semaphore(%run_scoped3A : memref<!tpu.dma_semaphore, #tpu.memory_space<semaphore_mem>>)
      %dma_wait3A_195 = tpu.memref_slice %arg4[%multiple_of3A_9] : memref<328064xi32, #tpu.memory_space<hbm>> -> memref<64xi32, #tpu.memory_space<hbm>>
      %dma_wait3A_196 = tpu.memref_slice %arg4[%multiple_of3A_9] : memref<328064xi32, #tpu.memory_space<hbm>> -> memref<64xi32, #tpu.memory_space<hbm>>
      tpu.wait_dma2 semaphore(%run_scoped3A : memref<!tpu.dma_semaphore, #tpu.memory_space<semaphore_mem>>) src(%dma_wait3A_196 : memref<64xi32, #tpu.memory_space<hbm>>) dst(%arg11 : memref<64xi32, #tpu.memory_space<vmem>>)
      tpu.yield
    }) : () -> ()
    %add3A_10 = arith.constant 64 : i32
    %add3A_11 = arith.addi %mul3A_4, %add3A_10 : i32
    %multiple_of3A_12 = tpu.assume_multiple %add3A_11, 8 : i32
    %dma_start3A = tpu.memref_slice %arg3[%multiple_of3A_12] : memref<328064xi32, #tpu.memory_space<hbm>> -> memref<64xi32, #tpu.memory_space<hbm>>
    %dma_start3A_13 = tpu.memref_slice %arg3[%multiple_of3A_12] : memref<328064xi32, #tpu.memory_space<hbm>> -> memref<64xi32, #tpu.memory_space<hbm>>
    tpu.enqueue_dma source(%dma_start3A_13 : memref<64xi32, #tpu.memory_space<hbm>>) target(%arg8 : memref<64xi32, #tpu.memory_space<vmem>>) target_semaphore(%arg29 : memref<!tpu.dma_semaphore, #tpu.memory_space<semaphore_mem>>)
    %add3A_14 = arith.constant 64 : i32
    %add3A_15 = arith.addi %mul3A_4, %add3A_14 : i32
    %multiple_of3A_16 = tpu.assume_multiple %add3A_15, 8 : i32
    %dma_start3A_17 = tpu.memref_slice %arg4[%multiple_of3A_16] : memref<328064xi32, #tpu.memory_space<hbm>> -> memref<64xi32, #tpu.memory_space<hbm>>
    %dma_start3A_18 = tpu.memref_slice %arg4[%multiple_of3A_16] : memref<328064xi32, #tpu.memory_space<hbm>> -> memref<64xi32, #tpu.memory_space<hbm>>
    tpu.enqueue_dma source(%dma_start3A_18 : memref<64xi32, #tpu.memory_space<hbm>>) target(%arg12 : memref<64xi32, #tpu.memory_space<vmem>>) target_semaphore(%arg29 : memref<!tpu.dma_semaphore, #tpu.memory_space<semaphore_mem>>)
    %add3A_19 = arith.constant 128 : i32
    %add3A_20 = arith.addi %mul3A_4, %add3A_19 : i32
    %multiple_of3A_21 = tpu.assume_multiple %add3A_20, 8 : i32
    %dma_start3A_22 = tpu.memref_slice %arg3[%multiple_of3A_21] : memref<328064xi32, #tpu.memory_space<hbm>> -> memref<64xi32, #tpu.memory_space<hbm>>
    %dma_start3A_23 = tpu.memref_slice %arg3[%multiple_of3A_21] : memref<328064xi32, #tpu.memory_space<hbm>> -> memref<64xi32, #tpu.memory_space<hbm>>
    tpu.enqueue_dma source(%dma_start3A_23 : memref<64xi32, #tpu.memory_space<hbm>>) target(%arg9 : memref<64xi32, #tpu.memory_space<vmem>>) target_semaphore(%arg30 : memref<!tpu.dma_semaphore, #tpu.memory_space<semaphore_mem>>)
    %add3A_24 = arith.constant 128 : i32
    %add3A_25 = arith.addi %mul3A_4, %add3A_24 : i32
    %multiple_of3A_26 = tpu.assume_multiple %add3A_25, 8 : i32
    %dma_start3A_27 = tpu.memref_slice %arg4[%multiple_of3A_26] : memref<328064xi32, #tpu.memory_space<hbm>> -> memref<64xi32, #tpu.memory_space<hbm>>
    %dma_start3A_28 = tpu.memref_slice %arg4[%multiple_of3A_26] : memref<328064xi32, #tpu.memory_space<hbm>> -> memref<64xi32, #tpu.memory_space<hbm>>
    tpu.enqueue_dma source(%dma_start3A_28 : memref<64xi32, #tpu.memory_space<hbm>>) target(%arg13 : memref<64xi32, #tpu.memory_space<vmem>>) target_semaphore(%arg30 : memref<!tpu.dma_semaphore, #tpu.memory_space<semaphore_mem>>)
    %add3A_29 = arith.constant 64 : i32
    %add3A_30 = arith.addi %mul3A_4, %add3A_29 : i32
    %multiple_of3A_31 = tpu.assume_multiple %add3A_30, 8 : i32
    %dma_wait3A = tpu.memref_slice %arg3[%multiple_of3A_31] : memref<328064xi32, #tpu.memory_space<hbm>> -> memref<64xi32, #tpu.memory_space<hbm>>
    %dma_wait3A_32 = tpu.memref_slice %arg3[%multiple_of3A_31] : memref<328064xi32, #tpu.memory_space<hbm>> -> memref<64xi32, #tpu.memory_space<hbm>>
    tpu.wait_dma2 semaphore(%arg29 : memref<!tpu.dma_semaphore, #tpu.memory_space<semaphore_mem>>) src(%dma_wait3A_32 : memref<64xi32, #tpu.memory_space<hbm>>) dst(%arg8 : memref<64xi32, #tpu.memory_space<vmem>>)
    %add3A_33 = arith.constant 64 : i32
    %add3A_34 = arith.addi %mul3A_4, %add3A_33 : i32
    %multiple_of3A_35 = tpu.assume_multiple %add3A_34, 8 : i32
    %dma_wait3A_36 = tpu.memref_slice %arg4[%multiple_of3A_35] : memref<328064xi32, #tpu.memory_space<hbm>> -> memref<64xi32, #tpu.memory_space<hbm>>
    %dma_wait3A_37 = tpu.memref_slice %arg4[%multiple_of3A_35] : memref<328064xi32, #tpu.memory_space<hbm>> -> memref<64xi32, #tpu.memory_space<hbm>>
    tpu.wait_dma2 semaphore(%arg29 : memref<!tpu.dma_semaphore, #tpu.memory_space<semaphore_mem>>) src(%dma_wait3A_37 : memref<64xi32, #tpu.memory_space<hbm>>) dst(%arg12 : memref<64xi32, #tpu.memory_space<vmem>>)
    %dma_start3A_38 = arith.constant 0 : i32
    %dma_start3A_39 = arith.constant 0 : i32
    %dma_start3A_40 = tpu.memref_slice %arg2[%dma_start3A_38, %dma_start3A_39] : memref<10240x128xf32, #tpu.memory_space<hbm>> -> memref<10240x128xf32, #tpu.memory_space<hbm>>
    tpu.enqueue_indirect_dma source(%dma_start3A_40 : memref<10240x128xf32, #tpu.memory_space<hbm>>) target(%arg15 : memref<64x128xf32, #tpu.memory_space<vmem>>) offsets(%arg7 : memref<64xi32, #tpu.memory_space<vmem>>) semaphore(%arg20 : memref<!tpu.dma_semaphore, #tpu.memory_space<semaphore_mem>>)
    %dma_start3A_41 = arith.constant 0 : i32
    %dma_start3A_42 = arith.constant 0 : i32
    %dma_start3A_43 = tpu.memref_slice %arg2[%dma_start3A_41, %dma_start3A_42] : memref<10240x128xf32, #tpu.memory_space<hbm>> -> memref<10240x128xf32, #tpu.memory_space<hbm>>
    tpu.enqueue_indirect_dma source(%dma_start3A_43 : memref<10240x128xf32, #tpu.memory_space<hbm>>) target(%arg16 : memref<64x128xf32, #tpu.memory_space<vmem>>) offsets(%arg8 : memref<64xi32, #tpu.memory_space<vmem>>) semaphore(%arg21 : memref<!tpu.dma_semaphore, #tpu.memory_space<semaphore_mem>>)
    %dma_wait3A_44 = arith.constant 0 : i32
    %dma_wait3A_45 = arith.constant 0 : i32
    %dma_wait3A_46 = tpu.memref_slice %arg2[%dma_wait3A_44, %dma_wait3A_45] : memref<10240x128xf32, #tpu.memory_space<hbm>> -> memref<10240x128xf32, #tpu.memory_space<hbm>>
    tpu.wait_indirect_dma semaphore(%arg20 : memref<!tpu.dma_semaphore, #tpu.memory_space<semaphore_mem>>) src(%dma_wait3A_46 : memref<10240x128xf32, #tpu.memory_space<hbm>>) dst(%arg15 : memref<64x128xf32, #tpu.memory_space<vmem>>)
    %add3A_47 = arith.constant 128 : i32
    %add3A_48 = arith.addi %mul3A_4, %add3A_47 : i32
    %multiple_of3A_49 = tpu.assume_multiple %add3A_48, 8 : i32
    %dma_wait3A_50 = tpu.memref_slice %arg3[%multiple_of3A_49] : memref<328064xi32, #tpu.memory_space<hbm>> -> memref<64xi32, #tpu.memory_space<hbm>>
    %dma_wait3A_51 = tpu.memref_slice %arg3[%multiple_of3A_49] : memref<328064xi32, #tpu.memory_space<hbm>> -> memref<64xi32, #tpu.memory_space<hbm>>
    tpu.wait_dma2 semaphore(%arg30 : memref<!tpu.dma_semaphore, #tpu.memory_space<semaphore_mem>>) src(%dma_wait3A_51 : memref<64xi32, #tpu.memory_space<hbm>>) dst(%arg9 : memref<64xi32, #tpu.memory_space<vmem>>)
    %add3A_52 = arith.constant 128 : i32
    %add3A_53 = arith.addi %mul3A_4, %add3A_52 : i32
    %multiple_of3A_54 = tpu.assume_multiple %add3A_53, 8 : i32
    %dma_wait3A_55 = tpu.memref_slice %arg4[%multiple_of3A_54] : memref<328064xi32, #tpu.memory_space<hbm>> -> memref<64xi32, #tpu.memory_space<hbm>>
    %dma_wait3A_56 = tpu.memref_slice %arg4[%multiple_of3A_54] : memref<328064xi32, #tpu.memory_space<hbm>> -> memref<64xi32, #tpu.memory_space<hbm>>
    tpu.wait_dma2 semaphore(%arg30 : memref<!tpu.dma_semaphore, #tpu.memory_space<semaphore_mem>>) src(%dma_wait3A_56 : memref<64xi32, #tpu.memory_space<hbm>>) dst(%arg13 : memref<64xi32, #tpu.memory_space<vmem>>)
    %dma_start3A_57 = arith.constant 0 : i32
    %dma_start3A_58 = arith.constant 0 : i32
    %dma_start3A_59 = tpu.memref_slice %arg2[%dma_start3A_57, %dma_start3A_58] : memref<10240x128xf32, #tpu.memory_space<hbm>> -> memref<10240x128xf32, #tpu.memory_space<hbm>>
    tpu.enqueue_indirect_dma source(%dma_start3A_59 : memref<10240x128xf32, #tpu.memory_space<hbm>>) target(%arg17 : memref<64x128xf32, #tpu.memory_space<vmem>>) offsets(%arg9 : memref<64xi32, #tpu.memory_space<vmem>>) semaphore(%arg22 : memref<!tpu.dma_semaphore, #tpu.memory_space<semaphore_mem>>)
    %dma_start3A_60 = arith.constant 0 : i32
    %dma_start3A_61 = arith.constant 0 : i32
    %dma_start3A_62 = tpu.memref_slice %arg19[%dma_start3A_60, %dma_start3A_61] : memref<10240x128xf32, #tpu.memory_space<vmem_shared>> -> memref<10240x128xf32, #tpu.memory_space<vmem_shared>>
    tpu.enqueue_indirect_dma source(%arg15 : memref<64x128xf32, #tpu.memory_space<vmem>>) target(%dma_start3A_62 : memref<10240x128xf32, #tpu.memory_space<vmem_shared>>) offsets(%arg11 : memref<64xi32, #tpu.memory_space<vmem>>) semaphore(%arg24 : memref<!tpu.dma_semaphore, #tpu.memory_space<semaphore_mem>>) {add = true}
    %add3A_63 = arith.constant 192 : i32
    %add3A_64 = arith.addi %mul3A_4, %add3A_63 : i32
    %multiple_of3A_65 = tpu.assume_multiple %add3A_64, 8 : i32
    %dma_start3A_66 = tpu.memref_slice %arg3[%multiple_of3A_65] : memref<328064xi32, #tpu.memory_space<hbm>> -> memref<64xi32, #tpu.memory_space<hbm>>
    %dma_start3A_67 = tpu.memref_slice %arg3[%multiple_of3A_65] : memref<328064xi32, #tpu.memory_space<hbm>> -> memref<64xi32, #tpu.memory_space<hbm>>
    tpu.enqueue_dma source(%dma_start3A_67 : memref<64xi32, #tpu.memory_space<hbm>>) target(%arg10 : memref<64xi32, #tpu.memory_space<vmem>>) target_semaphore(%arg31 : memref<!tpu.dma_semaphore, #tpu.memory_space<semaphore_mem>>)
    %add3A_68 = arith.constant 192 : i32
    %add3A_69 = arith.addi %mul3A_4, %add3A_68 : i32
    %multiple_of3A_70 = tpu.assume_multiple %add3A_69, 8 : i32
    %dma_start3A_71 = tpu.memref_slice %arg4[%multiple_of3A_70] : memref<328064xi32, #tpu.memory_space<hbm>> -> memref<64xi32, #tpu.memory_space<hbm>>
    %dma_start3A_72 = tpu.memref_slice %arg4[%multiple_of3A_70] : memref<328064xi32, #tpu.memory_space<hbm>> -> memref<64xi32, #tpu.memory_space<hbm>>
    tpu.enqueue_dma source(%dma_start3A_72 : memref<64xi32, #tpu.memory_space<hbm>>) target(%arg14 : memref<64xi32, #tpu.memory_space<vmem>>) target_semaphore(%arg31 : memref<!tpu.dma_semaphore, #tpu.memory_space<semaphore_mem>>)
    %dma_wait3A_73 = arith.constant 0 : i32
    %dma_wait3A_74 = arith.constant 0 : i32
    %dma_wait3A_75 = tpu.memref_slice %arg19[%dma_wait3A_73, %dma_wait3A_74] : memref<10240x128xf32, #tpu.memory_space<vmem_shared>> -> memref<10240x128xf32, #tpu.memory_space<vmem_shared>>
    tpu.wait_indirect_dma semaphore(%arg24 : memref<!tpu.dma_semaphore, #tpu.memory_space<semaphore_mem>>) src(%arg15 : memref<64x128xf32, #tpu.memory_space<vmem>>) dst(%dma_wait3A_75 : memref<10240x128xf32, #tpu.memory_space<vmem_shared>>)
    %dma_wait3A_76 = arith.constant 0 : i32
    %dma_wait3A_77 = arith.constant 0 : i32
    %dma_wait3A_78 = tpu.memref_slice %arg2[%dma_wait3A_76, %dma_wait3A_77] : memref<10240x128xf32, #tpu.memory_space<hbm>> -> memref<10240x128xf32, #tpu.memory_space<hbm>>
    tpu.wait_indirect_dma semaphore(%arg21 : memref<!tpu.dma_semaphore, #tpu.memory_space<semaphore_mem>>) src(%dma_wait3A_78 : memref<10240x128xf32, #tpu.memory_space<hbm>>) dst(%arg16 : memref<64x128xf32, #tpu.memory_space<vmem>>)
    %add3A_79 = arith.constant 192 : i32
    %add3A_80 = arith.addi %mul3A_4, %add3A_79 : i32
    %multiple_of3A_81 = tpu.assume_multiple %add3A_80, 8 : i32
    %dma_wait3A_82 = tpu.memref_slice %arg3[%multiple_of3A_81] : memref<328064xi32, #tpu.memory_space<hbm>> -> memref<64xi32, #tpu.memory_space<hbm>>
    %dma_wait3A_83 = tpu.memref_slice %arg3[%multiple_of3A_81] : memref<328064xi32, #tpu.memory_space<hbm>> -> memref<64xi32, #tpu.memory_space<hbm>>
    tpu.wait_dma2 semaphore(%arg31 : memref<!tpu.dma_semaphore, #tpu.memory_space<semaphore_mem>>) src(%dma_wait3A_83 : memref<64xi32, #tpu.memory_space<hbm>>) dst(%arg10 : memref<64xi32, #tpu.memory_space<vmem>>)
    %add3A_84 = arith.constant 192 : i32
    %add3A_85 = arith.addi %mul3A_4, %add3A_84 : i32
    %multiple_of3A_86 = tpu.assume_multiple %add3A_85, 8 : i32
    %dma_wait3A_87 = tpu.memref_slice %arg4[%multiple_of3A_86] : memref<328064xi32, #tpu.memory_space<hbm>> -> memref<64xi32, #tpu.memory_space<hbm>>
    %dma_wait3A_88 = tpu.memref_slice %arg4[%multiple_of3A_86] : memref<328064xi32, #tpu.memory_space<hbm>> -> memref<64xi32, #tpu.memory_space<hbm>>
    tpu.wait_dma2 semaphore(%arg31 : memref<!tpu.dma_semaphore, #tpu.memory_space<semaphore_mem>>) src(%dma_wait3A_88 : memref<64xi32, #tpu.memory_space<hbm>>) dst(%arg14 : memref<64xi32, #tpu.memory_space<vmem>>)
    %dma_start3A_89 = arith.constant 0 : i32
    %dma_start3A_90 = arith.constant 0 : i32
    %dma_start3A_91 = tpu.memref_slice %arg2[%dma_start3A_89, %dma_start3A_90] : memref<10240x128xf32, #tpu.memory_space<hbm>> -> memref<10240x128xf32, #tpu.memory_space<hbm>>
    tpu.enqueue_indirect_dma source(%dma_start3A_91 : memref<10240x128xf32, #tpu.memory_space<hbm>>) target(%arg18 : memref<64x128xf32, #tpu.memory_space<vmem>>) offsets(%arg10 : memref<64xi32, #tpu.memory_space<vmem>>) semaphore(%arg23 : memref<!tpu.dma_semaphore, #tpu.memory_space<semaphore_mem>>)
    %dma_start3A_92 = arith.constant 0 : i32
    %dma_start3A_93 = arith.constant 0 : i32
    %dma_start3A_94 = tpu.memref_slice %arg19[%dma_start3A_92, %dma_start3A_93] : memref<10240x128xf32, #tpu.memory_space<vmem_shared>> -> memref<10240x128xf32, #tpu.memory_space<vmem_shared>>
    tpu.enqueue_indirect_dma source(%arg16 : memref<64x128xf32, #tpu.memory_space<vmem>>) target(%dma_start3A_94 : memref<10240x128xf32, #tpu.memory_space<vmem_shared>>) offsets(%arg12 : memref<64xi32, #tpu.memory_space<vmem>>) semaphore(%arg25 : memref<!tpu.dma_semaphore, #tpu.memory_space<semaphore_mem>>) {add = true}
    %add3A_95 = arith.constant 256 : i32
    %add3A_96 = arith.addi %mul3A_4, %add3A_95 : i32
    %multiple_of3A_97 = tpu.assume_multiple %add3A_96, 8 : i32
    %dma_start3A_98 = tpu.memref_slice %arg3[%multiple_of3A_97] : memref<328064xi32, #tpu.memory_space<hbm>> -> memref<64xi32, #tpu.memory_space<hbm>>
    %dma_start3A_99 = tpu.memref_slice %arg3[%multiple_of3A_97] : memref<328064xi32, #tpu.memory_space<hbm>> -> memref<64xi32, #tpu.memory_space<hbm>>
    tpu.enqueue_dma source(%dma_start3A_99 : memref<64xi32, #tpu.memory_space<hbm>>) target(%arg7 : memref<64xi32, #tpu.memory_space<vmem>>) target_semaphore(%arg28 : memref<!tpu.dma_semaphore, #tpu.memory_space<semaphore_mem>>)
    %add3A_100 = arith.constant 256 : i32
    %add3A_101 = arith.addi %mul3A_4, %add3A_100 : i32
    %multiple_of3A_102 = tpu.assume_multiple %add3A_101, 8 : i32
    %dma_start3A_103 = tpu.memref_slice %arg4[%multiple_of3A_102] : memref<328064xi32, #tpu.memory_space<hbm>> -> memref<64xi32, #tpu.memory_space<hbm>>
    %dma_start3A_104 = tpu.memref_slice %arg4[%multiple_of3A_102] : memref<328064xi32, #tpu.memory_space<hbm>> -> memref<64xi32, #tpu.memory_space<hbm>>
    tpu.enqueue_dma source(%dma_start3A_104 : memref<64xi32, #tpu.memory_space<hbm>>) target(%arg11 : memref<64xi32, #tpu.memory_space<vmem>>) target_semaphore(%arg28 : memref<!tpu.dma_semaphore, #tpu.memory_space<semaphore_mem>>)
    %dma_wait3A_105 = arith.constant 0 : i32
    %dma_wait3A_106 = arith.constant 0 : i32
    %dma_wait3A_107 = tpu.memref_slice %arg19[%dma_wait3A_105, %dma_wait3A_106] : memref<10240x128xf32, #tpu.memory_space<vmem_shared>> -> memref<10240x128xf32, #tpu.memory_space<vmem_shared>>
    tpu.wait_indirect_dma semaphore(%arg25 : memref<!tpu.dma_semaphore, #tpu.memory_space<semaphore_mem>>) src(%arg16 : memref<64x128xf32, #tpu.memory_space<vmem>>) dst(%dma_wait3A_107 : memref<10240x128xf32, #tpu.memory_space<vmem_shared>>)
    %dma_wait3A_108 = arith.constant 0 : i32
    %dma_wait3A_109 = arith.constant 0 : i32
    %dma_wait3A_110 = tpu.memref_slice %arg2[%dma_wait3A_108, %dma_wait3A_109] : memref<10240x128xf32, #tpu.memory_space<hbm>> -> memref<10240x128xf32, #tpu.memory_space<hbm>>
    tpu.wait_indirect_dma semaphore(%arg22 : memref<!tpu.dma_semaphore, #tpu.memory_space<semaphore_mem>>) src(%dma_wait3A_110 : memref<10240x128xf32, #tpu.memory_space<hbm>>) dst(%arg17 : memref<64x128xf32, #tpu.memory_space<vmem>>)
    %add3A_111 = arith.constant 256 : i32
    %add3A_112 = arith.addi %mul3A_4, %add3A_111 : i32
    %multiple_of3A_113 = tpu.assume_multiple %add3A_112, 8 : i32
    %dma_wait3A_114 = tpu.memref_slice %arg3[%multiple_of3A_113] : memref<328064xi32, #tpu.memory_space<hbm>> -> memref<64xi32, #tpu.memory_space<hbm>>
    %dma_wait3A_115 = tpu.memref_slice %arg3[%multiple_of3A_113] : memref<328064xi32, #tpu.memory_space<hbm>> -> memref<64xi32, #tpu.memory_space<hbm>>
    tpu.wait_dma2 semaphore(%arg28 : memref<!tpu.dma_semaphore, #tpu.memory_space<semaphore_mem>>) src(%dma_wait3A_115 : memref<64xi32, #tpu.memory_space<hbm>>) dst(%arg7 : memref<64xi32, #tpu.memory_space<vmem>>)
    %add3A_116 = arith.constant 256 : i32
    %add3A_117 = arith.addi %mul3A_4, %add3A_116 : i32
    %multiple_of3A_118 = tpu.assume_multiple %add3A_117, 8 : i32
    %dma_wait3A_119 = tpu.memref_slice %arg4[%multiple_of3A_118] : memref<328064xi32, #tpu.memory_space<hbm>> -> memref<64xi32, #tpu.memory_space<hbm>>
    %dma_wait3A_120 = tpu.memref_slice %arg4[%multiple_of3A_118] : memref<328064xi32, #tpu.memory_space<hbm>> -> memref<64xi32, #tpu.memory_space<hbm>>
    tpu.wait_dma2 semaphore(%arg28 : memref<!tpu.dma_semaphore, #tpu.memory_space<semaphore_mem>>) src(%dma_wait3A_120 : memref<64xi32, #tpu.memory_space<hbm>>) dst(%arg11 : memref<64xi32, #tpu.memory_space<vmem>>)
    %dma_start3A_121 = arith.constant 0 : i32
    %dma_start3A_122 = arith.constant 0 : i32
    %dma_start3A_123 = tpu.memref_slice %arg2[%dma_start3A_121, %dma_start3A_122] : memref<10240x128xf32, #tpu.memory_space<hbm>> -> memref<10240x128xf32, #tpu.memory_space<hbm>>
    tpu.enqueue_indirect_dma source(%dma_start3A_123 : memref<10240x128xf32, #tpu.memory_space<hbm>>) target(%arg15 : memref<64x128xf32, #tpu.memory_space<vmem>>) offsets(%arg7 : memref<64xi32, #tpu.memory_space<vmem>>) semaphore(%arg20 : memref<!tpu.dma_semaphore, #tpu.memory_space<semaphore_mem>>)
    %dma_start3A_124 = arith.constant 0 : i32
    %dma_start3A_125 = arith.constant 0 : i32
    %dma_start3A_126 = tpu.memref_slice %arg19[%dma_start3A_124, %dma_start3A_125] : memref<10240x128xf32, #tpu.memory_space<vmem_shared>> -> memref<10240x128xf32, #tpu.memory_space<vmem_shared>>
    tpu.enqueue_indirect_dma source(%arg17 : memref<64x128xf32, #tpu.memory_space<vmem>>) target(%dma_start3A_126 : memref<10240x128xf32, #tpu.memory_space<vmem_shared>>) offsets(%arg13 : memref<64xi32, #tpu.memory_space<vmem>>) semaphore(%arg26 : memref<!tpu.dma_semaphore, #tpu.memory_space<semaphore_mem>>) {add = true}
    %add3A_127 = arith.constant 320 : i32
    %add3A_128 = arith.addi %mul3A_4, %add3A_127 : i32
    %multiple_of3A_129 = tpu.assume_multiple %add3A_128, 8 : i32
    %dma_start3A_130 = tpu.memref_slice %arg3[%multiple_of3A_129] : memref<328064xi32, #tpu.memory_space<hbm>> -> memref<64xi32, #tpu.memory_space<hbm>>
    %dma_start3A_131 = tpu.memref_slice %arg3[%multiple_of3A_129] : memref<328064xi32, #tpu.memory_space<hbm>> -> memref<64xi32, #tpu.memory_space<hbm>>
    tpu.enqueue_dma source(%dma_start3A_131 : memref<64xi32, #tpu.memory_space<hbm>>) target(%arg8 : memref<64xi32, #tpu.memory_space<vmem>>) target_semaphore(%arg29 : memref<!tpu.dma_semaphore, #tpu.memory_space<semaphore_mem>>)
    %add3A_132 = arith.constant 320 : i32
    %add3A_133 = arith.addi %mul3A_4, %add3A_132 : i32
    %multiple_of3A_134 = tpu.assume_multiple %add3A_133, 8 : i32
    %dma_start3A_135 = tpu.memref_slice %arg4[%multiple_of3A_134] : memref<328064xi32, #tpu.memory_space<hbm>> -> memref<64xi32, #tpu.memory_space<hbm>>
    %dma_start3A_136 = tpu.memref_slice %arg4[%multiple_of3A_134] : memref<328064xi32, #tpu.memory_space<hbm>> -> memref<64xi32, #tpu.memory_space<hbm>>
    tpu.enqueue_dma source(%dma_start3A_136 : memref<64xi32, #tpu.memory_space<hbm>>) target(%arg12 : memref<64xi32, #tpu.memory_space<vmem>>) target_semaphore(%arg29 : memref<!tpu.dma_semaphore, #tpu.memory_space<semaphore_mem>>)
    %dma_wait3A_137 = arith.constant 0 : i32
    %dma_wait3A_138 = arith.constant 0 : i32
    %dma_wait3A_139 = tpu.memref_slice %arg19[%dma_wait3A_137, %dma_wait3A_138] : memref<10240x128xf32, #tpu.memory_space<vmem_shared>> -> memref<10240x128xf32, #tpu.memory_space<vmem_shared>>
    tpu.wait_indirect_dma semaphore(%arg26 : memref<!tpu.dma_semaphore, #tpu.memory_space<semaphore_mem>>) src(%arg17 : memref<64x128xf32, #tpu.memory_space<vmem>>) dst(%dma_wait3A_139 : memref<10240x128xf32, #tpu.memory_space<vmem_shared>>)
    %dma_wait3A_140 = arith.constant 0 : i32
    %dma_wait3A_141 = arith.constant 0 : i32
    %dma_wait3A_142 = tpu.memref_slice %arg2[%dma_wait3A_140, %dma_wait3A_141] : memref<10240x128xf32, #tpu.memory_space<hbm>> -> memref<10240x128xf32, #tpu.memory_space<hbm>>
    tpu.wait_indirect_dma semaphore(%arg23 : memref<!tpu.dma_semaphore, #tpu.memory_space<semaphore_mem>>) src(%dma_wait3A_142 : memref<10240x128xf32, #tpu.memory_space<hbm>>) dst(%arg18 : memref<64x128xf32, #tpu.memory_space<vmem>>)
    %add3A_143 = arith.constant 320 : i32
    %add3A_144 = arith.addi %mul3A_4, %add3A_143 : i32
    %multiple_of3A_145 = tpu.assume_multiple %add3A_144, 8 : i32
    %dma_wait3A_146 = tpu.memref_slice %arg3[%multiple_of3A_145] : memref<328064xi32, #tpu.memory_space<hbm>> -> memref<64xi32, #tpu.memory_space<hbm>>
    %dma_wait3A_147 = tpu.memref_slice %arg3[%multiple_of3A_145] : memref<328064xi32, #tpu.memory_space<hbm>> -> memref<64xi32, #tpu.memory_space<hbm>>
    tpu.wait_dma2 semaphore(%arg29 : memref<!tpu.dma_semaphore, #tpu.memory_space<semaphore_mem>>) src(%dma_wait3A_147 : memref<64xi32, #tpu.memory_space<hbm>>) dst(%arg8 : memref<64xi32, #tpu.memory_space<vmem>>)
    %add3A_148 = arith.constant 320 : i32
    %add3A_149 = arith.addi %mul3A_4, %add3A_148 : i32
    %multiple_of3A_150 = tpu.assume_multiple %add3A_149, 8 : i32
    %dma_wait3A_151 = tpu.memref_slice %arg4[%multiple_of3A_150] : memref<328064xi32, #tpu.memory_space<hbm>> -> memref<64xi32, #tpu.memory_space<hbm>>
    %dma_wait3A_152 = tpu.memref_slice %arg4[%multiple_of3A_150] : memref<328064xi32, #tpu.memory_space<hbm>> -> memref<64xi32, #tpu.memory_space<hbm>>
    tpu.wait_dma2 semaphore(%arg29 : memref<!tpu.dma_semaphore, #tpu.memory_space<semaphore_mem>>) src(%dma_wait3A_152 : memref<64xi32, #tpu.memory_space<hbm>>) dst(%arg12 : memref<64xi32, #tpu.memory_space<vmem>>)
    %dma_start3A_153 = arith.constant 0 : i32
    %dma_start3A_154 = arith.constant 0 : i32
    %dma_start3A_155 = tpu.memref_slice %arg2[%dma_start3A_153, %dma_start3A_154] : memref<10240x128xf32, #tpu.memory_space<hbm>> -> memref<10240x128xf32, #tpu.memory_space<hbm>>
    tpu.enqueue_indirect_dma source(%dma_start3A_155 : memref<10240x128xf32, #tpu.memory_space<hbm>>) target(%arg16 : memref<64x128xf32, #tpu.memory_space<vmem>>) offsets(%arg8 : memref<64xi32, #tpu.memory_space<vmem>>) semaphore(%arg21 : memref<!tpu.dma_semaphore, #tpu.memory_space<semaphore_mem>>)
    %dma_start3A_156 = arith.constant 0 : i32
    %dma_start3A_157 = arith.constant 0 : i32
    %dma_start3A_158 = tpu.memref_slice %arg19[%dma_start3A_156, %dma_start3A_157] : memref<10240x128xf32, #tpu.memory_space<vmem_shared>> -> memref<10240x128xf32, #tpu.memory_space<vmem_shared>>
    tpu.enqueue_indirect_dma source(%arg18 : memref<64x128xf32, #tpu.memory_space<vmem>>) target(%dma_start3A_158 : memref<10240x128xf32, #tpu.memory_space<vmem_shared>>) offsets(%arg14 : memref<64xi32, #tpu.memory_space<vmem>>) semaphore(%arg27 : memref<!tpu.dma_semaphore, #tpu.memory_space<semaphore_mem>>) {add = true}
    %add3A_159 = arith.constant 384 : i32
    %add3A_160 = arith.addi %mul3A_4, %add3A_159 : i32
    %multiple_of3A_161 = tpu.assume_multiple %add3A_160, 8 : i32
    %dma_start3A_162 = tpu.memref_slice %arg3[%multiple_of3A_161] : memref<328064xi32, #tpu.memory_space<hbm>> -> memref<64xi32, #tpu.memory_space<hbm>>
    %dma_start3A_163 = tpu.memref_slice %arg3[%multiple_of3A_161] : memref<328064xi32, #tpu.memory_space<hbm>> -> memref<64xi32, #tpu.memory_space<hbm>>
    tpu.enqueue_dma source(%dma_start3A_163 : memref<64xi32, #tpu.memory_space<hbm>>) target(%arg9 : memref<64xi32, #tpu.memory_space<vmem>>) target_semaphore(%arg30 : memref<!tpu.dma_semaphore, #tpu.memory_space<semaphore_mem>>)
    %add3A_164 = arith.constant 384 : i32
    %add3A_165 = arith.addi %mul3A_4, %add3A_164 : i32
    %multiple_of3A_166 = tpu.assume_multiple %add3A_165, 8 : i32
    %dma_start3A_167 = tpu.memref_slice %arg4[%multiple_of3A_166] : memref<328064xi32, #tpu.memory_space<hbm>> -> memref<64xi32, #tpu.memory_space<hbm>>
    %dma_start3A_168 = tpu.memref_slice %arg4[%multiple_of3A_166] : memref<328064xi32, #tpu.memory_space<hbm>> -> memref<64xi32, #tpu.memory_space<hbm>>
    tpu.enqueue_dma source(%dma_start3A_168 : memref<64xi32, #tpu.memory_space<hbm>>) target(%arg13 : memref<64xi32, #tpu.memory_space<vmem>>) target_semaphore(%arg30 : memref<!tpu.dma_semaphore, #tpu.memory_space<semaphore_mem>>)
    %scan3A = arith.constant 0 : i32
    %scan3A_169 = arith.constant 1 : i32
    %scan3A_170 = arith.constant 39 : i32
    %scan3A_171 = arith.addi %scan3A_169, %scan3A_170 : i32
    %scan3A_172 = arith.constant 1 : i32
    scf.for %scan3A_193 = %scan3A_169 to %scan3A_171 step %scan3A_172  : i32 {
      %mul3A_194 = arith.constant 4 : i32
      %mul3A_195 = arith.muli %mul3A_194, %scan3A_193 : i32
      %sub3A = arith.constant 1 : i32
      %sub3A_196 = arith.subi %mul3A_195, %sub3A : i32
      %dma_wait3A_197 = arith.constant 0 : i32
      %dma_wait3A_198 = arith.constant 0 : i32
      %dma_wait3A_199 = tpu.memref_slice %arg19[%dma_wait3A_197, %dma_wait3A_198] : memref<10240x128xf32, #tpu.memory_space<vmem_shared>> -> memref<10240x128xf32, #tpu.memory_space<vmem_shared>>
      tpu.wait_indirect_dma semaphore(%arg27 : memref<!tpu.dma_semaphore, #tpu.memory_space<semaphore_mem>>) src(%arg18 : memref<64x128xf32, #tpu.memory_space<vmem>>) dst(%dma_wait3A_199 : memref<10240x128xf32, #tpu.memory_space<vmem_shared>>)
      %dma_wait3A_200 = arith.constant 0 : i32
      %dma_wait3A_201 = arith.constant 0 : i32
      %dma_wait3A_202 = tpu.memref_slice %arg2[%dma_wait3A_200, %dma_wait3A_201] : memref<10240x128xf32, #tpu.memory_space<hbm>> -> memref<10240x128xf32, #tpu.memory_space<hbm>>
      tpu.wait_indirect_dma semaphore(%arg20 : memref<!tpu.dma_semaphore, #tpu.memory_space<semaphore_mem>>) src(%dma_wait3A_202 : memref<10240x128xf32, #tpu.memory_space<hbm>>) dst(%arg15 : memref<64x128xf32, #tpu.memory_space<vmem>>)
      %add3A_203 = arith.constant 2 : i32
      %add3A_204 = arith.addi %mul3A_195, %add3A_203 : i32
      %mul3A_205 = arith.constant 64 : i32
      %mul3A_206 = arith.muli %add3A_204, %mul3A_205 : i32
      %add3A_207 = arith.addi %mul3A_4, %mul3A_206 : i32
      %multiple_of3A_208 = tpu.assume_multiple %add3A_207, 8 : i32
      %dma_wait3A_209 = tpu.memref_slice %arg3[%multiple_of3A_208] : memref<328064xi32, #tpu.memory_space<hbm>> -> memref<64xi32, #tpu.memory_space<hbm>>
      %dma_wait3A_210 = tpu.memref_slice %arg3[%multiple_of3A_208] : memref<328064xi32, #tpu.memory_space<hbm>> -> memref<64xi32, #tpu.memory_space<hbm>>
      tpu.wait_dma2 semaphore(%arg30 : memref<!tpu.dma_semaphore, #tpu.memory_space<semaphore_mem>>) src(%dma_wait3A_210 : memref<64xi32, #tpu.memory_space<hbm>>) dst(%arg9 : memref<64xi32, #tpu.memory_space<vmem>>)
      %mul3A_211 = arith.constant 64 : i32
      %mul3A_212 = arith.muli %add3A_204, %mul3A_211 : i32
      %add3A_213 = arith.addi %mul3A_4, %mul3A_212 : i32
      %multiple_of3A_214 = tpu.assume_multiple %add3A_213, 8 : i32
      %dma_wait3A_215 = tpu.memref_slice %arg4[%multiple_of3A_214] : memref<328064xi32, #tpu.memory_space<hbm>> -> memref<64xi32, #tpu.memory_space<hbm>>
      %dma_wait3A_216 = tpu.memref_slice %arg4[%multiple_of3A_214] : memref<328064xi32, #tpu.memory_space<hbm>> -> memref<64xi32, #tpu.memory_space<hbm>>
      tpu.wait_dma2 semaphore(%arg30 : memref<!tpu.dma_semaphore, #tpu.memory_space<semaphore_mem>>) src(%dma_wait3A_216 : memref<64xi32, #tpu.memory_space<hbm>>) dst(%arg13 : memref<64xi32, #tpu.memory_space<vmem>>)
      %add3A_217 = arith.constant 2 : i32
      %add3A_218 = arith.addi %mul3A_195, %add3A_217 : i32
      %dma_start3A_219 = arith.constant 0 : i32
      %dma_start3A_220 = arith.constant 0 : i32
      %dma_start3A_221 = tpu.memref_slice %arg2[%dma_start3A_219, %dma_start3A_220] : memref<10240x128xf32, #tpu.memory_space<hbm>> -> memref<10240x128xf32, #tpu.memory_space<hbm>>
      tpu.enqueue_indirect_dma source(%dma_start3A_221 : memref<10240x128xf32, #tpu.memory_space<hbm>>) target(%arg17 : memref<64x128xf32, #tpu.memory_space<vmem>>) offsets(%arg9 : memref<64xi32, #tpu.memory_space<vmem>>) semaphore(%arg22 : memref<!tpu.dma_semaphore, #tpu.memory_space<semaphore_mem>>)
      %dma_start3A_222 = arith.constant 0 : i32
      %dma_start3A_223 = arith.constant 0 : i32
      %dma_start3A_224 = tpu.memref_slice %arg19[%dma_start3A_222, %dma_start3A_223] : memref<10240x128xf32, #tpu.memory_space<vmem_shared>> -> memref<10240x128xf32, #tpu.memory_space<vmem_shared>>
      tpu.enqueue_indirect_dma source(%arg15 : memref<64x128xf32, #tpu.memory_space<vmem>>) target(%dma_start3A_224 : memref<10240x128xf32, #tpu.memory_space<vmem_shared>>) offsets(%arg11 : memref<64xi32, #tpu.memory_space<vmem>>) semaphore(%arg24 : memref<!tpu.dma_semaphore, #tpu.memory_space<semaphore_mem>>) {add = true}
      %add3A_225 = arith.constant 3 : i32
      %add3A_226 = arith.addi %mul3A_195, %add3A_225 : i32
      %mul3A_227 = arith.constant 64 : i32
      %mul3A_228 = arith.muli %add3A_226, %mul3A_227 : i32
      %add3A_229 = arith.addi %mul3A_4, %mul3A_228 : i32
      %multiple_of3A_230 = tpu.assume_multiple %add3A_229, 8 : i32
      %dma_start3A_231 = tpu.memref_slice %arg3[%multiple_of3A_230] : memref<328064xi32, #tpu.memory_space<hbm>> -> memref<64xi32, #tpu.memory_space<hbm>>
      %dma_start3A_232 = tpu.memref_slice %arg3[%multiple_of3A_230] : memref<328064xi32, #tpu.memory_space<hbm>> -> memref<64xi32, #tpu.memory_space<hbm>>
      tpu.enqueue_dma source(%dma_start3A_232 : memref<64xi32, #tpu.memory_space<hbm>>) target(%arg10 : memref<64xi32, #tpu.memory_space<vmem>>) target_semaphore(%arg31 : memref<!tpu.dma_semaphore, #tpu.memory_space<semaphore_mem>>)
      %mul3A_233 = arith.constant 64 : i32
      %mul3A_234 = arith.muli %add3A_226, %mul3A_233 : i32
      %add3A_235 = arith.addi %mul3A_4, %mul3A_234 : i32
      %multiple_of3A_236 = tpu.assume_multiple %add3A_235, 8 : i32
      %dma_start3A_237 = tpu.memref_slice %arg4[%multiple_of3A_236] : memref<328064xi32, #tpu.memory_space<hbm>> -> memref<64xi32, #tpu.memory_space<hbm>>
      %dma_start3A_238 = tpu.memref_slice %arg4[%multiple_of3A_236] : memref<328064xi32, #tpu.memory_space<hbm>> -> memref<64xi32, #tpu.memory_space<hbm>>
      tpu.enqueue_dma source(%dma_start3A_238 : memref<64xi32, #tpu.memory_space<hbm>>) target(%arg14 : memref<64xi32, #tpu.memory_space<vmem>>) target_semaphore(%arg31 : memref<!tpu.dma_semaphore, #tpu.memory_space<semaphore_mem>>)
      %add3A_239 = arith.constant 1 : i32
      %add3A_240 = arith.addi %mul3A_195, %add3A_239 : i32
      %sub3A_241 = arith.constant 1 : i32
      %sub3A_242 = arith.subi %add3A_240, %sub3A_241 : i32
      %dma_wait3A_243 = arith.constant 0 : i32
      %dma_wait3A_244 = arith.constant 0 : i32
      %dma_wait3A_245 = tpu.memref_slice %arg19[%dma_wait3A_243, %dma_wait3A_244] : memref<10240x128xf32, #tpu.memory_space<vmem_shared>> -> memref<10240x128xf32, #tpu.memory_space<vmem_shared>>
      tpu.wait_indirect_dma semaphore(%arg24 : memref<!tpu.dma_semaphore, #tpu.memory_space<semaphore_mem>>) src(%arg15 : memref<64x128xf32, #tpu.memory_space<vmem>>) dst(%dma_wait3A_245 : memref<10240x128xf32, #tpu.memory_space<vmem_shared>>)
      %dma_wait3A_246 = arith.constant 0 : i32
      %dma_wait3A_247 = arith.constant 0 : i32
      %dma_wait3A_248 = tpu.memref_slice %arg2[%dma_wait3A_246, %dma_wait3A_247] : memref<10240x128xf32, #tpu.memory_space<hbm>> -> memref<10240x128xf32, #tpu.memory_space<hbm>>
      tpu.wait_indirect_dma semaphore(%arg21 : memref<!tpu.dma_semaphore, #tpu.memory_space<semaphore_mem>>) src(%dma_wait3A_248 : memref<10240x128xf32, #tpu.memory_space<hbm>>) dst(%arg16 : memref<64x128xf32, #tpu.memory_space<vmem>>)
      %add3A_249 = arith.constant 2 : i32
      %add3A_250 = arith.addi %add3A_240, %add3A_249 : i32
      %mul3A_251 = arith.constant 64 : i32
      %mul3A_252 = arith.muli %add3A_250, %mul3A_251 : i32
      %add3A_253 = arith.addi %mul3A_4, %mul3A_252 : i32
      %multiple_of3A_254 = tpu.assume_multiple %add3A_253, 8 : i32
      %dma_wait3A_255 = tpu.memref_slice %arg3[%multiple_of3A_254] : memref<328064xi32, #tpu.memory_space<hbm>> -> memref<64xi32, #tpu.memory_space<hbm>>
      %dma_wait3A_256 = tpu.memref_slice %arg3[%multiple_of3A_254] : memref<328064xi32, #tpu.memory_space<hbm>> -> memref<64xi32, #tpu.memory_space<hbm>>
      tpu.wait_dma2 semaphore(%arg31 : memref<!tpu.dma_semaphore, #tpu.memory_space<semaphore_mem>>) src(%dma_wait3A_256 : memref<64xi32, #tpu.memory_space<hbm>>) dst(%arg10 : memref<64xi32, #tpu.memory_space<vmem>>)
      %mul3A_257 = arith.constant 64 : i32
      %mul3A_258 = arith.muli %add3A_250, %mul3A_257 : i32
      %add3A_259 = arith.addi %mul3A_4, %mul3A_258 : i32
      %multiple_of3A_260 = tpu.assume_multiple %add3A_259, 8 : i32
      %dma_wait3A_261 = tpu.memref_slice %arg4[%multiple_of3A_260] : memref<328064xi32, #tpu.memory_space<hbm>> -> memref<64xi32, #tpu.memory_space<hbm>>
      %dma_wait3A_262 = tpu.memref_slice %arg4[%multiple_of3A_260] : memref<328064xi32, #tpu.memory_space<hbm>> -> memref<64xi32, #tpu.memory_space<hbm>>
      tpu.wait_dma2 semaphore(%arg31 : memref<!tpu.dma_semaphore, #tpu.memory_space<semaphore_mem>>) src(%dma_wait3A_262 : memref<64xi32, #tpu.memory_space<hbm>>) dst(%arg14 : memref<64xi32, #tpu.memory_space<vmem>>)
      %add3A_263 = arith.constant 2 : i32
      %add3A_264 = arith.addi %add3A_240, %add3A_263 : i32
      %dma_start3A_265 = arith.constant 0 : i32
      %dma_start3A_266 = arith.constant 0 : i32
      %dma_start3A_267 = tpu.memref_slice %arg2[%dma_start3A_265, %dma_start3A_266] : memref<10240x128xf32, #tpu.memory_space<hbm>> -> memref<10240x128xf32, #tpu.memory_space<hbm>>
      tpu.enqueue_indirect_dma source(%dma_start3A_267 : memref<10240x128xf32, #tpu.memory_space<hbm>>) target(%arg18 : memref<64x128xf32, #tpu.memory_space<vmem>>) offsets(%arg10 : memref<64xi32, #tpu.memory_space<vmem>>) semaphore(%arg23 : memref<!tpu.dma_semaphore, #tpu.memory_space<semaphore_mem>>)
      %dma_start3A_268 = arith.constant 0 : i32
      %dma_start3A_269 = arith.constant 0 : i32
      %dma_start3A_270 = tpu.memref_slice %arg19[%dma_start3A_268, %dma_start3A_269] : memref<10240x128xf32, #tpu.memory_space<vmem_shared>> -> memref<10240x128xf32, #tpu.memory_space<vmem_shared>>
      tpu.enqueue_indirect_dma source(%arg16 : memref<64x128xf32, #tpu.memory_space<vmem>>) target(%dma_start3A_270 : memref<10240x128xf32, #tpu.memory_space<vmem_shared>>) offsets(%arg12 : memref<64xi32, #tpu.memory_space<vmem>>) semaphore(%arg25 : memref<!tpu.dma_semaphore, #tpu.memory_space<semaphore_mem>>) {add = true}
      %add3A_271 = arith.constant 3 : i32
      %add3A_272 = arith.addi %add3A_240, %add3A_271 : i32
      %mul3A_273 = arith.constant 64 : i32
      %mul3A_274 = arith.muli %add3A_272, %mul3A_273 : i32
      %add3A_275 = arith.addi %mul3A_4, %mul3A_274 : i32
      %multiple_of3A_276 = tpu.assume_multiple %add3A_275, 8 : i32
      %dma_start3A_277 = tpu.memref_slice %arg3[%multiple_of3A_276] : memref<328064xi32, #tpu.memory_space<hbm>> -> memref<64xi32, #tpu.memory_space<hbm>>
      %dma_start3A_278 = tpu.memref_slice %arg3[%multiple_of3A_276] : memref<328064xi32, #tpu.memory_space<hbm>> -> memref<64xi32, #tpu.memory_space<hbm>>
      tpu.enqueue_dma source(%dma_start3A_278 : memref<64xi32, #tpu.memory_space<hbm>>) target(%arg7 : memref<64xi32, #tpu.memory_space<vmem>>) target_semaphore(%arg28 : memref<!tpu.dma_semaphore, #tpu.memory_space<semaphore_mem>>)
      %mul3A_279 = arith.constant 64 : i32
      %mul3A_280 = arith.muli %add3A_272, %mul3A_279 : i32
      %add3A_281 = arith.addi %mul3A_4, %mul3A_280 : i32
      %multiple_of3A_282 = tpu.assume_multiple %add3A_281, 8 : i32
      %dma_start3A_283 = tpu.memref_slice %arg4[%multiple_of3A_282] : memref<328064xi32, #tpu.memory_space<hbm>> -> memref<64xi32, #tpu.memory_space<hbm>>
      %dma_start3A_284 = tpu.memref_slice %arg4[%multiple_of3A_282] : memref<328064xi32, #tpu.memory_space<hbm>> -> memref<64xi32, #tpu.memory_space<hbm>>
      tpu.enqueue_dma source(%dma_start3A_284 : memref<64xi32, #tpu.memory_space<hbm>>) target(%arg11 : memref<64xi32, #tpu.memory_space<vmem>>) target_semaphore(%arg28 : memref<!tpu.dma_semaphore, #tpu.memory_space<semaphore_mem>>)
      %add3A_285 = arith.constant 2 : i32
      %add3A_286 = arith.addi %mul3A_195, %add3A_285 : i32
      %sub3A_287 = arith.constant 1 : i32
      %sub3A_288 = arith.subi %add3A_286, %sub3A_287 : i32
      %dma_wait3A_289 = arith.constant 0 : i32
      %dma_wait3A_290 = arith.constant 0 : i32
      %dma_wait3A_291 = tpu.memref_slice %arg19[%dma_wait3A_289, %dma_wait3A_290] : memref<10240x128xf32, #tpu.memory_space<vmem_shared>> -> memref<10240x128xf32, #tpu.memory_space<vmem_shared>>
      tpu.wait_indirect_dma semaphore(%arg25 : memref<!tpu.dma_semaphore, #tpu.memory_space<semaphore_mem>>) src(%arg16 : memref<64x128xf32, #tpu.memory_space<vmem>>) dst(%dma_wait3A_291 : memref<10240x128xf32, #tpu.memory_space<vmem_shared>>)
      %dma_wait3A_292 = arith.constant 0 : i32
      %dma_wait3A_293 = arith.constant 0 : i32
      %dma_wait3A_294 = tpu.memref_slice %arg2[%dma_wait3A_292, %dma_wait3A_293] : memref<10240x128xf32, #tpu.memory_space<hbm>> -> memref<10240x128xf32, #tpu.memory_space<hbm>>
      tpu.wait_indirect_dma semaphore(%arg22 : memref<!tpu.dma_semaphore, #tpu.memory_space<semaphore_mem>>) src(%dma_wait3A_294 : memref<10240x128xf32, #tpu.memory_space<hbm>>) dst(%arg17 : memref<64x128xf32, #tpu.memory_space<vmem>>)
      %add3A_295 = arith.constant 2 : i32
      %add3A_296 = arith.addi %add3A_286, %add3A_295 : i32
      %mul3A_297 = arith.constant 64 : i32
      %mul3A_298 = arith.muli %add3A_296, %mul3A_297 : i32
      %add3A_299 = arith.addi %mul3A_4, %mul3A_298 : i32
      %multiple_of3A_300 = tpu.assume_multiple %add3A_299, 8 : i32
      %dma_wait3A_301 = tpu.memref_slice %arg3[%multiple_of3A_300] : memref<328064xi32, #tpu.memory_space<hbm>> -> memref<64xi32, #tpu.memory_space<hbm>>
      %dma_wait3A_302 = tpu.memref_slice %arg3[%multiple_of3A_300] : memref<328064xi32, #tpu.memory_space<hbm>> -> memref<64xi32, #tpu.memory_space<hbm>>
      tpu.wait_dma2 semaphore(%arg28 : memref<!tpu.dma_semaphore, #tpu.memory_space<semaphore_mem>>) src(%dma_wait3A_302 : memref<64xi32, #tpu.memory_space<hbm>>) dst(%arg7 : memref<64xi32, #tpu.memory_space<vmem>>)
      %mul3A_303 = arith.constant 64 : i32
      %mul3A_304 = arith.muli %add3A_296, %mul3A_303 : i32
      %add3A_305 = arith.addi %mul3A_4, %mul3A_304 : i32
      %multiple_of3A_306 = tpu.assume_multiple %add3A_305, 8 : i32
      %dma_wait3A_307 = tpu.memref_slice %arg4[%multiple_of3A_306] : memref<328064xi32, #tpu.memory_space<hbm>> -> memref<64xi32, #tpu.memory_space<hbm>>
      %dma_wait3A_308 = tpu.memref_slice %arg4[%multiple_of3A_306] : memref<328064xi32, #tpu.memory_space<hbm>> -> memref<64xi32, #tpu.memory_space<hbm>>
      tpu.wait_dma2 semaphore(%arg28 : memref<!tpu.dma_semaphore, #tpu.memory_space<semaphore_mem>>) src(%dma_wait3A_308 : memref<64xi32, #tpu.memory_space<hbm>>) dst(%arg11 : memref<64xi32, #tpu.memory_space<vmem>>)
      %add3A_309 = arith.constant 2 : i32
      %add3A_310 = arith.addi %add3A_286, %add3A_309 : i32
      %dma_start3A_311 = arith.constant 0 : i32
      %dma_start3A_312 = arith.constant 0 : i32
      %dma_start3A_313 = tpu.memref_slice %arg2[%dma_start3A_311, %dma_start3A_312] : memref<10240x128xf32, #tpu.memory_space<hbm>> -> memref<10240x128xf32, #tpu.memory_space<hbm>>
      tpu.enqueue_indirect_dma source(%dma_start3A_313 : memref<10240x128xf32, #tpu.memory_space<hbm>>) target(%arg15 : memref<64x128xf32, #tpu.memory_space<vmem>>) offsets(%arg7 : memref<64xi32, #tpu.memory_space<vmem>>) semaphore(%arg20 : memref<!tpu.dma_semaphore, #tpu.memory_space<semaphore_mem>>)
      %dma_start3A_314 = arith.constant 0 : i32
      %dma_start3A_315 = arith.constant 0 : i32
      %dma_start3A_316 = tpu.memref_slice %arg19[%dma_start3A_314, %dma_start3A_315] : memref<10240x128xf32, #tpu.memory_space<vmem_shared>> -> memref<10240x128xf32, #tpu.memory_space<vmem_shared>>
      tpu.enqueue_indirect_dma source(%arg17 : memref<64x128xf32, #tpu.memory_space<vmem>>) target(%dma_start3A_316 : memref<10240x128xf32, #tpu.memory_space<vmem_shared>>) offsets(%arg13 : memref<64xi32, #tpu.memory_space<vmem>>) semaphore(%arg26 : memref<!tpu.dma_semaphore, #tpu.memory_space<semaphore_mem>>) {add = true}
      %add3A_317 = arith.constant 3 : i32
      %add3A_318 = arith.addi %add3A_286, %add3A_317 : i32
      %mul3A_319 = arith.constant 64 : i32
      %mul3A_320 = arith.muli %add3A_318, %mul3A_319 : i32
      %add3A_321 = arith.addi %mul3A_4, %mul3A_320 : i32
      %multiple_of3A_322 = tpu.assume_multiple %add3A_321, 8 : i32
      %dma_start3A_323 = tpu.memref_slice %arg3[%multiple_of3A_322] : memref<328064xi32, #tpu.memory_space<hbm>> -> memref<64xi32, #tpu.memory_space<hbm>>
      %dma_start3A_324 = tpu.memref_slice %arg3[%multiple_of3A_322] : memref<328064xi32, #tpu.memory_space<hbm>> -> memref<64xi32, #tpu.memory_space<hbm>>
      tpu.enqueue_dma source(%dma_start3A_324 : memref<64xi32, #tpu.memory_space<hbm>>) target(%arg8 : memref<64xi32, #tpu.memory_space<vmem>>) target_semaphore(%arg29 : memref<!tpu.dma_semaphore, #tpu.memory_space<semaphore_mem>>)
      %mul3A_325 = arith.constant 64 : i32
      %mul3A_326 = arith.muli %add3A_318, %mul3A_325 : i32
      %add3A_327 = arith.addi %mul3A_4, %mul3A_326 : i32
      %multiple_of3A_328 = tpu.assume_multiple %add3A_327, 8 : i32
      %dma_start3A_329 = tpu.memref_slice %arg4[%multiple_of3A_328] : memref<328064xi32, #tpu.memory_space<hbm>> -> memref<64xi32, #tpu.memory_space<hbm>>
      %dma_start3A_330 = tpu.memref_slice %arg4[%multiple_of3A_328] : memref<328064xi32, #tpu.memory_space<hbm>> -> memref<64xi32, #tpu.memory_space<hbm>>
      tpu.enqueue_dma source(%dma_start3A_330 : memref<64xi32, #tpu.memory_space<hbm>>) target(%arg12 : memref<64xi32, #tpu.memory_space<vmem>>) target_semaphore(%arg29 : memref<!tpu.dma_semaphore, #tpu.memory_space<semaphore_mem>>)
      %add3A_331 = arith.constant 3 : i32
      %add3A_332 = arith.addi %mul3A_195, %add3A_331 : i32
      %sub3A_333 = arith.constant 1 : i32
      %sub3A_334 = arith.subi %add3A_332, %sub3A_333 : i32
      %dma_wait3A_335 = arith.constant 0 : i32
      %dma_wait3A_336 = arith.constant 0 : i32
      %dma_wait3A_337 = tpu.memref_slice %arg19[%dma_wait3A_335, %dma_wait3A_336] : memref<10240x128xf32, #tpu.memory_space<vmem_shared>> -> memref<10240x128xf32, #tpu.memory_space<vmem_shared>>
      tpu.wait_indirect_dma semaphore(%arg26 : memref<!tpu.dma_semaphore, #tpu.memory_space<semaphore_mem>>) src(%arg17 : memref<64x128xf32, #tpu.memory_space<vmem>>) dst(%dma_wait3A_337 : memref<10240x128xf32, #tpu.memory_space<vmem_shared>>)
      %dma_wait3A_338 = arith.constant 0 : i32
      %dma_wait3A_339 = arith.constant 0 : i32
      %dma_wait3A_340 = tpu.memref_slice %arg2[%dma_wait3A_338, %dma_wait3A_339] : memref<10240x128xf32, #tpu.memory_space<hbm>> -> memref<10240x128xf32, #tpu.memory_space<hbm>>
      tpu.wait_indirect_dma semaphore(%arg23 : memref<!tpu.dma_semaphore, #tpu.memory_space<semaphore_mem>>) src(%dma_wait3A_340 : memref<10240x128xf32, #tpu.memory_space<hbm>>) dst(%arg18 : memref<64x128xf32, #tpu.memory_space<vmem>>)
      %add3A_341 = arith.constant 2 : i32
      %add3A_342 = arith.addi %add3A_332, %add3A_341 : i32
      %mul3A_343 = arith.constant 64 : i32
      %mul3A_344 = arith.muli %add3A_342, %mul3A_343 : i32
      %add3A_345 = arith.addi %mul3A_4, %mul3A_344 : i32
      %multiple_of3A_346 = tpu.assume_multiple %add3A_345, 8 : i32
      %dma_wait3A_347 = tpu.memref_slice %arg3[%multiple_of3A_346] : memref<328064xi32, #tpu.memory_space<hbm>> -> memref<64xi32, #tpu.memory_space<hbm>>
      %dma_wait3A_348 = tpu.memref_slice %arg3[%multiple_of3A_346] : memref<328064xi32, #tpu.memory_space<hbm>> -> memref<64xi32, #tpu.memory_space<hbm>>
      tpu.wait_dma2 semaphore(%arg29 : memref<!tpu.dma_semaphore, #tpu.memory_space<semaphore_mem>>) src(%dma_wait3A_348 : memref<64xi32, #tpu.memory_space<hbm>>) dst(%arg8 : memref<64xi32, #tpu.memory_space<vmem>>)
      %mul3A_349 = arith.constant 64 : i32
      %mul3A_350 = arith.muli %add3A_342, %mul3A_349 : i32
      %add3A_351 = arith.addi %mul3A_4, %mul3A_350 : i32
      %multiple_of3A_352 = tpu.assume_multiple %add3A_351, 8 : i32
      %dma_wait3A_353 = tpu.memref_slice %arg4[%multiple_of3A_352] : memref<328064xi32, #tpu.memory_space<hbm>> -> memref<64xi32, #tpu.memory_space<hbm>>
      %dma_wait3A_354 = tpu.memref_slice %arg4[%multiple_of3A_352] : memref<328064xi32, #tpu.memory_space<hbm>> -> memref<64xi32, #tpu.memory_space<hbm>>
      tpu.wait_dma2 semaphore(%arg29 : memref<!tpu.dma_semaphore, #tpu.memory_space<semaphore_mem>>) src(%dma_wait3A_354 : memref<64xi32, #tpu.memory_space<hbm>>) dst(%arg12 : memref<64xi32, #tpu.memory_space<vmem>>)
      %add3A_355 = arith.constant 2 : i32
      %add3A_356 = arith.addi %add3A_332, %add3A_355 : i32
      %dma_start3A_357 = arith.constant 0 : i32
      %dma_start3A_358 = arith.constant 0 : i32
      %dma_start3A_359 = tpu.memref_slice %arg2[%dma_start3A_357, %dma_start3A_358] : memref<10240x128xf32, #tpu.memory_space<hbm>> -> memref<10240x128xf32, #tpu.memory_space<hbm>>
      tpu.enqueue_indirect_dma source(%dma_start3A_359 : memref<10240x128xf32, #tpu.memory_space<hbm>>) target(%arg16 : memref<64x128xf32, #tpu.memory_space<vmem>>) offsets(%arg8 : memref<64xi32, #tpu.memory_space<vmem>>) semaphore(%arg21 : memref<!tpu.dma_semaphore, #tpu.memory_space<semaphore_mem>>)
      %dma_start3A_360 = arith.constant 0 : i32
      %dma_start3A_361 = arith.constant 0 : i32
      %dma_start3A_362 = tpu.memref_slice %arg19[%dma_start3A_360, %dma_start3A_361] : memref<10240x128xf32, #tpu.memory_space<vmem_shared>> -> memref<10240x128xf32, #tpu.memory_space<vmem_shared>>
      tpu.enqueue_indirect_dma source(%arg18 : memref<64x128xf32, #tpu.memory_space<vmem>>) target(%dma_start3A_362 : memref<10240x128xf32, #tpu.memory_space<vmem_shared>>) offsets(%arg14 : memref<64xi32, #tpu.memory_space<vmem>>) semaphore(%arg27 : memref<!tpu.dma_semaphore, #tpu.memory_space<semaphore_mem>>) {add = true}
      %add3A_363 = arith.constant 3 : i32
      %add3A_364 = arith.addi %add3A_332, %add3A_363 : i32
      %mul3A_365 = arith.constant 64 : i32
      %mul3A_366 = arith.muli %add3A_364, %mul3A_365 : i32
      %add3A_367 = arith.addi %mul3A_4, %mul3A_366 : i32
      %multiple_of3A_368 = tpu.assume_multiple %add3A_367, 8 : i32
      %dma_start3A_369 = tpu.memref_slice %arg3[%multiple_of3A_368] : memref<328064xi32, #tpu.memory_space<hbm>> -> memref<64xi32, #tpu.memory_space<hbm>>
      %dma_start3A_370 = tpu.memref_slice %arg3[%multiple_of3A_368] : memref<328064xi32, #tpu.memory_space<hbm>> -> memref<64xi32, #tpu.memory_space<hbm>>
      tpu.enqueue_dma source(%dma_start3A_370 : memref<64xi32, #tpu.memory_space<hbm>>) target(%arg9 : memref<64xi32, #tpu.memory_space<vmem>>) target_semaphore(%arg30 : memref<!tpu.dma_semaphore, #tpu.memory_space<semaphore_mem>>)
      %mul3A_371 = arith.constant 64 : i32
      %mul3A_372 = arith.muli %add3A_364, %mul3A_371 : i32
      %add3A_373 = arith.addi %mul3A_4, %mul3A_372 : i32
      %multiple_of3A_374 = tpu.assume_multiple %add3A_373, 8 : i32
      %dma_start3A_375 = tpu.memref_slice %arg4[%multiple_of3A_374] : memref<328064xi32, #tpu.memory_space<hbm>> -> memref<64xi32, #tpu.memory_space<hbm>>
      %dma_start3A_376 = tpu.memref_slice %arg4[%multiple_of3A_374] : memref<328064xi32, #tpu.memory_space<hbm>> -> memref<64xi32, #tpu.memory_space<hbm>>
      tpu.enqueue_dma source(%dma_start3A_376 : memref<64xi32, #tpu.memory_space<hbm>>) target(%arg13 : memref<64xi32, #tpu.memory_space<vmem>>) target_semaphore(%arg30 : memref<!tpu.dma_semaphore, #tpu.memory_space<semaphore_mem>>)
    }
    %scan3A_173 = arith.constant 39 : i32
    %dma_wait3A_174 = arith.constant 0 : i32
    %dma_wait3A_175 = arith.constant 0 : i32
    %dma_wait3A_176 = tpu.memref_slice %arg19[%dma_wait3A_174, %dma_wait3A_175] : memref<10240x128xf32, #tpu.memory_space<vmem_shared>> -> memref<10240x128xf32, #tpu.memory_space<vmem_shared>>
    tpu.wait_indirect_dma semaphore(%arg27 : memref<!tpu.dma_semaphore, #tpu.memory_space<semaphore_mem>>) src(%arg18 : memref<64x128xf32, #tpu.memory_space<vmem>>) dst(%dma_wait3A_176 : memref<10240x128xf32, #tpu.memory_space<vmem_shared>>)
    %dma_wait3A_177 = arith.constant 0 : i32
    %dma_wait3A_178 = arith.constant 0 : i32
    %dma_wait3A_179 = tpu.memref_slice %arg2[%dma_wait3A_177, %dma_wait3A_178] : memref<10240x128xf32, #tpu.memory_space<hbm>> -> memref<10240x128xf32, #tpu.memory_space<hbm>>
    tpu.wait_indirect_dma semaphore(%arg20 : memref<!tpu.dma_semaphore, #tpu.memory_space<semaphore_mem>>) src(%dma_wait3A_179 : memref<10240x128xf32, #tpu.memory_space<hbm>>) dst(%arg15 : memref<64x128xf32, #tpu.memory_space<vmem>>)
    %dma_wait3A_180 = arith.constant 0 : i32
    %dma_wait3A_181 = arith.constant 0 : i32
    %dma_wait3A_182 = tpu.memref_slice %arg2[%dma_wait3A_180, %dma_wait3A_181] : memref<10240x128xf32, #tpu.memory_space<hbm>> -> memref<10240x128xf32, #tpu.memory_space<hbm>>
    tpu.wait_indirect_dma semaphore(%arg21 : memref<!tpu.dma_semaphore, #tpu.memory_space<semaphore_mem>>) src(%dma_wait3A_182 : memref<10240x128xf32, #tpu.memory_space<hbm>>) dst(%arg16 : memref<64x128xf32, #tpu.memory_space<vmem>>)
    %add3A_183 = arith.constant 10368 : i32
    %add3A_184 = arith.addi %mul3A_4, %add3A_183 : i32
    %multiple_of3A_185 = tpu.assume_multiple %add3A_184, 8 : i32
    %dma_wait3A_186 = tpu.memref_slice %arg3[%multiple_of3A_185] : memref<328064xi32, #tpu.memory_space<hbm>> -> memref<64xi32, #tpu.memory_space<hbm>>
    %dma_wait3A_187 = tpu.memref_slice %arg3[%multiple_of3A_185] : memref<328064xi32, #tpu.memory_space<hbm>> -> memref<64xi32, #tpu.memory_space<hbm>>
    tpu.wait_dma2 semaphore(%arg30 : memref<!tpu.dma_semaphore, #tpu.memory_space<semaphore_mem>>) src(%dma_wait3A_187 : memref<64xi32, #tpu.memory_space<hbm>>) dst(%arg9 : memref<64xi32, #tpu.memory_space<vmem>>)
    %add3A_188 = arith.constant 10368 : i32
    %add3A_189 = arith.addi %mul3A_4, %add3A_188 : i32
    %multiple_of3A_190 = tpu.assume_multiple %add3A_189, 8 : i32
    %dma_wait3A_191 = tpu.memref_slice %arg4[%multiple_of3A_190] : memref<328064xi32, #tpu.memory_space<hbm>> -> memref<64xi32, #tpu.memory_space<hbm>>
    %dma_wait3A_192 = tpu.memref_slice %arg4[%multiple_of3A_190] : memref<328064xi32, #tpu.memory_space<hbm>> -> memref<64xi32, #tpu.memory_space<hbm>>
    tpu.wait_dma2 semaphore(%arg30 : memref<!tpu.dma_semaphore, #tpu.memory_space<semaphore_mem>>) src(%dma_wait3A_192 : memref<64xi32, #tpu.memory_space<hbm>>) dst(%arg13 : memref<64xi32, #tpu.memory_space<vmem>>)
    %barrier3A = arith.constant 0 : index
    tpu.barrier barrier_id(%barrier3A)
    "tpu.region"() ({
      %run_scoped3A = tpu.sem_alloc : memref<!tpu.dma_semaphore, #tpu.memory_space<semaphore_mem>>
      %dma_start3A_193 = arith.constant 0 : i32
      %dma_start3A_194 = tpu.memref_slice %arg6[%arg0, %mul3A_2, %dma_start3A_193] : memref<2x10240x128xf32, #tpu.memory_space<hbm>> -> memref<1x640x128xf32, #tpu.memory_space<hbm>>
      %dma_start3A_195 = tpu.memref_squeeze %dma_start3A_194 : memref<1x640x128xf32, #tpu.memory_space<hbm>> -> memref<640x128xf32, #tpu.memory_space<hbm>>
      %dma_start3A_196 = arith.constant 0 : i32
      %dma_start3A_197 = tpu.memref_slice %arg19[%mul3A_2, %dma_start3A_196] : memref<10240x128xf32, #tpu.memory_space<vmem_shared>> -> memref<640x128xf32, #tpu.memory_space<vmem_shared>>
      tpu.enqueue_dma source(%dma_start3A_197 : memref<640x128xf32, #tpu.memory_space<vmem_shared>>) target(%dma_start3A_195 : memref<640x128xf32, #tpu.memory_space<hbm>>) target_semaphore(%run_scoped3A : memref<!tpu.dma_semaphore, #tpu.memory_space<semaphore_mem>>)
      %dma_wait3A_198 = arith.constant 0 : i32
      %dma_wait3A_199 = tpu.memref_slice %arg6[%arg0, %mul3A_2, %dma_wait3A_198] : memref<2x10240x128xf32, #tpu.memory_space<hbm>> -> memref<1x640x128xf32, #tpu.memory_space<hbm>>
      %dma_wait3A_200 = tpu.memref_squeeze %dma_wait3A_199 : memref<1x640x128xf32, #tpu.memory_space<hbm>> -> memref<640x128xf32, #tpu.memory_space<hbm>>
      %dma_wait3A_201 = arith.constant 0 : i32
      %dma_wait3A_202 = tpu.memref_slice %arg19[%mul3A_2, %dma_wait3A_201] : memref<10240x128xf32, #tpu.memory_space<vmem_shared>> -> memref<640x128xf32, #tpu.memory_space<vmem_shared>>
      tpu.wait_dma2 semaphore(%run_scoped3A : memref<!tpu.dma_semaphore, #tpu.memory_space<semaphore_mem>>) src(%dma_wait3A_202 : memref<640x128xf32, #tpu.memory_space<vmem_shared>>) dst(%dma_wait3A_200 : memref<640x128xf32, #tpu.memory_space<hbm>>)
      tpu.yield
    }) : () -> ()
    return
  }
}

#map = affine_map<(d0, d1) -> (0, 0)>
#map1 = affine_map<(d0, d1) -> (0)>
#map2 = affine_map<(d0, d1) -> (0, 0, 0)>
module attributes {stable_mosaic.version = 14 : i64} {
  func.func @body(%arg0: i32, %arg1: i32, %arg2: memref<10240x128xf32, #tpu.memory_space<hbm>>, %arg3: memref<328064xi32, #tpu.memory_space<hbm>>, %arg4: memref<328064xi32, #tpu.memory_space<hbm>>, %arg5: memref<10240x128xf32, #tpu.memory_space<hbm>>, %arg6: memref<2x10240x128xf32, #tpu.memory_space<hbm>>, %arg7: memref<64xi32, #tpu.memory_space<vmem>>, %arg8: memref<64xi32, #tpu.memory_space<vmem>>, %arg9: memref<64xi32, #tpu.memory_space<vmem>>, %arg10: memref<64xi32, #tpu.memory_space<vmem>>, %arg11: memref<64xi32, #tpu.memory_space<vmem>>, %arg12: memref<64xi32, #tpu.memory_space<vmem>>, %arg13: memref<64xi32, #tpu.memory_space<vmem>>, %arg14: memref<64xi32, #tpu.memory_space<vmem>>, %arg15: memref<64x128xf32, #tpu.memory_space<vmem>>, %arg16: memref<64x128xf32, #tpu.memory_space<vmem>>, %arg17: memref<64x128xf32, #tpu.memory_space<vmem>>, %arg18: memref<64x128xf32, #tpu.memory_space<vmem>>, %arg19: memref<10240x128xf32, #tpu.memory_space<vmem_shared>>, %arg20: memref<!tpu.dma_semaphore, #tpu.memory_space<semaphore_mem>>, %arg21: memref<!tpu.dma_semaphore, #tpu.memory_space<semaphore_mem>>, %arg22: memref<!tpu.dma_semaphore, #tpu.memory_space<semaphore_mem>>, %arg23: memref<!tpu.dma_semaphore, #tpu.memory_space<semaphore_mem>>, %arg24: memref<!tpu.dma_semaphore, #tpu.memory_space<semaphore_mem>>, %arg25: memref<!tpu.dma_semaphore, #tpu.memory_space<semaphore_mem>>, %arg26: memref<!tpu.dma_semaphore, #tpu.memory_space<semaphore_mem>>, %arg27: memref<!tpu.dma_semaphore, #tpu.memory_space<semaphore_mem>>, %arg28: memref<!tpu.dma_semaphore, #tpu.memory_space<semaphore_mem>>, %arg29: memref<!tpu.dma_semaphore, #tpu.memory_space<semaphore_mem>>, %arg30: memref<!tpu.dma_semaphore, #tpu.memory_space<semaphore_mem>>, %arg31: memref<!tpu.dma_semaphore, #tpu.memory_space<semaphore_mem>>) attributes {dimension_semantics = [#tpu.dimension_semantics<core_parallel>, #tpu.dimension_semantics<subcore_parallel>], iteration_bounds = array<i64: 2, 16>, scalar_prefetch = 0 : i64, scratch_operands = 25 : i64, tpu.core_type = #tpu.core_type<sc_vector_subcore>, window_params = [{transform_indices = #map}, {transform_indices = #map1}, {transform_indices = #map1}, {transform_indices = #map}, {transform_indices = #map2}]} {
    %mul3A = arith.constant 2 : i32
    %mul3A_0 = arith.muli %arg1, %mul3A : i32
    %add3A = arith.addi %mul3A_0, %arg0 : i32
    %mul3A_1 = arith.constant 640 : i32
    %mul3A_2 = arith.muli %arg1, %mul3A_1 : i32
    "tpu.region"() ({
      %run_scoped3A = tpu.sem_alloc : memref<!tpu.dma_semaphore, #tpu.memory_space<semaphore_mem>>
      %dma_start3A_193 = arith.constant 0 : i32
      %dma_start3A_194 = tpu.memref_slice %arg19[%mul3A_2, %dma_start3A_193] : memref<10240x128xf32, #tpu.memory_space<vmem_shared>> -> memref<640x128xf32, #tpu.memory_space<vmem_shared>>
      %dma_start3A_195 = arith.constant 0 : i32
      %dma_start3A_196 = tpu.memref_slice %arg5[%mul3A_2, %dma_start3A_195] : memref<10240x128xf32, #tpu.memory_space<hbm>> -> memref<640x128xf32, #tpu.memory_space<hbm>>
      tpu.enqueue_dma source(%dma_start3A_196 : memref<640x128xf32, #tpu.memory_space<hbm>>) target(%dma_start3A_194 : memref<640x128xf32, #tpu.memory_space<vmem_shared>>) target_semaphore(%run_scoped3A : memref<!tpu.dma_semaphore, #tpu.memory_space<semaphore_mem>>)
      %dma_wait3A_197 = arith.constant 0 : i32
      %dma_wait3A_198 = tpu.memref_slice %arg19[%mul3A_2, %dma_wait3A_197] : memref<10240x128xf32, #tpu.memory_space<vmem_shared>> -> memref<640x128xf32, #tpu.memory_space<vmem_shared>>
      %dma_wait3A_199 = arith.constant 0 : i32
      %dma_wait3A_200 = tpu.memref_slice %arg5[%mul3A_2, %dma_wait3A_199] : memref<10240x128xf32, #tpu.memory_space<hbm>> -> memref<640x128xf32, #tpu.memory_space<hbm>>
      tpu.wait_dma2 semaphore(%run_scoped3A : memref<!tpu.dma_semaphore, #tpu.memory_space<semaphore_mem>>) src(%dma_wait3A_200 : memref<640x128xf32, #tpu.memory_space<hbm>>) dst(%dma_wait3A_198 : memref<640x128xf32, #tpu.memory_space<vmem_shared>>)
      tpu.yield
    }) : () -> ()
    %mul3A_3 = arith.constant 10240 : i32
    %mul3A_4 = arith.muli %add3A, %mul3A_3 : i32
    %add3A_5 = arith.constant 0 : i32
    %add3A_6 = arith.addi %mul3A_4, %add3A_5 : i32
    %multiple_of3A = tpu.assume_multiple %add3A_6, 8 : i32
    "tpu.region"() ({
      %run_scoped3A = tpu.sem_alloc : memref<!tpu.dma_semaphore, #tpu.memory_space<semaphore_mem>>
      %dma_start3A_193 = tpu.memref_slice %arg3[%multiple_of3A] : memref<328064xi32, #tpu.memory_space<hbm>> -> memref<64xi32, #tpu.memory_space<hbm>>
      %dma_start3A_194 = tpu.memref_slice %arg3[%multiple_of3A] : memref<328064xi32, #tpu.memory_space<hbm>> -> memref<64xi32, #tpu.memory_space<hbm>>
      tpu.enqueue_dma source(%dma_start3A_194 : memref<64xi32, #tpu.memory_space<hbm>>) target(%arg7 : memref<64xi32, #tpu.memory_space<vmem>>) target_semaphore(%run_scoped3A : memref<!tpu.dma_semaphore, #tpu.memory_space<semaphore_mem>>)
      %dma_wait3A_195 = tpu.memref_slice %arg3[%multiple_of3A] : memref<328064xi32, #tpu.memory_space<hbm>> -> memref<64xi32, #tpu.memory_space<hbm>>
      %dma_wait3A_196 = tpu.memref_slice %arg3[%multiple_of3A] : memref<328064xi32, #tpu.memory_space<hbm>> -> memref<64xi32, #tpu.memory_space<hbm>>
      tpu.wait_dma2 semaphore(%run_scoped3A : memref<!tpu.dma_semaphore, #tpu.memory_space<semaphore_mem>>) src(%dma_wait3A_196 : memref<64xi32, #tpu.memory_space<hbm>>) dst(%arg7 : memref<64xi32, #tpu.memory_space<vmem>>)
      tpu.yield
    }) : () -> ()
    %add3A_7 = arith.constant 0 : i32
    %add3A_8 = arith.addi %mul3A_4, %add3A_7 : i32
    %multiple_of3A_9 = tpu.assume_multiple %add3A_8, 8 : i32
    "tpu.region"() ({
      %run_scoped3A = tpu.sem_alloc : memref<!tpu.dma_semaphore, #tpu.memory_space<semaphore_mem>>
      %dma_start3A_193 = tpu.memref_slice %arg4[%multiple_of3A_9] : memref<328064xi32, #tpu.memory_space<hbm>> -> memref<64xi32, #tpu.memory_space<hbm>>
      %dma_start3A_194 = tpu.memref_slice %arg4[%multiple_of3A_9] : memref<328064xi32, #tpu.memory_space<hbm>> -> memref<64xi32, #tpu.memory_space<hbm>>
      tpu.enqueue_dma source(%dma_start3A_194 : memref<64xi32, #tpu.memory_space<hbm>>) target(%arg11 : memref<64xi32, #tpu.memory_space<vmem>>) target_semaphore(%run_scoped3A : memref<!tpu.dma_semaphore, #tpu.memory_space<semaphore_mem>>)
      %dma_wait3A_195 = tpu.memref_slice %arg4[%multiple_of3A_9] : memref<328064xi32, #tpu.memory_space<hbm>> -> memref<64xi32, #tpu.memory_space<hbm>>
      %dma_wait3A_196 = tpu.memref_slice %arg4[%multiple_of3A_9] : memref<328064xi32, #tpu.memory_space<hbm>> -> memref<64xi32, #tpu.memory_space<hbm>>
      tpu.wait_dma2 semaphore(%run_scoped3A : memref<!tpu.dma_semaphore, #tpu.memory_space<semaphore_mem>>) src(%dma_wait3A_196 : memref<64xi32, #tpu.memory_space<hbm>>) dst(%arg11 : memref<64xi32, #tpu.memory_space<vmem>>)
      tpu.yield
    }) : () -> ()
    %add3A_10 = arith.constant 64 : i32
    %add3A_11 = arith.addi %mul3A_4, %add3A_10 : i32
    %multiple_of3A_12 = tpu.assume_multiple %add3A_11, 8 : i32
    %dma_start3A = tpu.memref_slice %arg3[%multiple_of3A_12] : memref<328064xi32, #tpu.memory_space<hbm>> -> memref<64xi32, #tpu.memory_space<hbm>>
    %dma_start3A_13 = tpu.memref_slice %arg3[%multiple_of3A_12] : memref<328064xi32, #tpu.memory_space<hbm>> -> memref<64xi32, #tpu.memory_space<hbm>>
    tpu.enqueue_dma source(%dma_start3A_13 : memref<64xi32, #tpu.memory_space<hbm>>) target(%arg8 : memref<64xi32, #tpu.memory_space<vmem>>) target_semaphore(%arg29 : memref<!tpu.dma_semaphore, #tpu.memory_space<semaphore_mem>>)
    %add3A_14 = arith.constant 64 : i32
    %add3A_15 = arith.addi %mul3A_4, %add3A_14 : i32
    %multiple_of3A_16 = tpu.assume_multiple %add3A_15, 8 : i32
    %dma_start3A_17 = tpu.memref_slice %arg4[%multiple_of3A_16] : memref<328064xi32, #tpu.memory_space<hbm>> -> memref<64xi32, #tpu.memory_space<hbm>>
    %dma_start3A_18 = tpu.memref_slice %arg4[%multiple_of3A_16] : memref<328064xi32, #tpu.memory_space<hbm>> -> memref<64xi32, #tpu.memory_space<hbm>>
    tpu.enqueue_dma source(%dma_start3A_18 : memref<64xi32, #tpu.memory_space<hbm>>) target(%arg12 : memref<64xi32, #tpu.memory_space<vmem>>) target_semaphore(%arg29 : memref<!tpu.dma_semaphore, #tpu.memory_space<semaphore_mem>>)
    %add3A_19 = arith.constant 128 : i32
    %add3A_20 = arith.addi %mul3A_4, %add3A_19 : i32
    %multiple_of3A_21 = tpu.assume_multiple %add3A_20, 8 : i32
    %dma_start3A_22 = tpu.memref_slice %arg3[%multiple_of3A_21] : memref<328064xi32, #tpu.memory_space<hbm>> -> memref<64xi32, #tpu.memory_space<hbm>>
    %dma_start3A_23 = tpu.memref_slice %arg3[%multiple_of3A_21] : memref<328064xi32, #tpu.memory_space<hbm>> -> memref<64xi32, #tpu.memory_space<hbm>>
    tpu.enqueue_dma source(%dma_start3A_23 : memref<64xi32, #tpu.memory_space<hbm>>) target(%arg9 : memref<64xi32, #tpu.memory_space<vmem>>) target_semaphore(%arg30 : memref<!tpu.dma_semaphore, #tpu.memory_space<semaphore_mem>>)
    %add3A_24 = arith.constant 128 : i32
    %add3A_25 = arith.addi %mul3A_4, %add3A_24 : i32
    %multiple_of3A_26 = tpu.assume_multiple %add3A_25, 8 : i32
    %dma_start3A_27 = tpu.memref_slice %arg4[%multiple_of3A_26] : memref<328064xi32, #tpu.memory_space<hbm>> -> memref<64xi32, #tpu.memory_space<hbm>>
    %dma_start3A_28 = tpu.memref_slice %arg4[%multiple_of3A_26] : memref<328064xi32, #tpu.memory_space<hbm>> -> memref<64xi32, #tpu.memory_space<hbm>>
    tpu.enqueue_dma source(%dma_start3A_28 : memref<64xi32, #tpu.memory_space<hbm>>) target(%arg13 : memref<64xi32, #tpu.memory_space<vmem>>) target_semaphore(%arg30 : memref<!tpu.dma_semaphore, #tpu.memory_space<semaphore_mem>>)
    %add3A_29 = arith.constant 64 : i32
    %add3A_30 = arith.addi %mul3A_4, %add3A_29 : i32
    %multiple_of3A_31 = tpu.assume_multiple %add3A_30, 8 : i32
    %dma_wait3A = tpu.memref_slice %arg3[%multiple_of3A_31] : memref<328064xi32, #tpu.memory_space<hbm>> -> memref<64xi32, #tpu.memory_space<hbm>>
    %dma_wait3A_32 = tpu.memref_slice %arg3[%multiple_of3A_31] : memref<328064xi32, #tpu.memory_space<hbm>> -> memref<64xi32, #tpu.memory_space<hbm>>
    tpu.wait_dma2 semaphore(%arg29 : memref<!tpu.dma_semaphore, #tpu.memory_space<semaphore_mem>>) src(%dma_wait3A_32 : memref<64xi32, #tpu.memory_space<hbm>>) dst(%arg8 : memref<64xi32, #tpu.memory_space<vmem>>)
    %add3A_33 = arith.constant 64 : i32
    %add3A_34 = arith.addi %mul3A_4, %add3A_33 : i32
    %multiple_of3A_35 = tpu.assume_multiple %add3A_34, 8 : i32
    %dma_wait3A_36 = tpu.memref_slice %arg4[%multiple_of3A_35] : memref<328064xi32, #tpu.memory_space<hbm>> -> memref<64xi32, #tpu.memory_space<hbm>>
    %dma_wait3A_37 = tpu.memref_slice %arg4[%multiple_of3A_35] : memref<328064xi32, #tpu.memory_space<hbm>> -> memref<64xi32, #tpu.memory_space<hbm>>
    tpu.wait_dma2 semaphore(%arg29 : memref<!tpu.dma_semaphore, #tpu.memory_space<semaphore_mem>>) src(%dma_wait3A_37 : memref<64xi32, #tpu.memory_space<hbm>>) dst(%arg12 : memref<64xi32, #tpu.memory_space<vmem>>)
    %dma_start3A_38 = arith.constant 0 : i32
    %dma_start3A_39 = arith.constant 0 : i32
    %dma_start3A_40 = tpu.memref_slice %arg2[%dma_start3A_38, %dma_start3A_39] : memref<10240x128xf32, #tpu.memory_space<hbm>> -> memref<10240x128xf32, #tpu.memory_space<hbm>>
    tpu.enqueue_indirect_dma source(%dma_start3A_40 : memref<10240x128xf32, #tpu.memory_space<hbm>>) target(%arg15 : memref<64x128xf32, #tpu.memory_space<vmem>>) offsets(%arg7 : memref<64xi32, #tpu.memory_space<vmem>>) semaphore(%arg20 : memref<!tpu.dma_semaphore, #tpu.memory_space<semaphore_mem>>)
    %dma_start3A_41 = arith.constant 0 : i32
    %dma_start3A_42 = arith.constant 0 : i32
    %dma_start3A_43 = tpu.memref_slice %arg2[%dma_start3A_41, %dma_start3A_42] : memref<10240x128xf32, #tpu.memory_space<hbm>> -> memref<10240x128xf32, #tpu.memory_space<hbm>>
    tpu.enqueue_indirect_dma source(%dma_start3A_43 : memref<10240x128xf32, #tpu.memory_space<hbm>>) target(%arg16 : memref<64x128xf32, #tpu.memory_space<vmem>>) offsets(%arg8 : memref<64xi32, #tpu.memory_space<vmem>>) semaphore(%arg21 : memref<!tpu.dma_semaphore, #tpu.memory_space<semaphore_mem>>)
    %dma_wait3A_44 = arith.constant 0 : i32
    %dma_wait3A_45 = arith.constant 0 : i32
    %dma_wait3A_46 = tpu.memref_slice %arg2[%dma_wait3A_44, %dma_wait3A_45] : memref<10240x128xf32, #tpu.memory_space<hbm>> -> memref<10240x128xf32, #tpu.memory_space<hbm>>
    tpu.wait_indirect_dma semaphore(%arg20 : memref<!tpu.dma_semaphore, #tpu.memory_space<semaphore_mem>>) src(%dma_wait3A_46 : memref<10240x128xf32, #tpu.memory_space<hbm>>) dst(%arg15 : memref<64x128xf32, #tpu.memory_space<vmem>>)
    %add3A_47 = arith.constant 128 : i32
    %add3A_48 = arith.addi %mul3A_4, %add3A_47 : i32
    %multiple_of3A_49 = tpu.assume_multiple %add3A_48, 8 : i32
    %dma_wait3A_50 = tpu.memref_slice %arg3[%multiple_of3A_49] : memref<328064xi32, #tpu.memory_space<hbm>> -> memref<64xi32, #tpu.memory_space<hbm>>
    %dma_wait3A_51 = tpu.memref_slice %arg3[%multiple_of3A_49] : memref<328064xi32, #tpu.memory_space<hbm>> -> memref<64xi32, #tpu.memory_space<hbm>>
    tpu.wait_dma2 semaphore(%arg30 : memref<!tpu.dma_semaphore, #tpu.memory_space<semaphore_mem>>) src(%dma_wait3A_51 : memref<64xi32, #tpu.memory_space<hbm>>) dst(%arg9 : memref<64xi32, #tpu.memory_space<vmem>>)
    %add3A_52 = arith.constant 128 : i32
    %add3A_53 = arith.addi %mul3A_4, %add3A_52 : i32
    %multiple_of3A_54 = tpu.assume_multiple %add3A_53, 8 : i32
    %dma_wait3A_55 = tpu.memref_slice %arg4[%multiple_of3A_54] : memref<328064xi32, #tpu.memory_space<hbm>> -> memref<64xi32, #tpu.memory_space<hbm>>
    %dma_wait3A_56 = tpu.memref_slice %arg4[%multiple_of3A_54] : memref<328064xi32, #tpu.memory_space<hbm>> -> memref<64xi32, #tpu.memory_space<hbm>>
    tpu.wait_dma2 semaphore(%arg30 : memref<!tpu.dma_semaphore, #tpu.memory_space<semaphore_mem>>) src(%dma_wait3A_56 : memref<64xi32, #tpu.memory_space<hbm>>) dst(%arg13 : memref<64xi32, #tpu.memory_space<vmem>>)
    %dma_start3A_57 = arith.constant 0 : i32
    %dma_start3A_58 = arith.constant 0 : i32
    %dma_start3A_59 = tpu.memref_slice %arg2[%dma_start3A_57, %dma_start3A_58] : memref<10240x128xf32, #tpu.memory_space<hbm>> -> memref<10240x128xf32, #tpu.memory_space<hbm>>
    tpu.enqueue_indirect_dma source(%dma_start3A_59 : memref<10240x128xf32, #tpu.memory_space<hbm>>) target(%arg17 : memref<64x128xf32, #tpu.memory_space<vmem>>) offsets(%arg9 : memref<64xi32, #tpu.memory_space<vmem>>) semaphore(%arg22 : memref<!tpu.dma_semaphore, #tpu.memory_space<semaphore_mem>>)
    %dma_start3A_60 = arith.constant 0 : i32
    %dma_start3A_61 = arith.constant 0 : i32
    %dma_start3A_62 = tpu.memref_slice %arg19[%dma_start3A_60, %dma_start3A_61] : memref<10240x128xf32, #tpu.memory_space<vmem_shared>> -> memref<10240x128xf32, #tpu.memory_space<vmem_shared>>
    tpu.enqueue_indirect_dma source(%arg15 : memref<64x128xf32, #tpu.memory_space<vmem>>) target(%dma_start3A_62 : memref<10240x128xf32, #tpu.memory_space<vmem_shared>>) offsets(%arg11 : memref<64xi32, #tpu.memory_space<vmem>>) semaphore(%arg24 : memref<!tpu.dma_semaphore, #tpu.memory_space<semaphore_mem>>) {add = true}
    %add3A_63 = arith.constant 192 : i32
    %add3A_64 = arith.addi %mul3A_4, %add3A_63 : i32
    %multiple_of3A_65 = tpu.assume_multiple %add3A_64, 8 : i32
    %dma_start3A_66 = tpu.memref_slice %arg3[%multiple_of3A_65] : memref<328064xi32, #tpu.memory_space<hbm>> -> memref<64xi32, #tpu.memory_space<hbm>>
    %dma_start3A_67 = tpu.memref_slice %arg3[%multiple_of3A_65] : memref<328064xi32, #tpu.memory_space<hbm>> -> memref<64xi32, #tpu.memory_space<hbm>>
    tpu.enqueue_dma source(%dma_start3A_67 : memref<64xi32, #tpu.memory_space<hbm>>) target(%arg10 : memref<64xi32, #tpu.memory_space<vmem>>) target_semaphore(%arg31 : memref<!tpu.dma_semaphore, #tpu.memory_space<semaphore_mem>>)
    %add3A_68 = arith.constant 192 : i32
    %add3A_69 = arith.addi %mul3A_4, %add3A_68 : i32
    %multiple_of3A_70 = tpu.assume_multiple %add3A_69, 8 : i32
    %dma_start3A_71 = tpu.memref_slice %arg4[%multiple_of3A_70] : memref<328064xi32, #tpu.memory_space<hbm>> -> memref<64xi32, #tpu.memory_space<hbm>>
    %dma_start3A_72 = tpu.memref_slice %arg4[%multiple_of3A_70] : memref<328064xi32, #tpu.memory_space<hbm>> -> memref<64xi32, #tpu.memory_space<hbm>>
    tpu.enqueue_dma source(%dma_start3A_72 : memref<64xi32, #tpu.memory_space<hbm>>) target(%arg14 : memref<64xi32, #tpu.memory_space<vmem>>) target_semaphore(%arg31 : memref<!tpu.dma_semaphore, #tpu.memory_space<semaphore_mem>>)
    %dma_wait3A_73 = arith.constant 0 : i32
    %dma_wait3A_74 = arith.constant 0 : i32
    %dma_wait3A_75 = tpu.memref_slice %arg19[%dma_wait3A_73, %dma_wait3A_74] : memref<10240x128xf32, #tpu.memory_space<vmem_shared>> -> memref<10240x128xf32, #tpu.memory_space<vmem_shared>>
    tpu.wait_indirect_dma semaphore(%arg24 : memref<!tpu.dma_semaphore, #tpu.memory_space<semaphore_mem>>) src(%arg15 : memref<64x128xf32, #tpu.memory_space<vmem>>) dst(%dma_wait3A_75 : memref<10240x128xf32, #tpu.memory_space<vmem_shared>>)
    %dma_wait3A_76 = arith.constant 0 : i32
    %dma_wait3A_77 = arith.constant 0 : i32
    %dma_wait3A_78 = tpu.memref_slice %arg2[%dma_wait3A_76, %dma_wait3A_77] : memref<10240x128xf32, #tpu.memory_space<hbm>> -> memref<10240x128xf32, #tpu.memory_space<hbm>>
    tpu.wait_indirect_dma semaphore(%arg21 : memref<!tpu.dma_semaphore, #tpu.memory_space<semaphore_mem>>) src(%dma_wait3A_78 : memref<10240x128xf32, #tpu.memory_space<hbm>>) dst(%arg16 : memref<64x128xf32, #tpu.memory_space<vmem>>)
    %add3A_79 = arith.constant 192 : i32
    %add3A_80 = arith.addi %mul3A_4, %add3A_79 : i32
    %multiple_of3A_81 = tpu.assume_multiple %add3A_80, 8 : i32
    %dma_wait3A_82 = tpu.memref_slice %arg3[%multiple_of3A_81] : memref<328064xi32, #tpu.memory_space<hbm>> -> memref<64xi32, #tpu.memory_space<hbm>>
    %dma_wait3A_83 = tpu.memref_slice %arg3[%multiple_of3A_81] : memref<328064xi32, #tpu.memory_space<hbm>> -> memref<64xi32, #tpu.memory_space<hbm>>
    tpu.wait_dma2 semaphore(%arg31 : memref<!tpu.dma_semaphore, #tpu.memory_space<semaphore_mem>>) src(%dma_wait3A_83 : memref<64xi32, #tpu.memory_space<hbm>>) dst(%arg10 : memref<64xi32, #tpu.memory_space<vmem>>)
    %add3A_84 = arith.constant 192 : i32
    %add3A_85 = arith.addi %mul3A_4, %add3A_84 : i32
    %multiple_of3A_86 = tpu.assume_multiple %add3A_85, 8 : i32
    %dma_wait3A_87 = tpu.memref_slice %arg4[%multiple_of3A_86] : memref<328064xi32, #tpu.memory_space<hbm>> -> memref<64xi32, #tpu.memory_space<hbm>>
    %dma_wait3A_88 = tpu.memref_slice %arg4[%multiple_of3A_86] : memref<328064xi32, #tpu.memory_space<hbm>> -> memref<64xi32, #tpu.memory_space<hbm>>
    tpu.wait_dma2 semaphore(%arg31 : memref<!tpu.dma_semaphore, #tpu.memory_space<semaphore_mem>>) src(%dma_wait3A_88 : memref<64xi32, #tpu.memory_space<hbm>>) dst(%arg14 : memref<64xi32, #tpu.memory_space<vmem>>)
    %dma_start3A_89 = arith.constant 0 : i32
    %dma_start3A_90 = arith.constant 0 : i32
    %dma_start3A_91 = tpu.memref_slice %arg2[%dma_start3A_89, %dma_start3A_90] : memref<10240x128xf32, #tpu.memory_space<hbm>> -> memref<10240x128xf32, #tpu.memory_space<hbm>>
    tpu.enqueue_indirect_dma source(%dma_start3A_91 : memref<10240x128xf32, #tpu.memory_space<hbm>>) target(%arg18 : memref<64x128xf32, #tpu.memory_space<vmem>>) offsets(%arg10 : memref<64xi32, #tpu.memory_space<vmem>>) semaphore(%arg23 : memref<!tpu.dma_semaphore, #tpu.memory_space<semaphore_mem>>)
    %dma_start3A_92 = arith.constant 0 : i32
    %dma_start3A_93 = arith.constant 0 : i32
    %dma_start3A_94 = tpu.memref_slice %arg19[%dma_start3A_92, %dma_start3A_93] : memref<10240x128xf32, #tpu.memory_space<vmem_shared>> -> memref<10240x128xf32, #tpu.memory_space<vmem_shared>>
    tpu.enqueue_indirect_dma source(%arg16 : memref<64x128xf32, #tpu.memory_space<vmem>>) target(%dma_start3A_94 : memref<10240x128xf32, #tpu.memory_space<vmem_shared>>) offsets(%arg12 : memref<64xi32, #tpu.memory_space<vmem>>) semaphore(%arg25 : memref<!tpu.dma_semaphore, #tpu.memory_space<semaphore_mem>>) {add = true}
    %add3A_95 = arith.constant 256 : i32
    %add3A_96 = arith.addi %mul3A_4, %add3A_95 : i32
    %multiple_of3A_97 = tpu.assume_multiple %add3A_96, 8 : i32
    %dma_start3A_98 = tpu.memref_slice %arg3[%multiple_of3A_97] : memref<328064xi32, #tpu.memory_space<hbm>> -> memref<64xi32, #tpu.memory_space<hbm>>
    %dma_start3A_99 = tpu.memref_slice %arg3[%multiple_of3A_97] : memref<328064xi32, #tpu.memory_space<hbm>> -> memref<64xi32, #tpu.memory_space<hbm>>
    tpu.enqueue_dma source(%dma_start3A_99 : memref<64xi32, #tpu.memory_space<hbm>>) target(%arg7 : memref<64xi32, #tpu.memory_space<vmem>>) target_semaphore(%arg28 : memref<!tpu.dma_semaphore, #tpu.memory_space<semaphore_mem>>)
    %add3A_100 = arith.constant 256 : i32
    %add3A_101 = arith.addi %mul3A_4, %add3A_100 : i32
    %multiple_of3A_102 = tpu.assume_multiple %add3A_101, 8 : i32
    %dma_start3A_103 = tpu.memref_slice %arg4[%multiple_of3A_102] : memref<328064xi32, #tpu.memory_space<hbm>> -> memref<64xi32, #tpu.memory_space<hbm>>
    %dma_start3A_104 = tpu.memref_slice %arg4[%multiple_of3A_102] : memref<328064xi32, #tpu.memory_space<hbm>> -> memref<64xi32, #tpu.memory_space<hbm>>
    tpu.enqueue_dma source(%dma_start3A_104 : memref<64xi32, #tpu.memory_space<hbm>>) target(%arg11 : memref<64xi32, #tpu.memory_space<vmem>>) target_semaphore(%arg28 : memref<!tpu.dma_semaphore, #tpu.memory_space<semaphore_mem>>)
    %dma_wait3A_105 = arith.constant 0 : i32
    %dma_wait3A_106 = arith.constant 0 : i32
    %dma_wait3A_107 = tpu.memref_slice %arg19[%dma_wait3A_105, %dma_wait3A_106] : memref<10240x128xf32, #tpu.memory_space<vmem_shared>> -> memref<10240x128xf32, #tpu.memory_space<vmem_shared>>
    tpu.wait_indirect_dma semaphore(%arg25 : memref<!tpu.dma_semaphore, #tpu.memory_space<semaphore_mem>>) src(%arg16 : memref<64x128xf32, #tpu.memory_space<vmem>>) dst(%dma_wait3A_107 : memref<10240x128xf32, #tpu.memory_space<vmem_shared>>)
    %dma_wait3A_108 = arith.constant 0 : i32
    %dma_wait3A_109 = arith.constant 0 : i32
    %dma_wait3A_110 = tpu.memref_slice %arg2[%dma_wait3A_108, %dma_wait3A_109] : memref<10240x128xf32, #tpu.memory_space<hbm>> -> memref<10240x128xf32, #tpu.memory_space<hbm>>
    tpu.wait_indirect_dma semaphore(%arg22 : memref<!tpu.dma_semaphore, #tpu.memory_space<semaphore_mem>>) src(%dma_wait3A_110 : memref<10240x128xf32, #tpu.memory_space<hbm>>) dst(%arg17 : memref<64x128xf32, #tpu.memory_space<vmem>>)
    %add3A_111 = arith.constant 256 : i32
    %add3A_112 = arith.addi %mul3A_4, %add3A_111 : i32
    %multiple_of3A_113 = tpu.assume_multiple %add3A_112, 8 : i32
    %dma_wait3A_114 = tpu.memref_slice %arg3[%multiple_of3A_113] : memref<328064xi32, #tpu.memory_space<hbm>> -> memref<64xi32, #tpu.memory_space<hbm>>
    %dma_wait3A_115 = tpu.memref_slice %arg3[%multiple_of3A_113] : memref<328064xi32, #tpu.memory_space<hbm>> -> memref<64xi32, #tpu.memory_space<hbm>>
    tpu.wait_dma2 semaphore(%arg28 : memref<!tpu.dma_semaphore, #tpu.memory_space<semaphore_mem>>) src(%dma_wait3A_115 : memref<64xi32, #tpu.memory_space<hbm>>) dst(%arg7 : memref<64xi32, #tpu.memory_space<vmem>>)
    %add3A_116 = arith.constant 256 : i32
    %add3A_117 = arith.addi %mul3A_4, %add3A_116 : i32
    %multiple_of3A_118 = tpu.assume_multiple %add3A_117, 8 : i32
    %dma_wait3A_119 = tpu.memref_slice %arg4[%multiple_of3A_118] : memref<328064xi32, #tpu.memory_space<hbm>> -> memref<64xi32, #tpu.memory_space<hbm>>
    %dma_wait3A_120 = tpu.memref_slice %arg4[%multiple_of3A_118] : memref<328064xi32, #tpu.memory_space<hbm>> -> memref<64xi32, #tpu.memory_space<hbm>>
    tpu.wait_dma2 semaphore(%arg28 : memref<!tpu.dma_semaphore, #tpu.memory_space<semaphore_mem>>) src(%dma_wait3A_120 : memref<64xi32, #tpu.memory_space<hbm>>) dst(%arg11 : memref<64xi32, #tpu.memory_space<vmem>>)
    %dma_start3A_121 = arith.constant 0 : i32
    %dma_start3A_122 = arith.constant 0 : i32
    %dma_start3A_123 = tpu.memref_slice %arg2[%dma_start3A_121, %dma_start3A_122] : memref<10240x128xf32, #tpu.memory_space<hbm>> -> memref<10240x128xf32, #tpu.memory_space<hbm>>
    tpu.enqueue_indirect_dma source(%dma_start3A_123 : memref<10240x128xf32, #tpu.memory_space<hbm>>) target(%arg15 : memref<64x128xf32, #tpu.memory_space<vmem>>) offsets(%arg7 : memref<64xi32, #tpu.memory_space<vmem>>) semaphore(%arg20 : memref<!tpu.dma_semaphore, #tpu.memory_space<semaphore_mem>>)
    %dma_start3A_124 = arith.constant 0 : i32
    %dma_start3A_125 = arith.constant 0 : i32
    %dma_start3A_126 = tpu.memref_slice %arg19[%dma_start3A_124, %dma_start3A_125] : memref<10240x128xf32, #tpu.memory_space<vmem_shared>> -> memref<10240x128xf32, #tpu.memory_space<vmem_shared>>
    tpu.enqueue_indirect_dma source(%arg17 : memref<64x128xf32, #tpu.memory_space<vmem>>) target(%dma_start3A_126 : memref<10240x128xf32, #tpu.memory_space<vmem_shared>>) offsets(%arg13 : memref<64xi32, #tpu.memory_space<vmem>>) semaphore(%arg26 : memref<!tpu.dma_semaphore, #tpu.memory_space<semaphore_mem>>) {add = true}
    %add3A_127 = arith.constant 320 : i32
    %add3A_128 = arith.addi %mul3A_4, %add3A_127 : i32
    %multiple_of3A_129 = tpu.assume_multiple %add3A_128, 8 : i32
    %dma_start3A_130 = tpu.memref_slice %arg3[%multiple_of3A_129] : memref<328064xi32, #tpu.memory_space<hbm>> -> memref<64xi32, #tpu.memory_space<hbm>>
    %dma_start3A_131 = tpu.memref_slice %arg3[%multiple_of3A_129] : memref<328064xi32, #tpu.memory_space<hbm>> -> memref<64xi32, #tpu.memory_space<hbm>>
    tpu.enqueue_dma source(%dma_start3A_131 : memref<64xi32, #tpu.memory_space<hbm>>) target(%arg8 : memref<64xi32, #tpu.memory_space<vmem>>) target_semaphore(%arg29 : memref<!tpu.dma_semaphore, #tpu.memory_space<semaphore_mem>>)
    %add3A_132 = arith.constant 320 : i32
    %add3A_133 = arith.addi %mul3A_4, %add3A_132 : i32
    %multiple_of3A_134 = tpu.assume_multiple %add3A_133, 8 : i32
    %dma_start3A_135 = tpu.memref_slice %arg4[%multiple_of3A_134] : memref<328064xi32, #tpu.memory_space<hbm>> -> memref<64xi32, #tpu.memory_space<hbm>>
    %dma_start3A_136 = tpu.memref_slice %arg4[%multiple_of3A_134] : memref<328064xi32, #tpu.memory_space<hbm>> -> memref<64xi32, #tpu.memory_space<hbm>>
    tpu.enqueue_dma source(%dma_start3A_136 : memref<64xi32, #tpu.memory_space<hbm>>) target(%arg12 : memref<64xi32, #tpu.memory_space<vmem>>) target_semaphore(%arg29 : memref<!tpu.dma_semaphore, #tpu.memory_space<semaphore_mem>>)
    %dma_wait3A_137 = arith.constant 0 : i32
    %dma_wait3A_138 = arith.constant 0 : i32
    %dma_wait3A_139 = tpu.memref_slice %arg19[%dma_wait3A_137, %dma_wait3A_138] : memref<10240x128xf32, #tpu.memory_space<vmem_shared>> -> memref<10240x128xf32, #tpu.memory_space<vmem_shared>>
    tpu.wait_indirect_dma semaphore(%arg26 : memref<!tpu.dma_semaphore, #tpu.memory_space<semaphore_mem>>) src(%arg17 : memref<64x128xf32, #tpu.memory_space<vmem>>) dst(%dma_wait3A_139 : memref<10240x128xf32, #tpu.memory_space<vmem_shared>>)
    %dma_wait3A_140 = arith.constant 0 : i32
    %dma_wait3A_141 = arith.constant 0 : i32
    %dma_wait3A_142 = tpu.memref_slice %arg2[%dma_wait3A_140, %dma_wait3A_141] : memref<10240x128xf32, #tpu.memory_space<hbm>> -> memref<10240x128xf32, #tpu.memory_space<hbm>>
    tpu.wait_indirect_dma semaphore(%arg23 : memref<!tpu.dma_semaphore, #tpu.memory_space<semaphore_mem>>) src(%dma_wait3A_142 : memref<10240x128xf32, #tpu.memory_space<hbm>>) dst(%arg18 : memref<64x128xf32, #tpu.memory_space<vmem>>)
    %add3A_143 = arith.constant 320 : i32
    %add3A_144 = arith.addi %mul3A_4, %add3A_143 : i32
    %multiple_of3A_145 = tpu.assume_multiple %add3A_144, 8 : i32
    %dma_wait3A_146 = tpu.memref_slice %arg3[%multiple_of3A_145] : memref<328064xi32, #tpu.memory_space<hbm>> -> memref<64xi32, #tpu.memory_space<hbm>>
    %dma_wait3A_147 = tpu.memref_slice %arg3[%multiple_of3A_145] : memref<328064xi32, #tpu.memory_space<hbm>> -> memref<64xi32, #tpu.memory_space<hbm>>
    tpu.wait_dma2 semaphore(%arg29 : memref<!tpu.dma_semaphore, #tpu.memory_space<semaphore_mem>>) src(%dma_wait3A_147 : memref<64xi32, #tpu.memory_space<hbm>>) dst(%arg8 : memref<64xi32, #tpu.memory_space<vmem>>)
    %add3A_148 = arith.constant 320 : i32
    %add3A_149 = arith.addi %mul3A_4, %add3A_148 : i32
    %multiple_of3A_150 = tpu.assume_multiple %add3A_149, 8 : i32
    %dma_wait3A_151 = tpu.memref_slice %arg4[%multiple_of3A_150] : memref<328064xi32, #tpu.memory_space<hbm>> -> memref<64xi32, #tpu.memory_space<hbm>>
    %dma_wait3A_152 = tpu.memref_slice %arg4[%multiple_of3A_150] : memref<328064xi32, #tpu.memory_space<hbm>> -> memref<64xi32, #tpu.memory_space<hbm>>
    tpu.wait_dma2 semaphore(%arg29 : memref<!tpu.dma_semaphore, #tpu.memory_space<semaphore_mem>>) src(%dma_wait3A_152 : memref<64xi32, #tpu.memory_space<hbm>>) dst(%arg12 : memref<64xi32, #tpu.memory_space<vmem>>)
    %dma_start3A_153 = arith.constant 0 : i32
    %dma_start3A_154 = arith.constant 0 : i32
    %dma_start3A_155 = tpu.memref_slice %arg2[%dma_start3A_153, %dma_start3A_154] : memref<10240x128xf32, #tpu.memory_space<hbm>> -> memref<10240x128xf32, #tpu.memory_space<hbm>>
    tpu.enqueue_indirect_dma source(%dma_start3A_155 : memref<10240x128xf32, #tpu.memory_space<hbm>>) target(%arg16 : memref<64x128xf32, #tpu.memory_space<vmem>>) offsets(%arg8 : memref<64xi32, #tpu.memory_space<vmem>>) semaphore(%arg21 : memref<!tpu.dma_semaphore, #tpu.memory_space<semaphore_mem>>)
    %dma_start3A_156 = arith.constant 0 : i32
    %dma_start3A_157 = arith.constant 0 : i32
    %dma_start3A_158 = tpu.memref_slice %arg19[%dma_start3A_156, %dma_start3A_157] : memref<10240x128xf32, #tpu.memory_space<vmem_shared>> -> memref<10240x128xf32, #tpu.memory_space<vmem_shared>>
    tpu.enqueue_indirect_dma source(%arg18 : memref<64x128xf32, #tpu.memory_space<vmem>>) target(%dma_start3A_158 : memref<10240x128xf32, #tpu.memory_space<vmem_shared>>) offsets(%arg14 : memref<64xi32, #tpu.memory_space<vmem>>) semaphore(%arg27 : memref<!tpu.dma_semaphore, #tpu.memory_space<semaphore_mem>>) {add = true}
    %add3A_159 = arith.constant 384 : i32
    %add3A_160 = arith.addi %mul3A_4, %add3A_159 : i32
    %multiple_of3A_161 = tpu.assume_multiple %add3A_160, 8 : i32
    %dma_start3A_162 = tpu.memref_slice %arg3[%multiple_of3A_161] : memref<328064xi32, #tpu.memory_space<hbm>> -> memref<64xi32, #tpu.memory_space<hbm>>
    %dma_start3A_163 = tpu.memref_slice %arg3[%multiple_of3A_161] : memref<328064xi32, #tpu.memory_space<hbm>> -> memref<64xi32, #tpu.memory_space<hbm>>
    tpu.enqueue_dma source(%dma_start3A_163 : memref<64xi32, #tpu.memory_space<hbm>>) target(%arg9 : memref<64xi32, #tpu.memory_space<vmem>>) target_semaphore(%arg30 : memref<!tpu.dma_semaphore, #tpu.memory_space<semaphore_mem>>)
    %add3A_164 = arith.constant 384 : i32
    %add3A_165 = arith.addi %mul3A_4, %add3A_164 : i32
    %multiple_of3A_166 = tpu.assume_multiple %add3A_165, 8 : i32
    %dma_start3A_167 = tpu.memref_slice %arg4[%multiple_of3A_166] : memref<328064xi32, #tpu.memory_space<hbm>> -> memref<64xi32, #tpu.memory_space<hbm>>
    %dma_start3A_168 = tpu.memref_slice %arg4[%multiple_of3A_166] : memref<328064xi32, #tpu.memory_space<hbm>> -> memref<64xi32, #tpu.memory_space<hbm>>
    tpu.enqueue_dma source(%dma_start3A_168 : memref<64xi32, #tpu.memory_space<hbm>>) target(%arg13 : memref<64xi32, #tpu.memory_space<vmem>>) target_semaphore(%arg30 : memref<!tpu.dma_semaphore, #tpu.memory_space<semaphore_mem>>)
    %scan3A = arith.constant 0 : i32
    %scan3A_169 = arith.constant 1 : i32
    %scan3A_170 = arith.constant 39 : i32
    %scan3A_171 = arith.addi %scan3A_169, %scan3A_170 : i32
    %scan3A_172 = arith.constant 1 : i32
    scf.for %scan3A_193 = %scan3A_169 to %scan3A_171 step %scan3A_172  : i32 {
      %mul3A_194 = arith.constant 4 : i32
      %mul3A_195 = arith.muli %mul3A_194, %scan3A_193 : i32
      %sub3A = arith.constant 1 : i32
      %sub3A_196 = arith.subi %mul3A_195, %sub3A : i32
      %dma_wait3A_197 = arith.constant 0 : i32
      %dma_wait3A_198 = arith.constant 0 : i32
      %dma_wait3A_199 = tpu.memref_slice %arg19[%dma_wait3A_197, %dma_wait3A_198] : memref<10240x128xf32, #tpu.memory_space<vmem_shared>> -> memref<10240x128xf32, #tpu.memory_space<vmem_shared>>
      tpu.wait_indirect_dma semaphore(%arg27 : memref<!tpu.dma_semaphore, #tpu.memory_space<semaphore_mem>>) src(%arg18 : memref<64x128xf32, #tpu.memory_space<vmem>>) dst(%dma_wait3A_199 : memref<10240x128xf32, #tpu.memory_space<vmem_shared>>)
      %dma_wait3A_200 = arith.constant 0 : i32
      %dma_wait3A_201 = arith.constant 0 : i32
      %dma_wait3A_202 = tpu.memref_slice %arg2[%dma_wait3A_200, %dma_wait3A_201] : memref<10240x128xf32, #tpu.memory_space<hbm>> -> memref<10240x128xf32, #tpu.memory_space<hbm>>
      tpu.wait_indirect_dma semaphore(%arg20 : memref<!tpu.dma_semaphore, #tpu.memory_space<semaphore_mem>>) src(%dma_wait3A_202 : memref<10240x128xf32, #tpu.memory_space<hbm>>) dst(%arg15 : memref<64x128xf32, #tpu.memory_space<vmem>>)
      %add3A_203 = arith.constant 2 : i32
      %add3A_204 = arith.addi %mul3A_195, %add3A_203 : i32
      %mul3A_205 = arith.constant 64 : i32
      %mul3A_206 = arith.muli %add3A_204, %mul3A_205 : i32
      %add3A_207 = arith.addi %mul3A_4, %mul3A_206 : i32
      %multiple_of3A_208 = tpu.assume_multiple %add3A_207, 8 : i32
      %dma_wait3A_209 = tpu.memref_slice %arg3[%multiple_of3A_208] : memref<328064xi32, #tpu.memory_space<hbm>> -> memref<64xi32, #tpu.memory_space<hbm>>
      %dma_wait3A_210 = tpu.memref_slice %arg3[%multiple_of3A_208] : memref<328064xi32, #tpu.memory_space<hbm>> -> memref<64xi32, #tpu.memory_space<hbm>>
      tpu.wait_dma2 semaphore(%arg30 : memref<!tpu.dma_semaphore, #tpu.memory_space<semaphore_mem>>) src(%dma_wait3A_210 : memref<64xi32, #tpu.memory_space<hbm>>) dst(%arg9 : memref<64xi32, #tpu.memory_space<vmem>>)
      %mul3A_211 = arith.constant 64 : i32
      %mul3A_212 = arith.muli %add3A_204, %mul3A_211 : i32
      %add3A_213 = arith.addi %mul3A_4, %mul3A_212 : i32
      %multiple_of3A_214 = tpu.assume_multiple %add3A_213, 8 : i32
      %dma_wait3A_215 = tpu.memref_slice %arg4[%multiple_of3A_214] : memref<328064xi32, #tpu.memory_space<hbm>> -> memref<64xi32, #tpu.memory_space<hbm>>
      %dma_wait3A_216 = tpu.memref_slice %arg4[%multiple_of3A_214] : memref<328064xi32, #tpu.memory_space<hbm>> -> memref<64xi32, #tpu.memory_space<hbm>>
      tpu.wait_dma2 semaphore(%arg30 : memref<!tpu.dma_semaphore, #tpu.memory_space<semaphore_mem>>) src(%dma_wait3A_216 : memref<64xi32, #tpu.memory_space<hbm>>) dst(%arg13 : memref<64xi32, #tpu.memory_space<vmem>>)
      %add3A_217 = arith.constant 2 : i32
      %add3A_218 = arith.addi %mul3A_195, %add3A_217 : i32
      %dma_start3A_219 = arith.constant 0 : i32
      %dma_start3A_220 = arith.constant 0 : i32
      %dma_start3A_221 = tpu.memref_slice %arg2[%dma_start3A_219, %dma_start3A_220] : memref<10240x128xf32, #tpu.memory_space<hbm>> -> memref<10240x128xf32, #tpu.memory_space<hbm>>
      tpu.enqueue_indirect_dma source(%dma_start3A_221 : memref<10240x128xf32, #tpu.memory_space<hbm>>) target(%arg17 : memref<64x128xf32, #tpu.memory_space<vmem>>) offsets(%arg9 : memref<64xi32, #tpu.memory_space<vmem>>) semaphore(%arg22 : memref<!tpu.dma_semaphore, #tpu.memory_space<semaphore_mem>>)
      %dma_start3A_222 = arith.constant 0 : i32
      %dma_start3A_223 = arith.constant 0 : i32
      %dma_start3A_224 = tpu.memref_slice %arg19[%dma_start3A_222, %dma_start3A_223] : memref<10240x128xf32, #tpu.memory_space<vmem_shared>> -> memref<10240x128xf32, #tpu.memory_space<vmem_shared>>
      tpu.enqueue_indirect_dma source(%arg15 : memref<64x128xf32, #tpu.memory_space<vmem>>) target(%dma_start3A_224 : memref<10240x128xf32, #tpu.memory_space<vmem_shared>>) offsets(%arg11 : memref<64xi32, #tpu.memory_space<vmem>>) semaphore(%arg24 : memref<!tpu.dma_semaphore, #tpu.memory_space<semaphore_mem>>) {add = true}
      %add3A_225 = arith.constant 3 : i32
      %add3A_226 = arith.addi %mul3A_195, %add3A_225 : i32
      %mul3A_227 = arith.constant 64 : i32
      %mul3A_228 = arith.muli %add3A_226, %mul3A_227 : i32
      %add3A_229 = arith.addi %mul3A_4, %mul3A_228 : i32
      %multiple_of3A_230 = tpu.assume_multiple %add3A_229, 8 : i32
      %dma_start3A_231 = tpu.memref_slice %arg3[%multiple_of3A_230] : memref<328064xi32, #tpu.memory_space<hbm>> -> memref<64xi32, #tpu.memory_space<hbm>>
      %dma_start3A_232 = tpu.memref_slice %arg3[%multiple_of3A_230] : memref<328064xi32, #tpu.memory_space<hbm>> -> memref<64xi32, #tpu.memory_space<hbm>>
      tpu.enqueue_dma source(%dma_start3A_232 : memref<64xi32, #tpu.memory_space<hbm>>) target(%arg10 : memref<64xi32, #tpu.memory_space<vmem>>) target_semaphore(%arg31 : memref<!tpu.dma_semaphore, #tpu.memory_space<semaphore_mem>>)
      %mul3A_233 = arith.constant 64 : i32
      %mul3A_234 = arith.muli %add3A_226, %mul3A_233 : i32
      %add3A_235 = arith.addi %mul3A_4, %mul3A_234 : i32
      %multiple_of3A_236 = tpu.assume_multiple %add3A_235, 8 : i32
      %dma_start3A_237 = tpu.memref_slice %arg4[%multiple_of3A_236] : memref<328064xi32, #tpu.memory_space<hbm>> -> memref<64xi32, #tpu.memory_space<hbm>>
      %dma_start3A_238 = tpu.memref_slice %arg4[%multiple_of3A_236] : memref<328064xi32, #tpu.memory_space<hbm>> -> memref<64xi32, #tpu.memory_space<hbm>>
      tpu.enqueue_dma source(%dma_start3A_238 : memref<64xi32, #tpu.memory_space<hbm>>) target(%arg14 : memref<64xi32, #tpu.memory_space<vmem>>) target_semaphore(%arg31 : memref<!tpu.dma_semaphore, #tpu.memory_space<semaphore_mem>>)
      %add3A_239 = arith.constant 1 : i32
      %add3A_240 = arith.addi %mul3A_195, %add3A_239 : i32
      %sub3A_241 = arith.constant 1 : i32
      %sub3A_242 = arith.subi %add3A_240, %sub3A_241 : i32
      %dma_wait3A_243 = arith.constant 0 : i32
      %dma_wait3A_244 = arith.constant 0 : i32
      %dma_wait3A_245 = tpu.memref_slice %arg19[%dma_wait3A_243, %dma_wait3A_244] : memref<10240x128xf32, #tpu.memory_space<vmem_shared>> -> memref<10240x128xf32, #tpu.memory_space<vmem_shared>>
      tpu.wait_indirect_dma semaphore(%arg24 : memref<!tpu.dma_semaphore, #tpu.memory_space<semaphore_mem>>) src(%arg15 : memref<64x128xf32, #tpu.memory_space<vmem>>) dst(%dma_wait3A_245 : memref<10240x128xf32, #tpu.memory_space<vmem_shared>>)
      %dma_wait3A_246 = arith.constant 0 : i32
      %dma_wait3A_247 = arith.constant 0 : i32
      %dma_wait3A_248 = tpu.memref_slice %arg2[%dma_wait3A_246, %dma_wait3A_247] : memref<10240x128xf32, #tpu.memory_space<hbm>> -> memref<10240x128xf32, #tpu.memory_space<hbm>>
      tpu.wait_indirect_dma semaphore(%arg21 : memref<!tpu.dma_semaphore, #tpu.memory_space<semaphore_mem>>) src(%dma_wait3A_248 : memref<10240x128xf32, #tpu.memory_space<hbm>>) dst(%arg16 : memref<64x128xf32, #tpu.memory_space<vmem>>)
      %add3A_249 = arith.constant 2 : i32
      %add3A_250 = arith.addi %add3A_240, %add3A_249 : i32
      %mul3A_251 = arith.constant 64 : i32
      %mul3A_252 = arith.muli %add3A_250, %mul3A_251 : i32
      %add3A_253 = arith.addi %mul3A_4, %mul3A_252 : i32
      %multiple_of3A_254 = tpu.assume_multiple %add3A_253, 8 : i32
      %dma_wait3A_255 = tpu.memref_slice %arg3[%multiple_of3A_254] : memref<328064xi32, #tpu.memory_space<hbm>> -> memref<64xi32, #tpu.memory_space<hbm>>
      %dma_wait3A_256 = tpu.memref_slice %arg3[%multiple_of3A_254] : memref<328064xi32, #tpu.memory_space<hbm>> -> memref<64xi32, #tpu.memory_space<hbm>>
      tpu.wait_dma2 semaphore(%arg31 : memref<!tpu.dma_semaphore, #tpu.memory_space<semaphore_mem>>) src(%dma_wait3A_256 : memref<64xi32, #tpu.memory_space<hbm>>) dst(%arg10 : memref<64xi32, #tpu.memory_space<vmem>>)
      %mul3A_257 = arith.constant 64 : i32
      %mul3A_258 = arith.muli %add3A_250, %mul3A_257 : i32
      %add3A_259 = arith.addi %mul3A_4, %mul3A_258 : i32
      %multiple_of3A_260 = tpu.assume_multiple %add3A_259, 8 : i32
      %dma_wait3A_261 = tpu.memref_slice %arg4[%multiple_of3A_260] : memref<328064xi32, #tpu.memory_space<hbm>> -> memref<64xi32, #tpu.memory_space<hbm>>
      %dma_wait3A_262 = tpu.memref_slice %arg4[%multiple_of3A_260] : memref<328064xi32, #tpu.memory_space<hbm>> -> memref<64xi32, #tpu.memory_space<hbm>>
      tpu.wait_dma2 semaphore(%arg31 : memref<!tpu.dma_semaphore, #tpu.memory_space<semaphore_mem>>) src(%dma_wait3A_262 : memref<64xi32, #tpu.memory_space<hbm>>) dst(%arg14 : memref<64xi32, #tpu.memory_space<vmem>>)
      %add3A_263 = arith.constant 2 : i32
      %add3A_264 = arith.addi %add3A_240, %add3A_263 : i32
      %dma_start3A_265 = arith.constant 0 : i32
      %dma_start3A_266 = arith.constant 0 : i32
      %dma_start3A_267 = tpu.memref_slice %arg2[%dma_start3A_265, %dma_start3A_266] : memref<10240x128xf32, #tpu.memory_space<hbm>> -> memref<10240x128xf32, #tpu.memory_space<hbm>>
      tpu.enqueue_indirect_dma source(%dma_start3A_267 : memref<10240x128xf32, #tpu.memory_space<hbm>>) target(%arg18 : memref<64x128xf32, #tpu.memory_space<vmem>>) offsets(%arg10 : memref<64xi32, #tpu.memory_space<vmem>>) semaphore(%arg23 : memref<!tpu.dma_semaphore, #tpu.memory_space<semaphore_mem>>)
      %dma_start3A_268 = arith.constant 0 : i32
      %dma_start3A_269 = arith.constant 0 : i32
      %dma_start3A_270 = tpu.memref_slice %arg19[%dma_start3A_268, %dma_start3A_269] : memref<10240x128xf32, #tpu.memory_space<vmem_shared>> -> memref<10240x128xf32, #tpu.memory_space<vmem_shared>>
      tpu.enqueue_indirect_dma source(%arg16 : memref<64x128xf32, #tpu.memory_space<vmem>>) target(%dma_start3A_270 : memref<10240x128xf32, #tpu.memory_space<vmem_shared>>) offsets(%arg12 : memref<64xi32, #tpu.memory_space<vmem>>) semaphore(%arg25 : memref<!tpu.dma_semaphore, #tpu.memory_space<semaphore_mem>>) {add = true}
      %add3A_271 = arith.constant 3 : i32
      %add3A_272 = arith.addi %add3A_240, %add3A_271 : i32
      %mul3A_273 = arith.constant 64 : i32
      %mul3A_274 = arith.muli %add3A_272, %mul3A_273 : i32
      %add3A_275 = arith.addi %mul3A_4, %mul3A_274 : i32
      %multiple_of3A_276 = tpu.assume_multiple %add3A_275, 8 : i32
      %dma_start3A_277 = tpu.memref_slice %arg3[%multiple_of3A_276] : memref<328064xi32, #tpu.memory_space<hbm>> -> memref<64xi32, #tpu.memory_space<hbm>>
      %dma_start3A_278 = tpu.memref_slice %arg3[%multiple_of3A_276] : memref<328064xi32, #tpu.memory_space<hbm>> -> memref<64xi32, #tpu.memory_space<hbm>>
      tpu.enqueue_dma source(%dma_start3A_278 : memref<64xi32, #tpu.memory_space<hbm>>) target(%arg7 : memref<64xi32, #tpu.memory_space<vmem>>) target_semaphore(%arg28 : memref<!tpu.dma_semaphore, #tpu.memory_space<semaphore_mem>>)
      %mul3A_279 = arith.constant 64 : i32
      %mul3A_280 = arith.muli %add3A_272, %mul3A_279 : i32
      %add3A_281 = arith.addi %mul3A_4, %mul3A_280 : i32
      %multiple_of3A_282 = tpu.assume_multiple %add3A_281, 8 : i32
      %dma_start3A_283 = tpu.memref_slice %arg4[%multiple_of3A_282] : memref<328064xi32, #tpu.memory_space<hbm>> -> memref<64xi32, #tpu.memory_space<hbm>>
      %dma_start3A_284 = tpu.memref_slice %arg4[%multiple_of3A_282] : memref<328064xi32, #tpu.memory_space<hbm>> -> memref<64xi32, #tpu.memory_space<hbm>>
      tpu.enqueue_dma source(%dma_start3A_284 : memref<64xi32, #tpu.memory_space<hbm>>) target(%arg11 : memref<64xi32, #tpu.memory_space<vmem>>) target_semaphore(%arg28 : memref<!tpu.dma_semaphore, #tpu.memory_space<semaphore_mem>>)
      %add3A_285 = arith.constant 2 : i32
      %add3A_286 = arith.addi %mul3A_195, %add3A_285 : i32
      %sub3A_287 = arith.constant 1 : i32
      %sub3A_288 = arith.subi %add3A_286, %sub3A_287 : i32
      %dma_wait3A_289 = arith.constant 0 : i32
      %dma_wait3A_290 = arith.constant 0 : i32
      %dma_wait3A_291 = tpu.memref_slice %arg19[%dma_wait3A_289, %dma_wait3A_290] : memref<10240x128xf32, #tpu.memory_space<vmem_shared>> -> memref<10240x128xf32, #tpu.memory_space<vmem_shared>>
      tpu.wait_indirect_dma semaphore(%arg25 : memref<!tpu.dma_semaphore, #tpu.memory_space<semaphore_mem>>) src(%arg16 : memref<64x128xf32, #tpu.memory_space<vmem>>) dst(%dma_wait3A_291 : memref<10240x128xf32, #tpu.memory_space<vmem_shared>>)
      %dma_wait3A_292 = arith.constant 0 : i32
      %dma_wait3A_293 = arith.constant 0 : i32
      %dma_wait3A_294 = tpu.memref_slice %arg2[%dma_wait3A_292, %dma_wait3A_293] : memref<10240x128xf32, #tpu.memory_space<hbm>> -> memref<10240x128xf32, #tpu.memory_space<hbm>>
      tpu.wait_indirect_dma semaphore(%arg22 : memref<!tpu.dma_semaphore, #tpu.memory_space<semaphore_mem>>) src(%dma_wait3A_294 : memref<10240x128xf32, #tpu.memory_space<hbm>>) dst(%arg17 : memref<64x128xf32, #tpu.memory_space<vmem>>)
      %add3A_295 = arith.constant 2 : i32
      %add3A_296 = arith.addi %add3A_286, %add3A_295 : i32
      %mul3A_297 = arith.constant 64 : i32
      %mul3A_298 = arith.muli %add3A_296, %mul3A_297 : i32
      %add3A_299 = arith.addi %mul3A_4, %mul3A_298 : i32
      %multiple_of3A_300 = tpu.assume_multiple %add3A_299, 8 : i32
      %dma_wait3A_301 = tpu.memref_slice %arg3[%multiple_of3A_300] : memref<328064xi32, #tpu.memory_space<hbm>> -> memref<64xi32, #tpu.memory_space<hbm>>
      %dma_wait3A_302 = tpu.memref_slice %arg3[%multiple_of3A_300] : memref<328064xi32, #tpu.memory_space<hbm>> -> memref<64xi32, #tpu.memory_space<hbm>>
      tpu.wait_dma2 semaphore(%arg28 : memref<!tpu.dma_semaphore, #tpu.memory_space<semaphore_mem>>) src(%dma_wait3A_302 : memref<64xi32, #tpu.memory_space<hbm>>) dst(%arg7 : memref<64xi32, #tpu.memory_space<vmem>>)
      %mul3A_303 = arith.constant 64 : i32
      %mul3A_304 = arith.muli %add3A_296, %mul3A_303 : i32
      %add3A_305 = arith.addi %mul3A_4, %mul3A_304 : i32
      %multiple_of3A_306 = tpu.assume_multiple %add3A_305, 8 : i32
      %dma_wait3A_307 = tpu.memref_slice %arg4[%multiple_of3A_306] : memref<328064xi32, #tpu.memory_space<hbm>> -> memref<64xi32, #tpu.memory_space<hbm>>
      %dma_wait3A_308 = tpu.memref_slice %arg4[%multiple_of3A_306] : memref<328064xi32, #tpu.memory_space<hbm>> -> memref<64xi32, #tpu.memory_space<hbm>>
      tpu.wait_dma2 semaphore(%arg28 : memref<!tpu.dma_semaphore, #tpu.memory_space<semaphore_mem>>) src(%dma_wait3A_308 : memref<64xi32, #tpu.memory_space<hbm>>) dst(%arg11 : memref<64xi32, #tpu.memory_space<vmem>>)
      %add3A_309 = arith.constant 2 : i32
      %add3A_310 = arith.addi %add3A_286, %add3A_309 : i32
      %dma_start3A_311 = arith.constant 0 : i32
      %dma_start3A_312 = arith.constant 0 : i32
      %dma_start3A_313 = tpu.memref_slice %arg2[%dma_start3A_311, %dma_start3A_312] : memref<10240x128xf32, #tpu.memory_space<hbm>> -> memref<10240x128xf32, #tpu.memory_space<hbm>>
      tpu.enqueue_indirect_dma source(%dma_start3A_313 : memref<10240x128xf32, #tpu.memory_space<hbm>>) target(%arg15 : memref<64x128xf32, #tpu.memory_space<vmem>>) offsets(%arg7 : memref<64xi32, #tpu.memory_space<vmem>>) semaphore(%arg20 : memref<!tpu.dma_semaphore, #tpu.memory_space<semaphore_mem>>)
      %dma_start3A_314 = arith.constant 0 : i32
      %dma_start3A_315 = arith.constant 0 : i32
      %dma_start3A_316 = tpu.memref_slice %arg19[%dma_start3A_314, %dma_start3A_315] : memref<10240x128xf32, #tpu.memory_space<vmem_shared>> -> memref<10240x128xf32, #tpu.memory_space<vmem_shared>>
      tpu.enqueue_indirect_dma source(%arg17 : memref<64x128xf32, #tpu.memory_space<vmem>>) target(%dma_start3A_316 : memref<10240x128xf32, #tpu.memory_space<vmem_shared>>) offsets(%arg13 : memref<64xi32, #tpu.memory_space<vmem>>) semaphore(%arg26 : memref<!tpu.dma_semaphore, #tpu.memory_space<semaphore_mem>>) {add = true}
      %add3A_317 = arith.constant 3 : i32
      %add3A_318 = arith.addi %add3A_286, %add3A_317 : i32
      %mul3A_319 = arith.constant 64 : i32
      %mul3A_320 = arith.muli %add3A_318, %mul3A_319 : i32
      %add3A_321 = arith.addi %mul3A_4, %mul3A_320 : i32
      %multiple_of3A_322 = tpu.assume_multiple %add3A_321, 8 : i32
      %dma_start3A_323 = tpu.memref_slice %arg3[%multiple_of3A_322] : memref<328064xi32, #tpu.memory_space<hbm>> -> memref<64xi32, #tpu.memory_space<hbm>>
      %dma_start3A_324 = tpu.memref_slice %arg3[%multiple_of3A_322] : memref<328064xi32, #tpu.memory_space<hbm>> -> memref<64xi32, #tpu.memory_space<hbm>>
      tpu.enqueue_dma source(%dma_start3A_324 : memref<64xi32, #tpu.memory_space<hbm>>) target(%arg8 : memref<64xi32, #tpu.memory_space<vmem>>) target_semaphore(%arg29 : memref<!tpu.dma_semaphore, #tpu.memory_space<semaphore_mem>>)
      %mul3A_325 = arith.constant 64 : i32
      %mul3A_326 = arith.muli %add3A_318, %mul3A_325 : i32
      %add3A_327 = arith.addi %mul3A_4, %mul3A_326 : i32
      %multiple_of3A_328 = tpu.assume_multiple %add3A_327, 8 : i32
      %dma_start3A_329 = tpu.memref_slice %arg4[%multiple_of3A_328] : memref<328064xi32, #tpu.memory_space<hbm>> -> memref<64xi32, #tpu.memory_space<hbm>>
      %dma_start3A_330 = tpu.memref_slice %arg4[%multiple_of3A_328] : memref<328064xi32, #tpu.memory_space<hbm>> -> memref<64xi32, #tpu.memory_space<hbm>>
      tpu.enqueue_dma source(%dma_start3A_330 : memref<64xi32, #tpu.memory_space<hbm>>) target(%arg12 : memref<64xi32, #tpu.memory_space<vmem>>) target_semaphore(%arg29 : memref<!tpu.dma_semaphore, #tpu.memory_space<semaphore_mem>>)
      %add3A_331 = arith.constant 3 : i32
      %add3A_332 = arith.addi %mul3A_195, %add3A_331 : i32
      %sub3A_333 = arith.constant 1 : i32
      %sub3A_334 = arith.subi %add3A_332, %sub3A_333 : i32
      %dma_wait3A_335 = arith.constant 0 : i32
      %dma_wait3A_336 = arith.constant 0 : i32
      %dma_wait3A_337 = tpu.memref_slice %arg19[%dma_wait3A_335, %dma_wait3A_336] : memref<10240x128xf32, #tpu.memory_space<vmem_shared>> -> memref<10240x128xf32, #tpu.memory_space<vmem_shared>>
      tpu.wait_indirect_dma semaphore(%arg26 : memref<!tpu.dma_semaphore, #tpu.memory_space<semaphore_mem>>) src(%arg17 : memref<64x128xf32, #tpu.memory_space<vmem>>) dst(%dma_wait3A_337 : memref<10240x128xf32, #tpu.memory_space<vmem_shared>>)
      %dma_wait3A_338 = arith.constant 0 : i32
      %dma_wait3A_339 = arith.constant 0 : i32
      %dma_wait3A_340 = tpu.memref_slice %arg2[%dma_wait3A_338, %dma_wait3A_339] : memref<10240x128xf32, #tpu.memory_space<hbm>> -> memref<10240x128xf32, #tpu.memory_space<hbm>>
      tpu.wait_indirect_dma semaphore(%arg23 : memref<!tpu.dma_semaphore, #tpu.memory_space<semaphore_mem>>) src(%dma_wait3A_340 : memref<10240x128xf32, #tpu.memory_space<hbm>>) dst(%arg18 : memref<64x128xf32, #tpu.memory_space<vmem>>)
      %add3A_341 = arith.constant 2 : i32
      %add3A_342 = arith.addi %add3A_332, %add3A_341 : i32
      %mul3A_343 = arith.constant 64 : i32
      %mul3A_344 = arith.muli %add3A_342, %mul3A_343 : i32
      %add3A_345 = arith.addi %mul3A_4, %mul3A_344 : i32
      %multiple_of3A_346 = tpu.assume_multiple %add3A_345, 8 : i32
      %dma_wait3A_347 = tpu.memref_slice %arg3[%multiple_of3A_346] : memref<328064xi32, #tpu.memory_space<hbm>> -> memref<64xi32, #tpu.memory_space<hbm>>
      %dma_wait3A_348 = tpu.memref_slice %arg3[%multiple_of3A_346] : memref<328064xi32, #tpu.memory_space<hbm>> -> memref<64xi32, #tpu.memory_space<hbm>>
      tpu.wait_dma2 semaphore(%arg29 : memref<!tpu.dma_semaphore, #tpu.memory_space<semaphore_mem>>) src(%dma_wait3A_348 : memref<64xi32, #tpu.memory_space<hbm>>) dst(%arg8 : memref<64xi32, #tpu.memory_space<vmem>>)
      %mul3A_349 = arith.constant 64 : i32
      %mul3A_350 = arith.muli %add3A_342, %mul3A_349 : i32
      %add3A_351 = arith.addi %mul3A_4, %mul3A_350 : i32
      %multiple_of3A_352 = tpu.assume_multiple %add3A_351, 8 : i32
      %dma_wait3A_353 = tpu.memref_slice %arg4[%multiple_of3A_352] : memref<328064xi32, #tpu.memory_space<hbm>> -> memref<64xi32, #tpu.memory_space<hbm>>
      %dma_wait3A_354 = tpu.memref_slice %arg4[%multiple_of3A_352] : memref<328064xi32, #tpu.memory_space<hbm>> -> memref<64xi32, #tpu.memory_space<hbm>>
      tpu.wait_dma2 semaphore(%arg29 : memref<!tpu.dma_semaphore, #tpu.memory_space<semaphore_mem>>) src(%dma_wait3A_354 : memref<64xi32, #tpu.memory_space<hbm>>) dst(%arg12 : memref<64xi32, #tpu.memory_space<vmem>>)
      %add3A_355 = arith.constant 2 : i32
      %add3A_356 = arith.addi %add3A_332, %add3A_355 : i32
      %dma_start3A_357 = arith.constant 0 : i32
      %dma_start3A_358 = arith.constant 0 : i32
      %dma_start3A_359 = tpu.memref_slice %arg2[%dma_start3A_357, %dma_start3A_358] : memref<10240x128xf32, #tpu.memory_space<hbm>> -> memref<10240x128xf32, #tpu.memory_space<hbm>>
      tpu.enqueue_indirect_dma source(%dma_start3A_359 : memref<10240x128xf32, #tpu.memory_space<hbm>>) target(%arg16 : memref<64x128xf32, #tpu.memory_space<vmem>>) offsets(%arg8 : memref<64xi32, #tpu.memory_space<vmem>>) semaphore(%arg21 : memref<!tpu.dma_semaphore, #tpu.memory_space<semaphore_mem>>)
      %dma_start3A_360 = arith.constant 0 : i32
      %dma_start3A_361 = arith.constant 0 : i32
      %dma_start3A_362 = tpu.memref_slice %arg19[%dma_start3A_360, %dma_start3A_361] : memref<10240x128xf32, #tpu.memory_space<vmem_shared>> -> memref<10240x128xf32, #tpu.memory_space<vmem_shared>>
      tpu.enqueue_indirect_dma source(%arg18 : memref<64x128xf32, #tpu.memory_space<vmem>>) target(%dma_start3A_362 : memref<10240x128xf32, #tpu.memory_space<vmem_shared>>) offsets(%arg14 : memref<64xi32, #tpu.memory_space<vmem>>) semaphore(%arg27 : memref<!tpu.dma_semaphore, #tpu.memory_space<semaphore_mem>>) {add = true}
      %add3A_363 = arith.constant 3 : i32
      %add3A_364 = arith.addi %add3A_332, %add3A_363 : i32
      %mul3A_365 = arith.constant 64 : i32
      %mul3A_366 = arith.muli %add3A_364, %mul3A_365 : i32
      %add3A_367 = arith.addi %mul3A_4, %mul3A_366 : i32
      %multiple_of3A_368 = tpu.assume_multiple %add3A_367, 8 : i32
      %dma_start3A_369 = tpu.memref_slice %arg3[%multiple_of3A_368] : memref<328064xi32, #tpu.memory_space<hbm>> -> memref<64xi32, #tpu.memory_space<hbm>>
      %dma_start3A_370 = tpu.memref_slice %arg3[%multiple_of3A_368] : memref<328064xi32, #tpu.memory_space<hbm>> -> memref<64xi32, #tpu.memory_space<hbm>>
      tpu.enqueue_dma source(%dma_start3A_370 : memref<64xi32, #tpu.memory_space<hbm>>) target(%arg9 : memref<64xi32, #tpu.memory_space<vmem>>) target_semaphore(%arg30 : memref<!tpu.dma_semaphore, #tpu.memory_space<semaphore_mem>>)
      %mul3A_371 = arith.constant 64 : i32
      %mul3A_372 = arith.muli %add3A_364, %mul3A_371 : i32
      %add3A_373 = arith.addi %mul3A_4, %mul3A_372 : i32
      %multiple_of3A_374 = tpu.assume_multiple %add3A_373, 8 : i32
      %dma_start3A_375 = tpu.memref_slice %arg4[%multiple_of3A_374] : memref<328064xi32, #tpu.memory_space<hbm>> -> memref<64xi32, #tpu.memory_space<hbm>>
      %dma_start3A_376 = tpu.memref_slice %arg4[%multiple_of3A_374] : memref<328064xi32, #tpu.memory_space<hbm>> -> memref<64xi32, #tpu.memory_space<hbm>>
      tpu.enqueue_dma source(%dma_start3A_376 : memref<64xi32, #tpu.memory_space<hbm>>) target(%arg13 : memref<64xi32, #tpu.memory_space<vmem>>) target_semaphore(%arg30 : memref<!tpu.dma_semaphore, #tpu.memory_space<semaphore_mem>>)
    }
    %scan3A_173 = arith.constant 39 : i32
    %dma_wait3A_174 = arith.constant 0 : i32
    %dma_wait3A_175 = arith.constant 0 : i32
    %dma_wait3A_176 = tpu.memref_slice %arg19[%dma_wait3A_174, %dma_wait3A_175] : memref<10240x128xf32, #tpu.memory_space<vmem_shared>> -> memref<10240x128xf32, #tpu.memory_space<vmem_shared>>
    tpu.wait_indirect_dma semaphore(%arg27 : memref<!tpu.dma_semaphore, #tpu.memory_space<semaphore_mem>>) src(%arg18 : memref<64x128xf32, #tpu.memory_space<vmem>>) dst(%dma_wait3A_176 : memref<10240x128xf32, #tpu.memory_space<vmem_shared>>)
    %dma_wait3A_177 = arith.constant 0 : i32
    %dma_wait3A_178 = arith.constant 0 : i32
    %dma_wait3A_179 = tpu.memref_slice %arg2[%dma_wait3A_177, %dma_wait3A_178] : memref<10240x128xf32, #tpu.memory_space<hbm>> -> memref<10240x128xf32, #tpu.memory_space<hbm>>
    tpu.wait_indirect_dma semaphore(%arg20 : memref<!tpu.dma_semaphore, #tpu.memory_space<semaphore_mem>>) src(%dma_wait3A_179 : memref<10240x128xf32, #tpu.memory_space<hbm>>) dst(%arg15 : memref<64x128xf32, #tpu.memory_space<vmem>>)
    %dma_wait3A_180 = arith.constant 0 : i32
    %dma_wait3A_181 = arith.constant 0 : i32
    %dma_wait3A_182 = tpu.memref_slice %arg2[%dma_wait3A_180, %dma_wait3A_181] : memref<10240x128xf32, #tpu.memory_space<hbm>> -> memref<10240x128xf32, #tpu.memory_space<hbm>>
    tpu.wait_indirect_dma semaphore(%arg21 : memref<!tpu.dma_semaphore, #tpu.memory_space<semaphore_mem>>) src(%dma_wait3A_182 : memref<10240x128xf32, #tpu.memory_space<hbm>>) dst(%arg16 : memref<64x128xf32, #tpu.memory_space<vmem>>)
    %add3A_183 = arith.constant 10368 : i32
    %add3A_184 = arith.addi %mul3A_4, %add3A_183 : i32
    %multiple_of3A_185 = tpu.assume_multiple %add3A_184, 8 : i32
    %dma_wait3A_186 = tpu.memref_slice %arg3[%multiple_of3A_185] : memref<328064xi32, #tpu.memory_space<hbm>> -> memref<64xi32, #tpu.memory_space<hbm>>
    %dma_wait3A_187 = tpu.memref_slice %arg3[%multiple_of3A_185] : memref<328064xi32, #tpu.memory_space<hbm>> -> memref<64xi32, #tpu.memory_space<hbm>>
    tpu.wait_dma2 semaphore(%arg30 : memref<!tpu.dma_semaphore, #tpu.memory_space<semaphore_mem>>) src(%dma_wait3A_187 : memref<64xi32, #tpu.memory_space<hbm>>) dst(%arg9 : memref<64xi32, #tpu.memory_space<vmem>>)
    %add3A_188 = arith.constant 10368 : i32
    %add3A_189 = arith.addi %mul3A_4, %add3A_188 : i32
    %multiple_of3A_190 = tpu.assume_multiple %add3A_189, 8 : i32
    %dma_wait3A_191 = tpu.memref_slice %arg4[%multiple_of3A_190] : memref<328064xi32, #tpu.memory_space<hbm>> -> memref<64xi32, #tpu.memory_space<hbm>>
    %dma_wait3A_192 = tpu.memref_slice %arg4[%multiple_of3A_190] : memref<328064xi32, #tpu.memory_space<hbm>> -> memref<64xi32, #tpu.memory_space<hbm>>
    tpu.wait_dma2 semaphore(%arg30 : memref<!tpu.dma_semaphore, #tpu.memory_space<semaphore_mem>>) src(%dma_wait3A_192 : memref<64xi32, #tpu.memory_space<hbm>>) dst(%arg13 : memref<64xi32, #tpu.memory_space<vmem>>)
    %barrier3A = arith.constant 0 : index
    tpu.barrier barrier_id(%barrier3A)
    "tpu.region"() ({
      %run_scoped3A = tpu.sem_alloc : memref<!tpu.dma_semaphore, #tpu.memory_space<semaphore_mem>>
      %dma_start3A_193 = arith.constant 0 : i32
      %dma_start3A_194 = tpu.memref_slice %arg6[%arg0, %mul3A_2, %dma_start3A_193] : memref<2x10240x128xf32, #tpu.memory_space<hbm>> -> memref<1x640x128xf32, #tpu.memory_space<hbm>>
      %dma_start3A_195 = tpu.memref_squeeze %dma_start3A_194 : memref<1x640x128xf32, #tpu.memory_space<hbm>> -> memref<640x128xf32, #tpu.memory_space<hbm>>
      %dma_start3A_196 = arith.constant 0 : i32
      %dma_start3A_197 = tpu.memref_slice %arg19[%mul3A_2, %dma_start3A_196] : memref<10240x128xf32, #tpu.memory_space<vmem_shared>> -> memref<640x128xf32, #tpu.memory_space<vmem_shared>>
      tpu.enqueue_dma source(%dma_start3A_197 : memref<640x128xf32, #tpu.memory_space<vmem_shared>>) target(%dma_start3A_195 : memref<640x128xf32, #tpu.memory_space<hbm>>) target_semaphore(%run_scoped3A : memref<!tpu.dma_semaphore, #tpu.memory_space<semaphore_mem>>)
      %dma_wait3A_198 = arith.constant 0 : i32
      %dma_wait3A_199 = tpu.memref_slice %arg6[%arg0, %mul3A_2, %dma_wait3A_198] : memref<2x10240x128xf32, #tpu.memory_space<hbm>> -> memref<1x640x128xf32, #tpu.memory_space<hbm>>
      %dma_wait3A_200 = tpu.memref_squeeze %dma_wait3A_199 : memref<1x640x128xf32, #tpu.memory_space<hbm>> -> memref<640x128xf32, #tpu.memory_space<hbm>>
      %dma_wait3A_201 = arith.constant 0 : i32
      %dma_wait3A_202 = tpu.memref_slice %arg19[%mul3A_2, %dma_wait3A_201] : memref<10240x128xf32, #tpu.memory_space<vmem_shared>> -> memref<640x128xf32, #tpu.memory_space<vmem_shared>>
      tpu.wait_dma2 semaphore(%run_scoped3A : memref<!tpu.dma_semaphore, #tpu.memory_space<semaphore_mem>>) src(%dma_wait3A_202 : memref<640x128xf32, #tpu.memory_space<vmem_shared>>) dst(%dma_wait3A_200 : memref<640x128xf32, #tpu.memory_space<hbm>>)
      tpu.yield
    }) : () -> ()
    return
  }
}

#map = affine_map<(d0, d1) -> (0, 0)>
#map1 = affine_map<(d0, d1) -> (0)>
#map2 = affine_map<(d0, d1) -> (0, 0, 0)>
module attributes {stable_mosaic.version = 14 : i64} {
  func.func @body(%arg0: i32, %arg1: i32, %arg2: memref<10240x144xf32, #tpu.memory_space<hbm>>, %arg3: memref<328064xi32, #tpu.memory_space<hbm>>, %arg4: memref<328064xi32, #tpu.memory_space<hbm>>, %arg5: memref<10240x144xf32, #tpu.memory_space<hbm>>, %arg6: memref<2x10240x144xf32, #tpu.memory_space<hbm>>, %arg7: memref<64xi32, #tpu.memory_space<vmem>>, %arg8: memref<64xi32, #tpu.memory_space<vmem>>, %arg9: memref<64xi32, #tpu.memory_space<vmem>>, %arg10: memref<64xi32, #tpu.memory_space<vmem>>, %arg11: memref<64xi32, #tpu.memory_space<vmem>>, %arg12: memref<64xi32, #tpu.memory_space<vmem>>, %arg13: memref<64xi32, #tpu.memory_space<vmem>>, %arg14: memref<64xi32, #tpu.memory_space<vmem>>, %arg15: memref<64x144xf32, #tpu.memory_space<vmem>>, %arg16: memref<64x144xf32, #tpu.memory_space<vmem>>, %arg17: memref<64x144xf32, #tpu.memory_space<vmem>>, %arg18: memref<64x144xf32, #tpu.memory_space<vmem>>, %arg19: memref<10240x144xf32, #tpu.memory_space<vmem_shared>>, %arg20: memref<!tpu.dma_semaphore, #tpu.memory_space<semaphore_mem>>, %arg21: memref<!tpu.dma_semaphore, #tpu.memory_space<semaphore_mem>>, %arg22: memref<!tpu.dma_semaphore, #tpu.memory_space<semaphore_mem>>, %arg23: memref<!tpu.dma_semaphore, #tpu.memory_space<semaphore_mem>>, %arg24: memref<!tpu.dma_semaphore, #tpu.memory_space<semaphore_mem>>, %arg25: memref<!tpu.dma_semaphore, #tpu.memory_space<semaphore_mem>>, %arg26: memref<!tpu.dma_semaphore, #tpu.memory_space<semaphore_mem>>, %arg27: memref<!tpu.dma_semaphore, #tpu.memory_space<semaphore_mem>>, %arg28: memref<!tpu.dma_semaphore, #tpu.memory_space<semaphore_mem>>, %arg29: memref<!tpu.dma_semaphore, #tpu.memory_space<semaphore_mem>>, %arg30: memref<!tpu.dma_semaphore, #tpu.memory_space<semaphore_mem>>, %arg31: memref<!tpu.dma_semaphore, #tpu.memory_space<semaphore_mem>>) attributes {dimension_semantics = [#tpu.dimension_semantics<core_parallel>, #tpu.dimension_semantics<subcore_parallel>], iteration_bounds = array<i64: 2, 16>, scalar_prefetch = 0 : i64, scratch_operands = 25 : i64, tpu.core_type = #tpu.core_type<sc_vector_subcore>, window_params = [{transform_indices = #map}, {transform_indices = #map1}, {transform_indices = #map1}, {transform_indices = #map}, {transform_indices = #map2}]} {
    %mul3A = arith.constant 2 : i32
    %mul3A_0 = arith.muli %arg1, %mul3A : i32
    %add3A = arith.addi %mul3A_0, %arg0 : i32
    %mul3A_1 = arith.constant 640 : i32
    %mul3A_2 = arith.muli %arg1, %mul3A_1 : i32
    "tpu.region"() ({
      %run_scoped3A = tpu.sem_alloc : memref<!tpu.dma_semaphore, #tpu.memory_space<semaphore_mem>>
      %dma_start3A_193 = arith.constant 0 : i32
      %dma_start3A_194 = tpu.memref_slice %arg19[%mul3A_2, %dma_start3A_193] : memref<10240x144xf32, #tpu.memory_space<vmem_shared>> -> memref<640x144xf32, #tpu.memory_space<vmem_shared>>
      %dma_start3A_195 = arith.constant 0 : i32
      %dma_start3A_196 = tpu.memref_slice %arg5[%mul3A_2, %dma_start3A_195] : memref<10240x144xf32, #tpu.memory_space<hbm>> -> memref<640x144xf32, #tpu.memory_space<hbm>>
      tpu.enqueue_dma source(%dma_start3A_196 : memref<640x144xf32, #tpu.memory_space<hbm>>) target(%dma_start3A_194 : memref<640x144xf32, #tpu.memory_space<vmem_shared>>) target_semaphore(%run_scoped3A : memref<!tpu.dma_semaphore, #tpu.memory_space<semaphore_mem>>)
      %dma_wait3A_197 = arith.constant 0 : i32
      %dma_wait3A_198 = tpu.memref_slice %arg19[%mul3A_2, %dma_wait3A_197] : memref<10240x144xf32, #tpu.memory_space<vmem_shared>> -> memref<640x144xf32, #tpu.memory_space<vmem_shared>>
      %dma_wait3A_199 = arith.constant 0 : i32
      %dma_wait3A_200 = tpu.memref_slice %arg5[%mul3A_2, %dma_wait3A_199] : memref<10240x144xf32, #tpu.memory_space<hbm>> -> memref<640x144xf32, #tpu.memory_space<hbm>>
      tpu.wait_dma2 semaphore(%run_scoped3A : memref<!tpu.dma_semaphore, #tpu.memory_space<semaphore_mem>>) src(%dma_wait3A_200 : memref<640x144xf32, #tpu.memory_space<hbm>>) dst(%dma_wait3A_198 : memref<640x144xf32, #tpu.memory_space<vmem_shared>>)
      tpu.yield
    }) : () -> ()
    %mul3A_3 = arith.constant 10240 : i32
    %mul3A_4 = arith.muli %add3A, %mul3A_3 : i32
    %add3A_5 = arith.constant 0 : i32
    %add3A_6 = arith.addi %mul3A_4, %add3A_5 : i32
    %multiple_of3A = tpu.assume_multiple %add3A_6, 8 : i32
    "tpu.region"() ({
      %run_scoped3A = tpu.sem_alloc : memref<!tpu.dma_semaphore, #tpu.memory_space<semaphore_mem>>
      %dma_start3A_193 = tpu.memref_slice %arg3[%multiple_of3A] : memref<328064xi32, #tpu.memory_space<hbm>> -> memref<64xi32, #tpu.memory_space<hbm>>
      %dma_start3A_194 = tpu.memref_slice %arg3[%multiple_of3A] : memref<328064xi32, #tpu.memory_space<hbm>> -> memref<64xi32, #tpu.memory_space<hbm>>
      tpu.enqueue_dma source(%dma_start3A_194 : memref<64xi32, #tpu.memory_space<hbm>>) target(%arg7 : memref<64xi32, #tpu.memory_space<vmem>>) target_semaphore(%run_scoped3A : memref<!tpu.dma_semaphore, #tpu.memory_space<semaphore_mem>>)
      %dma_wait3A_195 = tpu.memref_slice %arg3[%multiple_of3A] : memref<328064xi32, #tpu.memory_space<hbm>> -> memref<64xi32, #tpu.memory_space<hbm>>
      %dma_wait3A_196 = tpu.memref_slice %arg3[%multiple_of3A] : memref<328064xi32, #tpu.memory_space<hbm>> -> memref<64xi32, #tpu.memory_space<hbm>>
      tpu.wait_dma2 semaphore(%run_scoped3A : memref<!tpu.dma_semaphore, #tpu.memory_space<semaphore_mem>>) src(%dma_wait3A_196 : memref<64xi32, #tpu.memory_space<hbm>>) dst(%arg7 : memref<64xi32, #tpu.memory_space<vmem>>)
      tpu.yield
    }) : () -> ()
    %add3A_7 = arith.constant 0 : i32
    %add3A_8 = arith.addi %mul3A_4, %add3A_7 : i32
    %multiple_of3A_9 = tpu.assume_multiple %add3A_8, 8 : i32
    "tpu.region"() ({
      %run_scoped3A = tpu.sem_alloc : memref<!tpu.dma_semaphore, #tpu.memory_space<semaphore_mem>>
      %dma_start3A_193 = tpu.memref_slice %arg4[%multiple_of3A_9] : memref<328064xi32, #tpu.memory_space<hbm>> -> memref<64xi32, #tpu.memory_space<hbm>>
      %dma_start3A_194 = tpu.memref_slice %arg4[%multiple_of3A_9] : memref<328064xi32, #tpu.memory_space<hbm>> -> memref<64xi32, #tpu.memory_space<hbm>>
      tpu.enqueue_dma source(%dma_start3A_194 : memref<64xi32, #tpu.memory_space<hbm>>) target(%arg11 : memref<64xi32, #tpu.memory_space<vmem>>) target_semaphore(%run_scoped3A : memref<!tpu.dma_semaphore, #tpu.memory_space<semaphore_mem>>)
      %dma_wait3A_195 = tpu.memref_slice %arg4[%multiple_of3A_9] : memref<328064xi32, #tpu.memory_space<hbm>> -> memref<64xi32, #tpu.memory_space<hbm>>
      %dma_wait3A_196 = tpu.memref_slice %arg4[%multiple_of3A_9] : memref<328064xi32, #tpu.memory_space<hbm>> -> memref<64xi32, #tpu.memory_space<hbm>>
      tpu.wait_dma2 semaphore(%run_scoped3A : memref<!tpu.dma_semaphore, #tpu.memory_space<semaphore_mem>>) src(%dma_wait3A_196 : memref<64xi32, #tpu.memory_space<hbm>>) dst(%arg11 : memref<64xi32, #tpu.memory_space<vmem>>)
      tpu.yield
    }) : () -> ()
    %add3A_10 = arith.constant 64 : i32
    %add3A_11 = arith.addi %mul3A_4, %add3A_10 : i32
    %multiple_of3A_12 = tpu.assume_multiple %add3A_11, 8 : i32
    %dma_start3A = tpu.memref_slice %arg3[%multiple_of3A_12] : memref<328064xi32, #tpu.memory_space<hbm>> -> memref<64xi32, #tpu.memory_space<hbm>>
    %dma_start3A_13 = tpu.memref_slice %arg3[%multiple_of3A_12] : memref<328064xi32, #tpu.memory_space<hbm>> -> memref<64xi32, #tpu.memory_space<hbm>>
    tpu.enqueue_dma source(%dma_start3A_13 : memref<64xi32, #tpu.memory_space<hbm>>) target(%arg8 : memref<64xi32, #tpu.memory_space<vmem>>) target_semaphore(%arg29 : memref<!tpu.dma_semaphore, #tpu.memory_space<semaphore_mem>>)
    %add3A_14 = arith.constant 64 : i32
    %add3A_15 = arith.addi %mul3A_4, %add3A_14 : i32
    %multiple_of3A_16 = tpu.assume_multiple %add3A_15, 8 : i32
    %dma_start3A_17 = tpu.memref_slice %arg4[%multiple_of3A_16] : memref<328064xi32, #tpu.memory_space<hbm>> -> memref<64xi32, #tpu.memory_space<hbm>>
    %dma_start3A_18 = tpu.memref_slice %arg4[%multiple_of3A_16] : memref<328064xi32, #tpu.memory_space<hbm>> -> memref<64xi32, #tpu.memory_space<hbm>>
    tpu.enqueue_dma source(%dma_start3A_18 : memref<64xi32, #tpu.memory_space<hbm>>) target(%arg12 : memref<64xi32, #tpu.memory_space<vmem>>) target_semaphore(%arg29 : memref<!tpu.dma_semaphore, #tpu.memory_space<semaphore_mem>>)
    %add3A_19 = arith.constant 128 : i32
    %add3A_20 = arith.addi %mul3A_4, %add3A_19 : i32
    %multiple_of3A_21 = tpu.assume_multiple %add3A_20, 8 : i32
    %dma_start3A_22 = tpu.memref_slice %arg3[%multiple_of3A_21] : memref<328064xi32, #tpu.memory_space<hbm>> -> memref<64xi32, #tpu.memory_space<hbm>>
    %dma_start3A_23 = tpu.memref_slice %arg3[%multiple_of3A_21] : memref<328064xi32, #tpu.memory_space<hbm>> -> memref<64xi32, #tpu.memory_space<hbm>>
    tpu.enqueue_dma source(%dma_start3A_23 : memref<64xi32, #tpu.memory_space<hbm>>) target(%arg9 : memref<64xi32, #tpu.memory_space<vmem>>) target_semaphore(%arg30 : memref<!tpu.dma_semaphore, #tpu.memory_space<semaphore_mem>>)
    %add3A_24 = arith.constant 128 : i32
    %add3A_25 = arith.addi %mul3A_4, %add3A_24 : i32
    %multiple_of3A_26 = tpu.assume_multiple %add3A_25, 8 : i32
    %dma_start3A_27 = tpu.memref_slice %arg4[%multiple_of3A_26] : memref<328064xi32, #tpu.memory_space<hbm>> -> memref<64xi32, #tpu.memory_space<hbm>>
    %dma_start3A_28 = tpu.memref_slice %arg4[%multiple_of3A_26] : memref<328064xi32, #tpu.memory_space<hbm>> -> memref<64xi32, #tpu.memory_space<hbm>>
    tpu.enqueue_dma source(%dma_start3A_28 : memref<64xi32, #tpu.memory_space<hbm>>) target(%arg13 : memref<64xi32, #tpu.memory_space<vmem>>) target_semaphore(%arg30 : memref<!tpu.dma_semaphore, #tpu.memory_space<semaphore_mem>>)
    %add3A_29 = arith.constant 64 : i32
    %add3A_30 = arith.addi %mul3A_4, %add3A_29 : i32
    %multiple_of3A_31 = tpu.assume_multiple %add3A_30, 8 : i32
    %dma_wait3A = tpu.memref_slice %arg3[%multiple_of3A_31] : memref<328064xi32, #tpu.memory_space<hbm>> -> memref<64xi32, #tpu.memory_space<hbm>>
    %dma_wait3A_32 = tpu.memref_slice %arg3[%multiple_of3A_31] : memref<328064xi32, #tpu.memory_space<hbm>> -> memref<64xi32, #tpu.memory_space<hbm>>
    tpu.wait_dma2 semaphore(%arg29 : memref<!tpu.dma_semaphore, #tpu.memory_space<semaphore_mem>>) src(%dma_wait3A_32 : memref<64xi32, #tpu.memory_space<hbm>>) dst(%arg8 : memref<64xi32, #tpu.memory_space<vmem>>)
    %add3A_33 = arith.constant 64 : i32
    %add3A_34 = arith.addi %mul3A_4, %add3A_33 : i32
    %multiple_of3A_35 = tpu.assume_multiple %add3A_34, 8 : i32
    %dma_wait3A_36 = tpu.memref_slice %arg4[%multiple_of3A_35] : memref<328064xi32, #tpu.memory_space<hbm>> -> memref<64xi32, #tpu.memory_space<hbm>>
    %dma_wait3A_37 = tpu.memref_slice %arg4[%multiple_of3A_35] : memref<328064xi32, #tpu.memory_space<hbm>> -> memref<64xi32, #tpu.memory_space<hbm>>
    tpu.wait_dma2 semaphore(%arg29 : memref<!tpu.dma_semaphore, #tpu.memory_space<semaphore_mem>>) src(%dma_wait3A_37 : memref<64xi32, #tpu.memory_space<hbm>>) dst(%arg12 : memref<64xi32, #tpu.memory_space<vmem>>)
    %dma_start3A_38 = arith.constant 0 : i32
    %dma_start3A_39 = arith.constant 0 : i32
    %dma_start3A_40 = tpu.memref_slice %arg2[%dma_start3A_38, %dma_start3A_39] : memref<10240x144xf32, #tpu.memory_space<hbm>> -> memref<10240x144xf32, #tpu.memory_space<hbm>>
    tpu.enqueue_indirect_dma source(%dma_start3A_40 : memref<10240x144xf32, #tpu.memory_space<hbm>>) target(%arg15 : memref<64x144xf32, #tpu.memory_space<vmem>>) offsets(%arg7 : memref<64xi32, #tpu.memory_space<vmem>>) semaphore(%arg20 : memref<!tpu.dma_semaphore, #tpu.memory_space<semaphore_mem>>)
    %dma_start3A_41 = arith.constant 0 : i32
    %dma_start3A_42 = arith.constant 0 : i32
    %dma_start3A_43 = tpu.memref_slice %arg2[%dma_start3A_41, %dma_start3A_42] : memref<10240x144xf32, #tpu.memory_space<hbm>> -> memref<10240x144xf32, #tpu.memory_space<hbm>>
    tpu.enqueue_indirect_dma source(%dma_start3A_43 : memref<10240x144xf32, #tpu.memory_space<hbm>>) target(%arg16 : memref<64x144xf32, #tpu.memory_space<vmem>>) offsets(%arg8 : memref<64xi32, #tpu.memory_space<vmem>>) semaphore(%arg21 : memref<!tpu.dma_semaphore, #tpu.memory_space<semaphore_mem>>)
    %dma_wait3A_44 = arith.constant 0 : i32
    %dma_wait3A_45 = arith.constant 0 : i32
    %dma_wait3A_46 = tpu.memref_slice %arg2[%dma_wait3A_44, %dma_wait3A_45] : memref<10240x144xf32, #tpu.memory_space<hbm>> -> memref<10240x144xf32, #tpu.memory_space<hbm>>
    tpu.wait_indirect_dma semaphore(%arg20 : memref<!tpu.dma_semaphore, #tpu.memory_space<semaphore_mem>>) src(%dma_wait3A_46 : memref<10240x144xf32, #tpu.memory_space<hbm>>) dst(%arg15 : memref<64x144xf32, #tpu.memory_space<vmem>>)
    %add3A_47 = arith.constant 128 : i32
    %add3A_48 = arith.addi %mul3A_4, %add3A_47 : i32
    %multiple_of3A_49 = tpu.assume_multiple %add3A_48, 8 : i32
    %dma_wait3A_50 = tpu.memref_slice %arg3[%multiple_of3A_49] : memref<328064xi32, #tpu.memory_space<hbm>> -> memref<64xi32, #tpu.memory_space<hbm>>
    %dma_wait3A_51 = tpu.memref_slice %arg3[%multiple_of3A_49] : memref<328064xi32, #tpu.memory_space<hbm>> -> memref<64xi32, #tpu.memory_space<hbm>>
    tpu.wait_dma2 semaphore(%arg30 : memref<!tpu.dma_semaphore, #tpu.memory_space<semaphore_mem>>) src(%dma_wait3A_51 : memref<64xi32, #tpu.memory_space<hbm>>) dst(%arg9 : memref<64xi32, #tpu.memory_space<vmem>>)
    %add3A_52 = arith.constant 128 : i32
    %add3A_53 = arith.addi %mul3A_4, %add3A_52 : i32
    %multiple_of3A_54 = tpu.assume_multiple %add3A_53, 8 : i32
    %dma_wait3A_55 = tpu.memref_slice %arg4[%multiple_of3A_54] : memref<328064xi32, #tpu.memory_space<hbm>> -> memref<64xi32, #tpu.memory_space<hbm>>
    %dma_wait3A_56 = tpu.memref_slice %arg4[%multiple_of3A_54] : memref<328064xi32, #tpu.memory_space<hbm>> -> memref<64xi32, #tpu.memory_space<hbm>>
    tpu.wait_dma2 semaphore(%arg30 : memref<!tpu.dma_semaphore, #tpu.memory_space<semaphore_mem>>) src(%dma_wait3A_56 : memref<64xi32, #tpu.memory_space<hbm>>) dst(%arg13 : memref<64xi32, #tpu.memory_space<vmem>>)
    %dma_start3A_57 = arith.constant 0 : i32
    %dma_start3A_58 = arith.constant 0 : i32
    %dma_start3A_59 = tpu.memref_slice %arg2[%dma_start3A_57, %dma_start3A_58] : memref<10240x144xf32, #tpu.memory_space<hbm>> -> memref<10240x144xf32, #tpu.memory_space<hbm>>
    tpu.enqueue_indirect_dma source(%dma_start3A_59 : memref<10240x144xf32, #tpu.memory_space<hbm>>) target(%arg17 : memref<64x144xf32, #tpu.memory_space<vmem>>) offsets(%arg9 : memref<64xi32, #tpu.memory_space<vmem>>) semaphore(%arg22 : memref<!tpu.dma_semaphore, #tpu.memory_space<semaphore_mem>>)
    %dma_start3A_60 = arith.constant 0 : i32
    %dma_start3A_61 = arith.constant 0 : i32
    %dma_start3A_62 = tpu.memref_slice %arg19[%dma_start3A_60, %dma_start3A_61] : memref<10240x144xf32, #tpu.memory_space<vmem_shared>> -> memref<10240x144xf32, #tpu.memory_space<vmem_shared>>
    tpu.enqueue_indirect_dma source(%arg15 : memref<64x144xf32, #tpu.memory_space<vmem>>) target(%dma_start3A_62 : memref<10240x144xf32, #tpu.memory_space<vmem_shared>>) offsets(%arg11 : memref<64xi32, #tpu.memory_space<vmem>>) semaphore(%arg24 : memref<!tpu.dma_semaphore, #tpu.memory_space<semaphore_mem>>) {add = true}
    %add3A_63 = arith.constant 192 : i32
    %add3A_64 = arith.addi %mul3A_4, %add3A_63 : i32
    %multiple_of3A_65 = tpu.assume_multiple %add3A_64, 8 : i32
    %dma_start3A_66 = tpu.memref_slice %arg3[%multiple_of3A_65] : memref<328064xi32, #tpu.memory_space<hbm>> -> memref<64xi32, #tpu.memory_space<hbm>>
    %dma_start3A_67 = tpu.memref_slice %arg3[%multiple_of3A_65] : memref<328064xi32, #tpu.memory_space<hbm>> -> memref<64xi32, #tpu.memory_space<hbm>>
    tpu.enqueue_dma source(%dma_start3A_67 : memref<64xi32, #tpu.memory_space<hbm>>) target(%arg10 : memref<64xi32, #tpu.memory_space<vmem>>) target_semaphore(%arg31 : memref<!tpu.dma_semaphore, #tpu.memory_space<semaphore_mem>>)
    %add3A_68 = arith.constant 192 : i32
    %add3A_69 = arith.addi %mul3A_4, %add3A_68 : i32
    %multiple_of3A_70 = tpu.assume_multiple %add3A_69, 8 : i32
    %dma_start3A_71 = tpu.memref_slice %arg4[%multiple_of3A_70] : memref<328064xi32, #tpu.memory_space<hbm>> -> memref<64xi32, #tpu.memory_space<hbm>>
    %dma_start3A_72 = tpu.memref_slice %arg4[%multiple_of3A_70] : memref<328064xi32, #tpu.memory_space<hbm>> -> memref<64xi32, #tpu.memory_space<hbm>>
    tpu.enqueue_dma source(%dma_start3A_72 : memref<64xi32, #tpu.memory_space<hbm>>) target(%arg14 : memref<64xi32, #tpu.memory_space<vmem>>) target_semaphore(%arg31 : memref<!tpu.dma_semaphore, #tpu.memory_space<semaphore_mem>>)
    %dma_wait3A_73 = arith.constant 0 : i32
    %dma_wait3A_74 = arith.constant 0 : i32
    %dma_wait3A_75 = tpu.memref_slice %arg19[%dma_wait3A_73, %dma_wait3A_74] : memref<10240x144xf32, #tpu.memory_space<vmem_shared>> -> memref<10240x144xf32, #tpu.memory_space<vmem_shared>>
    tpu.wait_indirect_dma semaphore(%arg24 : memref<!tpu.dma_semaphore, #tpu.memory_space<semaphore_mem>>) src(%arg15 : memref<64x144xf32, #tpu.memory_space<vmem>>) dst(%dma_wait3A_75 : memref<10240x144xf32, #tpu.memory_space<vmem_shared>>)
    %dma_wait3A_76 = arith.constant 0 : i32
    %dma_wait3A_77 = arith.constant 0 : i32
    %dma_wait3A_78 = tpu.memref_slice %arg2[%dma_wait3A_76, %dma_wait3A_77] : memref<10240x144xf32, #tpu.memory_space<hbm>> -> memref<10240x144xf32, #tpu.memory_space<hbm>>
    tpu.wait_indirect_dma semaphore(%arg21 : memref<!tpu.dma_semaphore, #tpu.memory_space<semaphore_mem>>) src(%dma_wait3A_78 : memref<10240x144xf32, #tpu.memory_space<hbm>>) dst(%arg16 : memref<64x144xf32, #tpu.memory_space<vmem>>)
    %add3A_79 = arith.constant 192 : i32
    %add3A_80 = arith.addi %mul3A_4, %add3A_79 : i32
    %multiple_of3A_81 = tpu.assume_multiple %add3A_80, 8 : i32
    %dma_wait3A_82 = tpu.memref_slice %arg3[%multiple_of3A_81] : memref<328064xi32, #tpu.memory_space<hbm>> -> memref<64xi32, #tpu.memory_space<hbm>>
    %dma_wait3A_83 = tpu.memref_slice %arg3[%multiple_of3A_81] : memref<328064xi32, #tpu.memory_space<hbm>> -> memref<64xi32, #tpu.memory_space<hbm>>
    tpu.wait_dma2 semaphore(%arg31 : memref<!tpu.dma_semaphore, #tpu.memory_space<semaphore_mem>>) src(%dma_wait3A_83 : memref<64xi32, #tpu.memory_space<hbm>>) dst(%arg10 : memref<64xi32, #tpu.memory_space<vmem>>)
    %add3A_84 = arith.constant 192 : i32
    %add3A_85 = arith.addi %mul3A_4, %add3A_84 : i32
    %multiple_of3A_86 = tpu.assume_multiple %add3A_85, 8 : i32
    %dma_wait3A_87 = tpu.memref_slice %arg4[%multiple_of3A_86] : memref<328064xi32, #tpu.memory_space<hbm>> -> memref<64xi32, #tpu.memory_space<hbm>>
    %dma_wait3A_88 = tpu.memref_slice %arg4[%multiple_of3A_86] : memref<328064xi32, #tpu.memory_space<hbm>> -> memref<64xi32, #tpu.memory_space<hbm>>
    tpu.wait_dma2 semaphore(%arg31 : memref<!tpu.dma_semaphore, #tpu.memory_space<semaphore_mem>>) src(%dma_wait3A_88 : memref<64xi32, #tpu.memory_space<hbm>>) dst(%arg14 : memref<64xi32, #tpu.memory_space<vmem>>)
    %dma_start3A_89 = arith.constant 0 : i32
    %dma_start3A_90 = arith.constant 0 : i32
    %dma_start3A_91 = tpu.memref_slice %arg2[%dma_start3A_89, %dma_start3A_90] : memref<10240x144xf32, #tpu.memory_space<hbm>> -> memref<10240x144xf32, #tpu.memory_space<hbm>>
    tpu.enqueue_indirect_dma source(%dma_start3A_91 : memref<10240x144xf32, #tpu.memory_space<hbm>>) target(%arg18 : memref<64x144xf32, #tpu.memory_space<vmem>>) offsets(%arg10 : memref<64xi32, #tpu.memory_space<vmem>>) semaphore(%arg23 : memref<!tpu.dma_semaphore, #tpu.memory_space<semaphore_mem>>)
    %dma_start3A_92 = arith.constant 0 : i32
    %dma_start3A_93 = arith.constant 0 : i32
    %dma_start3A_94 = tpu.memref_slice %arg19[%dma_start3A_92, %dma_start3A_93] : memref<10240x144xf32, #tpu.memory_space<vmem_shared>> -> memref<10240x144xf32, #tpu.memory_space<vmem_shared>>
    tpu.enqueue_indirect_dma source(%arg16 : memref<64x144xf32, #tpu.memory_space<vmem>>) target(%dma_start3A_94 : memref<10240x144xf32, #tpu.memory_space<vmem_shared>>) offsets(%arg12 : memref<64xi32, #tpu.memory_space<vmem>>) semaphore(%arg25 : memref<!tpu.dma_semaphore, #tpu.memory_space<semaphore_mem>>) {add = true}
    %add3A_95 = arith.constant 256 : i32
    %add3A_96 = arith.addi %mul3A_4, %add3A_95 : i32
    %multiple_of3A_97 = tpu.assume_multiple %add3A_96, 8 : i32
    %dma_start3A_98 = tpu.memref_slice %arg3[%multiple_of3A_97] : memref<328064xi32, #tpu.memory_space<hbm>> -> memref<64xi32, #tpu.memory_space<hbm>>
    %dma_start3A_99 = tpu.memref_slice %arg3[%multiple_of3A_97] : memref<328064xi32, #tpu.memory_space<hbm>> -> memref<64xi32, #tpu.memory_space<hbm>>
    tpu.enqueue_dma source(%dma_start3A_99 : memref<64xi32, #tpu.memory_space<hbm>>) target(%arg7 : memref<64xi32, #tpu.memory_space<vmem>>) target_semaphore(%arg28 : memref<!tpu.dma_semaphore, #tpu.memory_space<semaphore_mem>>)
    %add3A_100 = arith.constant 256 : i32
    %add3A_101 = arith.addi %mul3A_4, %add3A_100 : i32
    %multiple_of3A_102 = tpu.assume_multiple %add3A_101, 8 : i32
    %dma_start3A_103 = tpu.memref_slice %arg4[%multiple_of3A_102] : memref<328064xi32, #tpu.memory_space<hbm>> -> memref<64xi32, #tpu.memory_space<hbm>>
    %dma_start3A_104 = tpu.memref_slice %arg4[%multiple_of3A_102] : memref<328064xi32, #tpu.memory_space<hbm>> -> memref<64xi32, #tpu.memory_space<hbm>>
    tpu.enqueue_dma source(%dma_start3A_104 : memref<64xi32, #tpu.memory_space<hbm>>) target(%arg11 : memref<64xi32, #tpu.memory_space<vmem>>) target_semaphore(%arg28 : memref<!tpu.dma_semaphore, #tpu.memory_space<semaphore_mem>>)
    %dma_wait3A_105 = arith.constant 0 : i32
    %dma_wait3A_106 = arith.constant 0 : i32
    %dma_wait3A_107 = tpu.memref_slice %arg19[%dma_wait3A_105, %dma_wait3A_106] : memref<10240x144xf32, #tpu.memory_space<vmem_shared>> -> memref<10240x144xf32, #tpu.memory_space<vmem_shared>>
    tpu.wait_indirect_dma semaphore(%arg25 : memref<!tpu.dma_semaphore, #tpu.memory_space<semaphore_mem>>) src(%arg16 : memref<64x144xf32, #tpu.memory_space<vmem>>) dst(%dma_wait3A_107 : memref<10240x144xf32, #tpu.memory_space<vmem_shared>>)
    %dma_wait3A_108 = arith.constant 0 : i32
    %dma_wait3A_109 = arith.constant 0 : i32
    %dma_wait3A_110 = tpu.memref_slice %arg2[%dma_wait3A_108, %dma_wait3A_109] : memref<10240x144xf32, #tpu.memory_space<hbm>> -> memref<10240x144xf32, #tpu.memory_space<hbm>>
    tpu.wait_indirect_dma semaphore(%arg22 : memref<!tpu.dma_semaphore, #tpu.memory_space<semaphore_mem>>) src(%dma_wait3A_110 : memref<10240x144xf32, #tpu.memory_space<hbm>>) dst(%arg17 : memref<64x144xf32, #tpu.memory_space<vmem>>)
    %add3A_111 = arith.constant 256 : i32
    %add3A_112 = arith.addi %mul3A_4, %add3A_111 : i32
    %multiple_of3A_113 = tpu.assume_multiple %add3A_112, 8 : i32
    %dma_wait3A_114 = tpu.memref_slice %arg3[%multiple_of3A_113] : memref<328064xi32, #tpu.memory_space<hbm>> -> memref<64xi32, #tpu.memory_space<hbm>>
    %dma_wait3A_115 = tpu.memref_slice %arg3[%multiple_of3A_113] : memref<328064xi32, #tpu.memory_space<hbm>> -> memref<64xi32, #tpu.memory_space<hbm>>
    tpu.wait_dma2 semaphore(%arg28 : memref<!tpu.dma_semaphore, #tpu.memory_space<semaphore_mem>>) src(%dma_wait3A_115 : memref<64xi32, #tpu.memory_space<hbm>>) dst(%arg7 : memref<64xi32, #tpu.memory_space<vmem>>)
    %add3A_116 = arith.constant 256 : i32
    %add3A_117 = arith.addi %mul3A_4, %add3A_116 : i32
    %multiple_of3A_118 = tpu.assume_multiple %add3A_117, 8 : i32
    %dma_wait3A_119 = tpu.memref_slice %arg4[%multiple_of3A_118] : memref<328064xi32, #tpu.memory_space<hbm>> -> memref<64xi32, #tpu.memory_space<hbm>>
    %dma_wait3A_120 = tpu.memref_slice %arg4[%multiple_of3A_118] : memref<328064xi32, #tpu.memory_space<hbm>> -> memref<64xi32, #tpu.memory_space<hbm>>
    tpu.wait_dma2 semaphore(%arg28 : memref<!tpu.dma_semaphore, #tpu.memory_space<semaphore_mem>>) src(%dma_wait3A_120 : memref<64xi32, #tpu.memory_space<hbm>>) dst(%arg11 : memref<64xi32, #tpu.memory_space<vmem>>)
    %dma_start3A_121 = arith.constant 0 : i32
    %dma_start3A_122 = arith.constant 0 : i32
    %dma_start3A_123 = tpu.memref_slice %arg2[%dma_start3A_121, %dma_start3A_122] : memref<10240x144xf32, #tpu.memory_space<hbm>> -> memref<10240x144xf32, #tpu.memory_space<hbm>>
    tpu.enqueue_indirect_dma source(%dma_start3A_123 : memref<10240x144xf32, #tpu.memory_space<hbm>>) target(%arg15 : memref<64x144xf32, #tpu.memory_space<vmem>>) offsets(%arg7 : memref<64xi32, #tpu.memory_space<vmem>>) semaphore(%arg20 : memref<!tpu.dma_semaphore, #tpu.memory_space<semaphore_mem>>)
    %dma_start3A_124 = arith.constant 0 : i32
    %dma_start3A_125 = arith.constant 0 : i32
    %dma_start3A_126 = tpu.memref_slice %arg19[%dma_start3A_124, %dma_start3A_125] : memref<10240x144xf32, #tpu.memory_space<vmem_shared>> -> memref<10240x144xf32, #tpu.memory_space<vmem_shared>>
    tpu.enqueue_indirect_dma source(%arg17 : memref<64x144xf32, #tpu.memory_space<vmem>>) target(%dma_start3A_126 : memref<10240x144xf32, #tpu.memory_space<vmem_shared>>) offsets(%arg13 : memref<64xi32, #tpu.memory_space<vmem>>) semaphore(%arg26 : memref<!tpu.dma_semaphore, #tpu.memory_space<semaphore_mem>>) {add = true}
    %add3A_127 = arith.constant 320 : i32
    %add3A_128 = arith.addi %mul3A_4, %add3A_127 : i32
    %multiple_of3A_129 = tpu.assume_multiple %add3A_128, 8 : i32
    %dma_start3A_130 = tpu.memref_slice %arg3[%multiple_of3A_129] : memref<328064xi32, #tpu.memory_space<hbm>> -> memref<64xi32, #tpu.memory_space<hbm>>
    %dma_start3A_131 = tpu.memref_slice %arg3[%multiple_of3A_129] : memref<328064xi32, #tpu.memory_space<hbm>> -> memref<64xi32, #tpu.memory_space<hbm>>
    tpu.enqueue_dma source(%dma_start3A_131 : memref<64xi32, #tpu.memory_space<hbm>>) target(%arg8 : memref<64xi32, #tpu.memory_space<vmem>>) target_semaphore(%arg29 : memref<!tpu.dma_semaphore, #tpu.memory_space<semaphore_mem>>)
    %add3A_132 = arith.constant 320 : i32
    %add3A_133 = arith.addi %mul3A_4, %add3A_132 : i32
    %multiple_of3A_134 = tpu.assume_multiple %add3A_133, 8 : i32
    %dma_start3A_135 = tpu.memref_slice %arg4[%multiple_of3A_134] : memref<328064xi32, #tpu.memory_space<hbm>> -> memref<64xi32, #tpu.memory_space<hbm>>
    %dma_start3A_136 = tpu.memref_slice %arg4[%multiple_of3A_134] : memref<328064xi32, #tpu.memory_space<hbm>> -> memref<64xi32, #tpu.memory_space<hbm>>
    tpu.enqueue_dma source(%dma_start3A_136 : memref<64xi32, #tpu.memory_space<hbm>>) target(%arg12 : memref<64xi32, #tpu.memory_space<vmem>>) target_semaphore(%arg29 : memref<!tpu.dma_semaphore, #tpu.memory_space<semaphore_mem>>)
    %dma_wait3A_137 = arith.constant 0 : i32
    %dma_wait3A_138 = arith.constant 0 : i32
    %dma_wait3A_139 = tpu.memref_slice %arg19[%dma_wait3A_137, %dma_wait3A_138] : memref<10240x144xf32, #tpu.memory_space<vmem_shared>> -> memref<10240x144xf32, #tpu.memory_space<vmem_shared>>
    tpu.wait_indirect_dma semaphore(%arg26 : memref<!tpu.dma_semaphore, #tpu.memory_space<semaphore_mem>>) src(%arg17 : memref<64x144xf32, #tpu.memory_space<vmem>>) dst(%dma_wait3A_139 : memref<10240x144xf32, #tpu.memory_space<vmem_shared>>)
    %dma_wait3A_140 = arith.constant 0 : i32
    %dma_wait3A_141 = arith.constant 0 : i32
    %dma_wait3A_142 = tpu.memref_slice %arg2[%dma_wait3A_140, %dma_wait3A_141] : memref<10240x144xf32, #tpu.memory_space<hbm>> -> memref<10240x144xf32, #tpu.memory_space<hbm>>
    tpu.wait_indirect_dma semaphore(%arg23 : memref<!tpu.dma_semaphore, #tpu.memory_space<semaphore_mem>>) src(%dma_wait3A_142 : memref<10240x144xf32, #tpu.memory_space<hbm>>) dst(%arg18 : memref<64x144xf32, #tpu.memory_space<vmem>>)
    %add3A_143 = arith.constant 320 : i32
    %add3A_144 = arith.addi %mul3A_4, %add3A_143 : i32
    %multiple_of3A_145 = tpu.assume_multiple %add3A_144, 8 : i32
    %dma_wait3A_146 = tpu.memref_slice %arg3[%multiple_of3A_145] : memref<328064xi32, #tpu.memory_space<hbm>> -> memref<64xi32, #tpu.memory_space<hbm>>
    %dma_wait3A_147 = tpu.memref_slice %arg3[%multiple_of3A_145] : memref<328064xi32, #tpu.memory_space<hbm>> -> memref<64xi32, #tpu.memory_space<hbm>>
    tpu.wait_dma2 semaphore(%arg29 : memref<!tpu.dma_semaphore, #tpu.memory_space<semaphore_mem>>) src(%dma_wait3A_147 : memref<64xi32, #tpu.memory_space<hbm>>) dst(%arg8 : memref<64xi32, #tpu.memory_space<vmem>>)
    %add3A_148 = arith.constant 320 : i32
    %add3A_149 = arith.addi %mul3A_4, %add3A_148 : i32
    %multiple_of3A_150 = tpu.assume_multiple %add3A_149, 8 : i32
    %dma_wait3A_151 = tpu.memref_slice %arg4[%multiple_of3A_150] : memref<328064xi32, #tpu.memory_space<hbm>> -> memref<64xi32, #tpu.memory_space<hbm>>
    %dma_wait3A_152 = tpu.memref_slice %arg4[%multiple_of3A_150] : memref<328064xi32, #tpu.memory_space<hbm>> -> memref<64xi32, #tpu.memory_space<hbm>>
    tpu.wait_dma2 semaphore(%arg29 : memref<!tpu.dma_semaphore, #tpu.memory_space<semaphore_mem>>) src(%dma_wait3A_152 : memref<64xi32, #tpu.memory_space<hbm>>) dst(%arg12 : memref<64xi32, #tpu.memory_space<vmem>>)
    %dma_start3A_153 = arith.constant 0 : i32
    %dma_start3A_154 = arith.constant 0 : i32
    %dma_start3A_155 = tpu.memref_slice %arg2[%dma_start3A_153, %dma_start3A_154] : memref<10240x144xf32, #tpu.memory_space<hbm>> -> memref<10240x144xf32, #tpu.memory_space<hbm>>
    tpu.enqueue_indirect_dma source(%dma_start3A_155 : memref<10240x144xf32, #tpu.memory_space<hbm>>) target(%arg16 : memref<64x144xf32, #tpu.memory_space<vmem>>) offsets(%arg8 : memref<64xi32, #tpu.memory_space<vmem>>) semaphore(%arg21 : memref<!tpu.dma_semaphore, #tpu.memory_space<semaphore_mem>>)
    %dma_start3A_156 = arith.constant 0 : i32
    %dma_start3A_157 = arith.constant 0 : i32
    %dma_start3A_158 = tpu.memref_slice %arg19[%dma_start3A_156, %dma_start3A_157] : memref<10240x144xf32, #tpu.memory_space<vmem_shared>> -> memref<10240x144xf32, #tpu.memory_space<vmem_shared>>
    tpu.enqueue_indirect_dma source(%arg18 : memref<64x144xf32, #tpu.memory_space<vmem>>) target(%dma_start3A_158 : memref<10240x144xf32, #tpu.memory_space<vmem_shared>>) offsets(%arg14 : memref<64xi32, #tpu.memory_space<vmem>>) semaphore(%arg27 : memref<!tpu.dma_semaphore, #tpu.memory_space<semaphore_mem>>) {add = true}
    %add3A_159 = arith.constant 384 : i32
    %add3A_160 = arith.addi %mul3A_4, %add3A_159 : i32
    %multiple_of3A_161 = tpu.assume_multiple %add3A_160, 8 : i32
    %dma_start3A_162 = tpu.memref_slice %arg3[%multiple_of3A_161] : memref<328064xi32, #tpu.memory_space<hbm>> -> memref<64xi32, #tpu.memory_space<hbm>>
    %dma_start3A_163 = tpu.memref_slice %arg3[%multiple_of3A_161] : memref<328064xi32, #tpu.memory_space<hbm>> -> memref<64xi32, #tpu.memory_space<hbm>>
    tpu.enqueue_dma source(%dma_start3A_163 : memref<64xi32, #tpu.memory_space<hbm>>) target(%arg9 : memref<64xi32, #tpu.memory_space<vmem>>) target_semaphore(%arg30 : memref<!tpu.dma_semaphore, #tpu.memory_space<semaphore_mem>>)
    %add3A_164 = arith.constant 384 : i32
    %add3A_165 = arith.addi %mul3A_4, %add3A_164 : i32
    %multiple_of3A_166 = tpu.assume_multiple %add3A_165, 8 : i32
    %dma_start3A_167 = tpu.memref_slice %arg4[%multiple_of3A_166] : memref<328064xi32, #tpu.memory_space<hbm>> -> memref<64xi32, #tpu.memory_space<hbm>>
    %dma_start3A_168 = tpu.memref_slice %arg4[%multiple_of3A_166] : memref<328064xi32, #tpu.memory_space<hbm>> -> memref<64xi32, #tpu.memory_space<hbm>>
    tpu.enqueue_dma source(%dma_start3A_168 : memref<64xi32, #tpu.memory_space<hbm>>) target(%arg13 : memref<64xi32, #tpu.memory_space<vmem>>) target_semaphore(%arg30 : memref<!tpu.dma_semaphore, #tpu.memory_space<semaphore_mem>>)
    %scan3A = arith.constant 0 : i32
    %scan3A_169 = arith.constant 1 : i32
    %scan3A_170 = arith.constant 39 : i32
    %scan3A_171 = arith.addi %scan3A_169, %scan3A_170 : i32
    %scan3A_172 = arith.constant 1 : i32
    scf.for %scan3A_193 = %scan3A_169 to %scan3A_171 step %scan3A_172  : i32 {
      %mul3A_194 = arith.constant 4 : i32
      %mul3A_195 = arith.muli %mul3A_194, %scan3A_193 : i32
      %sub3A = arith.constant 1 : i32
      %sub3A_196 = arith.subi %mul3A_195, %sub3A : i32
      %dma_wait3A_197 = arith.constant 0 : i32
      %dma_wait3A_198 = arith.constant 0 : i32
      %dma_wait3A_199 = tpu.memref_slice %arg19[%dma_wait3A_197, %dma_wait3A_198] : memref<10240x144xf32, #tpu.memory_space<vmem_shared>> -> memref<10240x144xf32, #tpu.memory_space<vmem_shared>>
      tpu.wait_indirect_dma semaphore(%arg27 : memref<!tpu.dma_semaphore, #tpu.memory_space<semaphore_mem>>) src(%arg18 : memref<64x144xf32, #tpu.memory_space<vmem>>) dst(%dma_wait3A_199 : memref<10240x144xf32, #tpu.memory_space<vmem_shared>>)
      %dma_wait3A_200 = arith.constant 0 : i32
      %dma_wait3A_201 = arith.constant 0 : i32
      %dma_wait3A_202 = tpu.memref_slice %arg2[%dma_wait3A_200, %dma_wait3A_201] : memref<10240x144xf32, #tpu.memory_space<hbm>> -> memref<10240x144xf32, #tpu.memory_space<hbm>>
      tpu.wait_indirect_dma semaphore(%arg20 : memref<!tpu.dma_semaphore, #tpu.memory_space<semaphore_mem>>) src(%dma_wait3A_202 : memref<10240x144xf32, #tpu.memory_space<hbm>>) dst(%arg15 : memref<64x144xf32, #tpu.memory_space<vmem>>)
      %add3A_203 = arith.constant 2 : i32
      %add3A_204 = arith.addi %mul3A_195, %add3A_203 : i32
      %mul3A_205 = arith.constant 64 : i32
      %mul3A_206 = arith.muli %add3A_204, %mul3A_205 : i32
      %add3A_207 = arith.addi %mul3A_4, %mul3A_206 : i32
      %multiple_of3A_208 = tpu.assume_multiple %add3A_207, 8 : i32
      %dma_wait3A_209 = tpu.memref_slice %arg3[%multiple_of3A_208] : memref<328064xi32, #tpu.memory_space<hbm>> -> memref<64xi32, #tpu.memory_space<hbm>>
      %dma_wait3A_210 = tpu.memref_slice %arg3[%multiple_of3A_208] : memref<328064xi32, #tpu.memory_space<hbm>> -> memref<64xi32, #tpu.memory_space<hbm>>
      tpu.wait_dma2 semaphore(%arg30 : memref<!tpu.dma_semaphore, #tpu.memory_space<semaphore_mem>>) src(%dma_wait3A_210 : memref<64xi32, #tpu.memory_space<hbm>>) dst(%arg9 : memref<64xi32, #tpu.memory_space<vmem>>)
      %mul3A_211 = arith.constant 64 : i32
      %mul3A_212 = arith.muli %add3A_204, %mul3A_211 : i32
      %add3A_213 = arith.addi %mul3A_4, %mul3A_212 : i32
      %multiple_of3A_214 = tpu.assume_multiple %add3A_213, 8 : i32
      %dma_wait3A_215 = tpu.memref_slice %arg4[%multiple_of3A_214] : memref<328064xi32, #tpu.memory_space<hbm>> -> memref<64xi32, #tpu.memory_space<hbm>>
      %dma_wait3A_216 = tpu.memref_slice %arg4[%multiple_of3A_214] : memref<328064xi32, #tpu.memory_space<hbm>> -> memref<64xi32, #tpu.memory_space<hbm>>
      tpu.wait_dma2 semaphore(%arg30 : memref<!tpu.dma_semaphore, #tpu.memory_space<semaphore_mem>>) src(%dma_wait3A_216 : memref<64xi32, #tpu.memory_space<hbm>>) dst(%arg13 : memref<64xi32, #tpu.memory_space<vmem>>)
      %add3A_217 = arith.constant 2 : i32
      %add3A_218 = arith.addi %mul3A_195, %add3A_217 : i32
      %dma_start3A_219 = arith.constant 0 : i32
      %dma_start3A_220 = arith.constant 0 : i32
      %dma_start3A_221 = tpu.memref_slice %arg2[%dma_start3A_219, %dma_start3A_220] : memref<10240x144xf32, #tpu.memory_space<hbm>> -> memref<10240x144xf32, #tpu.memory_space<hbm>>
      tpu.enqueue_indirect_dma source(%dma_start3A_221 : memref<10240x144xf32, #tpu.memory_space<hbm>>) target(%arg17 : memref<64x144xf32, #tpu.memory_space<vmem>>) offsets(%arg9 : memref<64xi32, #tpu.memory_space<vmem>>) semaphore(%arg22 : memref<!tpu.dma_semaphore, #tpu.memory_space<semaphore_mem>>)
      %dma_start3A_222 = arith.constant 0 : i32
      %dma_start3A_223 = arith.constant 0 : i32
      %dma_start3A_224 = tpu.memref_slice %arg19[%dma_start3A_222, %dma_start3A_223] : memref<10240x144xf32, #tpu.memory_space<vmem_shared>> -> memref<10240x144xf32, #tpu.memory_space<vmem_shared>>
      tpu.enqueue_indirect_dma source(%arg15 : memref<64x144xf32, #tpu.memory_space<vmem>>) target(%dma_start3A_224 : memref<10240x144xf32, #tpu.memory_space<vmem_shared>>) offsets(%arg11 : memref<64xi32, #tpu.memory_space<vmem>>) semaphore(%arg24 : memref<!tpu.dma_semaphore, #tpu.memory_space<semaphore_mem>>) {add = true}
      %add3A_225 = arith.constant 3 : i32
      %add3A_226 = arith.addi %mul3A_195, %add3A_225 : i32
      %mul3A_227 = arith.constant 64 : i32
      %mul3A_228 = arith.muli %add3A_226, %mul3A_227 : i32
      %add3A_229 = arith.addi %mul3A_4, %mul3A_228 : i32
      %multiple_of3A_230 = tpu.assume_multiple %add3A_229, 8 : i32
      %dma_start3A_231 = tpu.memref_slice %arg3[%multiple_of3A_230] : memref<328064xi32, #tpu.memory_space<hbm>> -> memref<64xi32, #tpu.memory_space<hbm>>
      %dma_start3A_232 = tpu.memref_slice %arg3[%multiple_of3A_230] : memref<328064xi32, #tpu.memory_space<hbm>> -> memref<64xi32, #tpu.memory_space<hbm>>
      tpu.enqueue_dma source(%dma_start3A_232 : memref<64xi32, #tpu.memory_space<hbm>>) target(%arg10 : memref<64xi32, #tpu.memory_space<vmem>>) target_semaphore(%arg31 : memref<!tpu.dma_semaphore, #tpu.memory_space<semaphore_mem>>)
      %mul3A_233 = arith.constant 64 : i32
      %mul3A_234 = arith.muli %add3A_226, %mul3A_233 : i32
      %add3A_235 = arith.addi %mul3A_4, %mul3A_234 : i32
      %multiple_of3A_236 = tpu.assume_multiple %add3A_235, 8 : i32
      %dma_start3A_237 = tpu.memref_slice %arg4[%multiple_of3A_236] : memref<328064xi32, #tpu.memory_space<hbm>> -> memref<64xi32, #tpu.memory_space<hbm>>
      %dma_start3A_238 = tpu.memref_slice %arg4[%multiple_of3A_236] : memref<328064xi32, #tpu.memory_space<hbm>> -> memref<64xi32, #tpu.memory_space<hbm>>
      tpu.enqueue_dma source(%dma_start3A_238 : memref<64xi32, #tpu.memory_space<hbm>>) target(%arg14 : memref<64xi32, #tpu.memory_space<vmem>>) target_semaphore(%arg31 : memref<!tpu.dma_semaphore, #tpu.memory_space<semaphore_mem>>)
      %add3A_239 = arith.constant 1 : i32
      %add3A_240 = arith.addi %mul3A_195, %add3A_239 : i32
      %sub3A_241 = arith.constant 1 : i32
      %sub3A_242 = arith.subi %add3A_240, %sub3A_241 : i32
      %dma_wait3A_243 = arith.constant 0 : i32
      %dma_wait3A_244 = arith.constant 0 : i32
      %dma_wait3A_245 = tpu.memref_slice %arg19[%dma_wait3A_243, %dma_wait3A_244] : memref<10240x144xf32, #tpu.memory_space<vmem_shared>> -> memref<10240x144xf32, #tpu.memory_space<vmem_shared>>
      tpu.wait_indirect_dma semaphore(%arg24 : memref<!tpu.dma_semaphore, #tpu.memory_space<semaphore_mem>>) src(%arg15 : memref<64x144xf32, #tpu.memory_space<vmem>>) dst(%dma_wait3A_245 : memref<10240x144xf32, #tpu.memory_space<vmem_shared>>)
      %dma_wait3A_246 = arith.constant 0 : i32
      %dma_wait3A_247 = arith.constant 0 : i32
      %dma_wait3A_248 = tpu.memref_slice %arg2[%dma_wait3A_246, %dma_wait3A_247] : memref<10240x144xf32, #tpu.memory_space<hbm>> -> memref<10240x144xf32, #tpu.memory_space<hbm>>
      tpu.wait_indirect_dma semaphore(%arg21 : memref<!tpu.dma_semaphore, #tpu.memory_space<semaphore_mem>>) src(%dma_wait3A_248 : memref<10240x144xf32, #tpu.memory_space<hbm>>) dst(%arg16 : memref<64x144xf32, #tpu.memory_space<vmem>>)
      %add3A_249 = arith.constant 2 : i32
      %add3A_250 = arith.addi %add3A_240, %add3A_249 : i32
      %mul3A_251 = arith.constant 64 : i32
      %mul3A_252 = arith.muli %add3A_250, %mul3A_251 : i32
      %add3A_253 = arith.addi %mul3A_4, %mul3A_252 : i32
      %multiple_of3A_254 = tpu.assume_multiple %add3A_253, 8 : i32
      %dma_wait3A_255 = tpu.memref_slice %arg3[%multiple_of3A_254] : memref<328064xi32, #tpu.memory_space<hbm>> -> memref<64xi32, #tpu.memory_space<hbm>>
      %dma_wait3A_256 = tpu.memref_slice %arg3[%multiple_of3A_254] : memref<328064xi32, #tpu.memory_space<hbm>> -> memref<64xi32, #tpu.memory_space<hbm>>
      tpu.wait_dma2 semaphore(%arg31 : memref<!tpu.dma_semaphore, #tpu.memory_space<semaphore_mem>>) src(%dma_wait3A_256 : memref<64xi32, #tpu.memory_space<hbm>>) dst(%arg10 : memref<64xi32, #tpu.memory_space<vmem>>)
      %mul3A_257 = arith.constant 64 : i32
      %mul3A_258 = arith.muli %add3A_250, %mul3A_257 : i32
      %add3A_259 = arith.addi %mul3A_4, %mul3A_258 : i32
      %multiple_of3A_260 = tpu.assume_multiple %add3A_259, 8 : i32
      %dma_wait3A_261 = tpu.memref_slice %arg4[%multiple_of3A_260] : memref<328064xi32, #tpu.memory_space<hbm>> -> memref<64xi32, #tpu.memory_space<hbm>>
      %dma_wait3A_262 = tpu.memref_slice %arg4[%multiple_of3A_260] : memref<328064xi32, #tpu.memory_space<hbm>> -> memref<64xi32, #tpu.memory_space<hbm>>
      tpu.wait_dma2 semaphore(%arg31 : memref<!tpu.dma_semaphore, #tpu.memory_space<semaphore_mem>>) src(%dma_wait3A_262 : memref<64xi32, #tpu.memory_space<hbm>>) dst(%arg14 : memref<64xi32, #tpu.memory_space<vmem>>)
      %add3A_263 = arith.constant 2 : i32
      %add3A_264 = arith.addi %add3A_240, %add3A_263 : i32
      %dma_start3A_265 = arith.constant 0 : i32
      %dma_start3A_266 = arith.constant 0 : i32
      %dma_start3A_267 = tpu.memref_slice %arg2[%dma_start3A_265, %dma_start3A_266] : memref<10240x144xf32, #tpu.memory_space<hbm>> -> memref<10240x144xf32, #tpu.memory_space<hbm>>
      tpu.enqueue_indirect_dma source(%dma_start3A_267 : memref<10240x144xf32, #tpu.memory_space<hbm>>) target(%arg18 : memref<64x144xf32, #tpu.memory_space<vmem>>) offsets(%arg10 : memref<64xi32, #tpu.memory_space<vmem>>) semaphore(%arg23 : memref<!tpu.dma_semaphore, #tpu.memory_space<semaphore_mem>>)
      %dma_start3A_268 = arith.constant 0 : i32
      %dma_start3A_269 = arith.constant 0 : i32
      %dma_start3A_270 = tpu.memref_slice %arg19[%dma_start3A_268, %dma_start3A_269] : memref<10240x144xf32, #tpu.memory_space<vmem_shared>> -> memref<10240x144xf32, #tpu.memory_space<vmem_shared>>
      tpu.enqueue_indirect_dma source(%arg16 : memref<64x144xf32, #tpu.memory_space<vmem>>) target(%dma_start3A_270 : memref<10240x144xf32, #tpu.memory_space<vmem_shared>>) offsets(%arg12 : memref<64xi32, #tpu.memory_space<vmem>>) semaphore(%arg25 : memref<!tpu.dma_semaphore, #tpu.memory_space<semaphore_mem>>) {add = true}
      %add3A_271 = arith.constant 3 : i32
      %add3A_272 = arith.addi %add3A_240, %add3A_271 : i32
      %mul3A_273 = arith.constant 64 : i32
      %mul3A_274 = arith.muli %add3A_272, %mul3A_273 : i32
      %add3A_275 = arith.addi %mul3A_4, %mul3A_274 : i32
      %multiple_of3A_276 = tpu.assume_multiple %add3A_275, 8 : i32
      %dma_start3A_277 = tpu.memref_slice %arg3[%multiple_of3A_276] : memref<328064xi32, #tpu.memory_space<hbm>> -> memref<64xi32, #tpu.memory_space<hbm>>
      %dma_start3A_278 = tpu.memref_slice %arg3[%multiple_of3A_276] : memref<328064xi32, #tpu.memory_space<hbm>> -> memref<64xi32, #tpu.memory_space<hbm>>
      tpu.enqueue_dma source(%dma_start3A_278 : memref<64xi32, #tpu.memory_space<hbm>>) target(%arg7 : memref<64xi32, #tpu.memory_space<vmem>>) target_semaphore(%arg28 : memref<!tpu.dma_semaphore, #tpu.memory_space<semaphore_mem>>)
      %mul3A_279 = arith.constant 64 : i32
      %mul3A_280 = arith.muli %add3A_272, %mul3A_279 : i32
      %add3A_281 = arith.addi %mul3A_4, %mul3A_280 : i32
      %multiple_of3A_282 = tpu.assume_multiple %add3A_281, 8 : i32
      %dma_start3A_283 = tpu.memref_slice %arg4[%multiple_of3A_282] : memref<328064xi32, #tpu.memory_space<hbm>> -> memref<64xi32, #tpu.memory_space<hbm>>
      %dma_start3A_284 = tpu.memref_slice %arg4[%multiple_of3A_282] : memref<328064xi32, #tpu.memory_space<hbm>> -> memref<64xi32, #tpu.memory_space<hbm>>
      tpu.enqueue_dma source(%dma_start3A_284 : memref<64xi32, #tpu.memory_space<hbm>>) target(%arg11 : memref<64xi32, #tpu.memory_space<vmem>>) target_semaphore(%arg28 : memref<!tpu.dma_semaphore, #tpu.memory_space<semaphore_mem>>)
      %add3A_285 = arith.constant 2 : i32
      %add3A_286 = arith.addi %mul3A_195, %add3A_285 : i32
      %sub3A_287 = arith.constant 1 : i32
      %sub3A_288 = arith.subi %add3A_286, %sub3A_287 : i32
      %dma_wait3A_289 = arith.constant 0 : i32
      %dma_wait3A_290 = arith.constant 0 : i32
      %dma_wait3A_291 = tpu.memref_slice %arg19[%dma_wait3A_289, %dma_wait3A_290] : memref<10240x144xf32, #tpu.memory_space<vmem_shared>> -> memref<10240x144xf32, #tpu.memory_space<vmem_shared>>
      tpu.wait_indirect_dma semaphore(%arg25 : memref<!tpu.dma_semaphore, #tpu.memory_space<semaphore_mem>>) src(%arg16 : memref<64x144xf32, #tpu.memory_space<vmem>>) dst(%dma_wait3A_291 : memref<10240x144xf32, #tpu.memory_space<vmem_shared>>)
      %dma_wait3A_292 = arith.constant 0 : i32
      %dma_wait3A_293 = arith.constant 0 : i32
      %dma_wait3A_294 = tpu.memref_slice %arg2[%dma_wait3A_292, %dma_wait3A_293] : memref<10240x144xf32, #tpu.memory_space<hbm>> -> memref<10240x144xf32, #tpu.memory_space<hbm>>
      tpu.wait_indirect_dma semaphore(%arg22 : memref<!tpu.dma_semaphore, #tpu.memory_space<semaphore_mem>>) src(%dma_wait3A_294 : memref<10240x144xf32, #tpu.memory_space<hbm>>) dst(%arg17 : memref<64x144xf32, #tpu.memory_space<vmem>>)
      %add3A_295 = arith.constant 2 : i32
      %add3A_296 = arith.addi %add3A_286, %add3A_295 : i32
      %mul3A_297 = arith.constant 64 : i32
      %mul3A_298 = arith.muli %add3A_296, %mul3A_297 : i32
      %add3A_299 = arith.addi %mul3A_4, %mul3A_298 : i32
      %multiple_of3A_300 = tpu.assume_multiple %add3A_299, 8 : i32
      %dma_wait3A_301 = tpu.memref_slice %arg3[%multiple_of3A_300] : memref<328064xi32, #tpu.memory_space<hbm>> -> memref<64xi32, #tpu.memory_space<hbm>>
      %dma_wait3A_302 = tpu.memref_slice %arg3[%multiple_of3A_300] : memref<328064xi32, #tpu.memory_space<hbm>> -> memref<64xi32, #tpu.memory_space<hbm>>
      tpu.wait_dma2 semaphore(%arg28 : memref<!tpu.dma_semaphore, #tpu.memory_space<semaphore_mem>>) src(%dma_wait3A_302 : memref<64xi32, #tpu.memory_space<hbm>>) dst(%arg7 : memref<64xi32, #tpu.memory_space<vmem>>)
      %mul3A_303 = arith.constant 64 : i32
      %mul3A_304 = arith.muli %add3A_296, %mul3A_303 : i32
      %add3A_305 = arith.addi %mul3A_4, %mul3A_304 : i32
      %multiple_of3A_306 = tpu.assume_multiple %add3A_305, 8 : i32
      %dma_wait3A_307 = tpu.memref_slice %arg4[%multiple_of3A_306] : memref<328064xi32, #tpu.memory_space<hbm>> -> memref<64xi32, #tpu.memory_space<hbm>>
      %dma_wait3A_308 = tpu.memref_slice %arg4[%multiple_of3A_306] : memref<328064xi32, #tpu.memory_space<hbm>> -> memref<64xi32, #tpu.memory_space<hbm>>
      tpu.wait_dma2 semaphore(%arg28 : memref<!tpu.dma_semaphore, #tpu.memory_space<semaphore_mem>>) src(%dma_wait3A_308 : memref<64xi32, #tpu.memory_space<hbm>>) dst(%arg11 : memref<64xi32, #tpu.memory_space<vmem>>)
      %add3A_309 = arith.constant 2 : i32
      %add3A_310 = arith.addi %add3A_286, %add3A_309 : i32
      %dma_start3A_311 = arith.constant 0 : i32
      %dma_start3A_312 = arith.constant 0 : i32
      %dma_start3A_313 = tpu.memref_slice %arg2[%dma_start3A_311, %dma_start3A_312] : memref<10240x144xf32, #tpu.memory_space<hbm>> -> memref<10240x144xf32, #tpu.memory_space<hbm>>
      tpu.enqueue_indirect_dma source(%dma_start3A_313 : memref<10240x144xf32, #tpu.memory_space<hbm>>) target(%arg15 : memref<64x144xf32, #tpu.memory_space<vmem>>) offsets(%arg7 : memref<64xi32, #tpu.memory_space<vmem>>) semaphore(%arg20 : memref<!tpu.dma_semaphore, #tpu.memory_space<semaphore_mem>>)
      %dma_start3A_314 = arith.constant 0 : i32
      %dma_start3A_315 = arith.constant 0 : i32
      %dma_start3A_316 = tpu.memref_slice %arg19[%dma_start3A_314, %dma_start3A_315] : memref<10240x144xf32, #tpu.memory_space<vmem_shared>> -> memref<10240x144xf32, #tpu.memory_space<vmem_shared>>
      tpu.enqueue_indirect_dma source(%arg17 : memref<64x144xf32, #tpu.memory_space<vmem>>) target(%dma_start3A_316 : memref<10240x144xf32, #tpu.memory_space<vmem_shared>>) offsets(%arg13 : memref<64xi32, #tpu.memory_space<vmem>>) semaphore(%arg26 : memref<!tpu.dma_semaphore, #tpu.memory_space<semaphore_mem>>) {add = true}
      %add3A_317 = arith.constant 3 : i32
      %add3A_318 = arith.addi %add3A_286, %add3A_317 : i32
      %mul3A_319 = arith.constant 64 : i32
      %mul3A_320 = arith.muli %add3A_318, %mul3A_319 : i32
      %add3A_321 = arith.addi %mul3A_4, %mul3A_320 : i32
      %multiple_of3A_322 = tpu.assume_multiple %add3A_321, 8 : i32
      %dma_start3A_323 = tpu.memref_slice %arg3[%multiple_of3A_322] : memref<328064xi32, #tpu.memory_space<hbm>> -> memref<64xi32, #tpu.memory_space<hbm>>
      %dma_start3A_324 = tpu.memref_slice %arg3[%multiple_of3A_322] : memref<328064xi32, #tpu.memory_space<hbm>> -> memref<64xi32, #tpu.memory_space<hbm>>
      tpu.enqueue_dma source(%dma_start3A_324 : memref<64xi32, #tpu.memory_space<hbm>>) target(%arg8 : memref<64xi32, #tpu.memory_space<vmem>>) target_semaphore(%arg29 : memref<!tpu.dma_semaphore, #tpu.memory_space<semaphore_mem>>)
      %mul3A_325 = arith.constant 64 : i32
      %mul3A_326 = arith.muli %add3A_318, %mul3A_325 : i32
      %add3A_327 = arith.addi %mul3A_4, %mul3A_326 : i32
      %multiple_of3A_328 = tpu.assume_multiple %add3A_327, 8 : i32
      %dma_start3A_329 = tpu.memref_slice %arg4[%multiple_of3A_328] : memref<328064xi32, #tpu.memory_space<hbm>> -> memref<64xi32, #tpu.memory_space<hbm>>
      %dma_start3A_330 = tpu.memref_slice %arg4[%multiple_of3A_328] : memref<328064xi32, #tpu.memory_space<hbm>> -> memref<64xi32, #tpu.memory_space<hbm>>
      tpu.enqueue_dma source(%dma_start3A_330 : memref<64xi32, #tpu.memory_space<hbm>>) target(%arg12 : memref<64xi32, #tpu.memory_space<vmem>>) target_semaphore(%arg29 : memref<!tpu.dma_semaphore, #tpu.memory_space<semaphore_mem>>)
      %add3A_331 = arith.constant 3 : i32
      %add3A_332 = arith.addi %mul3A_195, %add3A_331 : i32
      %sub3A_333 = arith.constant 1 : i32
      %sub3A_334 = arith.subi %add3A_332, %sub3A_333 : i32
      %dma_wait3A_335 = arith.constant 0 : i32
      %dma_wait3A_336 = arith.constant 0 : i32
      %dma_wait3A_337 = tpu.memref_slice %arg19[%dma_wait3A_335, %dma_wait3A_336] : memref<10240x144xf32, #tpu.memory_space<vmem_shared>> -> memref<10240x144xf32, #tpu.memory_space<vmem_shared>>
      tpu.wait_indirect_dma semaphore(%arg26 : memref<!tpu.dma_semaphore, #tpu.memory_space<semaphore_mem>>) src(%arg17 : memref<64x144xf32, #tpu.memory_space<vmem>>) dst(%dma_wait3A_337 : memref<10240x144xf32, #tpu.memory_space<vmem_shared>>)
      %dma_wait3A_338 = arith.constant 0 : i32
      %dma_wait3A_339 = arith.constant 0 : i32
      %dma_wait3A_340 = tpu.memref_slice %arg2[%dma_wait3A_338, %dma_wait3A_339] : memref<10240x144xf32, #tpu.memory_space<hbm>> -> memref<10240x144xf32, #tpu.memory_space<hbm>>
      tpu.wait_indirect_dma semaphore(%arg23 : memref<!tpu.dma_semaphore, #tpu.memory_space<semaphore_mem>>) src(%dma_wait3A_340 : memref<10240x144xf32, #tpu.memory_space<hbm>>) dst(%arg18 : memref<64x144xf32, #tpu.memory_space<vmem>>)
      %add3A_341 = arith.constant 2 : i32
      %add3A_342 = arith.addi %add3A_332, %add3A_341 : i32
      %mul3A_343 = arith.constant 64 : i32
      %mul3A_344 = arith.muli %add3A_342, %mul3A_343 : i32
      %add3A_345 = arith.addi %mul3A_4, %mul3A_344 : i32
      %multiple_of3A_346 = tpu.assume_multiple %add3A_345, 8 : i32
      %dma_wait3A_347 = tpu.memref_slice %arg3[%multiple_of3A_346] : memref<328064xi32, #tpu.memory_space<hbm>> -> memref<64xi32, #tpu.memory_space<hbm>>
      %dma_wait3A_348 = tpu.memref_slice %arg3[%multiple_of3A_346] : memref<328064xi32, #tpu.memory_space<hbm>> -> memref<64xi32, #tpu.memory_space<hbm>>
      tpu.wait_dma2 semaphore(%arg29 : memref<!tpu.dma_semaphore, #tpu.memory_space<semaphore_mem>>) src(%dma_wait3A_348 : memref<64xi32, #tpu.memory_space<hbm>>) dst(%arg8 : memref<64xi32, #tpu.memory_space<vmem>>)
      %mul3A_349 = arith.constant 64 : i32
      %mul3A_350 = arith.muli %add3A_342, %mul3A_349 : i32
      %add3A_351 = arith.addi %mul3A_4, %mul3A_350 : i32
      %multiple_of3A_352 = tpu.assume_multiple %add3A_351, 8 : i32
      %dma_wait3A_353 = tpu.memref_slice %arg4[%multiple_of3A_352] : memref<328064xi32, #tpu.memory_space<hbm>> -> memref<64xi32, #tpu.memory_space<hbm>>
      %dma_wait3A_354 = tpu.memref_slice %arg4[%multiple_of3A_352] : memref<328064xi32, #tpu.memory_space<hbm>> -> memref<64xi32, #tpu.memory_space<hbm>>
      tpu.wait_dma2 semaphore(%arg29 : memref<!tpu.dma_semaphore, #tpu.memory_space<semaphore_mem>>) src(%dma_wait3A_354 : memref<64xi32, #tpu.memory_space<hbm>>) dst(%arg12 : memref<64xi32, #tpu.memory_space<vmem>>)
      %add3A_355 = arith.constant 2 : i32
      %add3A_356 = arith.addi %add3A_332, %add3A_355 : i32
      %dma_start3A_357 = arith.constant 0 : i32
      %dma_start3A_358 = arith.constant 0 : i32
      %dma_start3A_359 = tpu.memref_slice %arg2[%dma_start3A_357, %dma_start3A_358] : memref<10240x144xf32, #tpu.memory_space<hbm>> -> memref<10240x144xf32, #tpu.memory_space<hbm>>
      tpu.enqueue_indirect_dma source(%dma_start3A_359 : memref<10240x144xf32, #tpu.memory_space<hbm>>) target(%arg16 : memref<64x144xf32, #tpu.memory_space<vmem>>) offsets(%arg8 : memref<64xi32, #tpu.memory_space<vmem>>) semaphore(%arg21 : memref<!tpu.dma_semaphore, #tpu.memory_space<semaphore_mem>>)
      %dma_start3A_360 = arith.constant 0 : i32
      %dma_start3A_361 = arith.constant 0 : i32
      %dma_start3A_362 = tpu.memref_slice %arg19[%dma_start3A_360, %dma_start3A_361] : memref<10240x144xf32, #tpu.memory_space<vmem_shared>> -> memref<10240x144xf32, #tpu.memory_space<vmem_shared>>
      tpu.enqueue_indirect_dma source(%arg18 : memref<64x144xf32, #tpu.memory_space<vmem>>) target(%dma_start3A_362 : memref<10240x144xf32, #tpu.memory_space<vmem_shared>>) offsets(%arg14 : memref<64xi32, #tpu.memory_space<vmem>>) semaphore(%arg27 : memref<!tpu.dma_semaphore, #tpu.memory_space<semaphore_mem>>) {add = true}
      %add3A_363 = arith.constant 3 : i32
      %add3A_364 = arith.addi %add3A_332, %add3A_363 : i32
      %mul3A_365 = arith.constant 64 : i32
      %mul3A_366 = arith.muli %add3A_364, %mul3A_365 : i32
      %add3A_367 = arith.addi %mul3A_4, %mul3A_366 : i32
      %multiple_of3A_368 = tpu.assume_multiple %add3A_367, 8 : i32
      %dma_start3A_369 = tpu.memref_slice %arg3[%multiple_of3A_368] : memref<328064xi32, #tpu.memory_space<hbm>> -> memref<64xi32, #tpu.memory_space<hbm>>
      %dma_start3A_370 = tpu.memref_slice %arg3[%multiple_of3A_368] : memref<328064xi32, #tpu.memory_space<hbm>> -> memref<64xi32, #tpu.memory_space<hbm>>
      tpu.enqueue_dma source(%dma_start3A_370 : memref<64xi32, #tpu.memory_space<hbm>>) target(%arg9 : memref<64xi32, #tpu.memory_space<vmem>>) target_semaphore(%arg30 : memref<!tpu.dma_semaphore, #tpu.memory_space<semaphore_mem>>)
      %mul3A_371 = arith.constant 64 : i32
      %mul3A_372 = arith.muli %add3A_364, %mul3A_371 : i32
      %add3A_373 = arith.addi %mul3A_4, %mul3A_372 : i32
      %multiple_of3A_374 = tpu.assume_multiple %add3A_373, 8 : i32
      %dma_start3A_375 = tpu.memref_slice %arg4[%multiple_of3A_374] : memref<328064xi32, #tpu.memory_space<hbm>> -> memref<64xi32, #tpu.memory_space<hbm>>
      %dma_start3A_376 = tpu.memref_slice %arg4[%multiple_of3A_374] : memref<328064xi32, #tpu.memory_space<hbm>> -> memref<64xi32, #tpu.memory_space<hbm>>
      tpu.enqueue_dma source(%dma_start3A_376 : memref<64xi32, #tpu.memory_space<hbm>>) target(%arg13 : memref<64xi32, #tpu.memory_space<vmem>>) target_semaphore(%arg30 : memref<!tpu.dma_semaphore, #tpu.memory_space<semaphore_mem>>)
    }
    %scan3A_173 = arith.constant 39 : i32
    %dma_wait3A_174 = arith.constant 0 : i32
    %dma_wait3A_175 = arith.constant 0 : i32
    %dma_wait3A_176 = tpu.memref_slice %arg19[%dma_wait3A_174, %dma_wait3A_175] : memref<10240x144xf32, #tpu.memory_space<vmem_shared>> -> memref<10240x144xf32, #tpu.memory_space<vmem_shared>>
    tpu.wait_indirect_dma semaphore(%arg27 : memref<!tpu.dma_semaphore, #tpu.memory_space<semaphore_mem>>) src(%arg18 : memref<64x144xf32, #tpu.memory_space<vmem>>) dst(%dma_wait3A_176 : memref<10240x144xf32, #tpu.memory_space<vmem_shared>>)
    %dma_wait3A_177 = arith.constant 0 : i32
    %dma_wait3A_178 = arith.constant 0 : i32
    %dma_wait3A_179 = tpu.memref_slice %arg2[%dma_wait3A_177, %dma_wait3A_178] : memref<10240x144xf32, #tpu.memory_space<hbm>> -> memref<10240x144xf32, #tpu.memory_space<hbm>>
    tpu.wait_indirect_dma semaphore(%arg20 : memref<!tpu.dma_semaphore, #tpu.memory_space<semaphore_mem>>) src(%dma_wait3A_179 : memref<10240x144xf32, #tpu.memory_space<hbm>>) dst(%arg15 : memref<64x144xf32, #tpu.memory_space<vmem>>)
    %dma_wait3A_180 = arith.constant 0 : i32
    %dma_wait3A_181 = arith.constant 0 : i32
    %dma_wait3A_182 = tpu.memref_slice %arg2[%dma_wait3A_180, %dma_wait3A_181] : memref<10240x144xf32, #tpu.memory_space<hbm>> -> memref<10240x144xf32, #tpu.memory_space<hbm>>
    tpu.wait_indirect_dma semaphore(%arg21 : memref<!tpu.dma_semaphore, #tpu.memory_space<semaphore_mem>>) src(%dma_wait3A_182 : memref<10240x144xf32, #tpu.memory_space<hbm>>) dst(%arg16 : memref<64x144xf32, #tpu.memory_space<vmem>>)
    %add3A_183 = arith.constant 10368 : i32
    %add3A_184 = arith.addi %mul3A_4, %add3A_183 : i32
    %multiple_of3A_185 = tpu.assume_multiple %add3A_184, 8 : i32
    %dma_wait3A_186 = tpu.memref_slice %arg3[%multiple_of3A_185] : memref<328064xi32, #tpu.memory_space<hbm>> -> memref<64xi32, #tpu.memory_space<hbm>>
    %dma_wait3A_187 = tpu.memref_slice %arg3[%multiple_of3A_185] : memref<328064xi32, #tpu.memory_space<hbm>> -> memref<64xi32, #tpu.memory_space<hbm>>
    tpu.wait_dma2 semaphore(%arg30 : memref<!tpu.dma_semaphore, #tpu.memory_space<semaphore_mem>>) src(%dma_wait3A_187 : memref<64xi32, #tpu.memory_space<hbm>>) dst(%arg9 : memref<64xi32, #tpu.memory_space<vmem>>)
    %add3A_188 = arith.constant 10368 : i32
    %add3A_189 = arith.addi %mul3A_4, %add3A_188 : i32
    %multiple_of3A_190 = tpu.assume_multiple %add3A_189, 8 : i32
    %dma_wait3A_191 = tpu.memref_slice %arg4[%multiple_of3A_190] : memref<328064xi32, #tpu.memory_space<hbm>> -> memref<64xi32, #tpu.memory_space<hbm>>
    %dma_wait3A_192 = tpu.memref_slice %arg4[%multiple_of3A_190] : memref<328064xi32, #tpu.memory_space<hbm>> -> memref<64xi32, #tpu.memory_space<hbm>>
    tpu.wait_dma2 semaphore(%arg30 : memref<!tpu.dma_semaphore, #tpu.memory_space<semaphore_mem>>) src(%dma_wait3A_192 : memref<64xi32, #tpu.memory_space<hbm>>) dst(%arg13 : memref<64xi32, #tpu.memory_space<vmem>>)
    %barrier3A = arith.constant 0 : index
    tpu.barrier barrier_id(%barrier3A)
    "tpu.region"() ({
      %run_scoped3A = tpu.sem_alloc : memref<!tpu.dma_semaphore, #tpu.memory_space<semaphore_mem>>
      %dma_start3A_193 = arith.constant 0 : i32
      %dma_start3A_194 = tpu.memref_slice %arg6[%arg0, %mul3A_2, %dma_start3A_193] : memref<2x10240x144xf32, #tpu.memory_space<hbm>> -> memref<1x640x144xf32, #tpu.memory_space<hbm>>
      %dma_start3A_195 = tpu.memref_squeeze %dma_start3A_194 : memref<1x640x144xf32, #tpu.memory_space<hbm>> -> memref<640x144xf32, #tpu.memory_space<hbm>>
      %dma_start3A_196 = arith.constant 0 : i32
      %dma_start3A_197 = tpu.memref_slice %arg19[%mul3A_2, %dma_start3A_196] : memref<10240x144xf32, #tpu.memory_space<vmem_shared>> -> memref<640x144xf32, #tpu.memory_space<vmem_shared>>
      tpu.enqueue_dma source(%dma_start3A_197 : memref<640x144xf32, #tpu.memory_space<vmem_shared>>) target(%dma_start3A_195 : memref<640x144xf32, #tpu.memory_space<hbm>>) target_semaphore(%run_scoped3A : memref<!tpu.dma_semaphore, #tpu.memory_space<semaphore_mem>>)
      %dma_wait3A_198 = arith.constant 0 : i32
      %dma_wait3A_199 = tpu.memref_slice %arg6[%arg0, %mul3A_2, %dma_wait3A_198] : memref<2x10240x144xf32, #tpu.memory_space<hbm>> -> memref<1x640x144xf32, #tpu.memory_space<hbm>>
      %dma_wait3A_200 = tpu.memref_squeeze %dma_wait3A_199 : memref<1x640x144xf32, #tpu.memory_space<hbm>> -> memref<640x144xf32, #tpu.memory_space<hbm>>
      %dma_wait3A_201 = arith.constant 0 : i32
      %dma_wait3A_202 = tpu.memref_slice %arg19[%mul3A_2, %dma_wait3A_201] : memref<10240x144xf32, #tpu.memory_space<vmem_shared>> -> memref<640x144xf32, #tpu.memory_space<vmem_shared>>
      tpu.wait_dma2 semaphore(%run_scoped3A : memref<!tpu.dma_semaphore, #tpu.memory_space<semaphore_mem>>) src(%dma_wait3A_202 : memref<640x144xf32, #tpu.memory_space<vmem_shared>>) dst(%dma_wait3A_200 : memref<640x144xf32, #tpu.memory_space<hbm>>)
      tpu.yield
    }) : () -> ()
    return
  }
}

#map = affine_map<(d0, d1) -> (0, 0)>
#map1 = affine_map<(d0, d1) -> (0)>
#map2 = affine_map<(d0, d1) -> (0, 0, 0)>
module attributes {stable_mosaic.version = 14 : i64} {
  func.func @_sc_ea_body(%arg0: i32, %arg1: i32, %arg2: memref<320000x16xf32, #tpu.memory_space<hbm>>, %arg3: memref<10624x16xf32, #tpu.memory_space<hbm>>, %arg4: memref<328064xi32, #tpu.memory_space<hbm>>, %arg5: memref<10240x16xf32, #tpu.memory_space<hbm>>, %arg6: memref<2x10240x16xf32, #tpu.memory_space<hbm>>, %arg7: memref<128xi32, #tpu.memory_space<vmem>>, %arg8: memref<128xi32, #tpu.memory_space<vmem>>, %arg9: memref<128x16xf32, #tpu.memory_space<vmem>>, %arg10: memref<128x16xf32, #tpu.memory_space<vmem>>, %arg11: memref<10240x16xf32, #tpu.memory_space<vmem_shared>>, %arg12: memref<!tpu.dma_semaphore, #tpu.memory_space<semaphore_mem>>, %arg13: memref<!tpu.dma_semaphore, #tpu.memory_space<semaphore_mem>>, %arg14: memref<!tpu.dma_semaphore, #tpu.memory_space<semaphore_mem>>, %arg15: memref<!tpu.dma_semaphore, #tpu.memory_space<semaphore_mem>>) attributes {dimension_semantics = [#tpu.dimension_semantics<core_parallel>, #tpu.dimension_semantics<subcore_parallel>], iteration_bounds = array<i64: 2, 16>, scalar_prefetch = 0 : i64, scratch_operands = 9 : i64, tpu.core_type = #tpu.core_type<sc_vector_subcore>, window_params = [{transform_indices = #map}, {transform_indices = #map}, {transform_indices = #map1}, {transform_indices = #map}, {transform_indices = #map2}]} {
    %mul3A = arith.constant 2 : i32
    %mul3A_0 = arith.muli %arg1, %mul3A : i32
    %add3A = arith.addi %mul3A_0, %arg0 : i32
    %mul3A_1 = arith.constant 640 : i32
    %mul3A_2 = arith.muli %arg1, %mul3A_1 : i32
    "tpu.region"() ({
      %run_scoped3A = tpu.sem_alloc : memref<!tpu.dma_semaphore, #tpu.memory_space<semaphore_mem>>
      %dma_start3A_34 = arith.constant 0 : i32
      %dma_start3A_35 = tpu.memref_slice %arg11[%mul3A_2, %dma_start3A_34] : memref<10240x16xf32, #tpu.memory_space<vmem_shared>> -> memref<640x16xf32, #tpu.memory_space<vmem_shared>>
      %dma_start3A_36 = arith.constant 0 : i32
      %dma_start3A_37 = tpu.memref_slice %arg5[%mul3A_2, %dma_start3A_36] : memref<10240x16xf32, #tpu.memory_space<hbm>> -> memref<640x16xf32, #tpu.memory_space<hbm>>
      tpu.enqueue_dma source(%dma_start3A_37 : memref<640x16xf32, #tpu.memory_space<hbm>>) target(%dma_start3A_35 : memref<640x16xf32, #tpu.memory_space<vmem_shared>>) target_semaphore(%run_scoped3A : memref<!tpu.dma_semaphore, #tpu.memory_space<semaphore_mem>>)
      %dma_wait3A_38 = arith.constant 0 : i32
      %dma_wait3A_39 = tpu.memref_slice %arg11[%mul3A_2, %dma_wait3A_38] : memref<10240x16xf32, #tpu.memory_space<vmem_shared>> -> memref<640x16xf32, #tpu.memory_space<vmem_shared>>
      %dma_wait3A_40 = arith.constant 0 : i32
      %dma_wait3A_41 = tpu.memref_slice %arg5[%mul3A_2, %dma_wait3A_40] : memref<10240x16xf32, #tpu.memory_space<hbm>> -> memref<640x16xf32, #tpu.memory_space<hbm>>
      tpu.wait_dma2 semaphore(%run_scoped3A : memref<!tpu.dma_semaphore, #tpu.memory_space<semaphore_mem>>) src(%dma_wait3A_41 : memref<640x16xf32, #tpu.memory_space<hbm>>) dst(%dma_wait3A_39 : memref<640x16xf32, #tpu.memory_space<vmem_shared>>)
      tpu.yield
    }) : () -> ()
    %mul3A_3 = arith.constant 10240 : i32
    %mul3A_4 = arith.muli %add3A, %mul3A_3 : i32
    %eq3A = arith.constant 31 : i32
    %eq3A_5 = arith.cmpi eq, %add3A, %eq3A : i32
    %add3A_6 = arith.constant 0 : i32
    %add3A_7 = arith.addi %mul3A_4, %add3A_6 : i32
    %multiple_of3A = tpu.assume_multiple %add3A_7, 8 : i32
    "tpu.region"() ({
      %run_scoped3A = tpu.sem_alloc : memref<!tpu.dma_semaphore, #tpu.memory_space<semaphore_mem>>
      %dma_start3A_34 = tpu.memref_slice %arg4[%multiple_of3A] : memref<328064xi32, #tpu.memory_space<hbm>> -> memref<128xi32, #tpu.memory_space<hbm>>
      %dma_start3A_35 = tpu.memref_slice %arg4[%multiple_of3A] : memref<328064xi32, #tpu.memory_space<hbm>> -> memref<128xi32, #tpu.memory_space<hbm>>
      tpu.enqueue_dma source(%dma_start3A_35 : memref<128xi32, #tpu.memory_space<hbm>>) target(%arg7 : memref<128xi32, #tpu.memory_space<vmem>>) target_semaphore(%run_scoped3A : memref<!tpu.dma_semaphore, #tpu.memory_space<semaphore_mem>>)
      %dma_wait3A_36 = tpu.memref_slice %arg4[%multiple_of3A] : memref<328064xi32, #tpu.memory_space<hbm>> -> memref<128xi32, #tpu.memory_space<hbm>>
      %dma_wait3A_37 = tpu.memref_slice %arg4[%multiple_of3A] : memref<328064xi32, #tpu.memory_space<hbm>> -> memref<128xi32, #tpu.memory_space<hbm>>
      tpu.wait_dma2 semaphore(%run_scoped3A : memref<!tpu.dma_semaphore, #tpu.memory_space<semaphore_mem>>) src(%dma_wait3A_37 : memref<128xi32, #tpu.memory_space<hbm>>) dst(%arg7 : memref<128xi32, #tpu.memory_space<vmem>>)
      tpu.yield
    }) : () -> ()
    %convert_element_type3A = arith.extui %eq3A_5 : i1 to i32
    %cond3A = arith.constant 0 : i32
    %cond3A_8 = arith.cmpi ne, %convert_element_type3A, %cond3A : i32
    scf.if %cond3A_8 {
      %multiple_of3A_34 = arith.constant 0 : i32
      %multiple_of3A_35 = tpu.assume_multiple %multiple_of3A_34, 8 : i32
      %dma_start3A_36 = arith.constant 0 : i32
      %dma_start3A_37 = tpu.memref_slice %arg3[%multiple_of3A_35, %dma_start3A_36] : memref<10624x16xf32, #tpu.memory_space<hbm>> -> memref<128x16xf32, #tpu.memory_space<hbm>>
      %dma_start3A_38 = arith.constant 0 : i32
      %dma_start3A_39 = tpu.memref_slice %arg3[%multiple_of3A_35, %dma_start3A_38] : memref<10624x16xf32, #tpu.memory_space<hbm>> -> memref<128x16xf32, #tpu.memory_space<hbm>>
      tpu.enqueue_dma source(%dma_start3A_39 : memref<128x16xf32, #tpu.memory_space<hbm>>) target(%arg9 : memref<128x16xf32, #tpu.memory_space<vmem>>) target_semaphore(%arg12 : memref<!tpu.dma_semaphore, #tpu.memory_space<semaphore_mem>>)
    } else {
    }
    %not3A = arith.constant true
    %not3A_9 = arith.xori %eq3A_5, %not3A : i1
    %convert_element_type3A_10 = arith.extui %not3A_9 : i1 to i32
    %cond3A_11 = arith.constant 0 : i32
    %cond3A_12 = arith.cmpi ne, %convert_element_type3A_10, %cond3A_11 : i32
    scf.if %cond3A_12 {
      %add3A_34 = arith.constant 0 : i32
      %add3A_35 = arith.addi %mul3A_4, %add3A_34 : i32
      %multiple_of3A_36 = tpu.assume_multiple %add3A_35, 8 : i32
      %dma_start3A_37 = arith.constant 0 : i32
      %dma_start3A_38 = tpu.memref_slice %arg2[%multiple_of3A_36, %dma_start3A_37] : memref<320000x16xf32, #tpu.memory_space<hbm>> -> memref<128x16xf32, #tpu.memory_space<hbm>>
      %dma_start3A_39 = arith.constant 0 : i32
      %dma_start3A_40 = tpu.memref_slice %arg2[%multiple_of3A_36, %dma_start3A_39] : memref<320000x16xf32, #tpu.memory_space<hbm>> -> memref<128x16xf32, #tpu.memory_space<hbm>>
      tpu.enqueue_dma source(%dma_start3A_40 : memref<128x16xf32, #tpu.memory_space<hbm>>) target(%arg9 : memref<128x16xf32, #tpu.memory_space<vmem>>) target_semaphore(%arg12 : memref<!tpu.dma_semaphore, #tpu.memory_space<semaphore_mem>>)
    } else {
    }
    %add3A_13 = arith.constant 128 : i32
    %add3A_14 = arith.addi %mul3A_4, %add3A_13 : i32
    %multiple_of3A_15 = tpu.assume_multiple %add3A_14, 8 : i32
    %dma_start3A = tpu.memref_slice %arg4[%multiple_of3A_15] : memref<328064xi32, #tpu.memory_space<hbm>> -> memref<128xi32, #tpu.memory_space<hbm>>
    %dma_start3A_16 = tpu.memref_slice %arg4[%multiple_of3A_15] : memref<328064xi32, #tpu.memory_space<hbm>> -> memref<128xi32, #tpu.memory_space<hbm>>
    tpu.enqueue_dma source(%dma_start3A_16 : memref<128xi32, #tpu.memory_space<hbm>>) target(%arg8 : memref<128xi32, #tpu.memory_space<vmem>>) target_semaphore(%arg15 : memref<!tpu.dma_semaphore, #tpu.memory_space<semaphore_mem>>)
    %scan3A = arith.constant 0 : i32
    %scan3A_17 = arith.constant 0 : i32
    %scan3A_18 = arith.constant 40 : i32
    %scan3A_19 = arith.addi %scan3A_17, %scan3A_18 : i32
    %scan3A_20 = arith.constant 1 : i32
    scf.for %scan3A_34 = %scan3A_17 to %scan3A_19 step %scan3A_20  : i32 {
      %mul3A_35 = arith.constant 2 : i32
      %mul3A_36 = arith.muli %mul3A_35, %scan3A_34 : i32
      %convert_element_type3A_37 = arith.extui %eq3A_5 : i1 to i32
      %cond3A_38 = arith.constant 0 : i32
      %cond3A_39 = arith.cmpi ne, %convert_element_type3A_37, %cond3A_38 : i32
      scf.if %cond3A_39 {
        %mul3A_109 = arith.constant 128 : i32
        %mul3A_110 = arith.muli %mul3A_36, %mul3A_109 : i32
        %multiple_of3A_111 = tpu.assume_multiple %mul3A_110, 8 : i32
        %dma_wait3A_112 = arith.constant 0 : i32
        %dma_wait3A_113 = tpu.memref_slice %arg3[%multiple_of3A_111, %dma_wait3A_112] : memref<10624x16xf32, #tpu.memory_space<hbm>> -> memref<128x16xf32, #tpu.memory_space<hbm>>
        %dma_wait3A_114 = arith.constant 0 : i32
        %dma_wait3A_115 = tpu.memref_slice %arg3[%multiple_of3A_111, %dma_wait3A_114] : memref<10624x16xf32, #tpu.memory_space<hbm>> -> memref<128x16xf32, #tpu.memory_space<hbm>>
        tpu.wait_dma2 semaphore(%arg12 : memref<!tpu.dma_semaphore, #tpu.memory_space<semaphore_mem>>) src(%dma_wait3A_115 : memref<128x16xf32, #tpu.memory_space<hbm>>) dst(%arg9 : memref<128x16xf32, #tpu.memory_space<vmem>>)
      } else {
      }
      %not3A_40 = arith.constant true
      %not3A_41 = arith.xori %eq3A_5, %not3A_40 : i1
      %convert_element_type3A_42 = arith.extui %not3A_41 : i1 to i32
      %cond3A_43 = arith.constant 0 : i32
      %cond3A_44 = arith.cmpi ne, %convert_element_type3A_42, %cond3A_43 : i32
      scf.if %cond3A_44 {
        %mul3A_109 = arith.constant 128 : i32
        %mul3A_110 = arith.muli %mul3A_36, %mul3A_109 : i32
        %add3A_111 = arith.addi %mul3A_4, %mul3A_110 : i32
        %multiple_of3A_112 = tpu.assume_multiple %add3A_111, 8 : i32
        %dma_wait3A_113 = arith.constant 0 : i32
        %dma_wait3A_114 = tpu.memref_slice %arg2[%multiple_of3A_112, %dma_wait3A_113] : memref<320000x16xf32, #tpu.memory_space<hbm>> -> memref<128x16xf32, #tpu.memory_space<hbm>>
        %dma_wait3A_115 = arith.constant 0 : i32
        %dma_wait3A_116 = tpu.memref_slice %arg2[%multiple_of3A_112, %dma_wait3A_115] : memref<320000x16xf32, #tpu.memory_space<hbm>> -> memref<128x16xf32, #tpu.memory_space<hbm>>
        tpu.wait_dma2 semaphore(%arg12 : memref<!tpu.dma_semaphore, #tpu.memory_space<semaphore_mem>>) src(%dma_wait3A_116 : memref<128x16xf32, #tpu.memory_space<hbm>>) dst(%arg9 : memref<128x16xf32, #tpu.memory_space<vmem>>)
      } else {
      }
      %add3A_45 = arith.constant 1 : i32
      %add3A_46 = arith.addi %mul3A_36, %add3A_45 : i32
      %mul3A_47 = arith.constant 128 : i32
      %mul3A_48 = arith.muli %add3A_46, %mul3A_47 : i32
      %add3A_49 = arith.addi %mul3A_4, %mul3A_48 : i32
      %multiple_of3A_50 = tpu.assume_multiple %add3A_49, 8 : i32
      %dma_wait3A_51 = tpu.memref_slice %arg4[%multiple_of3A_50] : memref<328064xi32, #tpu.memory_space<hbm>> -> memref<128xi32, #tpu.memory_space<hbm>>
      %dma_wait3A_52 = tpu.memref_slice %arg4[%multiple_of3A_50] : memref<328064xi32, #tpu.memory_space<hbm>> -> memref<128xi32, #tpu.memory_space<hbm>>
      tpu.wait_dma2 semaphore(%arg15 : memref<!tpu.dma_semaphore, #tpu.memory_space<semaphore_mem>>) src(%dma_wait3A_52 : memref<128xi32, #tpu.memory_space<hbm>>) dst(%arg8 : memref<128xi32, #tpu.memory_space<vmem>>)
      %add3A_53 = arith.constant 1 : i32
      %add3A_54 = arith.addi %mul3A_36, %add3A_53 : i32
      %convert_element_type3A_55 = arith.extui %eq3A_5 : i1 to i32
      %cond3A_56 = arith.constant 0 : i32
      %cond3A_57 = arith.cmpi ne, %convert_element_type3A_55, %cond3A_56 : i32
      scf.if %cond3A_57 {
        %mul3A_109 = arith.constant 128 : i32
        %mul3A_110 = arith.muli %add3A_54, %mul3A_109 : i32
        %multiple_of3A_111 = tpu.assume_multiple %mul3A_110, 8 : i32
        %dma_start3A_112 = arith.constant 0 : i32
        %dma_start3A_113 = tpu.memref_slice %arg3[%multiple_of3A_111, %dma_start3A_112] : memref<10624x16xf32, #tpu.memory_space<hbm>> -> memref<128x16xf32, #tpu.memory_space<hbm>>
        %dma_start3A_114 = arith.constant 0 : i32
        %dma_start3A_115 = tpu.memref_slice %arg3[%multiple_of3A_111, %dma_start3A_114] : memref<10624x16xf32, #tpu.memory_space<hbm>> -> memref<128x16xf32, #tpu.memory_space<hbm>>
        tpu.enqueue_dma source(%dma_start3A_115 : memref<128x16xf32, #tpu.memory_space<hbm>>) target(%arg10 : memref<128x16xf32, #tpu.memory_space<vmem>>) target_semaphore(%arg13 : memref<!tpu.dma_semaphore, #tpu.memory_space<semaphore_mem>>)
      } else {
      }
      %not3A_58 = arith.constant true
      %not3A_59 = arith.xori %eq3A_5, %not3A_58 : i1
      %convert_element_type3A_60 = arith.extui %not3A_59 : i1 to i32
      %cond3A_61 = arith.constant 0 : i32
      %cond3A_62 = arith.cmpi ne, %convert_element_type3A_60, %cond3A_61 : i32
      scf.if %cond3A_62 {
        %mul3A_109 = arith.constant 128 : i32
        %mul3A_110 = arith.muli %add3A_54, %mul3A_109 : i32
        %add3A_111 = arith.addi %mul3A_4, %mul3A_110 : i32
        %multiple_of3A_112 = tpu.assume_multiple %add3A_111, 8 : i32
        %dma_start3A_113 = arith.constant 0 : i32
        %dma_start3A_114 = tpu.memref_slice %arg2[%multiple_of3A_112, %dma_start3A_113] : memref<320000x16xf32, #tpu.memory_space<hbm>> -> memref<128x16xf32, #tpu.memory_space<hbm>>
        %dma_start3A_115 = arith.constant 0 : i32
        %dma_start3A_116 = tpu.memref_slice %arg2[%multiple_of3A_112, %dma_start3A_115] : memref<320000x16xf32, #tpu.memory_space<hbm>> -> memref<128x16xf32, #tpu.memory_space<hbm>>
        tpu.enqueue_dma source(%dma_start3A_116 : memref<128x16xf32, #tpu.memory_space<hbm>>) target(%arg10 : memref<128x16xf32, #tpu.memory_space<vmem>>) target_semaphore(%arg13 : memref<!tpu.dma_semaphore, #tpu.memory_space<semaphore_mem>>)
      } else {
      }
      "tpu.region"() ({
        %run_scoped3A = tpu.sem_alloc : memref<!tpu.dma_semaphore, #tpu.memory_space<semaphore_mem>>
        %dma_start3A_109 = arith.constant 0 : i32
        %dma_start3A_110 = arith.constant 0 : i32
        %dma_start3A_111 = tpu.memref_slice %arg11[%dma_start3A_109, %dma_start3A_110] : memref<10240x16xf32, #tpu.memory_space<vmem_shared>> -> memref<10240x16xf32, #tpu.memory_space<vmem_shared>>
        tpu.enqueue_indirect_dma source(%arg9 : memref<128x16xf32, #tpu.memory_space<vmem>>) target(%dma_start3A_111 : memref<10240x16xf32, #tpu.memory_space<vmem_shared>>) offsets(%arg7 : memref<128xi32, #tpu.memory_space<vmem>>) semaphore(%run_scoped3A : memref<!tpu.dma_semaphore, #tpu.memory_space<semaphore_mem>>) {add = true}
        %dma_wait3A_112 = arith.constant 0 : i32
        %dma_wait3A_113 = arith.constant 0 : i32
        %dma_wait3A_114 = tpu.memref_slice %arg11[%dma_wait3A_112, %dma_wait3A_113] : memref<10240x16xf32, #tpu.memory_space<vmem_shared>> -> memref<10240x16xf32, #tpu.memory_space<vmem_shared>>
        tpu.wait_indirect_dma semaphore(%run_scoped3A : memref<!tpu.dma_semaphore, #tpu.memory_space<semaphore_mem>>) src(%arg9 : memref<128x16xf32, #tpu.memory_space<vmem>>) dst(%dma_wait3A_114 : memref<10240x16xf32, #tpu.memory_space<vmem_shared>>)
        tpu.yield
      }) : () -> ()
      %add3A_63 = arith.constant 2 : i32
      %add3A_64 = arith.addi %mul3A_36, %add3A_63 : i32
      %mul3A_65 = arith.constant 128 : i32
      %mul3A_66 = arith.muli %add3A_64, %mul3A_65 : i32
      %add3A_67 = arith.addi %mul3A_4, %mul3A_66 : i32
      %multiple_of3A_68 = tpu.assume_multiple %add3A_67, 8 : i32
      %dma_start3A_69 = tpu.memref_slice %arg4[%multiple_of3A_68] : memref<328064xi32, #tpu.memory_space<hbm>> -> memref<128xi32, #tpu.memory_space<hbm>>
      %dma_start3A_70 = tpu.memref_slice %arg4[%multiple_of3A_68] : memref<328064xi32, #tpu.memory_space<hbm>> -> memref<128xi32, #tpu.memory_space<hbm>>
      tpu.enqueue_dma source(%dma_start3A_70 : memref<128xi32, #tpu.memory_space<hbm>>) target(%arg7 : memref<128xi32, #tpu.memory_space<vmem>>) target_semaphore(%arg14 : memref<!tpu.dma_semaphore, #tpu.memory_space<semaphore_mem>>)
      %mul3A_71 = arith.constant 2 : i32
      %mul3A_72 = arith.muli %mul3A_71, %scan3A_34 : i32
      %add3A_73 = arith.constant 1 : i32
      %add3A_74 = arith.addi %mul3A_72, %add3A_73 : i32
      %convert_element_type3A_75 = arith.extui %eq3A_5 : i1 to i32
      %cond3A_76 = arith.constant 0 : i32
      %cond3A_77 = arith.cmpi ne, %convert_element_type3A_75, %cond3A_76 : i32
      scf.if %cond3A_77 {
        %mul3A_109 = arith.constant 128 : i32
        %mul3A_110 = arith.muli %add3A_74, %mul3A_109 : i32
        %multiple_of3A_111 = tpu.assume_multiple %mul3A_110, 8 : i32
        %dma_wait3A_112 = arith.constant 0 : i32
        %dma_wait3A_113 = tpu.memref_slice %arg3[%multiple_of3A_111, %dma_wait3A_112] : memref<10624x16xf32, #tpu.memory_space<hbm>> -> memref<128x16xf32, #tpu.memory_space<hbm>>
        %dma_wait3A_114 = arith.constant 0 : i32
        %dma_wait3A_115 = tpu.memref_slice %arg3[%multiple_of3A_111, %dma_wait3A_114] : memref<10624x16xf32, #tpu.memory_space<hbm>> -> memref<128x16xf32, #tpu.memory_space<hbm>>
        tpu.wait_dma2 semaphore(%arg13 : memref<!tpu.dma_semaphore, #tpu.memory_space<semaphore_mem>>) src(%dma_wait3A_115 : memref<128x16xf32, #tpu.memory_space<hbm>>) dst(%arg10 : memref<128x16xf32, #tpu.memory_space<vmem>>)
      } else {
      }
      %not3A_78 = arith.constant true
      %not3A_79 = arith.xori %eq3A_5, %not3A_78 : i1
      %convert_element_type3A_80 = arith.extui %not3A_79 : i1 to i32
      %cond3A_81 = arith.constant 0 : i32
      %cond3A_82 = arith.cmpi ne, %convert_element_type3A_80, %cond3A_81 : i32
      scf.if %cond3A_82 {
        %mul3A_109 = arith.constant 128 : i32
        %mul3A_110 = arith.muli %add3A_74, %mul3A_109 : i32
        %add3A_111 = arith.addi %mul3A_4, %mul3A_110 : i32
        %multiple_of3A_112 = tpu.assume_multiple %add3A_111, 8 : i32
        %dma_wait3A_113 = arith.constant 0 : i32
        %dma_wait3A_114 = tpu.memref_slice %arg2[%multiple_of3A_112, %dma_wait3A_113] : memref<320000x16xf32, #tpu.memory_space<hbm>> -> memref<128x16xf32, #tpu.memory_space<hbm>>
        %dma_wait3A_115 = arith.constant 0 : i32
        %dma_wait3A_116 = tpu.memref_slice %arg2[%multiple_of3A_112, %dma_wait3A_115] : memref<320000x16xf32, #tpu.memory_space<hbm>> -> memref<128x16xf32, #tpu.memory_space<hbm>>
        tpu.wait_dma2 semaphore(%arg13 : memref<!tpu.dma_semaphore, #tpu.memory_space<semaphore_mem>>) src(%dma_wait3A_116 : memref<128x16xf32, #tpu.memory_space<hbm>>) dst(%arg10 : memref<128x16xf32, #tpu.memory_space<vmem>>)
      } else {
      }
      %add3A_83 = arith.constant 1 : i32
      %add3A_84 = arith.addi %add3A_74, %add3A_83 : i32
      %mul3A_85 = arith.constant 128 : i32
      %mul3A_86 = arith.muli %add3A_84, %mul3A_85 : i32
      %add3A_87 = arith.addi %mul3A_4, %mul3A_86 : i32
      %multiple_of3A_88 = tpu.assume_multiple %add3A_87, 8 : i32
      %dma_wait3A_89 = tpu.memref_slice %arg4[%multiple_of3A_88] : memref<328064xi32, #tpu.memory_space<hbm>> -> memref<128xi32, #tpu.memory_space<hbm>>
      %dma_wait3A_90 = tpu.memref_slice %arg4[%multiple_of3A_88] : memref<328064xi32, #tpu.memory_space<hbm>> -> memref<128xi32, #tpu.memory_space<hbm>>
      tpu.wait_dma2 semaphore(%arg14 : memref<!tpu.dma_semaphore, #tpu.memory_space<semaphore_mem>>) src(%dma_wait3A_90 : memref<128xi32, #tpu.memory_space<hbm>>) dst(%arg7 : memref<128xi32, #tpu.memory_space<vmem>>)
      %add3A_91 = arith.constant 1 : i32
      %add3A_92 = arith.addi %add3A_74, %add3A_91 : i32
      %convert_element_type3A_93 = arith.extui %eq3A_5 : i1 to i32
      %cond3A_94 = arith.constant 0 : i32
      %cond3A_95 = arith.cmpi ne, %convert_element_type3A_93, %cond3A_94 : i32
      scf.if %cond3A_95 {
        %mul3A_109 = arith.constant 128 : i32
        %mul3A_110 = arith.muli %add3A_92, %mul3A_109 : i32
        %multiple_of3A_111 = tpu.assume_multiple %mul3A_110, 8 : i32
        %dma_start3A_112 = arith.constant 0 : i32
        %dma_start3A_113 = tpu.memref_slice %arg3[%multiple_of3A_111, %dma_start3A_112] : memref<10624x16xf32, #tpu.memory_space<hbm>> -> memref<128x16xf32, #tpu.memory_space<hbm>>
        %dma_start3A_114 = arith.constant 0 : i32
        %dma_start3A_115 = tpu.memref_slice %arg3[%multiple_of3A_111, %dma_start3A_114] : memref<10624x16xf32, #tpu.memory_space<hbm>> -> memref<128x16xf32, #tpu.memory_space<hbm>>
        tpu.enqueue_dma source(%dma_start3A_115 : memref<128x16xf32, #tpu.memory_space<hbm>>) target(%arg9 : memref<128x16xf32, #tpu.memory_space<vmem>>) target_semaphore(%arg12 : memref<!tpu.dma_semaphore, #tpu.memory_space<semaphore_mem>>)
      } else {
      }
      %not3A_96 = arith.constant true
      %not3A_97 = arith.xori %eq3A_5, %not3A_96 : i1
      %convert_element_type3A_98 = arith.extui %not3A_97 : i1 to i32
      %cond3A_99 = arith.constant 0 : i32
      %cond3A_100 = arith.cmpi ne, %convert_element_type3A_98, %cond3A_99 : i32
      scf.if %cond3A_100 {
        %mul3A_109 = arith.constant 128 : i32
        %mul3A_110 = arith.muli %add3A_92, %mul3A_109 : i32
        %add3A_111 = arith.addi %mul3A_4, %mul3A_110 : i32
        %multiple_of3A_112 = tpu.assume_multiple %add3A_111, 8 : i32
        %dma_start3A_113 = arith.constant 0 : i32
        %dma_start3A_114 = tpu.memref_slice %arg2[%multiple_of3A_112, %dma_start3A_113] : memref<320000x16xf32, #tpu.memory_space<hbm>> -> memref<128x16xf32, #tpu.memory_space<hbm>>
        %dma_start3A_115 = arith.constant 0 : i32
        %dma_start3A_116 = tpu.memref_slice %arg2[%multiple_of3A_112, %dma_start3A_115] : memref<320000x16xf32, #tpu.memory_space<hbm>> -> memref<128x16xf32, #tpu.memory_space<hbm>>
        tpu.enqueue_dma source(%dma_start3A_116 : memref<128x16xf32, #tpu.memory_space<hbm>>) target(%arg9 : memref<128x16xf32, #tpu.memory_space<vmem>>) target_semaphore(%arg12 : memref<!tpu.dma_semaphore, #tpu.memory_space<semaphore_mem>>)
      } else {
      }
      "tpu.region"() ({
        %run_scoped3A = tpu.sem_alloc : memref<!tpu.dma_semaphore, #tpu.memory_space<semaphore_mem>>
        %dma_start3A_109 = arith.constant 0 : i32
        %dma_start3A_110 = arith.constant 0 : i32
        %dma_start3A_111 = tpu.memref_slice %arg11[%dma_start3A_109, %dma_start3A_110] : memref<10240x16xf32, #tpu.memory_space<vmem_shared>> -> memref<10240x16xf32, #tpu.memory_space<vmem_shared>>
        tpu.enqueue_indirect_dma source(%arg10 : memref<128x16xf32, #tpu.memory_space<vmem>>) target(%dma_start3A_111 : memref<10240x16xf32, #tpu.memory_space<vmem_shared>>) offsets(%arg8 : memref<128xi32, #tpu.memory_space<vmem>>) semaphore(%run_scoped3A : memref<!tpu.dma_semaphore, #tpu.memory_space<semaphore_mem>>) {add = true}
        %dma_wait3A_112 = arith.constant 0 : i32
        %dma_wait3A_113 = arith.constant 0 : i32
        %dma_wait3A_114 = tpu.memref_slice %arg11[%dma_wait3A_112, %dma_wait3A_113] : memref<10240x16xf32, #tpu.memory_space<vmem_shared>> -> memref<10240x16xf32, #tpu.memory_space<vmem_shared>>
        tpu.wait_indirect_dma semaphore(%run_scoped3A : memref<!tpu.dma_semaphore, #tpu.memory_space<semaphore_mem>>) src(%arg10 : memref<128x16xf32, #tpu.memory_space<vmem>>) dst(%dma_wait3A_114 : memref<10240x16xf32, #tpu.memory_space<vmem_shared>>)
        tpu.yield
      }) : () -> ()
      %add3A_101 = arith.constant 2 : i32
      %add3A_102 = arith.addi %add3A_74, %add3A_101 : i32
      %mul3A_103 = arith.constant 128 : i32
      %mul3A_104 = arith.muli %add3A_102, %mul3A_103 : i32
      %add3A_105 = arith.addi %mul3A_4, %mul3A_104 : i32
      %multiple_of3A_106 = tpu.assume_multiple %add3A_105, 8 : i32
      %dma_start3A_107 = tpu.memref_slice %arg4[%multiple_of3A_106] : memref<328064xi32, #tpu.memory_space<hbm>> -> memref<128xi32, #tpu.memory_space<hbm>>
      %dma_start3A_108 = tpu.memref_slice %arg4[%multiple_of3A_106] : memref<328064xi32, #tpu.memory_space<hbm>> -> memref<128xi32, #tpu.memory_space<hbm>>
      tpu.enqueue_dma source(%dma_start3A_108 : memref<128xi32, #tpu.memory_space<hbm>>) target(%arg8 : memref<128xi32, #tpu.memory_space<vmem>>) target_semaphore(%arg15 : memref<!tpu.dma_semaphore, #tpu.memory_space<semaphore_mem>>)
    }
    %scan3A_21 = arith.constant 40 : i32
    %convert_element_type3A_22 = arith.extui %eq3A_5 : i1 to i32
    %cond3A_23 = arith.constant 0 : i32
    %cond3A_24 = arith.cmpi ne, %convert_element_type3A_22, %cond3A_23 : i32
    scf.if %cond3A_24 {
      %multiple_of3A_34 = arith.constant 10240 : i32
      %multiple_of3A_35 = tpu.assume_multiple %multiple_of3A_34, 8 : i32
      %dma_wait3A_36 = arith.constant 0 : i32
      %dma_wait3A_37 = tpu.memref_slice %arg3[%multiple_of3A_35, %dma_wait3A_36] : memref<10624x16xf32, #tpu.memory_space<hbm>> -> memref<128x16xf32, #tpu.memory_space<hbm>>
      %dma_wait3A_38 = arith.constant 0 : i32
      %dma_wait3A_39 = tpu.memref_slice %arg3[%multiple_of3A_35, %dma_wait3A_38] : memref<10624x16xf32, #tpu.memory_space<hbm>> -> memref<128x16xf32, #tpu.memory_space<hbm>>
      tpu.wait_dma2 semaphore(%arg12 : memref<!tpu.dma_semaphore, #tpu.memory_space<semaphore_mem>>) src(%dma_wait3A_39 : memref<128x16xf32, #tpu.memory_space<hbm>>) dst(%arg9 : memref<128x16xf32, #tpu.memory_space<vmem>>)
    } else {
    }
    %not3A_25 = arith.constant true
    %not3A_26 = arith.xori %eq3A_5, %not3A_25 : i1
    %convert_element_type3A_27 = arith.extui %not3A_26 : i1 to i32
    %cond3A_28 = arith.constant 0 : i32
    %cond3A_29 = arith.cmpi ne, %convert_element_type3A_27, %cond3A_28 : i32
    scf.if %cond3A_29 {
      %add3A_34 = arith.constant 10240 : i32
      %add3A_35 = arith.addi %mul3A_4, %add3A_34 : i32
      %multiple_of3A_36 = tpu.assume_multiple %add3A_35, 8 : i32
      %dma_wait3A_37 = arith.constant 0 : i32
      %dma_wait3A_38 = tpu.memref_slice %arg2[%multiple_of3A_36, %dma_wait3A_37] : memref<320000x16xf32, #tpu.memory_space<hbm>> -> memref<128x16xf32, #tpu.memory_space<hbm>>
      %dma_wait3A_39 = arith.constant 0 : i32
      %dma_wait3A_40 = tpu.memref_slice %arg2[%multiple_of3A_36, %dma_wait3A_39] : memref<320000x16xf32, #tpu.memory_space<hbm>> -> memref<128x16xf32, #tpu.memory_space<hbm>>
      tpu.wait_dma2 semaphore(%arg12 : memref<!tpu.dma_semaphore, #tpu.memory_space<semaphore_mem>>) src(%dma_wait3A_40 : memref<128x16xf32, #tpu.memory_space<hbm>>) dst(%arg9 : memref<128x16xf32, #tpu.memory_space<vmem>>)
    } else {
    }
    %add3A_30 = arith.constant 10368 : i32
    %add3A_31 = arith.addi %mul3A_4, %add3A_30 : i32
    %multiple_of3A_32 = tpu.assume_multiple %add3A_31, 8 : i32
    %dma_wait3A = tpu.memref_slice %arg4[%multiple_of3A_32] : memref<328064xi32, #tpu.memory_space<hbm>> -> memref<128xi32, #tpu.memory_space<hbm>>
    %dma_wait3A_33 = tpu.memref_slice %arg4[%multiple_of3A_32] : memref<328064xi32, #tpu.memory_space<hbm>> -> memref<128xi32, #tpu.memory_space<hbm>>
    tpu.wait_dma2 semaphore(%arg15 : memref<!tpu.dma_semaphore, #tpu.memory_space<semaphore_mem>>) src(%dma_wait3A_33 : memref<128xi32, #tpu.memory_space<hbm>>) dst(%arg8 : memref<128xi32, #tpu.memory_space<vmem>>)
    %barrier3A = arith.constant 0 : index
    tpu.barrier barrier_id(%barrier3A)
    "tpu.region"() ({
      %run_scoped3A = tpu.sem_alloc : memref<!tpu.dma_semaphore, #tpu.memory_space<semaphore_mem>>
      %dma_start3A_34 = arith.constant 0 : i32
      %dma_start3A_35 = tpu.memref_slice %arg6[%arg0, %mul3A_2, %dma_start3A_34] : memref<2x10240x16xf32, #tpu.memory_space<hbm>> -> memref<1x640x16xf32, #tpu.memory_space<hbm>>
      %dma_start3A_36 = tpu.memref_squeeze %dma_start3A_35 : memref<1x640x16xf32, #tpu.memory_space<hbm>> -> memref<640x16xf32, #tpu.memory_space<hbm>>
      %dma_start3A_37 = arith.constant 0 : i32
      %dma_start3A_38 = tpu.memref_slice %arg11[%mul3A_2, %dma_start3A_37] : memref<10240x16xf32, #tpu.memory_space<vmem_shared>> -> memref<640x16xf32, #tpu.memory_space<vmem_shared>>
      tpu.enqueue_dma source(%dma_start3A_38 : memref<640x16xf32, #tpu.memory_space<vmem_shared>>) target(%dma_start3A_36 : memref<640x16xf32, #tpu.memory_space<hbm>>) target_semaphore(%run_scoped3A : memref<!tpu.dma_semaphore, #tpu.memory_space<semaphore_mem>>)
      %dma_wait3A_39 = arith.constant 0 : i32
      %dma_wait3A_40 = tpu.memref_slice %arg6[%arg0, %mul3A_2, %dma_wait3A_39] : memref<2x10240x16xf32, #tpu.memory_space<hbm>> -> memref<1x640x16xf32, #tpu.memory_space<hbm>>
      %dma_wait3A_41 = tpu.memref_squeeze %dma_wait3A_40 : memref<1x640x16xf32, #tpu.memory_space<hbm>> -> memref<640x16xf32, #tpu.memory_space<hbm>>
      %dma_wait3A_42 = arith.constant 0 : i32
      %dma_wait3A_43 = tpu.memref_slice %arg11[%mul3A_2, %dma_wait3A_42] : memref<10240x16xf32, #tpu.memory_space<vmem_shared>> -> memref<640x16xf32, #tpu.memory_space<vmem_shared>>
      tpu.wait_dma2 semaphore(%run_scoped3A : memref<!tpu.dma_semaphore, #tpu.memory_space<semaphore_mem>>) src(%dma_wait3A_43 : memref<640x16xf32, #tpu.memory_space<vmem_shared>>) dst(%dma_wait3A_41 : memref<640x16xf32, #tpu.memory_space<hbm>>)
      tpu.yield
    }) : () -> ()
    return
  }
}

module attributes {stable_mosaic.version = 14 : i64} {
  func.func @_tc1_body(%arg0: i32, %arg1: memref<1024x144xf32, #tpu.memory_space<vmem>>, %arg2: memref<1024x144xf32, #tpu.memory_space<vmem>>, %arg3: memref<1024x144xf32, #tpu.memory_space<vmem>>, %arg4: memref<1024x16xf32, #tpu.memory_space<vmem>>, %arg5: memref<1024x16xf32, #tpu.memory_space<vmem>>, %arg6: memref<128x128xf32, #tpu.memory_space<vmem>>, %arg7: memref<24x128xf32, #tpu.memory_space<vmem>>, %arg8: memref<128x128xf32, #tpu.memory_space<vmem>>, %arg9: memref<1x128xf32, #tpu.memory_space<vmem>>, %arg10: memref<1024x128xf32, #tpu.memory_space<vmem>>, %arg11: memref<1024x24xf32, #tpu.memory_space<vmem>>) attributes {dimension_semantics = [#tpu.dimension_semantics<arbitrary>], iteration_bounds = array<i64: 10>, scalar_prefetch = 0 : i64, scratch_operands = 0 : i64, tpu.core_type = #tpu.core_type<tc>, window_params = [{transform_indices = @transform_0, window_bounds = array<i64: 1024, 144>}, {transform_indices = @transform_1, window_bounds = array<i64: 1024, 144>}, {transform_indices = @transform_2, window_bounds = array<i64: 1024, 144>}, {transform_indices = @transform_3, window_bounds = array<i64: 1024, 16>}, {transform_indices = @transform_4, window_bounds = array<i64: 1024, 16>}, {pipeline_mode = #tpu.pipeline_mode<synchronous>, transform_indices = @transform_5, window_bounds = array<i64: 128, 128>}, {pipeline_mode = #tpu.pipeline_mode<synchronous>, transform_indices = @transform_6, window_bounds = array<i64: 24, 128>}, {pipeline_mode = #tpu.pipeline_mode<synchronous>, transform_indices = @transform_7, window_bounds = array<i64: 128, 128>}, {pipeline_mode = #tpu.pipeline_mode<synchronous>, transform_indices = @transform_8, window_bounds = array<i64: 1, 128>}, {transform_indices = @transform_9, window_bounds = array<i64: 1024, 128>}, {transform_indices = @transform_10, window_bounds = array<i64: 1024, 24>}]} {
    %get3A = arith.constant 0 : index
    %get3A_0 = arith.constant 0 : index
    %get3A_1 = vector.load %arg2[%get3A, %get3A_0] : memref<1024x144xf32, #tpu.memory_space<vmem>>, vector<1024x144xf32>
    %get3A_2 = arith.constant 0 : index
    %get3A_3 = arith.constant 0 : index
    %get3A_4 = vector.load %arg3[%get3A_2, %get3A_3] : memref<1024x144xf32, #tpu.memory_space<vmem>>, vector<1024x144xf32>
    %add3A = arith.addf %get3A_1, %get3A_4 : vector<1024x144xf32>
    %get3A_5 = arith.constant 0 : index
    %get3A_6 = arith.constant 0 : index
    %get3A_7 = vector.load %arg4[%get3A_5, %get3A_6] : memref<1024x16xf32, #tpu.memory_space<vmem>>, vector<1024x16xf32>
    %get3A_8 = arith.constant 0 : index
    %get3A_9 = arith.constant 0 : index
    %get3A_10 = vector.load %arg5[%get3A_8, %get3A_9] : memref<1024x16xf32, #tpu.memory_space<vmem>>, vector<1024x16xf32>
    %add3A_11 = arith.addf %get3A_7, %get3A_10 : vector<1024x16xf32>
    %get3A_12 = arith.constant 0 : index
    %get3A_13 = arith.constant 0 : index
    %get3A_14 = vector.load %arg1[%get3A_12, %get3A_13] : memref<1024x144xf32, #tpu.memory_space<vmem>>, vector<1024x128xf32>
    %get3A_15 = arith.constant 0 : index
    %get3A_16 = arith.constant 128 : index
    %get3A_17 = vector.load %arg1[%get3A_15, %get3A_16] : memref<1024x144xf32, #tpu.memory_space<vmem>>, vector<1024x3xf32>
    %slice3A = vector.extract_strided_slice %add3A {offsets = [0, 131], sizes = [1024, 1], strides = [1, 1]} : vector<1024x144xf32> to vector<1024x1xf32>
    %max3A = arith.constant 1.000000e+00 : f32
    %max3A_18 = vector.broadcast %max3A : f32 to vector<1024x1xf32>
    %max3A_19 = arith.maximumf %slice3A, %max3A_18 : vector<1024x1xf32>
    %div3A = arith.constant 1.000000e+00 : f32
    %div3A_20 = vector.broadcast %div3A : f32 to vector<1024x1xf32>
    %div3A_21 = arith.divf %div3A_20, %max3A_19 : vector<1024x1xf32>
    %gt3A = arith.constant 0.000000e+00 : f32
    %gt3A_22 = vector.broadcast %gt3A : f32 to vector<1024x1xf32>
    %gt3A_23 = arith.cmpf ogt, %slice3A, %gt3A_22 : vector<1024x1xf32>
    %jit3A = arith.constant 1.000000e+00 : f32
    %jit3A_24 = arith.constant 0.000000e+00 : f32
    %broadcast_in_dim3A = vector.broadcast %jit3A : f32 to vector<1024x1xf32>
    %broadcast_in_dim3A_25 = vector.broadcast %jit3A_24 : f32 to vector<1024x1xf32>
    %select_n3A = arith.select %gt3A_23, %broadcast_in_dim3A, %broadcast_in_dim3A_25 : vector<1024x1xi1>, vector<1024x1xf32>
    %slice3A_26 = vector.extract_strided_slice %add3A {offsets = [0, 0], sizes = [1024, 128], strides = [1, 1]} : vector<1024x144xf32> to vector<1024x128xf32>
    %slice3A_27 = vector.extract_strided_slice %add3A {offsets = [0, 128], sizes = [1024, 3], strides = [1, 1]} : vector<1024x144xf32> to vector<1024x3xf32>
    %broadcast_in_dim3A_28 = arith.constant 0.000000e+00 : f32
    %broadcast_in_dim3A_29 = vector.broadcast %broadcast_in_dim3A_28 : f32 to vector<1024x3xf32>
    %mul3A = vector.broadcast %div3A_21 : vector<1024x1xf32> to vector<1024x16xf32>
    %mul3A_30 = arith.mulf %add3A_11, %mul3A : vector<1024x16xf32>
    %mul3A_31 = vector.broadcast %slice3A : vector<1024x1xf32> to vector<1024x3xf32>
    %mul3A_32 = arith.mulf %mul3A_31, %get3A_17 : vector<1024x3xf32>
    %sub3A = arith.subf %slice3A_27, %mul3A_32 : vector<1024x3xf32>
    %mul3A_33 = vector.broadcast %div3A_21 : vector<1024x1xf32> to vector<1024x3xf32>
    %mul3A_34 = arith.mulf %sub3A, %mul3A_33 : vector<1024x3xf32>
    %concatenate3A = tpu.concatenate %mul3A_30, %mul3A_34, %select_n3A, %div3A_21, %broadcast_in_dim3A_29 in 1 : vector<1024x16xf32>, vector<1024x3xf32>, vector<1024x1xf32>, vector<1024x1xf32>, vector<1024x3xf32> -> vector<1024x24xf32>
    %get3A_35 = arith.constant 0 : index
    %get3A_36 = arith.constant 0 : index
    %get3A_37 = vector.load %arg6[%get3A_35, %get3A_36] : memref<128x128xf32, #tpu.memory_space<vmem>>, vector<128x128xf32>
    %dot_general3A = arith.constant dense<0.000000e+00> : vector<1024x128xf32>
    %dot_general3A_38 = tpu.matmul %slice3A_26, %get3A_37, %dot_general3A {dimension_numbers = #tpu.dot_dimension_numbers<[1], [0], [0], [1], [0, 0, 1, 1], [], []>, transpose_lhs_hint = false} : vector<1024x128xf32>, vector<128x128xf32>, vector<1024x128xf32> -> vector<1024x128xf32>
    %mul3A_39 = vector.broadcast %div3A_21 : vector<1024x1xf32> to vector<1024x128xf32>
    %mul3A_40 = arith.mulf %dot_general3A_38, %mul3A_39 : vector<1024x128xf32>
    %get3A_41 = arith.constant 0 : index
    %get3A_42 = arith.constant 0 : index
    %get3A_43 = vector.load %arg7[%get3A_41, %get3A_42] : memref<24x128xf32, #tpu.memory_space<vmem>>, vector<24x128xf32>
    %dot_general3A_44 = arith.constant dense<0.000000e+00> : vector<1024x128xf32>
    %dot_general3A_45 = tpu.matmul %concatenate3A, %get3A_43, %dot_general3A_44 {dimension_numbers = #tpu.dot_dimension_numbers<[1], [0], [0], [1], [0, 0, 1, 1], [], []>, transpose_lhs_hint = false} : vector<1024x24xf32>, vector<24x128xf32>, vector<1024x128xf32> -> vector<1024x128xf32>
    %add3A_46 = arith.addf %mul3A_40, %dot_general3A_45 : vector<1024x128xf32>
    %get3A_47 = arith.constant 0 : index
    %get3A_48 = arith.constant 0 : index
    %get3A_49 = vector.load %arg8[%get3A_47, %get3A_48] : memref<128x128xf32, #tpu.memory_space<vmem>>, vector<128x128xf32>
    %dot_general3A_50 = arith.constant dense<0.000000e+00> : vector<1024x128xf32>
    %dot_general3A_51 = tpu.matmul %get3A_14, %get3A_49, %dot_general3A_50 {dimension_numbers = #tpu.dot_dimension_numbers<[1], [0], [0], [1], [0, 0, 1, 1], [], []>, transpose_lhs_hint = false} : vector<1024x128xf32>, vector<128x128xf32>, vector<1024x128xf32> -> vector<1024x128xf32>
    %get3A_52 = arith.constant 0 : index
    %get3A_53 = arith.constant 0 : index
    %get3A_54 = vector.load %arg9[%get3A_52, %get3A_53] : memref<1x128xf32, #tpu.memory_space<vmem>>, vector<1x128xf32>
    %add3A_55 = vector.broadcast %get3A_54 : vector<1x128xf32> to vector<1024x128xf32>
    %add3A_56 = arith.addf %dot_general3A_51, %add3A_55 : vector<1024x128xf32>
    %add3A_57 = arith.addf %add3A_56, %add3A_46 : vector<1024x128xf32>
    %max3A_58 = arith.constant 0.000000e+00 : f32
    %max3A_59 = vector.broadcast %max3A_58 : f32 to vector<1024x128xf32>
    %max3A_60 = arith.maximumf %add3A_57, %max3A_59 : vector<1024x128xf32>
    %swap3A = arith.constant 0 : index
    %swap3A_61 = arith.constant 0 : index
    %swap3A_62 = vector.load %arg10[%swap3A, %swap3A_61] : memref<1024x128xf32, #tpu.memory_space<vmem>>, vector<1024x128xf32>
    tpu.vector_store %arg10[%swap3A, %swap3A_61], %max3A_60 {strides = array<i32>} : memref<1024x128xf32, #tpu.memory_space<vmem>>, vector<1024x128xf32>,
    %swap3A_63 = arith.constant 0 : index
    %swap3A_64 = arith.constant 0 : index
    %swap3A_65 = vector.load %arg11[%swap3A_63, %swap3A_64] : memref<1024x24xf32, #tpu.memory_space<vmem>>, vector<1024x24xf32>
    tpu.vector_store %arg11[%swap3A_63, %swap3A_64], %concatenate3A {strides = array<i32>} : memref<1024x24xf32, #tpu.memory_space<vmem>>, vector<1024x24xf32>,
    return
  }
  func.func @transform_0(%arg0: i32) -> (i32, i32) {
    %c0_i32 = arith.constant 0 : i32
    %c0_i32_0 = arith.constant 0 : i32
    return %arg0, %c0_i32 : i32, i32
  }
  func.func @transform_1(%arg0: i32) -> (i32, i32) {
    %c0_i32 = arith.constant 0 : i32
    %c0_i32_0 = arith.constant 0 : i32
    return %arg0, %c0_i32 : i32, i32
  }
  func.func @transform_2(%arg0: i32) -> (i32, i32) {
    %c0_i32 = arith.constant 0 : i32
    %c0_i32_0 = arith.constant 0 : i32
    return %arg0, %c0_i32 : i32, i32
  }
  func.func @transform_3(%arg0: i32) -> (i32, i32) {
    %c0_i32 = arith.constant 0 : i32
    %c0_i32_0 = arith.constant 0 : i32
    return %arg0, %c0_i32 : i32, i32
  }
  func.func @transform_4(%arg0: i32) -> (i32, i32) {
    %c0_i32 = arith.constant 0 : i32
    %c0_i32_0 = arith.constant 0 : i32
    return %arg0, %c0_i32 : i32, i32
  }
  func.func @transform_5(%arg0: i32) -> (i32, i32) {
    %c0_i32 = arith.constant 0 : i32
    %c0_i32_0 = arith.constant 0 : i32
    %c0_i32_1 = arith.constant 0 : i32
    return %c0_i32, %c0_i32_0 : i32, i32
  }
  func.func @transform_6(%arg0: i32) -> (i32, i32) {
    %c0_i32 = arith.constant 0 : i32
    %c0_i32_0 = arith.constant 0 : i32
    %c0_i32_1 = arith.constant 0 : i32
    return %c0_i32, %c0_i32_0 : i32, i32
  }
  func.func @transform_7(%arg0: i32) -> (i32, i32) {
    %c0_i32 = arith.constant 0 : i32
    %c0_i32_0 = arith.constant 0 : i32
    %c0_i32_1 = arith.constant 0 : i32
    return %c0_i32, %c0_i32_0 : i32, i32
  }
  func.func @transform_8(%arg0: i32) -> (i32, i32) {
    %c0_i32 = arith.constant 0 : i32
    %c0_i32_0 = arith.constant 0 : i32
    %c0_i32_1 = arith.constant 0 : i32
    return %c0_i32, %c0_i32_0 : i32, i32
  }
  func.func @transform_9(%arg0: i32) -> (i32, i32) {
    %c0_i32 = arith.constant 0 : i32
    %c0_i32_0 = arith.constant 0 : i32
    return %arg0, %c0_i32 : i32, i32
  }
  func.func @transform_10(%arg0: i32) -> (i32, i32) {
    %c0_i32 = arith.constant 0 : i32
    %c0_i32_0 = arith.constant 0 : i32
    return %arg0, %c0_i32 : i32, i32
  }
}

module attributes {stable_mosaic.version = 14 : i64} {
  func.func @_tc2_body(%arg0: i32, %arg1: memref<1024x128xf32, #tpu.memory_space<vmem>>, %arg2: memref<1024x128xf32, #tpu.memory_space<vmem>>, %arg3: memref<1024x128xf32, #tpu.memory_space<vmem>>, %arg4: memref<1024x24xf32, #tpu.memory_space<vmem>>, %arg5: memref<128x128xf32, #tpu.memory_space<vmem>>, %arg6: memref<24x128xf32, #tpu.memory_space<vmem>>, %arg7: memref<128x128xf32, #tpu.memory_space<vmem>>, %arg8: memref<1x128xf32, #tpu.memory_space<vmem>>, %arg9: memref<1024x128xf32, #tpu.memory_space<vmem>>) attributes {dimension_semantics = [#tpu.dimension_semantics<arbitrary>], iteration_bounds = array<i64: 10>, scalar_prefetch = 0 : i64, scratch_operands = 0 : i64, tpu.core_type = #tpu.core_type<tc>, window_params = [{transform_indices = @transform_0, window_bounds = array<i64: 1024, 128>}, {transform_indices = @transform_1, window_bounds = array<i64: 1024, 128>}, {transform_indices = @transform_2, window_bounds = array<i64: 1024, 128>}, {transform_indices = @transform_3, window_bounds = array<i64: 1024, 24>}, {pipeline_mode = #tpu.pipeline_mode<synchronous>, transform_indices = @transform_4, window_bounds = array<i64: 128, 128>}, {pipeline_mode = #tpu.pipeline_mode<synchronous>, transform_indices = @transform_5, window_bounds = array<i64: 24, 128>}, {pipeline_mode = #tpu.pipeline_mode<synchronous>, transform_indices = @transform_6, window_bounds = array<i64: 128, 128>}, {pipeline_mode = #tpu.pipeline_mode<synchronous>, transform_indices = @transform_7, window_bounds = array<i64: 1, 128>}, {transform_indices = @transform_8, window_bounds = array<i64: 1024, 128>}]} {
    %get3A = arith.constant 0 : index
    %get3A_0 = arith.constant 0 : index
    %get3A_1 = vector.load %arg2[%get3A, %get3A_0] : memref<1024x128xf32, #tpu.memory_space<vmem>>, vector<1024x128xf32>
    %get3A_2 = arith.constant 0 : index
    %get3A_3 = arith.constant 0 : index
    %get3A_4 = vector.load %arg3[%get3A_2, %get3A_3] : memref<1024x128xf32, #tpu.memory_space<vmem>>, vector<1024x128xf32>
    %add3A = arith.addf %get3A_1, %get3A_4 : vector<1024x128xf32>
    %get3A_5 = arith.constant 0 : index
    %get3A_6 = arith.constant 0 : index
    %get3A_7 = vector.load %arg4[%get3A_5, %get3A_6] : memref<1024x24xf32, #tpu.memory_space<vmem>>, vector<1024x24xf32>
    %get3A_8 = arith.constant 0 : index
    %get3A_9 = arith.constant 0 : index
    %get3A_10 = vector.load %arg5[%get3A_8, %get3A_9] : memref<128x128xf32, #tpu.memory_space<vmem>>, vector<128x128xf32>
    %dot_general3A = arith.constant dense<0.000000e+00> : vector<1024x128xf32>
    %dot_general3A_11 = tpu.matmul %add3A, %get3A_10, %dot_general3A {dimension_numbers = #tpu.dot_dimension_numbers<[1], [0], [0], [1], [0, 0, 1, 1], [], []>, transpose_lhs_hint = false} : vector<1024x128xf32>, vector<128x128xf32>, vector<1024x128xf32> -> vector<1024x128xf32>
    %slice3A = vector.extract_strided_slice %get3A_7 {offsets = [0, 20], sizes = [1024, 1], strides = [1, 1]} : vector<1024x24xf32> to vector<1024x1xf32>
    %mul3A = vector.broadcast %slice3A : vector<1024x1xf32> to vector<1024x128xf32>
    %mul3A_12 = arith.mulf %dot_general3A_11, %mul3A : vector<1024x128xf32>
    %get3A_13 = arith.constant 0 : index
    %get3A_14 = arith.constant 0 : index
    %get3A_15 = vector.load %arg6[%get3A_13, %get3A_14] : memref<24x128xf32, #tpu.memory_space<vmem>>, vector<24x128xf32>
    %dot_general3A_16 = arith.constant dense<0.000000e+00> : vector<1024x128xf32>
    %dot_general3A_17 = tpu.matmul %get3A_7, %get3A_15, %dot_general3A_16 {dimension_numbers = #tpu.dot_dimension_numbers<[1], [0], [0], [1], [0, 0, 1, 1], [], []>, transpose_lhs_hint = false} : vector<1024x24xf32>, vector<24x128xf32>, vector<1024x128xf32> -> vector<1024x128xf32>
    %add3A_18 = arith.addf %mul3A_12, %dot_general3A_17 : vector<1024x128xf32>
    %get3A_19 = arith.constant 0 : index
    %get3A_20 = arith.constant 0 : index
    %get3A_21 = vector.load %arg1[%get3A_19, %get3A_20] : memref<1024x128xf32, #tpu.memory_space<vmem>>, vector<1024x128xf32>
    %get3A_22 = arith.constant 0 : index
    %get3A_23 = arith.constant 0 : index
    %get3A_24 = vector.load %arg7[%get3A_22, %get3A_23] : memref<128x128xf32, #tpu.memory_space<vmem>>, vector<128x128xf32>
    %dot_general3A_25 = arith.constant dense<0.000000e+00> : vector<1024x128xf32>
    %dot_general3A_26 = tpu.matmul %get3A_21, %get3A_24, %dot_general3A_25 {dimension_numbers = #tpu.dot_dimension_numbers<[1], [0], [0], [1], [0, 0, 1, 1], [], []>, transpose_lhs_hint = false} : vector<1024x128xf32>, vector<128x128xf32>, vector<1024x128xf32> -> vector<1024x128xf32>
    %get3A_27 = arith.constant 0 : index
    %get3A_28 = arith.constant 0 : index
    %get3A_29 = vector.load %arg8[%get3A_27, %get3A_28] : memref<1x128xf32, #tpu.memory_space<vmem>>, vector<1x128xf32>
    %add3A_30 = vector.broadcast %get3A_29 : vector<1x128xf32> to vector<1024x128xf32>
    %add3A_31 = arith.addf %dot_general3A_26, %add3A_30 : vector<1024x128xf32>
    %add3A_32 = arith.addf %add3A_31, %add3A_18 : vector<1024x128xf32>
    %max3A = arith.constant 0.000000e+00 : f32
    %max3A_33 = vector.broadcast %max3A : f32 to vector<1024x128xf32>
    %max3A_34 = arith.maximumf %add3A_32, %max3A_33 : vector<1024x128xf32>
    %swap3A = arith.constant 0 : index
    %swap3A_35 = arith.constant 0 : index
    %swap3A_36 = vector.load %arg9[%swap3A, %swap3A_35] : memref<1024x128xf32, #tpu.memory_space<vmem>>, vector<1024x128xf32>
    tpu.vector_store %arg9[%swap3A, %swap3A_35], %max3A_34 {strides = array<i32>} : memref<1024x128xf32, #tpu.memory_space<vmem>>, vector<1024x128xf32>,
    return
  }
  func.func @transform_0(%arg0: i32) -> (i32, i32) {
    %c0_i32 = arith.constant 0 : i32
    %c0_i32_0 = arith.constant 0 : i32
    return %arg0, %c0_i32 : i32, i32
  }
  func.func @transform_1(%arg0: i32) -> (i32, i32) {
    %c0_i32 = arith.constant 0 : i32
    %c0_i32_0 = arith.constant 0 : i32
    return %arg0, %c0_i32 : i32, i32
  }
  func.func @transform_2(%arg0: i32) -> (i32, i32) {
    %c0_i32 = arith.constant 0 : i32
    %c0_i32_0 = arith.constant 0 : i32
    return %arg0, %c0_i32 : i32, i32
  }
  func.func @transform_3(%arg0: i32) -> (i32, i32) {
    %c0_i32 = arith.constant 0 : i32
    %c0_i32_0 = arith.constant 0 : i32
    return %arg0, %c0_i32 : i32, i32
  }
  func.func @transform_4(%arg0: i32) -> (i32, i32) {
    %c0_i32 = arith.constant 0 : i32
    %c0_i32_0 = arith.constant 0 : i32
    %c0_i32_1 = arith.constant 0 : i32
    return %c0_i32, %c0_i32_0 : i32, i32
  }
  func.func @transform_5(%arg0: i32) -> (i32, i32) {
    %c0_i32 = arith.constant 0 : i32
    %c0_i32_0 = arith.constant 0 : i32
    %c0_i32_1 = arith.constant 0 : i32
    return %c0_i32, %c0_i32_0 : i32, i32
  }
  func.func @transform_6(%arg0: i32) -> (i32, i32) {
    %c0_i32 = arith.constant 0 : i32
    %c0_i32_0 = arith.constant 0 : i32
    %c0_i32_1 = arith.constant 0 : i32
    return %c0_i32, %c0_i32_0 : i32, i32
  }
  func.func @transform_7(%arg0: i32) -> (i32, i32) {
    %c0_i32 = arith.constant 0 : i32
    %c0_i32_0 = arith.constant 0 : i32
    %c0_i32_1 = arith.constant 0 : i32
    return %c0_i32, %c0_i32_0 : i32, i32
  }
  func.func @transform_8(%arg0: i32) -> (i32, i32) {
    %c0_i32 = arith.constant 0 : i32
    %c0_i32_0 = arith.constant 0 : i32
    return %arg0, %c0_i32 : i32, i32
  }
}

module attributes {stable_mosaic.version = 14 : i64} {
  func.func @_tc3_body(%arg0: i32, %arg1: memref<1024x128xf32, #tpu.memory_space<vmem>>, %arg2: memref<1024x128xf32, #tpu.memory_space<vmem>>, %arg3: memref<1024x128xf32, #tpu.memory_space<vmem>>, %arg4: memref<1024x24xf32, #tpu.memory_space<vmem>>, %arg5: memref<1024x1xf32, #tpu.memory_space<vmem>>, %arg6: memref<128x128xf32, #tpu.memory_space<vmem>>, %arg7: memref<24x128xf32, #tpu.memory_space<vmem>>, %arg8: memref<128x128xf32, #tpu.memory_space<vmem>>, %arg9: memref<1x128xf32, #tpu.memory_space<vmem>>, %arg10: memref<128x128xf32, #tpu.memory_space<vmem>>, %arg11: memref<1x128xf32, #tpu.memory_space<vmem>>, %arg12: memref<128x128xf32, #tpu.memory_space<vmem>>, %arg13: memref<1x128xf32, #tpu.memory_space<vmem>>, %arg14: memref<128x2xf32, #tpu.memory_space<vmem>>, %arg15: memref<1x2xf32, #tpu.memory_space<vmem>>, %arg16: memref<64x2xf32, #tpu.memory_space<vmem>>, %arg17: memref<64x128xf32, #tpu.memory_space<vmem>>, %arg18: memref<64x128xf32, #tpu.memory_space<vmem>>) attributes {dimension_semantics = [#tpu.dimension_semantics<arbitrary>], iteration_bounds = array<i64: 10>, scalar_prefetch = 0 : i64, scratch_operands = 2 : i64, tpu.core_type = #tpu.core_type<tc>, window_params = [{transform_indices = @transform_0, window_bounds = array<i64: 1024, 128>}, {transform_indices = @transform_1, window_bounds = array<i64: 1024, 128>}, {transform_indices = @transform_2, window_bounds = array<i64: 1024, 128>}, {transform_indices = @transform_3, window_bounds = array<i64: 1024, 24>}, {transform_indices = @transform_4, window_bounds = array<i64: 1024, 1>}, {pipeline_mode = #tpu.pipeline_mode<synchronous>, transform_indices = @transform_5, window_bounds = array<i64: 128, 128>}, {pipeline_mode = #tpu.pipeline_mode<synchronous>, transform_indices = @transform_6, window_bounds = array<i64: 24, 128>}, {pipeline_mode = #tpu.pipeline_mode<synchronous>, transform_indices = @transform_7, window_bounds = array<i64: 128, 128>}, {pipeline_mode = #tpu.pipeline_mode<synchronous>, transform_indices = @transform_8, window_bounds = array<i64: 1, 128>}, {pipeline_mode = #tpu.pipeline_mode<synchronous>, transform_indices = @transform_9, window_bounds = array<i64: 128, 128>}, {pipeline_mode = #tpu.pipeline_mode<synchronous>, transform_indices = @transform_10, window_bounds = array<i64: 1, 128>}, {pipeline_mode = #tpu.pipeline_mode<synchronous>, transform_indices = @transform_11, window_bounds = array<i64: 128, 128>}, {pipeline_mode = #tpu.pipeline_mode<synchronous>, transform_indices = @transform_12, window_bounds = array<i64: 1, 128>}, {pipeline_mode = #tpu.pipeline_mode<synchronous>, transform_indices = @transform_13, window_bounds = array<i64: 128, 2>}, {pipeline_mode = #tpu.pipeline_mode<synchronous>, transform_indices = @transform_14, window_bounds = array<i64: 1, 2>}, {pipeline_mode = #tpu.pipeline_mode<synchronous>, transform_indices = @transform_15, window_bounds = array<i64: 64, 2>}]} {
    %get3A = arith.constant 0 : index
    %get3A_0 = arith.constant 0 : index
    %get3A_1 = vector.load %arg2[%get3A, %get3A_0] : memref<1024x128xf32, #tpu.memory_space<vmem>>, vector<1024x128xf32>
    %get3A_2 = arith.constant 0 : index
    %get3A_3 = arith.constant 0 : index
    %get3A_4 = vector.load %arg3[%get3A_2, %get3A_3] : memref<1024x128xf32, #tpu.memory_space<vmem>>, vector<1024x128xf32>
    %add3A = arith.addf %get3A_1, %get3A_4 : vector<1024x128xf32>
    %get3A_5 = arith.constant 0 : index
    %get3A_6 = arith.constant 0 : index
    %get3A_7 = vector.load %arg4[%get3A_5, %get3A_6] : memref<1024x24xf32, #tpu.memory_space<vmem>>, vector<1024x24xf32>
    %get3A_8 = arith.constant 0 : index
    %get3A_9 = arith.constant 0 : index
    %get3A_10 = vector.load %arg6[%get3A_8, %get3A_9] : memref<128x128xf32, #tpu.memory_space<vmem>>, vector<128x128xf32>
    %dot_general3A = arith.constant dense<0.000000e+00> : vector<1024x128xf32>
    %dot_general3A_11 = tpu.matmul %add3A, %get3A_10, %dot_general3A {dimension_numbers = #tpu.dot_dimension_numbers<[1], [0], [0], [1], [0, 0, 1, 1], [], []>, transpose_lhs_hint = false} : vector<1024x128xf32>, vector<128x128xf32>, vector<1024x128xf32> -> vector<1024x128xf32>
    %slice3A = vector.extract_strided_slice %get3A_7 {offsets = [0, 20], sizes = [1024, 1], strides = [1, 1]} : vector<1024x24xf32> to vector<1024x1xf32>
    %mul3A = vector.broadcast %slice3A : vector<1024x1xf32> to vector<1024x128xf32>
    %mul3A_12 = arith.mulf %dot_general3A_11, %mul3A : vector<1024x128xf32>
    %get3A_13 = arith.constant 0 : index
    %get3A_14 = arith.constant 0 : index
    %get3A_15 = vector.load %arg7[%get3A_13, %get3A_14] : memref<24x128xf32, #tpu.memory_space<vmem>>, vector<24x128xf32>
    %dot_general3A_16 = arith.constant dense<0.000000e+00> : vector<1024x128xf32>
    %dot_general3A_17 = tpu.matmul %get3A_7, %get3A_15, %dot_general3A_16 {dimension_numbers = #tpu.dot_dimension_numbers<[1], [0], [0], [1], [0, 0, 1, 1], [], []>, transpose_lhs_hint = false} : vector<1024x24xf32>, vector<24x128xf32>, vector<1024x128xf32> -> vector<1024x128xf32>
    %add3A_18 = arith.addf %mul3A_12, %dot_general3A_17 : vector<1024x128xf32>
    %get3A_19 = arith.constant 0 : index
    %get3A_20 = arith.constant 0 : index
    %get3A_21 = vector.load %arg1[%get3A_19, %get3A_20] : memref<1024x128xf32, #tpu.memory_space<vmem>>, vector<1024x128xf32>
    %get3A_22 = arith.constant 0 : index
    %get3A_23 = arith.constant 0 : index
    %get3A_24 = vector.load %arg8[%get3A_22, %get3A_23] : memref<128x128xf32, #tpu.memory_space<vmem>>, vector<128x128xf32>
    %dot_general3A_25 = arith.constant dense<0.000000e+00> : vector<1024x128xf32>
    %dot_general3A_26 = tpu.matmul %get3A_21, %get3A_24, %dot_general3A_25 {dimension_numbers = #tpu.dot_dimension_numbers<[1], [0], [0], [1], [0, 0, 1, 1], [], []>, transpose_lhs_hint = false} : vector<1024x128xf32>, vector<128x128xf32>, vector<1024x128xf32> -> vector<1024x128xf32>
    %get3A_27 = arith.constant 0 : index
    %get3A_28 = arith.constant 0 : index
    %get3A_29 = vector.load %arg9[%get3A_27, %get3A_28] : memref<1x128xf32, #tpu.memory_space<vmem>>, vector<1x128xf32>
    %add3A_30 = vector.broadcast %get3A_29 : vector<1x128xf32> to vector<1024x128xf32>
    %add3A_31 = arith.addf %dot_general3A_26, %add3A_30 : vector<1024x128xf32>
    %add3A_32 = arith.addf %add3A_31, %add3A_18 : vector<1024x128xf32>
    %max3A = arith.constant 0.000000e+00 : f32
    %max3A_33 = vector.broadcast %max3A : f32 to vector<1024x128xf32>
    %max3A_34 = arith.maximumf %add3A_32, %max3A_33 : vector<1024x128xf32>
    %eq3A = arith.constant 0 : i32
    %eq3A_35 = arith.cmpi eq, %arg0, %eq3A : i32
    %convert_element_type3A = arith.extui %eq3A_35 : i1 to i32
    %cond3A = arith.constant 0 : i32
    %cond3A_36 = arith.cmpi ne, %convert_element_type3A, %cond3A : i32
    scf.if %cond3A_36 {
      %broadcast_in_dim3A_78 = arith.constant 0.000000e+00 : f32
      %broadcast_in_dim3A_79 = vector.broadcast %broadcast_in_dim3A_78 : f32 to vector<64x128xf32>
      %swap3A_80 = arith.constant 0 : index
      %swap3A_81 = arith.constant 0 : index
      %swap3A_82 = vector.load %arg17[%swap3A_80, %swap3A_81] : memref<64x128xf32, #tpu.memory_space<vmem>>, vector<64x128xf32>
      tpu.vector_store %arg17[%swap3A_80, %swap3A_81], %broadcast_in_dim3A_79 {strides = array<i32>} : memref<64x128xf32, #tpu.memory_space<vmem>>, vector<64x128xf32>,
      %broadcast_in_dim3A_83 = arith.constant 0.000000e+00 : f32
      %broadcast_in_dim3A_84 = vector.broadcast %broadcast_in_dim3A_83 : f32 to vector<64x128xf32>
      %swap3A_85 = arith.constant 0 : index
      %swap3A_86 = arith.constant 0 : index
      %swap3A_87 = vector.load %arg18[%swap3A_85, %swap3A_86] : memref<64x128xf32, #tpu.memory_space<vmem>>, vector<64x128xf32>
      tpu.vector_store %arg18[%swap3A_85, %swap3A_86], %broadcast_in_dim3A_84 {strides = array<i32>} : memref<64x128xf32, #tpu.memory_space<vmem>>, vector<64x128xf32>,
    } else {
    }
    %mul3A_37 = arith.constant 1024 : i32
    %mul3A_38 = arith.muli %arg0, %mul3A_37 : i32
    %iota3A = tpu.iota {dimensions = array<i32: 0>} : vector<1024x1xi32>
    %add3A_39 = vector.broadcast %mul3A_38 : i32 to vector<1024x1xi32>
    %add3A_40 = arith.addi %add3A_39, %iota3A : vector<1024x1xi32>
    %lt3A = arith.constant 10000 : i32
    %lt3A_41 = vector.broadcast %lt3A : i32 to vector<1024x1xi32>
    %lt3A_42 = arith.cmpi slt, %add3A_40, %lt3A_41 : vector<1024x1xi32>
    %get3A_43 = arith.constant 0 : index
    %get3A_44 = arith.constant 0 : index
    %get3A_45 = vector.load %arg5[%get3A_43, %get3A_44] : memref<1024x1xf32, #tpu.memory_space<vmem>>, vector<1024x1xf32>
    %iota3A_46 = tpu.iota {dimensions = array<i32: 1>} : vector<1x64xi32>
    %convert_element_type3A_47 = arith.sitofp %iota3A_46 : vector<1x64xi32> to vector<1x64xf32>
    %eq3A_48 = vector.broadcast %get3A_45 : vector<1024x1xf32> to vector<1024x64xf32>
    %eq3A_49 = vector.broadcast %convert_element_type3A_47 : vector<1x64xf32> to vector<1024x64xf32>
    %eq3A_50 = arith.cmpf oeq, %eq3A_48, %eq3A_49 : vector<1024x64xf32>
    %and3A = vector.broadcast %lt3A_42 : vector<1024x1xi1> to vector<1024x64xi1>
    %and3A_51 = arith.andi %eq3A_50, %and3A : vector<1024x64xi1>
    %jit3A = arith.constant 1.000000e+00 : f32
    %jit3A_52 = arith.constant 0.000000e+00 : f32
    %broadcast_in_dim3A = vector.broadcast %jit3A : f32 to vector<1024x64xf32>
    %broadcast_in_dim3A_53 = vector.broadcast %jit3A_52 : f32 to vector<1024x64xf32>
    %select_n3A = arith.select %and3A_51, %broadcast_in_dim3A, %broadcast_in_dim3A_53 : vector<1024x64xi1>, vector<1024x64xf32>
    %get3A_54 = arith.constant 0 : index
    %get3A_55 = arith.constant 0 : index
    %get3A_56 = vector.load %arg17[%get3A_54, %get3A_55] : memref<64x128xf32, #tpu.memory_space<vmem>>, vector<64x128xf32>
    %dot_general3A_57 = arith.constant dense<0.000000e+00> : vector<64x128xf32>
    %dot_general3A_58 = tpu.matmul %select_n3A, %max3A_34, %dot_general3A_57 {dimension_numbers = #tpu.dot_dimension_numbers<[0], [0], [1], [1], [0, 1, 1, 1], [], []>, transpose_lhs_hint = false} : vector<1024x64xf32>, vector<1024x128xf32>, vector<64x128xf32> -> vector<64x128xf32>
    %add3A_59 = arith.addf %get3A_56, %dot_general3A_58 : vector<64x128xf32>
    %swap3A = arith.constant 0 : index
    %swap3A_60 = arith.constant 0 : index
    %swap3A_61 = vector.load %arg17[%swap3A, %swap3A_60] : memref<64x128xf32, #tpu.memory_space<vmem>>, vector<64x128xf32>
    tpu.vector_store %arg17[%swap3A, %swap3A_60], %add3A_59 {strides = array<i32>} : memref<64x128xf32, #tpu.memory_space<vmem>>, vector<64x128xf32>,
    %get3A_62 = arith.constant 0 : index
    %get3A_63 = arith.constant 0 : index
    %get3A_64 = vector.load %arg18[%get3A_62, %get3A_63] : memref<64x128xf32, #tpu.memory_space<vmem>>, vector<64x128xf32>
    %broadcast_in_dim3A_65 = arith.constant 1.000000e+00 : f32
    %broadcast_in_dim3A_66 = vector.broadcast %broadcast_in_dim3A_65 : f32 to vector<1024x128xf32>
    %dot_general3A_67 = arith.constant dense<0.000000e+00> : vector<64x128xf32>
    %dot_general3A_68 = tpu.matmul %select_n3A, %broadcast_in_dim3A_66, %dot_general3A_67 {dimension_numbers = #tpu.dot_dimension_numbers<[0], [0], [1], [1], [0, 1, 1, 1], [], []>, transpose_lhs_hint = false} : vector<1024x64xf32>, vector<1024x128xf32>, vector<64x128xf32> -> vector<64x128xf32>
    %add3A_69 = arith.addf %get3A_64, %dot_general3A_68 : vector<64x128xf32>
    %swap3A_70 = arith.constant 0 : index
    %swap3A_71 = arith.constant 0 : index
    %swap3A_72 = vector.load %arg18[%swap3A_70, %swap3A_71] : memref<64x128xf32, #tpu.memory_space<vmem>>, vector<64x128xf32>
    tpu.vector_store %arg18[%swap3A_70, %swap3A_71], %add3A_69 {strides = array<i32>} : memref<64x128xf32, #tpu.memory_space<vmem>>, vector<64x128xf32>,
    %eq3A_73 = arith.constant 9 : i32
    %eq3A_74 = arith.cmpi eq, %arg0, %eq3A_73 : i32
    %convert_element_type3A_75 = arith.extui %eq3A_74 : i1 to i32
    %cond3A_76 = arith.constant 0 : i32
    %cond3A_77 = arith.cmpi ne, %convert_element_type3A_75, %cond3A_76 : i32
    scf.if %cond3A_77 {
      %get3A_78 = arith.constant 0 : index
      %get3A_79 = arith.constant 0 : index
      %get3A_80 = vector.load %arg17[%get3A_78, %get3A_79] : memref<64x128xf32, #tpu.memory_space<vmem>>, vector<64x128xf32>
      %get3A_81 = arith.constant 0 : index
      %get3A_82 = arith.constant 0 : index
      %get3A_83 = vector.load %arg18[%get3A_81, %get3A_82] : memref<64x128xf32, #tpu.memory_space<vmem>>, vector<64x128xf32>
      %max3A_84 = arith.constant 1.000000e+00 : f32
      %max3A_85 = vector.broadcast %max3A_84 : f32 to vector<64x128xf32>
      %max3A_86 = arith.maximumf %get3A_83, %max3A_85 : vector<64x128xf32>
      %div3A = arith.divf %get3A_80, %max3A_86 : vector<64x128xf32>
      %get3A_87 = arith.constant 0 : index
      %get3A_88 = arith.constant 0 : index
      %get3A_89 = vector.load %arg10[%get3A_87, %get3A_88] : memref<128x128xf32, #tpu.memory_space<vmem>>, vector<128x128xf32>
      %dot_general3A_90 = arith.constant dense<0.000000e+00> : vector<64x128xf32>
      %dot_general3A_91 = tpu.matmul %div3A, %get3A_89, %dot_general3A_90 {dimension_numbers = #tpu.dot_dimension_numbers<[1], [0], [0], [1], [0, 0, 1, 1], [], []>, transpose_lhs_hint = false} : vector<64x128xf32>, vector<128x128xf32>, vector<64x128xf32> -> vector<64x128xf32>
      %get3A_92 = arith.constant 0 : index
      %get3A_93 = arith.constant 0 : index
      %get3A_94 = vector.load %arg11[%get3A_92, %get3A_93] : memref<1x128xf32, #tpu.memory_space<vmem>>, vector<1x128xf32>
      %add3A_95 = vector.broadcast %get3A_94 : vector<1x128xf32> to vector<64x128xf32>
      %add3A_96 = arith.addf %dot_general3A_91, %add3A_95 : vector<64x128xf32>
      %max3A_97 = arith.constant 0.000000e+00 : f32
      %max3A_98 = vector.broadcast %max3A_97 : f32 to vector<64x128xf32>
      %max3A_99 = arith.maximumf %add3A_96, %max3A_98 : vector<64x128xf32>
      %get3A_100 = arith.constant 0 : index
      %get3A_101 = arith.constant 0 : index
      %get3A_102 = vector.load %arg12[%get3A_100, %get3A_101] : memref<128x128xf32, #tpu.memory_space<vmem>>, vector<128x128xf32>
      %dot_general3A_103 = arith.constant dense<0.000000e+00> : vector<64x128xf32>
      %dot_general3A_104 = tpu.matmul %max3A_99, %get3A_102, %dot_general3A_103 {dimension_numbers = #tpu.dot_dimension_numbers<[1], [0], [0], [1], [0, 0, 1, 1], [], []>, transpose_lhs_hint = false} : vector<64x128xf32>, vector<128x128xf32>, vector<64x128xf32> -> vector<64x128xf32>
      %get3A_105 = arith.constant 0 : index
      %get3A_106 = arith.constant 0 : index
      %get3A_107 = vector.load %arg13[%get3A_105, %get3A_106] : memref<1x128xf32, #tpu.memory_space<vmem>>, vector<1x128xf32>
      %add3A_108 = vector.broadcast %get3A_107 : vector<1x128xf32> to vector<64x128xf32>
      %add3A_109 = arith.addf %dot_general3A_104, %add3A_108 : vector<64x128xf32>
      %max3A_110 = arith.constant 0.000000e+00 : f32
      %max3A_111 = vector.broadcast %max3A_110 : f32 to vector<64x128xf32>
      %max3A_112 = arith.maximumf %add3A_109, %max3A_111 : vector<64x128xf32>
      %get3A_113 = arith.constant 0 : index
      %get3A_114 = arith.constant 0 : index
      %get3A_115 = vector.load %arg14[%get3A_113, %get3A_114] : memref<128x2xf32, #tpu.memory_space<vmem>>, vector<128x2xf32>
      %dot_general3A_116 = arith.constant dense<0.000000e+00> : vector<64x2xf32>
      %dot_general3A_117 = tpu.matmul %max3A_112, %get3A_115, %dot_general3A_116 {dimension_numbers = #tpu.dot_dimension_numbers<[1], [0], [0], [1], [0, 0, 1, 1], [], []>, transpose_lhs_hint = false} : vector<64x128xf32>, vector<128x2xf32>, vector<64x2xf32> -> vector<64x2xf32>
      %get3A_118 = arith.constant 0 : index
      %get3A_119 = arith.constant 0 : index
      %get3A_120 = vector.load %arg15[%get3A_118, %get3A_119] : memref<1x2xf32, #tpu.memory_space<vmem>>, vector<1x2xf32>
      %add3A_121 = vector.broadcast %get3A_120 : vector<1x2xf32> to vector<64x2xf32>
      %add3A_122 = arith.addf %dot_general3A_117, %add3A_121 : vector<64x2xf32>
      %reduce_max3A = arith.constant dense<0xFF800000> : vector<64xf32>
      %reduce_max3A_123 = vector.multi_reduction <maximumf>, %add3A_122, %reduce_max3A [1] : vector<64x2xf32> to vector<64xf32>
      %broadcast_in_dim3A_124 = vector.shape_cast %reduce_max3A_123 : vector<64xf32> to vector<64x1xf32>
      %sub3A = vector.broadcast %broadcast_in_dim3A_124 : vector<64x1xf32> to vector<64x2xf32>
      %sub3A_125 = arith.subf %add3A_122, %sub3A : vector<64x2xf32>
      %exp3A = math.exp %sub3A_125 : vector<64x2xf32>
      %reduce_sum3A = arith.constant dense<0.000000e+00> : vector<64xf32>
      %reduce_sum3A_126 = vector.multi_reduction <add>, %exp3A, %reduce_sum3A [1] : vector<64x2xf32> to vector<64xf32>
      %broadcast_in_dim3A_127 = vector.shape_cast %reduce_sum3A_126 : vector<64xf32> to vector<64x1xf32>
      %log3A = math.log %broadcast_in_dim3A_127 : vector<64x1xf32>
      %sub3A_128 = vector.broadcast %log3A : vector<64x1xf32> to vector<64x2xf32>
      %sub3A_129 = arith.subf %sub3A_125, %sub3A_128 : vector<64x2xf32>
      %swap3A_130 = arith.constant 0 : index
      %swap3A_131 = arith.constant 0 : index
      %swap3A_132 = vector.load %arg16[%swap3A_130, %swap3A_131] : memref<64x2xf32, #tpu.memory_space<vmem>>, vector<64x2xf32>
      tpu.vector_store %arg16[%swap3A_130, %swap3A_131], %sub3A_129 {strides = array<i32>} : memref<64x2xf32, #tpu.memory_space<vmem>>, vector<64x2xf32>,
    } else {
    }
    return
  }
  func.func @transform_0(%arg0: i32) -> (i32, i32) {
    %c0_i32 = arith.constant 0 : i32
    %c0_i32_0 = arith.constant 0 : i32
    return %arg0, %c0_i32 : i32, i32
  }
  func.func @transform_1(%arg0: i32) -> (i32, i32) {
    %c0_i32 = arith.constant 0 : i32
    %c0_i32_0 = arith.constant 0 : i32
    return %arg0, %c0_i32 : i32, i32
  }
  func.func @transform_2(%arg0: i32) -> (i32, i32) {
    %c0_i32 = arith.constant 0 : i32
    %c0_i32_0 = arith.constant 0 : i32
    return %arg0, %c0_i32 : i32, i32
  }
  func.func @transform_3(%arg0: i32) -> (i32, i32) {
    %c0_i32 = arith.constant 0 : i32
    %c0_i32_0 = arith.constant 0 : i32
    return %arg0, %c0_i32 : i32, i32
  }
  func.func @transform_4(%arg0: i32) -> (i32, i32) {
    %c0_i32 = arith.constant 0 : i32
    %c0_i32_0 = arith.constant 0 : i32
    return %arg0, %c0_i32 : i32, i32
  }
  func.func @transform_5(%arg0: i32) -> (i32, i32) {
    %c0_i32 = arith.constant 0 : i32
    %c0_i32_0 = arith.constant 0 : i32
    %c0_i32_1 = arith.constant 0 : i32
    return %c0_i32, %c0_i32_0 : i32, i32
  }
  func.func @transform_6(%arg0: i32) -> (i32, i32) {
    %c0_i32 = arith.constant 0 : i32
    %c0_i32_0 = arith.constant 0 : i32
    %c0_i32_1 = arith.constant 0 : i32
    return %c0_i32, %c0_i32_0 : i32, i32
  }
  func.func @transform_7(%arg0: i32) -> (i32, i32) {
    %c0_i32 = arith.constant 0 : i32
    %c0_i32_0 = arith.constant 0 : i32
    %c0_i32_1 = arith.constant 0 : i32
    return %c0_i32, %c0_i32_0 : i32, i32
  }
  func.func @transform_8(%arg0: i32) -> (i32, i32) {
    %c0_i32 = arith.constant 0 : i32
    %c0_i32_0 = arith.constant 0 : i32
    %c0_i32_1 = arith.constant 0 : i32
    return %c0_i32, %c0_i32_0 : i32, i32
  }
  func.func @transform_9(%arg0: i32) -> (i32, i32) {
    %c0_i32 = arith.constant 0 : i32
    %c0_i32_0 = arith.constant 0 : i32
    %c0_i32_1 = arith.constant 0 : i32
    return %c0_i32, %c0_i32_0 : i32, i32
  }
  func.func @transform_10(%arg0: i32) -> (i32, i32) {
    %c0_i32 = arith.constant 0 : i32
    %c0_i32_0 = arith.constant 0 : i32
    %c0_i32_1 = arith.constant 0 : i32
    return %c0_i32, %c0_i32_0 : i32, i32
  }
  func.func @transform_11(%arg0: i32) -> (i32, i32) {
    %c0_i32 = arith.constant 0 : i32
    %c0_i32_0 = arith.constant 0 : i32
    %c0_i32_1 = arith.constant 0 : i32
    return %c0_i32, %c0_i32_0 : i32, i32
  }
  func.func @transform_12(%arg0: i32) -> (i32, i32) {
    %c0_i32 = arith.constant 0 : i32
    %c0_i32_0 = arith.constant 0 : i32
    %c0_i32_1 = arith.constant 0 : i32
    return %c0_i32, %c0_i32_0 : i32, i32
  }
  func.func @transform_13(%arg0: i32) -> (i32, i32) {
    %c0_i32 = arith.constant 0 : i32
    %c0_i32_0 = arith.constant 0 : i32
    %c0_i32_1 = arith.constant 0 : i32
    return %c0_i32, %c0_i32_0 : i32, i32
  }
  func.func @transform_14(%arg0: i32) -> (i32, i32) {
    %c0_i32 = arith.constant 0 : i32
    %c0_i32_0 = arith.constant 0 : i32
    %c0_i32_1 = arith.constant 0 : i32
    return %c0_i32, %c0_i32_0 : i32, i32
  }
  func.func @transform_15(%arg0: i32) -> (i32, i32) {
    %c0_i32 = arith.constant 0 : i32
    %c0_i32_0 = arith.constant 0 : i32
    %c0_i32_1 = arith.constant 0 : i32
    return %c0_i32, %c0_i32_0 : i32, i32
  }
}

</mosaic_0001>

<sc_bundles>
// kernel: kernel.12.cloned.1.call-start
scs
__scs_entry_jumppad:
0x0: {  	(pc) =	sbr.rel $0x88, $3  }
0x1: {  	(tag) =	ssettag $0x0;
	lr =	simm.s32 $0x1  }
0x2: {  	[smem:$0x3F8A] =	sst lr;
	_ =	strace $0xD0000000  }
0x3: {  	_ = 	snop  }
0x4: {  	_ = 	snop  }
0x5: {  	_ = 	snop  }
0x6: {  	_ = 	snop  }
0x7: {  	_ = 	snop  }
__scs_overlays_trampoline_lowered:
0x8: {  	[smem:$0x3F99] =	sst s0  }
0x9: {  	[smem:$0x3F9A] =	sst s1  }
0xa: {  	[smem:$0x3F9B] =	sst s2  }
0xb: {  	[smem:$0x3F9C] =	sst s3  }
0xc: {  	[smem:$0x3F9D] =	sst s4  }
0xd: {  	[smem:$0x3F9E] =	sst s5  }
0xe: {  	[smem:$0x3F9F] =	sst s6  }
0xf: {  	[smem:$0x3FA0] =	sst s7  }
0x10: {  	[smem:$0x3FA1] =	sst s8  }
0x11: {  	[smem:$0x3FA2] =	sst s9;
	s0 =	simm.s32 @!p0 $0x0  }
0x12: {  	s1 =	sld [smem:$0x3F88];
	s0 =	simm.s32 @p0 $0x1  }
0x13: {  	[smem:$0x3FA3] =	sst s0;
	s0 =	simm.s32 @!p1 $0x0  }
0x14: {  	s2 =	sld [smem:$0x3F87];
	s0 =	simm.s32 @p1 $0x1  }
0x15: {  	[smem:$0x3FA4] =	sst s0;
	s0 =	simm.s32 @!p2 $0x0  }
0x16: {  	s3 =	sld [smem:$0x3FDB];
	s0 =	simm.s32 @p2 $0x1  }
0x17: {  	s4 =	simm.s32 $0x1BF5;
	[smem:$0x3FA6] =	sst s0  }
0x18: {  	s0 =	sld [smem:$0x3F89];
	_ =	swait.ge [sflag:s4], $0x0  }
0x19: {  	s7 =	sld [smem:$0x3F8A]  }
0x1a: {  	s8 =	sadd.s32 $0xFFFFE003, lr  }
0x1b: {  	s9 =	sadd.s32 $0xFFFFFEF7, lr;
	s5 =	simm.s32 $0xFFFFFFFF;
	p2 =	slt.u32 s8, $0xFFFFF086  }
0x1c: {  	p1 =	slt.u32 s9, $0xF7A;
	s5 =	simm.s32 @!p2 $0x0  }
0x1d: {  	s5 =	simm.s32 @p1 $0x1;
	p0 =	seq.s32 s7, s2  }
0x1e: {  	s7 =	smul.u32 @!p0 $0xF7A, s2;
	p2 =	seq.s32 @!p0 s5, $0x0  }
0x1f: {  	s9 =	smul.u32 $0xF7A, s1;
	s8 =	simm.s32 @!p0 $0x1BF5;
	p2 =	por !p2, p0  }
0x20: {  	[sflag:s8] =	ssyncset.s32 @!p0 $0xFFFFF086;
	s6 =	sadd.s32 @!p0 s3, s7;
	s7 =	simm.s32 @!p0 $0x108  }
0x21: {  	s3 =	sadd.s32 s3, s9;
	s6 =	sadd.s32 @!p0 $0x88, s6;
	s7 =	simm.s32 @p2 $0x1082  }
0x22: {  	[simem:s7], [sflag:s8] =	dma.local @!p0 [hbm:s6], $0xF7A  }
0x23: {  	s9 =	sor.u32 $0xD0000000, s2;
	s6 =	simm.s32 $0x108;
	_ =	swait.ge @!p0 [sflag:s8], $0x0  }
0x24: {  	s3 =	sadd.s32 $0x88, s3;
	s6 =	simm.s32 @!p1 $0x1082;
	[sflag:s4] =	ssyncset.s32 $0xFFFFF086  }
0x25: {  	[simem:s6], [sflag:s4] =	dma.local [hbm:s3], $0xF7A  }
0x26: {  	[smem:$0x3F8A] =	sst s1;
	(tag) =	ssettag s2;
	_ =	strace s9  }
0x27: {  	s1 =	sld [smem:$0x3F9A]  }
0x28: {  	s2 =	sld [smem:$0x3F9B]  }
0x29: {  	s4 =	sld [smem:$0x3F9D]  }
0x2a: {  	p0 =	seq.s32 s5, $0x0;
	s5 =	sld [smem:$0x3F9E]  }
0x2b: {  	s6 =	sld [smem:$0x3F9F]  }
0x2c: {  	s7 =	sld [smem:$0x3FA0]  }
0x2d: {  	s3 =	simm.s32 $0x108;
	s8 =	sld [smem:$0x3FA1]  }
0x2e: {  	s3 =	simm.s32 @!p0 $0x1082;
	s9 =	sld [smem:$0x3FA2]  }
0x2f: {  	lr =	sadd.s32 s0, s3;
	s0 =	sld [smem:$0x3F99]  }
0x30: {  	s3 =	sld [smem:$0x3F9C]  }
0x31: {  	[smem:$0x3FA5] =	sst s10  }
0x32: {  	s10 =	sld [smem:$0x3FA3];
	_ =	sdelay $0x3  }
0x33: {  	p0 =	seq.s32 s10, $0x1;
	s10 =	sld [smem:$0x3FA5];
	_ =	sdelay $0x3  }
0x34: {  	[smem:$0x3FA5] =	sst s10  }
0x35: {  	s10 =	sld [smem:$0x3FA4];
	_ =	sdelay $0x3  }
0x36: {  	p1 =	seq.s32 s10, $0x1;
	s10 =	sld [smem:$0x3FA5];
	_ =	sdelay $0x3  }
0x37: {  	[smem:$0x3FA5] =	sst s10  }
0x38: {  	s10 =	sld [smem:$0x3FA6]  }
0x39: {  	_ = 	snop;
	(pc) =	sbr.ind lr, $3  }
0x3a: {  	_ = 	snop  }
0x3b: {  	_ = 	snop  }
0x3c: {  	p2 =	seq.s32 s10, $0x1;
	s10 =	sld [smem:$0x3FA5]  }
0x3d: {  	_ =	shalt  }
0x3e: {  	_ =	shalt  }
0x3f: {  	_ =	shalt  }
0x40: {  	_ =	shalt  }
0x41: {  	_ =	shalt  }
0x42: {  	_ =	shalt  }
0x43: {  	_ =	shalt  }
0x44: {  	_ =	shalt  }
0x45: {  	_ =	shalt  }
0x46: {  	_ =	shalt  }
0x47: {  	_ =	shalt  }
0x48: {  	_ =	shalt  }
0x49: {  	_ =	shalt  }
0x4a: {  	_ =	shalt  }
0x4b: {  	_ =	shalt  }
0x4c: {  	_ =	shalt  }
0x4d: {  	_ =	shalt  }
0x4e: {  	_ =	shalt  }
0x4f: {  	_ =	shalt  }
0x50: {  	_ =	shalt  }
0x51: {  	_ =	shalt  }
0x52: {  	_ =	shalt  }
0x53: {  	_ =	shalt  }
0x54: {  	_ =	shalt  }
0x55: {  	_ =	shalt  }
0x56: {  	_ =	shalt  }
0x57: {  	_ =	shalt  }
0x58: {  	_ =	shalt  }
0x59: {  	_ =	shalt  }
0x5a: {  	_ =	shalt  }
0x5b: {  	_ =	shalt  }
0x5c: {  	_ =	shalt  }
0x5d: {  	_ =	shalt  }
0x5e: {  	_ =	shalt  }
0x5f: {  	_ =	shalt  }
0x60: {  	_ =	shalt  }
0x61: {  	_ =	shalt  }
0x62: {  	_ =	shalt  }
0x63: {  	_ =	shalt  }
0x64: {  	_ =	shalt  }
0x65: {  	_ =	shalt  }
0x66: {  	_ =	shalt  }
0x67: {  	_ =	shalt  }
0x68: {  	_ =	shalt  }
0x69: {  	_ =	shalt  }
0x6a: {  	_ =	shalt  }
0x6b: {  	_ =	shalt  }
0x6c: {  	_ =	shalt  }
0x6d: {  	_ =	shalt  }
0x6e: {  	_ =	shalt  }
0x6f: {  	_ =	shalt  }
0x70: {  	_ =	shalt  }
0x71: {  	_ =	shalt  }
0x72: {  	_ =	shalt  }
0x73: {  	_ =	shalt  }
0x74: {  	_ =	shalt  }
0x75: {  	_ =	shalt  }
0x76: {  	_ =	shalt  }
0x77: {  	_ =	shalt  }
0x78: {  	_ =	shalt  }
0x79: {  	_ =	shalt  }
0x7a: {  	_ =	shalt  }
0x7b: {  	_ =	shalt  }
0x7c: {  	_ =	shalt  }
0x7d: {  	_ =	shalt  }
0x7e: {  	_ =	shalt  }
0x7f: {  	_ =	shalt  }
0x80: {  	_ =	shalt  }
0x81: {  	_ =	shalt  }
0x82: {  	_ =	shalt  }
0x83: {  	_ =	shalt  }
0x84: {  	_ =	shalt  }
0x85: {  	_ =	shalt  }
0x86: {  	_ =	shalt  }
0x87: {  	_ =	shalt  }
.Lfunc_end0:
.L_simem_size_0:
called_computation.1_lowered:
.L_overlay_start_0:
0x88: {  	s2 =	sld [smem:$0x3FD9]  }
0x89: {  	s3 =	sld [smem:$0x3FFE];
	_ =	sdelay $0x1  }
0x8a: {  	s1 =	srdreg.scid  }
0x8b: {  	s0 =	sand.u32 $0x1, s1  }
0x8c: {  	s16 =	sshll.u32 s0, $0xA;
	s2 =	sadd.s32 s3, s2  }
0x8d: {  	s2 =	sadd.s32 s2, s16  }
0x8e: {  	[smem:$0x3FB1] =	sst s2  }
0x8f: {  	_ = 	snop  }
0x90: {  	(tm) =	ssettm $0x1  }
0x91: {  	s17 =	sld [smem:$0x3FFB];
	_ =	sdelay $0x3  }
0x92: {  	_ =	strace s17  }
0x93: {  	s2 =	sld [smem:$0x3FFC];
	_ =	sdelay $0x3  }
0x94: {  	_ =	strace s2  }
0x95: {  	s2 =	sld [smem:$0x3FFD];
	_ =	sdelay $0x3  }
0x96: {  	_ =	strace s2  }
0x97: {  	_ =	strace $0x8FFFFFFF  }
0x98: {  	s18 =	sld [smem:$0x3FDB];
	_ =	sdelay $0x1  }
0x99: {  	s19 =	simm.s32 $_scs_section_size  }
0x9a: {  	s4 =	simm.s32 $_size__tile_overlayer_lowered;
	s5 =	simm.s32 $_tile_overlayer_lowered  }
0x9b: {  	s22 =	simm.s32 $0x1BFF;
	s21 =	sshll.u32 s5, $0x1;
	s2 =	sadd.s32 s19, s18  }
0x9c: {  	s6 =	simm.s32 $0x0;
	s20 =	sshll.u32 s4, $0x1;
	s4 =	sadd.s32 s21, s2  }
0x9d: {  	[timem:s6], [sflag:s22] =	dma.local [hbm:s4], s20  }
0x9e: {  	_ =	swait.ge [sflag:s22], s20  }
0x9f: {  	s3 =	ssub.s32 $0x0, s20;
	[sflag:s22] =	ssyncset.done $0x0  }
0xa0: {  	[sflag:s22] =	ssyncadd.s32 s3;
	_ =	sdelay $0x1  }
0xa1: {  	s23 =	simm.s32 $0x1B8B  }
0xa2: {  	_ =	swait.ge [sflag:s23], $0x1  }
0xa3: {  	[sflag:s23] =	ssyncset.done $0x0  }
0xa4: {  	s25 =	simm.s32 $0x1B8E;
	s24 =	sld [smem:$0x3FFE];
	[sflag:s23] =	ssyncadd.s32 $0xFFFFFFFF  }
0xa5: {  	s26 =	simm.s32 $execute0_lowered;
	[smem:$0x3FD2] =	sst s25  }
0xa6: {  	s4 =	sshll.u32 s26, $0x1;
	_ =	strace $0x80000046;
	[dreg:$0x1] =	wrdreg $0xFFFFFFFF  }
0xa7: {  	s28 =	simm.s32 $_size_execute0_lowered;
	s2 =	sadd.s32 s2, s4;
	[dreg:$0x0] =	wrdreg $0x0  }
0xa8: {  	s4 =	sshll.u32 s28, $0x1;
	[dreg:$0x2] =	wrdreg s2  }
0xa9: {  	[dreg:$0x3] =	wrdreg s4  }
0xaa: {  	[dreg:$0x4] =	wrdreg $0xC0  }
0xab: {  	_ =	task [dreg:s6], $0x5FFFF  }
0xac: {  	[dreg:$0x1] =	wrdreg $0xFFFFFFFF  }
0xad: {  	[dreg:$0x0] =	wrdreg $0x60  }
0xae: {  	[dreg:$0x2] =	wrdreg s24  }
0xaf: {  	[dreg:$0x3] =	wrdreg $0x92000  }
0xb0: {  	[dreg:$0x4] =	wrdreg $0xA  }
0xb1: {  	_ =	task.clear_ibuf [dreg:s6], $0x5FFFF;
	_ =	strace $0x90000046  }
0xb2: {  	s29 =	simm.s32 $0xA;
	_ =	strace $0x80000048  }
0xb3: {  	_ =	swait.ge [sflag:s29], $0x1  }
0xb4: {  	[sflag:s29] =	ssyncadd.s32 $0xFFFFFFFF  }
0xb5: {  	_ =	strace $0x90000048  }
0xb6: {  	_ =	sfence  }
0xb7: {  	s30 =	sld [smem:$0x0];
	_ =	sdelay $0x2  }
0xb8: {  	s31 =	sshll.u32 s1, $0xD;
	s1 =	sshrl.u32 s1, $0x2  }
0xb9: {  	s3 =	sand.u32 $0x4000, s31;
	s1 =	sadd.s32 s1, s30  }
0xba: {  	s0 =	sor.u32 s3, s0;
	s1 =	sshll.u32 s1, $0x11  }
0xbb: {  	s0 =	sor.u32 s1, s0  }
0xbc: {  	s0 =	sadd.s32 $0x8F2B, s0  }
0xbd: {  	[sflag:s0] =	ssyncadd.remote.s32 $0x1  }
0xbe: {  	_ =	sfence.sel $0xFFFF  }
0xbf: {  	[dreg:$0x0] =	wrdreg $0xFFFFFFFF;
	(pc) =	sbr.abs _section_cstart, $3  }
0xc0: {  	[dreg:$0x1] =	wrdreg $0xFFFFFFFF  }
0xc1: {  	_ =	task.clear_ibuf [dreg:s6], $0x2FFFF;
	_ =	strace $0x9FFFFFFF  }
0xc2: {  	(tm) =	ssettm $0x7FFFFFFF  }
0xc3: {  	_ =	shalt  }
tec
execute0_lowered:
.L_overlay_start_1:
0x0: {  	(tag) =	ssettag $0x1  }
0x1: {  	s1 =	rddreg [dreg:$0x0]  }
0x2: {  	s2 =	rddreg [dreg:$0x1]  }
0x3: {  	s3 =	simm.s32 $0x0;
	s12 =	stileid.u32;
	s0 =	srdreg.scid  }
0x4: {  	s28 =	simm.s32 $0x140;
	s29 =	simm.s32 $0x80;
	s30 =	simm.s32 $0x180  }
0x5: {  	s31 =	simm.s32 $0xA;
	[smem:$0x7FF] =	sst s3;
	s5 =	smul.u32 $0x16800, s12  }
0x6: {  	s6 =	sand.u32 $0x1, s0;
	s4 =	sadd.s32 $0x58000, s1;
	s0 =	sadd.s32 $0x8F200, s1  }
0x7: {  	s9 =	sadd.s32 $0x85000, s1;
	s11 =	sshll.u32 s12, $0x1;
	s15 =	smul.u32 $0x5000, s12  }
0x8: {  	s14 =	sshll.u32 s12, $0x6;
	_ =	strace $0x80000047;
	s7 =	smul.u32 $0x168000, s6  }
0x9: {  	s10 =	ssub.s32 $0x2, s6;
	s11 =	sor.u32 s6, s11;
	s22 =	sor.u32 $0x1C0D, s14  }
0xa: {  	s6 =	smul.u32 $0x2800, s6;
	s8 =	sshrl.u32 s5, $0x3;
	s26 =	sshrl.u32 s10, $0x1  }
0xb: {  	s13 =	smul.u32 $0x2800, s11;
	[dreg:$0xd] =	wrdreg s22;
	s8 =	sadd.s32 s8, s1  }
0xc: {  	s7 =	sadd.s32 s5, s7;
	s5 =	sadd.s32 s5, s2;
	s6 =	sadd.s32 s6, s15  }
0xd: {  	s7 =	sshrl.u32 s7, $0x3;
	[dreg:$0xb] =	wrdreg s5;
	s8 =	sadd.s32 $0x99400, s8  }
0xe: {  	s5 =	sshrl.u32 s13, $0x3;
	s23 =	sor.u32 $0x280, s6;
	s13 =	sor.u32 $0x240, s6  }
0xf: {  	s1 =	sadd.s32 s7, s1;
	s7 =	ssub.s32 s10, s26;
	[dreg:$0xc] =	wrdreg s8  }
0x10: {  	s16 =	sadd.s32 s0, s5;
	s17 =	sadd.s32 s9, s5;
	s18 =	sor.u32 $0x8, s5  }
0x11: {  	s20 =	sor.u32 $0x10, s5;
	s25 =	sor.u32 $0x18, s5;
	[dreg:$0xe] =	wrdreg s16  }
0x12: {  	s14 =	sshrl.u32 s13, $0x3;
	[dreg:$0xf] =	wrdreg s17;
	s19 =	sadd.s32 s0, s18  }
0x13: {  	s13 =	simm.s32 $0xC;
	s8 =	sadd.s32 s9, s18;
	[dreg:$0x10] =	wrdreg s19  }
0x14: {  	s21 =	sadd.s32 s0, s20;
	s24 =	sadd.s32 s9, s20;
	[dreg:$0x11] =	wrdreg s8  }
0x15: {  	s26 =	sadd.s32 s0, s25;
	s10 =	sadd.s32 s9, s25;
	[dreg:$0x12] =	wrdreg s21  }
0x16: {  	s15 =	sadd.s32 s14, s9;
	s16 =	sor.u32 $0x20, s5;
	[dreg:$0x13] =	wrdreg s24  }
0x17: {  	s17 =	sor.u32 $0x200, s6;
	s11 =	sadd.s32 s14, s0;
	[dreg:$0x14] =	wrdreg s26  }
0x18: {  	s6 =	sor.u32 $0x1C0, s6;
	s1 =	sadd.s32 $0xC6400, s1;
	[dreg:$0x15] =	wrdreg s10  }
0x19: {  	s14 =	simm.s32 $0x6E00;
	s8 =	sshrl.u32 s23, $0x3;
	[dreg:$0x5] =	wrdreg s15  }
0x1a: {  	s18 =	sadd.s32 s0, s16;
	[dreg:$0x6] =	wrdreg s11;
	s6 =	sshrl.u32 s6, $0x3  }
0x1b: {  	s10 =	sadd.s32 s9, s16;
	s21 =	sor.u32 $0x28, s5;
	[dreg:$0x1c] =	wrdreg s1  }
0x1c: {  	s5 =	sor.u32 $0x30, s5;
	s26 =	smax.u32 s7, $0x1;
	[dreg:$0x16] =	wrdreg s18  }
0x1d: {  	s1 =	simm.s32 $0x2600;
	s11 =	simm.s32 $0x5;
	[dreg:$0x17] =	wrdreg s10  }
0x1e: {  	s15 =	simm.s32 $0x6;
	s12 =	sadd.s32 s8, s9;
	[dreg:$0x1d] =	wrdreg s26  }
0x1f: {  	s16 =	simm.s32 $0x3;
	s8 =	sadd.s32 s8, s0;
	[dreg:$0x3] =	wrdreg s12  }
0x20: {  	s20 =	sadd.s32 s6, s9;
	s23 =	sadd.s32 s0, s21;
	[dreg:$0x4] =	wrdreg s8  }
0x21: {  	s24 =	sadd.s32 s9, s21;
	s25 =	sadd.s32 s9, s5;
	[dreg:$0x9] =	wrdreg s20  }
0x22: {  	s5 =	sadd.s32 s0, s5;
	s26 =	simm.s32 $0x40;
	[dreg:$0x18] =	wrdreg s23  }
0x23: {  	s10 =	simm.s32 $0x1C0;
	s18 =	simm.s32 $0x7;
	[dreg:$0x19] =	wrdreg s24  }
0x24: {  	s21 =	simm.s32 $0x0;
	s8 =	sshrl.u32 s17, $0x3;
	[dreg:$0x1a] =	wrdreg s25  }
0x25: {  	[dreg:$0x1b] =	wrdreg s5;
	s23 =	simm.s32 $0xD;
	s25 =	simm.s32 $0x100  }
0x26: {  	s5 =	simm.s32 $0x1;
	s12 =	simm.s32 $0x2;
	s19 =	sadd.s32 s8, s9  }
0x27: {  	s17 =	simm.s32 $0x9;
	s8 =	sadd.s32 s8, s0;
	[dreg:$0x7] =	wrdreg s19  }
0x28: {  	s20 =	simm.s32 $0x8;
	s0 =	sadd.s32 s6, s0;
	[dreg:$0x8] =	wrdreg s8  }
0x29: {  	s6 =	simm.s32 $0xB;
	s9 =	simm.s32 $0xC0;
	[dreg:$0xa] =	wrdreg s0  }
0x2a: {  	s0 =	simm.s32 $0x200;
	s8 =	simm.s32 $0x4A00;
	s19 =	simm.s32 $0x4  }
.LBB2_1:
0x2b: {  	s7 =	rddreg [dreg:$0xb]  }
0x2c: {  	s24 =	sshrl.u32 s7, $0x3;
	s7 =	rddreg [dreg:$0xc]  }
0x2d: {  	[dreg:$0x1e] =	wrdreg s24  }
0x2e: {  	[spmem:s24], [sflag:s22] =	dma.local [hbm:s7], $0x2D00  }
0x2f: {  	_ =	swait.ge [sflag:s23], $0x2D00  }
0x30: {  	[sflag:s23] =	ssyncset.done $0x0  }
0x31: {  	s24 =	rddreg [dreg:$0xe];
	[sflag:s23] =	ssyncadd.s32 $0xFFFFD300  }
0x32: {  	[tilespmem:s3], [sflag:$0xD] =	stream.linear.gather [hbm4b:s24+s3], $0x40, $0x38;
	[tilespmem:$0x1FA00] =	vst v63  }
0x33: {  	_ =	swait.ge [sflag:s23], $0x40  }
0x34: {  	[sflag:s23] =	ssyncset.done $0x0  }
0x35: {  	s22 =	rddreg [dreg:$0xf];
	[sflag:s23] =	ssyncadd.s32 $0xFFFFFFC0  }
0x36: {  	[tilespmem:s25], [sflag:$0xD] =	stream.linear.gather [hbm4b:s22+s3], $0x40, $0x38;
	[tilespmem:$0x1FA00] =	vst v63  }
0x37: {  	_ =	swait.ge [sflag:s23], $0x40  }
0x38: {  	[sflag:s23] =	ssyncset.done $0x0  }
0x39: {  	[sflag:s23] =	ssyncadd.s32 $0xFFFFFFC0;
	s23 =	rddreg [dreg:$0x10]  }
0x3a: {  	[tilespmem:s26], [sflag:$0xA] =	stream.linear.gather [hbm4b:s23+s3], $0x40, $0x38;
	[tilespmem:$0x1FA00] =	vst v63  }
0x3b: {  	s24 =	rddreg [dreg:$0x11]  }
0x3c: {  	[tilespmem:s28], [sflag:$0xA] =	stream.linear.gather [hbm4b:s24+s3], $0x40, $0x38;
	[tilespmem:$0x1FA00] =	vst v63  }
0x3d: {  	s22 =	rddreg [dreg:$0x12]  }
0x3e: {  	[tilespmem:s29], [sflag:$0xB] =	stream.linear.gather [hbm4b:s22+s3], $0x40, $0x38;
	[tilespmem:$0x1FA00] =	vst v63  }
0x3f: {  	s23 =	rddreg [dreg:$0x13]  }
0x40: {  	[tilespmem:s30], [sflag:$0xB] =	stream.linear.gather [hbm4b:s23+s3], $0x40, $0x38;
	[tilespmem:$0x1FA00] =	vst v63  }
0x41: {  	_ =	swait.ge [sflag:s31], $0x40  }
0x42: {  	[sflag:s31] =	ssyncset.done $0x0  }
0x43: {  	[sflag:s31] =	ssyncadd.s32 $0xFFFFFFC0  }
0x44: {  	_ =	swait.ge [sflag:s31], $0x40  }
0x45: {  	[sflag:s31] =	ssyncset.done $0x0  }
0x46: {  	[sflag:s31] =	ssyncadd.s32 $0xFFFFFFC0  }
0x47: {  	[tilespmem:s0], [sflag:$0x1] =	stream.indirect.gather [hbm4b:s4+s26], $0x90, s3, s26, $0xb8;
	[tilespmem:$0x1FA00] =	vst v63  }
0x48: {  	_ = 	snop  }
0x49: {  	[tilespmem:s1], [sflag:$0x2] =	stream.indirect.gather [hbm4b:s4+s26], $0x90, s26, s26, $0xb8;
	[tilespmem:$0x1FA00] =	vst v63  }
0x4a: {  	_ =	swait.ge [sflag:s5], $0x2400  }
0x4b: {  	[sflag:s5] =	ssyncset.done $0x0  }
0x4c: {  	[sflag:s5] =	ssyncadd.s32 $0xFFFFDC00  }
0x4d: {  	_ =	swait.ge [sflag:s6], $0x40  }
0x4e: {  	[sflag:s6] =	ssyncset.done $0x0  }
0x4f: {  	[sflag:s6] =	ssyncadd.s32 $0xFFFFFFC0  }
0x50: {  	_ =	swait.ge [sflag:s6], $0x40  }
0x51: {  	[sflag:s6] =	ssyncset.done $0x0  }
0x52: {  	[sflag:s6] =	ssyncadd.s32 $0xFFFFFFC0  }
0x53: {  	[tilespmem:s8], [sflag:$0x3] =	stream.indirect.gather [hbm4b:s4+s26], $0x90, s29, s26, $0xb8;
	[tilespmem:$0x1FA00] =	vst v63  }
0x54: {  	_ = 	snop  }
0x55: {  	[spmem:s2] =	stream.indirect.scatter.add.f32 [tilespmem:s0], [sflag:$0x5], $0x90, s25, s26, $0xb8;
	[tilespmem:$0x1FA00] =	vst v63  }
0x56: {  	s24 =	rddreg [dreg:$0x14]  }
0x57: {  	[tilespmem:s9], [sflag:$0xC] =	stream.linear.gather [hbm4b:s24+s3], $0x40, $0x38;
	[tilespmem:$0x1FA00] =	vst v63  }
0x58: {  	s22 =	rddreg [dreg:$0x15]  }
0x59: {  	[tilespmem:s10], [sflag:$0xC] =	stream.linear.gather [hbm4b:s22+s3], $0x40, $0x38;
	[tilespmem:$0x1FA00] =	vst v63  }
0x5a: {  	_ =	swait.ge [sflag:s11], $0x2400  }
0x5b: {  	[sflag:s11] =	ssyncset.done $0x0  }
0x5c: {  	[sflag:s11] =	ssyncadd.s32 $0xFFFFDC00  }
0x5d: {  	_ =	swait.ge [sflag:s12], $0x2400  }
0x5e: {  	[sflag:s12] =	ssyncset.done $0x0  }
0x5f: {  	[sflag:s12] =	ssyncadd.s32 $0xFFFFDC00  }
0x60: {  	_ =	swait.ge [sflag:s13], $0x40  }
0x61: {  	[sflag:s13] =	ssyncset.done $0x0  }
0x62: {  	[sflag:s13] =	ssyncadd.s32 $0xFFFFFFC0  }
0x63: {  	_ =	swait.ge [sflag:s13], $0x40  }
0x64: {  	[sflag:s13] =	ssyncset.done $0x0  }
0x65: {  	[sflag:s13] =	ssyncadd.s32 $0xFFFFFFC0  }
0x66: {  	[tilespmem:s14], [sflag:$0x4] =	stream.indirect.gather [hbm4b:s4+s26], $0x90, s9, s26, $0xb8;
	[tilespmem:$0x1FA00] =	vst v63  }
0x67: {  	_ = 	snop  }
0x68: {  	[spmem:s2] =	stream.indirect.scatter.add.f32 [tilespmem:s1], [sflag:$0x6], $0x90, s28, s26, $0xb8;
	[tilespmem:$0x1FA00] =	vst v63  }
0x69: {  	s23 =	rddreg [dreg:$0x16]  }
0x6a: {  	[tilespmem:s3], [sflag:$0x9] =	stream.linear.gather [hbm4b:s23+s3], $0x40, $0x38;
	[tilespmem:$0x1FA00] =	vst v63  }
0x6b: {  	s24 =	rddreg [dreg:$0x17]  }
0x6c: {  	[tilespmem:s25], [sflag:$0x9] =	stream.linear.gather [hbm4b:s24+s3], $0x40, $0x38;
	[tilespmem:$0x1FA00] =	vst v63  }
0x6d: {  	_ =	swait.ge [sflag:s15], $0x2400  }
0x6e: {  	[sflag:s15] =	ssyncset.done $0x0  }
0x6f: {  	[sflag:s15] =	ssyncadd.s32 $0xFFFFDC00  }
0x70: {  	_ =	swait.ge [sflag:s16], $0x2400  }
0x71: {  	[sflag:s16] =	ssyncset.done $0x0  }
0x72: {  	[sflag:s16] =	ssyncadd.s32 $0xFFFFDC00  }
0x73: {  	_ =	swait.ge [sflag:s17], $0x40  }
0x74: {  	[sflag:s17] =	ssyncset.done $0x0  }
0x75: {  	[sflag:s17] =	ssyncadd.s32 $0xFFFFFFC0  }
0x76: {  	_ =	swait.ge [sflag:s17], $0x40  }
0x77: {  	[sflag:s17] =	ssyncset.done $0x0  }
0x78: {  	[sflag:s17] =	ssyncadd.s32 $0xFFFFFFC0  }
0x79: {  	[tilespmem:s0], [sflag:$0x1] =	stream.indirect.gather [hbm4b:s4+s26], $0x90, s3, s26, $0xb8;
	[tilespmem:$0x1FA00] =	vst v63  }
0x7a: {  	_ = 	snop  }
0x7b: {  	[spmem:s2] =	stream.indirect.scatter.add.f32 [tilespmem:s8], [sflag:$0x7], $0x90, s30, s26, $0xb8;
	[tilespmem:$0x1FA00] =	vst v63  }
0x7c: {  	s22 =	rddreg [dreg:$0x18]  }
0x7d: {  	[tilespmem:s26], [sflag:$0xA] =	stream.linear.gather [hbm4b:s22+s3], $0x40, $0x38;
	[tilespmem:$0x1FA00] =	vst v63  }
0x7e: {  	s23 =	rddreg [dreg:$0x19]  }
0x7f: {  	[tilespmem:s28], [sflag:$0xA] =	stream.linear.gather [hbm4b:s23+s3], $0x40, $0x38;
	[tilespmem:$0x1FA00] =	vst v63  }
0x80: {  	_ =	swait.ge [sflag:s18], $0x2400  }
0x81: {  	[sflag:s18] =	ssyncset.done $0x0  }
0x82: {  	[sflag:s18] =	ssyncadd.s32 $0xFFFFDC00  }
0x83: {  	_ =	swait.ge [sflag:s19], $0x2400  }
0x84: {  	[sflag:s19] =	ssyncset.done $0x0  }
0x85: {  	[sflag:s19] =	ssyncadd.s32 $0xFFFFDC00  }
0x86: {  	_ =	swait.ge [sflag:s31], $0x40  }
0x87: {  	[sflag:s31] =	ssyncset.done $0x0  }
0x88: {  	[sflag:s31] =	ssyncadd.s32 $0xFFFFFFC0  }
0x89: {  	_ =	swait.ge [sflag:s31], $0x40  }
0x8a: {  	[sflag:s31] =	ssyncset.done $0x0  }
0x8b: {  	[sflag:s31] =	ssyncadd.s32 $0xFFFFFFC0  }
0x8c: {  	[tilespmem:s1], [sflag:$0x2] =	stream.indirect.gather [hbm4b:s4+s26], $0x90, s26, s26, $0xb8;
	[tilespmem:$0x1FA00] =	vst v63  }
0x8d: {  	_ = 	snop  }
0x8e: {  	[spmem:s2] =	stream.indirect.scatter.add.f32 [tilespmem:s14], [sflag:$0x8], $0x90, s10, s26, $0xb8;
	[tilespmem:$0x1FA00] =	vst v63  }
0x8f: {  	s24 =	rddreg [dreg:$0x1b]  }
0x90: {  	[tilespmem:s29], [sflag:$0xB] =	stream.linear.gather [hbm4b:s24+s3], $0x40, $0x38;
	[tilespmem:$0x1FA00] =	vst v63  }
0x91: {  	s22 =	rddreg [dreg:$0x1a]  }
0x92: {  	[tilespmem:s30], [sflag:$0xB] =	stream.linear.gather [hbm4b:s22+s3], $0x40, $0x38;
	[tilespmem:$0x1FA00] =	vst v63  }
0x93: {  	_ =	swait.ge [sflag:s20], $0x2400  }
0x94: {  	[sflag:s20] =	ssyncset.done $0x0  }
0x95: {  	[sflag:s20] =	ssyncadd.s32 $0xFFFFDC00  }
0x96: {  	_ =	swait.ge [sflag:s5], $0x2400  }
0x97: {  	[sflag:s5] =	ssyncset.done $0x0  }
0x98: {  	[sflag:s5] =	ssyncadd.s32 $0xFFFFDC00  }
0x99: {  	_ =	swait.ge [sflag:s6], $0x40  }
0x9a: {  	[sflag:s6] =	ssyncset.done $0x0  }
0x9b: {  	[sflag:s6] =	ssyncadd.s32 $0xFFFFFFC0  }
0x9c: {  	_ =	swait.ge [sflag:s6], $0x40  }
0x9d: {  	[sflag:s6] =	ssyncset.done $0x0  }
0x9e: {  	[sflag:s6] =	ssyncadd.s32 $0xFFFFFFC0  }
0x9f: {  	[tilespmem:s8], [sflag:$0x3] =	stream.indirect.gather [hbm4b:s4+s26], $0x90, s29, s26, $0xb8;
	[tilespmem:$0x1FA00] =	vst v63  }
0xa0: {  	s23 =	rddreg [dreg:$0xa]  }
0xa1: {  	[spmem:s2] =	stream.indirect.scatter.add.f32 [tilespmem:s0], [sflag:$0x5], $0x90, s25, s26, $0xb8;
	[tilespmem:$0x1FA00] =	vst v63  }
0xa2: {  	s24 =	rddreg [dreg:$0x9];
	s7 =	sadd.s32 $0x0, s23  }
0xa3: {  	[tilespmem:s9], [sflag:$0xC] =	stream.linear.gather [hbm4b:s7+s3], $0x40, $0x38;
	[tilespmem:$0x1FA00] =	vst v63  }
0xa4: {  	s22 =	sadd.s32 $0x0, s24  }
0xa5: {  	[tilespmem:s10], [sflag:$0xC] =	stream.linear.gather [hbm4b:s22+s3], $0x40, $0x38;
	[tilespmem:$0x1FA00] =	vst v63  }
0xa6: {  	_ =	swait.ge [sflag:s11], $0x2400  }
0xa7: {  	[sflag:s11] =	ssyncset.done $0x0  }
0xa8: {  	[sflag:s11] =	ssyncadd.s32 $0xFFFFDC00  }
0xa9: {  	_ =	swait.ge [sflag:s12], $0x2400  }
0xaa: {  	[sflag:s12] =	ssyncset.done $0x0  }
0xab: {  	[sflag:s12] =	ssyncadd.s32 $0xFFFFDC00  }
0xac: {  	_ =	swait.ge [sflag:s13], $0x40  }
0xad: {  	[sflag:s13] =	ssyncset.done $0x0  }
0xae: {  	[sflag:s13] =	ssyncadd.s32 $0xFFFFFFC0  }
0xaf: {  	_ =	swait.ge [sflag:s13], $0x40  }
0xb0: {  	[sflag:s13] =	ssyncset.done $0x0  }
0xb1: {  	[sflag:s13] =	ssyncadd.s32 $0xFFFFFFC0  }
0xb2: {  	[tilespmem:s14], [sflag:$0x4] =	stream.indirect.gather [hbm4b:s4+s26], $0x90, s9, s26, $0xb8;
	[tilespmem:$0x1FA00] =	vst v63  }
0xb3: {  	s23 =	rddreg [dreg:$0x8]  }
0xb4: {  	[spmem:s2] =	stream.indirect.scatter.add.f32 [tilespmem:s1], [sflag:$0x6], $0x90, s28, s26, $0xb8;
	[tilespmem:$0x1FA00] =	vst v63  }
0xb5: {  	s24 =	rddreg [dreg:$0x7];
	s7 =	sadd.s32 $0x0, s23  }
0xb6: {  	[tilespmem:s3], [sflag:$0x9] =	stream.linear.gather [hbm4b:s7+s3], $0x40, $0x38;
	[tilespmem:$0x1FA00] =	vst v63  }
0xb7: {  	s22 =	sadd.s32 $0x0, s24  }
0xb8: {  	[tilespmem:s25], [sflag:$0x9] =	stream.linear.gather [hbm4b:s22+s3], $0x40, $0x38;
	[tilespmem:$0x1FA00] =	vst v63  }
0xb9: {  	_ =	swait.ge [sflag:s15], $0x2400  }
0xba: {  	[sflag:s15] =	ssyncset.done $0x0  }
0xbb: {  	[sflag:s15] =	ssyncadd.s32 $0xFFFFDC00  }
0xbc: {  	_ =	swait.ge [sflag:s16], $0x2400  }
0xbd: {  	[sflag:s16] =	ssyncset.done $0x0  }
0xbe: {  	[sflag:s16] =	ssyncadd.s32 $0xFFFFDC00  }
0xbf: {  	_ =	swait.ge [sflag:s17], $0x40  }
0xc0: {  	[sflag:s17] =	ssyncset.done $0x0  }
0xc1: {  	[sflag:s17] =	ssyncadd.s32 $0xFFFFFFC0  }
0xc2: {  	_ =	swait.ge [sflag:s17], $0x40  }
0xc3: {  	[sflag:s17] =	ssyncset.done $0x0  }
0xc4: {  	[sflag:s17] =	ssyncadd.s32 $0xFFFFFFC0  }
0xc5: {  	[tilespmem:s0], [sflag:$0x1] =	stream.indirect.gather [hbm4b:s4+s26], $0x90, s3, s26, $0xb8;
	[tilespmem:$0x1FA00] =	vst v63  }
0xc6: {  	s23 =	rddreg [dreg:$0x6]  }
0xc7: {  	[spmem:s2] =	stream.indirect.scatter.add.f32 [tilespmem:s8], [sflag:$0x7], $0x90, s30, s26, $0xb8;
	[tilespmem:$0x1FA00] =	vst v63  }
0xc8: {  	s24 =	rddreg [dreg:$0x5];
	s7 =	sadd.s32 $0x0, s23  }
0xc9: {  	[tilespmem:s26], [sflag:$0xA] =	stream.linear.gather [hbm4b:s7+s3], $0x40, $0x38;
	[tilespmem:$0x1FA00] =	vst v63  }
0xca: {  	s22 =	sadd.s32 $0x0, s24  }
0xcb: {  	[tilespmem:s28], [sflag:$0xA] =	stream.linear.gather [hbm4b:s22+s3], $0x40, $0x38;
	[tilespmem:$0x1FA00] =	vst v63  }
0xcc: {  	_ =	swait.ge [sflag:s18], $0x2400  }
0xcd: {  	[sflag:s18] =	ssyncset.done $0x0  }
0xce: {  	[sflag:s18] =	ssyncadd.s32 $0xFFFFDC00  }
0xcf: {  	_ =	swait.ge [sflag:s19], $0x2400  }
0xd0: {  	[sflag:s19] =	ssyncset.done $0x0  }
0xd1: {  	[sflag:s19] =	ssyncadd.s32 $0xFFFFDC00  }
0xd2: {  	_ =	swait.ge [sflag:s31], $0x40  }
0xd3: {  	[sflag:s31] =	ssyncset.done $0x0  }
0xd4: {  	[sflag:s31] =	ssyncadd.s32 $0xFFFFFFC0  }
0xd5: {  	_ =	swait.ge [sflag:s31], $0x40  }
0xd6: {  	[sflag:s31] =	ssyncset.done $0x0  }
0xd7: {  	[sflag:s31] =	ssyncadd.s32 $0xFFFFFFC0  }
0xd8: {  	[tilespmem:s1], [sflag:$0x2] =	stream.indirect.gather [hbm4b:s4+s26], $0x90, s26, s26, $0xb8;
	[tilespmem:$0x1FA00] =	vst v63  }
0xd9: {  	s23 =	rddreg [dreg:$0x4]  }
0xda: {  	[spmem:s2] =	stream.indirect.scatter.add.f32 [tilespmem:s14], [sflag:$0x8], $0x90, s10, s26, $0xb8;
	[tilespmem:$0x1FA00] =	vst v63  }
0xdb: {  	s24 =	rddreg [dreg:$0x3];
	s7 =	sadd.s32 $0x0, s23  }
0xdc: {  	[tilespmem:s29], [sflag:$0xB] =	stream.linear.gather [hbm4b:s7+s3], $0x40, $0x38;
	[tilespmem:$0x1FA00] =	vst v63  }
0xdd: {  	s23 =	simm.s32 $0x20;
	s7 =	sadd.s32 $0x0, s24  }
.LBB2_2:
0xde: {  	[tilespmem:s30], [sflag:$0xB] =	stream.linear.gather [hbm4b:s7+s3], $0x40, $0x38;
	[tilespmem:$0x1FA00] =	vst v63  }
0xdf: {  	_ =	swait.ge [sflag:s20], $0x2400  }
0xe0: {  	[sflag:s20] =	ssyncset.done $0x0  }
0xe1: {  	[sflag:s20] =	ssyncadd.s32 $0xFFFFDC00  }
0xe2: {  	_ =	swait.ge [sflag:s5], $0x2400  }
0xe3: {  	[sflag:s5] =	ssyncset.done $0x0  }
0xe4: {  	[sflag:s5] =	ssyncadd.s32 $0xFFFFDC00  }
0xe5: {  	_ =	swait.ge [sflag:s6], $0x40  }
0xe6: {  	[sflag:s6] =	ssyncset.done $0x0  }
0xe7: {  	[sflag:s6] =	ssyncadd.s32 $0xFFFFFFC0  }
0xe8: {  	_ =	swait.ge [sflag:s6], $0x40  }
0xe9: {  	[sflag:s6] =	ssyncset.done $0x0  }
0xea: {  	[sflag:s6] =	ssyncadd.s32 $0xFFFFFFC0  }
0xeb: {  	[tilespmem:s8], [sflag:$0x3] =	stream.indirect.gather [hbm4b:s4+s26], $0x90, s29, s26, $0xb8;
	[tilespmem:$0x1FA00] =	vst v63  }
0xec: {  	s7 =	smov.u32 s23;
	s22 =	rddreg [dreg:$0xa]  }
0xed: {  	[spmem:s2] =	stream.indirect.scatter.add.f32 [tilespmem:s0], [sflag:$0x5], $0x90, s25, s26, $0xb8;
	[tilespmem:$0x1FA00] =	vst v63  }
0xee: {  	s24 =	rddreg [dreg:$0x9];
	s22 =	sadd.s32 s7, s22  }
0xef: {  	[tilespmem:s9], [sflag:$0xC] =	stream.linear.gather [hbm4b:s22+s3], $0x40, $0x38;
	[tilespmem:$0x1FA00] =	vst v63  }
0xf0: {  	s24 =	sadd.s32 s7, s24  }
0xf1: {  	[tilespmem:s10], [sflag:$0xC] =	stream.linear.gather [hbm4b:s24+s3], $0x40, $0x38;
	[tilespmem:$0x1FA00] =	vst v63  }
0xf2: {  	_ =	swait.ge [sflag:s11], $0x2400  }
0xf3: {  	[sflag:s11] =	ssyncset.done $0x0  }
0xf4: {  	[sflag:s11] =	ssyncadd.s32 $0xFFFFDC00  }
0xf5: {  	_ =	swait.ge [sflag:s12], $0x2400  }
0xf6: {  	[sflag:s12] =	ssyncset.done $0x0  }
0xf7: {  	[sflag:s12] =	ssyncadd.s32 $0xFFFFDC00  }
0xf8: {  	_ =	swait.ge [sflag:s13], $0x40  }
0xf9: {  	[sflag:s13] =	ssyncset.done $0x0  }
0xfa: {  	[sflag:s13] =	ssyncadd.s32 $0xFFFFFFC0  }
0xfb: {  	_ =	swait.ge [sflag:s13], $0x40  }
0xfc: {  	[sflag:s13] =	ssyncset.done $0x0  }
0xfd: {  	[sflag:s13] =	ssyncadd.s32 $0xFFFFFFC0  }
0xfe: {  	[tilespmem:s14], [sflag:$0x4] =	stream.indirect.gather [hbm4b:s4+s26], $0x90, s9, s26, $0xb8;
	[tilespmem:$0x1FA00] =	vst v63  }
0xff: {  	s22 =	rddreg [dreg:$0x8]  }
0x100: {  	[spmem:s2] =	stream.indirect.scatter.add.f32 [tilespmem:s1], [sflag:$0x6], $0x90, s28, s26, $0xb8;
	[tilespmem:$0x1FA00] =	vst v63  }
0x101: {  	s24 =	rddreg [dreg:$0x7];
	s22 =	sadd.s32 s7, s22  }
0x102: {  	[tilespmem:s3], [sflag:$0x9] =	stream.linear.gather [hbm4b:s22+s3], $0x40, $0x38;
	[tilespmem:$0x1FA00] =	vst v63  }
0x103: {  	s24 =	sadd.s32 s7, s24  }
0x104: {  	[tilespmem:s25], [sflag:$0x9] =	stream.linear.gather [hbm4b:s24+s3], $0x40, $0x38;
	[tilespmem:$0x1FA00] =	vst v63  }
0x105: {  	_ =	swait.ge [sflag:s15], $0x2400  }
0x106: {  	[sflag:s15] =	ssyncset.done $0x0  }
0x107: {  	[sflag:s15] =	ssyncadd.s32 $0xFFFFDC00  }
0x108: {  	_ =	swait.ge [sflag:s16], $0x2400  }
0x109: {  	[sflag:s16] =	ssyncset.done $0x0  }
0x10a: {  	[sflag:s16] =	ssyncadd.s32 $0xFFFFDC00  }
0x10b: {  	_ =	swait.ge [sflag:s17], $0x40  }
0x10c: {  	[sflag:s17] =	ssyncset.done $0x0  }
0x10d: {  	[sflag:s17] =	ssyncadd.s32 $0xFFFFFFC0  }
0x10e: {  	_ =	swait.ge [sflag:s17], $0x40  }
0x10f: {  	[sflag:s17] =	ssyncset.done $0x0  }
0x110: {  	[sflag:s17] =	ssyncadd.s32 $0xFFFFFFC0  }
0x111: {  	[tilespmem:s0], [sflag:$0x1] =	stream.indirect.gather [hbm4b:s4+s26], $0x90, s3, s26, $0xb8;
	[tilespmem:$0x1FA00] =	vst v63  }
0x112: {  	s22 =	rddreg [dreg:$0x6]  }
0x113: {  	[spmem:s2] =	stream.indirect.scatter.add.f32 [tilespmem:s8], [sflag:$0x7], $0x90, s30, s26, $0xb8;
	[tilespmem:$0x1FA00] =	vst v63  }
0x114: {  	s24 =	rddreg [dreg:$0x5];
	s22 =	sadd.s32 s7, s22  }
0x115: {  	[tilespmem:s26], [sflag:$0xA] =	stream.linear.gather [hbm4b:s22+s3], $0x40, $0x38;
	[tilespmem:$0x1FA00] =	vst v63  }
0x116: {  	s24 =	sadd.s32 s7, s24  }
0x117: {  	[tilespmem:s28], [sflag:$0xA] =	stream.linear.gather [hbm4b:s24+s3], $0x40, $0x38;
	[tilespmem:$0x1FA00] =	vst v63  }
0x118: {  	_ =	swait.ge [sflag:s18], $0x2400  }
0x119: {  	[sflag:s18] =	ssyncset.done $0x0  }
0x11a: {  	[sflag:s18] =	ssyncadd.s32 $0xFFFFDC00  }
0x11b: {  	_ =	swait.ge [sflag:s19], $0x2400  }
0x11c: {  	[sflag:s19] =	ssyncset.done $0x0  }
0x11d: {  	[sflag:s19] =	ssyncadd.s32 $0xFFFFDC00  }
0x11e: {  	_ =	swait.ge [sflag:s31], $0x40  }
0x11f: {  	[sflag:s31] =	ssyncset.done $0x0  }
0x120: {  	[sflag:s31] =	ssyncadd.s32 $0xFFFFFFC0  }
0x121: {  	_ =	swait.ge [sflag:s31], $0x40  }
0x122: {  	[sflag:s31] =	ssyncset.done $0x0  }
0x123: {  	p0 =	sne.s32 s23, $0x4C0;
	[sflag:s31] =	ssyncadd.s32 $0xFFFFFFC0  }
0x124: {  	[tilespmem:s1], [sflag:$0x2] =	stream.indirect.gather [hbm4b:s4+s26], $0x90, s26, s26, $0xb8;
	[tilespmem:$0x1FA00] =	vst v63  }
.Ltmp0:
0x125: {  	s22 =	rddreg [dreg:$0x4];
	(pc) =	sbr.rel @p0 .LBB2_2-.Ltmp0, $4  }
0x126: {  	s24 =	rddreg [dreg:$0x3]  }
0x127: {  	[spmem:s2] =	stream.indirect.scatter.add.f32 [tilespmem:s14], [sflag:$0x8], $0x90, s10, s26, $0xb8;
	[tilespmem:$0x1FA00] =	vst v63  }
0x128: {  	s23 =	sadd.s32 $0x20, s23;
	s22 =	sadd.s32 s7, s22;
	s7 =	sadd.s32 s7, s24  }
0x129: {  	[tilespmem:s29], [sflag:$0xB] =	stream.linear.gather [hbm4b:s22+s3], $0x40, $0x38;
	[tilespmem:$0x1FA00] =	vst v63  }
0x12a: {  	[tilespmem:s30], [sflag:$0xB] =	stream.linear.gather [hbm4b:s7+s3], $0x40, $0x38;
	[tilespmem:$0x1FA00] =	vst v63  }
0x12b: {  	_ =	swait.ge [sflag:s20], $0x2400  }
0x12c: {  	[sflag:s20] =	ssyncset.done $0x0  }
0x12d: {  	[sflag:s20] =	ssyncadd.s32 $0xFFFFDC00  }
0x12e: {  	_ =	swait.ge [sflag:s5], $0x2400  }
0x12f: {  	[sflag:s5] =	ssyncset.done $0x0  }
0x130: {  	[sflag:s5] =	ssyncadd.s32 $0xFFFFDC00  }
0x131: {  	_ =	swait.ge [sflag:s12], $0x2400  }
0x132: {  	[sflag:s12] =	ssyncset.done $0x0  }
0x133: {  	[sflag:s12] =	ssyncadd.s32 $0xFFFFDC00  }
0x134: {  	_ =	swait.ge [sflag:s6], $0x40  }
0x135: {  	[sflag:s6] =	ssyncset.done $0x0  }
0x136: {  	[sflag:s6] =	ssyncadd.s32 $0xFFFFFFC0  }
0x137: {  	_ =	swait.ge [sflag:s6], $0x40  }
0x138: {  	[sflag:s6] =	ssyncset.done $0x0  }
0x139: {  	[sflag:s6] =	ssyncadd.s32 $0xFFFFFFC0  }
0x13a: {  	[bflag:$0x0] =	sbarrier.arrive $0xFFFF  }
0x13b: {  	s22 =	rddreg [dreg:$0xd]  }
0x13c: {  	s24 =	rddreg [dreg:$0x1c]  }
0x13d: {  	s23 =	rddreg [dreg:$0x1e]  }
0x13e: {  	[hbm:s24], [sflag:s22] =	dma.local [spmem:s23], $0x2D00  }
0x13f: {  	s23 =	simm.s32 $0xD  }
0x140: {  	_ =	swait.ge [sflag:s23], $0x2D00  }
0x141: {  	s21 =	sadd.s32 $0x1, s21;
	s24 =	rddreg [dreg:$0x1d]  }
0x142: {  	p0 =	sne.s32 s21, s24  }
.Ltmp1:
0x143: {  	_ = 	snop;
	(pc) =	sbr.rel @p0 .LBB2_1-.Ltmp1, $3  }
0x144: {  	_ =	sdelay $0x1  }
0x145: {  	[sflag:s23] =	ssyncset.done $0x0  }
0x146: {  	[sflag:s23] =	ssyncadd.s32 $0xFFFFD300  }
0x147: {  	_ =	sfence.sel $0x180000  }
0x148: {  	[bflag:$0x0] =	sbarrier.arrive $0xFFFF  }
0x149: {  	_ =	strace $0x90000047  }
0x14a: {  	s0 =	stileid.u32;
	[bflag:$0x2] =	sbarrier.arrive $0xFFFF  }
0x14b: {  	p0 =	sne.s32 s0, $0x0;
	s0 =	rddreg [dreg:$0x2]  }
0x14c: {  	s0 =	sadd.s32 @!p0 $0x100000, s0  }
0x14d: {  	[sflag:s0] =	ssyncadd.tile.s32 @!p0 $0x1;
	_ =	shalt  }
.Lfunc_end2:
_tile_overlayer_lowered:
.L_overlay_start_2:
0x14e: {  	(tag) =	ssettag $0x2  }
0x14f: {  	s0 =	rddreg [dreg:$0x0];
	s2 =	stileid.u32  }
0x150: {  	s1 =	rddreg [dreg:$0x1];
	p0 =	sne.s32 s2, $0x0  }
0x151: {  	s3 =	rddreg [dreg:$0x2];
	[bflag:$0x3] =	sbarrier.arrive $0xFFFF;
	s2 =	simm.s32 @!p0 $0x1C0D  }
0x152: {  	[timem:s3], [sflag:s2] =	dma.local @!p0 [hbm:s0], s1  }
0x153: {  	s0 =	simm.s32 @!p0 $0xD  }
0x154: {  	_ =	swait.ge @!p0 [sflag:s0], s1  }
0x155: {  	s1 =	ssub.s32 @!p0 $0x0, s1;
	[sflag:s0] =	ssyncset.done @!p0 $0x0  }
0x156: {  	[sflag:s0] =	ssyncadd.s32 @!p0 s1  }
0x157: {  	[bflag:$0x3] =	sbarrier.arrive $0xFFFF  }
0x158: {  	_ =	shalt  }

// kernel: kernel.15.cloned.1.call-start
scs
__scs_entry_jumppad:
0x0: {  	(pc) =	sbr.rel $0x88, $3  }
0x1: {  	(tag) =	ssettag $0x0;
	lr =	simm.s32 $0x1  }
0x2: {  	[smem:$0x3F8A] =	sst lr;
	_ =	strace $0xD0000000  }
0x3: {  	_ = 	snop  }
0x4: {  	_ = 	snop  }
0x5: {  	_ = 	snop  }
0x6: {  	_ = 	snop  }
0x7: {  	_ = 	snop  }
__scs_overlays_trampoline_lowered:
0x8: {  	[smem:$0x3F99] =	sst s0  }
0x9: {  	[smem:$0x3F9A] =	sst s1  }
0xa: {  	[smem:$0x3F9B] =	sst s2  }
0xb: {  	[smem:$0x3F9C] =	sst s3  }
0xc: {  	[smem:$0x3F9D] =	sst s4  }
0xd: {  	[smem:$0x3F9E] =	sst s5  }
0xe: {  	[smem:$0x3F9F] =	sst s6  }
0xf: {  	[smem:$0x3FA0] =	sst s7  }
0x10: {  	[smem:$0x3FA1] =	sst s8  }
0x11: {  	[smem:$0x3FA2] =	sst s9;
	s0 =	simm.s32 @!p0 $0x0  }
0x12: {  	s1 =	sld [smem:$0x3F88];
	s0 =	simm.s32 @p0 $0x1  }
0x13: {  	[smem:$0x3FA3] =	sst s0;
	s0 =	simm.s32 @!p1 $0x0  }
0x14: {  	s2 =	sld [smem:$0x3F87];
	s0 =	simm.s32 @p1 $0x1  }
0x15: {  	[smem:$0x3FA4] =	sst s0;
	s0 =	simm.s32 @!p2 $0x0  }
0x16: {  	s3 =	sld [smem:$0x3FDB];
	s0 =	simm.s32 @p2 $0x1  }
0x17: {  	s4 =	simm.s32 $0x1BF5;
	[smem:$0x3FA6] =	sst s0  }
0x18: {  	s0 =	sld [smem:$0x3F89];
	_ =	swait.ge [sflag:s4], $0x0  }
0x19: {  	s7 =	sld [smem:$0x3F8A]  }
0x1a: {  	s8 =	sadd.s32 $0xFFFFE003, lr  }
0x1b: {  	s9 =	sadd.s32 $0xFFFFFEF7, lr;
	s5 =	simm.s32 $0xFFFFFFFF;
	p2 =	slt.u32 s8, $0xFFFFF086  }
0x1c: {  	p1 =	slt.u32 s9, $0xF7A;
	s5 =	simm.s32 @!p2 $0x0  }
0x1d: {  	s5 =	simm.s32 @p1 $0x1;
	p0 =	seq.s32 s7, s2  }
0x1e: {  	s7 =	smul.u32 @!p0 $0xF7A, s2;
	p2 =	seq.s32 @!p0 s5, $0x0  }
0x1f: {  	s9 =	smul.u32 $0xF7A, s1;
	s8 =	simm.s32 @!p0 $0x1BF5;
	p2 =	por !p2, p0  }
0x20: {  	[sflag:s8] =	ssyncset.s32 @!p0 $0xFFFFF086;
	s6 =	sadd.s32 @!p0 s3, s7;
	s7 =	simm.s32 @!p0 $0x108  }
0x21: {  	s3 =	sadd.s32 s3, s9;
	s6 =	sadd.s32 @!p0 $0x88, s6;
	s7 =	simm.s32 @p2 $0x1082  }
0x22: {  	[simem:s7], [sflag:s8] =	dma.local @!p0 [hbm:s6], $0xF7A  }
0x23: {  	s9 =	sor.u32 $0xD0000000, s2;
	s6 =	simm.s32 $0x108;
	_ =	swait.ge @!p0 [sflag:s8], $0x0  }
0x24: {  	s3 =	sadd.s32 $0x88, s3;
	s6 =	simm.s32 @!p1 $0x1082;
	[sflag:s4] =	ssyncset.s32 $0xFFFFF086  }
0x25: {  	[simem:s6], [sflag:s4] =	dma.local [hbm:s3], $0xF7A  }
0x26: {  	[smem:$0x3F8A] =	sst s1;
	(tag) =	ssettag s2;
	_ =	strace s9  }
0x27: {  	s1 =	sld [smem:$0x3F9A]  }
0x28: {  	s2 =	sld [smem:$0x3F9B]  }
0x29: {  	s4 =	sld [smem:$0x3F9D]  }
0x2a: {  	p0 =	seq.s32 s5, $0x0;
	s5 =	sld [smem:$0x3F9E]  }
0x2b: {  	s6 =	sld [smem:$0x3F9F]  }
0x2c: {  	s7 =	sld [smem:$0x3FA0]  }
0x2d: {  	s3 =	simm.s32 $0x108;
	s8 =	sld [smem:$0x3FA1]  }
0x2e: {  	s3 =	simm.s32 @!p0 $0x1082;
	s9 =	sld [smem:$0x3FA2]  }
0x2f: {  	lr =	sadd.s32 s0, s3;
	s0 =	sld [smem:$0x3F99]  }
0x30: {  	s3 =	sld [smem:$0x3F9C]  }
0x31: {  	[smem:$0x3FA5] =	sst s10  }
0x32: {  	s10 =	sld [smem:$0x3FA3];
	_ =	sdelay $0x3  }
0x33: {  	p0 =	seq.s32 s10, $0x1;
	s10 =	sld [smem:$0x3FA5];
	_ =	sdelay $0x3  }
0x34: {  	[smem:$0x3FA5] =	sst s10  }
0x35: {  	s10 =	sld [smem:$0x3FA4];
	_ =	sdelay $0x3  }
0x36: {  	p1 =	seq.s32 s10, $0x1;
	s10 =	sld [smem:$0x3FA5];
	_ =	sdelay $0x3  }
0x37: {  	[smem:$0x3FA5] =	sst s10  }
0x38: {  	s10 =	sld [smem:$0x3FA6]  }
0x39: {  	_ = 	snop;
	(pc) =	sbr.ind lr, $3  }
0x3a: {  	_ = 	snop  }
0x3b: {  	_ = 	snop  }
0x3c: {  	p2 =	seq.s32 s10, $0x1;
	s10 =	sld [smem:$0x3FA5]  }
0x3d: {  	_ =	shalt  }
0x3e: {  	_ =	shalt  }
0x3f: {  	_ =	shalt  }
0x40: {  	_ =	shalt  }
0x41: {  	_ =	shalt  }
0x42: {  	_ =	shalt  }
0x43: {  	_ =	shalt  }
0x44: {  	_ =	shalt  }
0x45: {  	_ =	shalt  }
0x46: {  	_ =	shalt  }
0x47: {  	_ =	shalt  }
0x48: {  	_ =	shalt  }
0x49: {  	_ =	shalt  }
0x4a: {  	_ =	shalt  }
0x4b: {  	_ =	shalt  }
0x4c: {  	_ =	shalt  }
0x4d: {  	_ =	shalt  }
0x4e: {  	_ =	shalt  }
0x4f: {  	_ =	shalt  }
0x50: {  	_ =	shalt  }
0x51: {  	_ =	shalt  }
0x52: {  	_ =	shalt  }
0x53: {  	_ =	shalt  }
0x54: {  	_ =	shalt  }
0x55: {  	_ =	shalt  }
0x56: {  	_ =	shalt  }
0x57: {  	_ =	shalt  }
0x58: {  	_ =	shalt  }
0x59: {  	_ =	shalt  }
0x5a: {  	_ =	shalt  }
0x5b: {  	_ =	shalt  }
0x5c: {  	_ =	shalt  }
0x5d: {  	_ =	shalt  }
0x5e: {  	_ =	shalt  }
0x5f: {  	_ =	shalt  }
0x60: {  	_ =	shalt  }
0x61: {  	_ =	shalt  }
0x62: {  	_ =	shalt  }
0x63: {  	_ =	shalt  }
0x64: {  	_ =	shalt  }
0x65: {  	_ =	shalt  }
0x66: {  	_ =	shalt  }
0x67: {  	_ =	shalt  }
0x68: {  	_ =	shalt  }
0x69: {  	_ =	shalt  }
0x6a: {  	_ =	shalt  }
0x6b: {  	_ =	shalt  }
0x6c: {  	_ =	shalt  }
0x6d: {  	_ =	shalt  }
0x6e: {  	_ =	shalt  }
0x6f: {  	_ =	shalt  }
0x70: {  	_ =	shalt  }
0x71: {  	_ =	shalt  }
0x72: {  	_ =	shalt  }
0x73: {  	_ =	shalt  }
0x74: {  	_ =	shalt  }
0x75: {  	_ =	shalt  }
0x76: {  	_ =	shalt  }
0x77: {  	_ =	shalt  }
0x78: {  	_ =	shalt  }
0x79: {  	_ =	shalt  }
0x7a: {  	_ =	shalt  }
0x7b: {  	_ =	shalt  }
0x7c: {  	_ =	shalt  }
0x7d: {  	_ =	shalt  }
0x7e: {  	_ =	shalt  }
0x7f: {  	_ =	shalt  }
0x80: {  	_ =	shalt  }
0x81: {  	_ =	shalt  }
0x82: {  	_ =	shalt  }
0x83: {  	_ =	shalt  }
0x84: {  	_ =	shalt  }
0x85: {  	_ =	shalt  }
0x86: {  	_ =	shalt  }
0x87: {  	_ =	shalt  }
.Lfunc_end0:
.L_simem_size_0:
called_computation.2_lowered:
.L_overlay_start_0:
0x88: {  	s2 =	sld [smem:$0x3FD9]  }
0x89: {  	s3 =	sld [smem:$0x3FFE];
	_ =	sdelay $0x1  }
0x8a: {  	s1 =	srdreg.scid  }
0x8b: {  	s0 =	sand.u32 $0x1, s1  }
0x8c: {  	s16 =	sshll.u32 s0, $0xA;
	s2 =	sadd.s32 s3, s2  }
0x8d: {  	s2 =	sadd.s32 s2, s16  }
0x8e: {  	[smem:$0x3FB1] =	sst s2  }
0x8f: {  	_ = 	snop  }
0x90: {  	(tm) =	ssettm $0x1  }
0x91: {  	s17 =	sld [smem:$0x3FFB];
	_ =	sdelay $0x3  }
0x92: {  	_ =	strace s17  }
0x93: {  	s2 =	sld [smem:$0x3FFC];
	_ =	sdelay $0x3  }
0x94: {  	_ =	strace s2  }
0x95: {  	s2 =	sld [smem:$0x3FFD];
	_ =	sdelay $0x3  }
0x96: {  	_ =	strace s2  }
0x97: {  	_ =	strace $0x8FFFFFFF  }
0x98: {  	s18 =	sld [smem:$0x3FDB];
	_ =	sdelay $0x1  }
0x99: {  	s19 =	simm.s32 $_scs_section_size  }
0x9a: {  	s4 =	simm.s32 $_size__tile_overlayer_lowered;
	s5 =	simm.s32 $_tile_overlayer_lowered  }
0x9b: {  	s22 =	simm.s32 $0x1BFF;
	s21 =	sshll.u32 s5, $0x1;
	s2 =	sadd.s32 s19, s18  }
0x9c: {  	s6 =	simm.s32 $0x0;
	s20 =	sshll.u32 s4, $0x1;
	s4 =	sadd.s32 s21, s2  }
0x9d: {  	[timem:s6], [sflag:s22] =	dma.local [hbm:s4], s20  }
0x9e: {  	_ =	swait.ge [sflag:s22], s20  }
0x9f: {  	s3 =	ssub.s32 $0x0, s20;
	[sflag:s22] =	ssyncset.done $0x0  }
0xa0: {  	[sflag:s22] =	ssyncadd.s32 s3;
	_ =	sdelay $0x1  }
0xa1: {  	s23 =	simm.s32 $0x1B8B  }
0xa2: {  	_ =	swait.ge [sflag:s23], $0x1  }
0xa3: {  	[sflag:s23] =	ssyncset.done $0x0  }
0xa4: {  	s25 =	simm.s32 $0x1B8E;
	s24 =	sld [smem:$0x3FFE];
	[sflag:s23] =	ssyncadd.s32 $0xFFFFFFFF  }
0xa5: {  	s26 =	simm.s32 $execute0_lowered;
	[smem:$0x3FD2] =	sst s25  }
0xa6: {  	s4 =	sshll.u32 s26, $0x1;
	_ =	strace $0x8000004C;
	[dreg:$0x1] =	wrdreg $0xFFFFFFFF  }
0xa7: {  	s28 =	simm.s32 $_size_execute0_lowered;
	s2 =	sadd.s32 s2, s4;
	[dreg:$0x0] =	wrdreg $0x0  }
0xa8: {  	s4 =	sshll.u32 s28, $0x1;
	[dreg:$0x2] =	wrdreg s2  }
0xa9: {  	[dreg:$0x3] =	wrdreg s4  }
0xaa: {  	[dreg:$0x4] =	wrdreg $0xC0  }
0xab: {  	_ =	task [dreg:s6], $0x5FFFF  }
0xac: {  	[dreg:$0x1] =	wrdreg $0xFFFFFFFF  }
0xad: {  	[dreg:$0x0] =	wrdreg $0x60  }
0xae: {  	[dreg:$0x2] =	wrdreg s24  }
0xaf: {  	[dreg:$0x3] =	wrdreg $0x84000  }
0xb0: {  	[dreg:$0x4] =	wrdreg $0x9  }
0xb1: {  	_ =	task.clear_ibuf [dreg:s6], $0x5FFFF;
	_ =	strace $0x9000004C  }
0xb2: {  	s29 =	simm.s32 $0x9;
	_ =	strace $0x8000004E  }
0xb3: {  	_ =	swait.ge [sflag:s29], $0x1  }
0xb4: {  	[sflag:s29] =	ssyncadd.s32 $0xFFFFFFFF  }
0xb5: {  	_ =	strace $0x9000004E  }
0xb6: {  	_ =	sfence  }
0xb7: {  	s30 =	sld [smem:$0x0];
	_ =	sdelay $0x2  }
0xb8: {  	s31 =	sshll.u32 s1, $0xD;
	s1 =	sshrl.u32 s1, $0x2  }
0xb9: {  	s3 =	sand.u32 $0x4000, s31;
	s1 =	sadd.s32 s1, s30  }
0xba: {  	s0 =	sor.u32 s3, s0;
	s1 =	sshll.u32 s1, $0x11  }
0xbb: {  	s0 =	sor.u32 s1, s0  }
0xbc: {  	s0 =	sadd.s32 $0x8F2B, s0  }
0xbd: {  	[sflag:s0] =	ssyncadd.remote.s32 $0x1  }
0xbe: {  	_ =	sfence.sel $0xFFFF  }
0xbf: {  	[dreg:$0x0] =	wrdreg $0xFFFFFFFF;
	(pc) =	sbr.abs _section_cstart, $3  }
0xc0: {  	[dreg:$0x1] =	wrdreg $0xFFFFFFFF  }
0xc1: {  	_ =	task.clear_ibuf [dreg:s6], $0x2FFFF;
	_ =	strace $0x9FFFFFFF  }
0xc2: {  	(tm) =	ssettm $0x7FFFFFFF  }
0xc3: {  	_ =	shalt  }
tec
execute0_lowered:
.L_overlay_start_1:
0x0: {  	(tag) =	ssettag $0x1  }
0x1: {  	s1 =	rddreg [dreg:$0x0]  }
0x2: {  	s2 =	rddreg [dreg:$0x1]  }
0x3: {  	s3 =	simm.s32 $0x0;
	s12 =	stileid.u32;
	s0 =	srdreg.scid  }
0x4: {  	s28 =	simm.s32 $0x280;
	s29 =	simm.s32 $0x100;
	s30 =	simm.s32 $0x300  }
0x5: {  	s31 =	simm.s32 $0xA;
	[smem:$0x7FF] =	sst s3;
	s5 =	smul.u32 $0x14000, s12  }
0x6: {  	s6 =	sand.u32 $0x1, s0;
	s4 =	sadd.s32 $0x8000, s1;
	s0 =	sadd.s32 $0x8F200, s1  }
0x7: {  	s9 =	sadd.s32 $0x85000, s1;
	s25 =	smul.u32 $0x50000, s12;
	s10 =	sshll.u32 s12, $0x1  }
0x8: {  	s14 =	sshll.u32 s12, $0x6;
	s15 =	smul.u32 $0x5000, s12;
	_ =	strace $0x8000004D  }
0x9: {  	s7 =	smul.u32 $0x140000, s6;
	s26 =	ssub.s32 $0x2, s6;
	s10 =	sor.u32 s6, s10  }
0xa: {  	s22 =	sor.u32 $0x1C0D, s14;
	s6 =	smul.u32 $0x2800, s6;
	s8 =	sshrl.u32 s5, $0x3  }
0xb: {  	s11 =	sshrl.u32 s26, $0x1;
	s10 =	smul.u32 $0x2800, s10;
	[dreg:$0xd] =	wrdreg s22  }
0xc: {  	s8 =	sadd.s32 s8, s1;
	s5 =	sadd.s32 s5, s7;
	s7 =	sshrl.u32 s25, $0x2  }
0xd: {  	s6 =	sadd.s32 s6, s15;
	s5 =	sshrl.u32 s5, $0x3;
	s7 =	sadd.s32 s7, s2  }
0xe: {  	s13 =	sadd.s32 $0x58000, s8;
	s8 =	sshrl.u32 s10, $0x3;
	s24 =	sor.u32 $0x280, s6  }
0xf: {  	s12 =	sor.u32 $0x240, s6;
	s1 =	sadd.s32 s5, s1;
	[dreg:$0xb] =	wrdreg s7  }
0x10: {  	s5 =	ssub.s32 s26, s11;
	[dreg:$0xc] =	wrdreg s13;
	s16 =	sor.u32 $0x8, s8  }
0x11: {  	s17 =	sadd.s32 s0, s8;
	s18 =	sadd.s32 s9, s8;
	s20 =	sor.u32 $0x10, s8  }
0x12: {  	s23 =	sor.u32 $0x18, s8;
	s26 =	sshrl.u32 s24, $0x3;
	[dreg:$0xe] =	wrdreg s17  }
0x13: {  	s13 =	sshrl.u32 s12, $0x3;
	[dreg:$0xf] =	wrdreg s18;
	s19 =	sadd.s32 s0, s16  }
0x14: {  	s14 =	sor.u32 $0x20, s8;
	s7 =	sadd.s32 s9, s16;
	[dreg:$0x10] =	wrdreg s19  }
0x15: {  	s12 =	simm.s32 $0x5;
	s21 =	sadd.s32 s0, s20;
	[dreg:$0x11] =	wrdreg s7  }
0x16: {  	s25 =	sadd.s32 s0, s23;
	s10 =	sadd.s32 s9, s23;
	[dreg:$0x12] =	wrdreg s21  }
0x17: {  	s11 =	sadd.s32 s26, s9;
	s15 =	sadd.s32 s13, s9;
	[dreg:$0x14] =	wrdreg s25  }
0x18: {  	s16 =	sadd.s32 s0, s14;
	s17 =	sor.u32 $0x200, s6;
	[dreg:$0x15] =	wrdreg s10  }
0x19: {  	s6 =	sor.u32 $0x1C0, s6;
	s23 =	sor.u32 $0x30, s8;
	[dreg:$0x3] =	wrdreg s11  }
0x1a: {  	s1 =	sadd.s32 $0x99400, s1;
	s7 =	sadd.s32 s9, s20;
	[dreg:$0x16] =	wrdreg s16  }
0x1b: {  	[dreg:$0x5] =	wrdreg s15;
	s11 =	sadd.s32 s9, s14;
	s10 =	sadd.s32 s13, s0  }
0x1c: {  	s6 =	sshrl.u32 s6, $0x3;
	s19 =	sor.u32 $0x28, s8;
	[dreg:$0x1c] =	wrdreg s1  }
0x1d: {  	s25 =	sadd.s32 s9, s23;
	s1 =	simm.s32 $0x400;
	[dreg:$0x13] =	wrdreg s7  }
0x1e: {  	s8 =	simm.s32 $0xB;
	s13 =	simm.s32 $0x2;
	[dreg:$0x17] =	wrdreg s11  }
0x1f: {  	s14 =	simm.s32 $0xC;
	s15 =	simm.s32 $0x6400;
	[dreg:$0x6] =	wrdreg s10  }
0x20: {  	s16 =	simm.s32 $0x6;
	s7 =	sadd.s32 s26, s0;
	[dreg:$0x1a] =	wrdreg s25  }
0x21: {  	s20 =	sadd.s32 s6, s9;
	s21 =	sadd.s32 s0, s19;
	[dreg:$0x4] =	wrdreg s7  }
0x22: {  	s24 =	sadd.s32 s9, s19;
	s26 =	smax.u32 s5, $0x1;
	[dreg:$0x9] =	wrdreg s20  }
0x23: {  	s25 =	simm.s32 $0x200;
	s5 =	simm.s32 $0x2400;
	[dreg:$0x18] =	wrdreg s21  }
0x24: {  	s10 =	simm.s32 $0x180;
	s11 =	simm.s32 $0x380;
	[dreg:$0x19] =	wrdreg s24  }
0x25: {  	s19 =	simm.s32 $0x7;
	s7 =	sshrl.u32 s17, $0x3;
	[dreg:$0x1d] =	wrdreg s26  }
0x26: {  	s26 =	simm.s32 $0x80;
	s17 =	simm.s32 $0x3;
	s20 =	simm.s32 $0x4  }
0x27: {  	s21 =	simm.s32 $0x8;
	s24 =	simm.s32 $0x0;
	s18 =	sadd.s32 s7, s9  }
0x28: {  	s7 =	sadd.s32 s7, s0;
	s9 =	simm.s32 $0x4400;
	[dreg:$0x7] =	wrdreg s18  }
0x29: {  	[dreg:$0x8] =	wrdreg s7;
	s7 =	sadd.s32 s0, s23;
	s0 =	sadd.s32 s6, s0  }
0x2a: {  	s23 =	simm.s32 $0xD;
	s6 =	simm.s32 $0x1;
	[dreg:$0x1b] =	wrdreg s7  }
0x2b: {  	s18 =	simm.s32 $0x9;
	[dreg:$0xa] =	wrdreg s0;
	s0 =	simm.s32 $0x40  }
.LBB2_1:
0x2c: {  	[dreg:$0x1e] =	wrdreg s24  }
0x2d: {  	s7 =	rddreg [dreg:$0xb]  }
0x2e: {  	s24 =	sshrl.u32 s7, $0x3;
	s7 =	rddreg [dreg:$0xc]  }
0x2f: {  	[dreg:$0x1f] =	wrdreg s24  }
0x30: {  	[spmem:s24], [sflag:s22] =	dma.local [hbm:s7], $0x2800  }
0x31: {  	_ =	swait.ge [sflag:s23], $0x2800  }
0x32: {  	[sflag:s23] =	ssyncset.done $0x0  }
0x33: {  	s24 =	rddreg [dreg:$0xe];
	[sflag:s23] =	ssyncadd.s32 $0xFFFFD800  }
0x34: {  	[tilespmem:s3], [sflag:$0xD] =	stream.linear.gather [hbm4b:s24+s3], $0x40, $0x38;
	[tilespmem:$0x1C400] =	vst v63  }
0x35: {  	_ =	swait.ge [sflag:s23], $0x40  }
0x36: {  	[sflag:s23] =	ssyncset.done $0x0  }
0x37: {  	s22 =	rddreg [dreg:$0xf];
	[sflag:s23] =	ssyncadd.s32 $0xFFFFFFC0  }
0x38: {  	[tilespmem:s25], [sflag:$0xD] =	stream.linear.gather [hbm4b:s22+s3], $0x40, $0x38;
	[tilespmem:$0x1C400] =	vst v63  }
0x39: {  	_ =	swait.ge [sflag:s23], $0x40  }
0x3a: {  	[sflag:s23] =	ssyncset.done $0x0  }
0x3b: {  	[sflag:s23] =	ssyncadd.s32 $0xFFFFFFC0;
	s23 =	rddreg [dreg:$0x10]  }
0x3c: {  	[tilespmem:s26], [sflag:$0xA] =	stream.linear.gather [hbm4b:s23+s3], $0x40, $0x38;
	[tilespmem:$0x1C400] =	vst v63  }
0x3d: {  	s24 =	rddreg [dreg:$0x11]  }
0x3e: {  	[tilespmem:s28], [sflag:$0xA] =	stream.linear.gather [hbm4b:s24+s3], $0x40, $0x38;
	[tilespmem:$0x1C400] =	vst v63  }
0x3f: {  	s22 =	rddreg [dreg:$0x12]  }
0x40: {  	[tilespmem:s29], [sflag:$0xB] =	stream.linear.gather [hbm4b:s22+s3], $0x40, $0x38;
	[tilespmem:$0x1C400] =	vst v63  }
0x41: {  	s23 =	rddreg [dreg:$0x13]  }
0x42: {  	[tilespmem:s30], [sflag:$0xB] =	stream.linear.gather [hbm4b:s23+s3], $0x40, $0x38;
	[tilespmem:$0x1C400] =	vst v63  }
0x43: {  	_ =	swait.ge [sflag:s31], $0x40  }
0x44: {  	[sflag:s31] =	ssyncset.done $0x0  }
0x45: {  	[sflag:s31] =	ssyncadd.s32 $0xFFFFFFC0  }
0x46: {  	_ =	swait.ge [sflag:s31], $0x40  }
0x47: {  	[sflag:s31] =	ssyncset.done $0x0  }
0x48: {  	[sflag:s31] =	ssyncadd.s32 $0xFFFFFFC0  }
0x49: {  	[tilespmem:s1], [sflag:$0x1] =	stream.indirect.gather [hbm4b:s4+s0], $0x80, s3, s0, $0xb8;
	[tilespmem:$0x1C400] =	vst v63  }
0x4a: {  	_ = 	snop  }
0x4b: {  	[tilespmem:s5], [sflag:$0x2] =	stream.indirect.gather [hbm4b:s4+s0], $0x80, s26, s0, $0xb8;
	[tilespmem:$0x1C400] =	vst v63  }
0x4c: {  	_ =	swait.ge [sflag:s6], $0x2000  }
0x4d: {  	[sflag:s6] =	ssyncset.done $0x0  }
0x4e: {  	[sflag:s6] =	ssyncadd.s32 $0xFFFFE000  }
0x4f: {  	_ =	swait.ge [sflag:s8], $0x40  }
0x50: {  	[sflag:s8] =	ssyncset.done $0x0  }
0x51: {  	[sflag:s8] =	ssyncadd.s32 $0xFFFFFFC0  }
0x52: {  	_ =	swait.ge [sflag:s8], $0x40  }
0x53: {  	[sflag:s8] =	ssyncset.done $0x0  }
0x54: {  	[sflag:s8] =	ssyncadd.s32 $0xFFFFFFC0  }
0x55: {  	[tilespmem:s9], [sflag:$0x3] =	stream.indirect.gather [hbm4b:s4+s0], $0x80, s29, s0, $0xb8;
	[tilespmem:$0x1C400] =	vst v63  }
0x56: {  	_ = 	snop  }
0x57: {  	[spmem:s2] =	stream.indirect.scatter.add.f32 [tilespmem:s1], [sflag:$0x5], $0x80, s25, s0, $0xb8;
	[tilespmem:$0x1C400] =	vst v63  }
0x58: {  	s24 =	rddreg [dreg:$0x14]  }
0x59: {  	[tilespmem:s10], [sflag:$0xC] =	stream.linear.gather [hbm4b:s24+s3], $0x40, $0x38;
	[tilespmem:$0x1C400] =	vst v63  }
0x5a: {  	s22 =	rddreg [dreg:$0x15]  }
0x5b: {  	[tilespmem:s11], [sflag:$0xC] =	stream.linear.gather [hbm4b:s22+s3], $0x40, $0x38;
	[tilespmem:$0x1C400] =	vst v63  }
0x5c: {  	_ =	swait.ge [sflag:s12], $0x2000  }
0x5d: {  	[sflag:s12] =	ssyncset.done $0x0  }
0x5e: {  	[sflag:s12] =	ssyncadd.s32 $0xFFFFE000  }
0x5f: {  	_ =	swait.ge [sflag:s13], $0x2000  }
0x60: {  	[sflag:s13] =	ssyncset.done $0x0  }
0x61: {  	[sflag:s13] =	ssyncadd.s32 $0xFFFFE000  }
0x62: {  	_ =	swait.ge [sflag:s14], $0x40  }
0x63: {  	[sflag:s14] =	ssyncset.done $0x0  }
0x64: {  	[sflag:s14] =	ssyncadd.s32 $0xFFFFFFC0  }
0x65: {  	_ =	swait.ge [sflag:s14], $0x40  }
0x66: {  	[sflag:s14] =	ssyncset.done $0x0  }
0x67: {  	[sflag:s14] =	ssyncadd.s32 $0xFFFFFFC0  }
0x68: {  	[tilespmem:s15], [sflag:$0x4] =	stream.indirect.gather [hbm4b:s4+s0], $0x80, s10, s0, $0xb8;
	[tilespmem:$0x1C400] =	vst v63  }
0x69: {  	_ = 	snop  }
0x6a: {  	[spmem:s2] =	stream.indirect.scatter.add.f32 [tilespmem:s5], [sflag:$0x6], $0x80, s28, s0, $0xb8;
	[tilespmem:$0x1C400] =	vst v63  }
0x6b: {  	s23 =	rddreg [dreg:$0x16]  }
0x6c: {  	[tilespmem:s3], [sflag:$0x9] =	stream.linear.gather [hbm4b:s23+s3], $0x40, $0x38;
	[tilespmem:$0x1C400] =	vst v63  }
0x6d: {  	s24 =	rddreg [dreg:$0x17]  }
0x6e: {  	[tilespmem:s25], [sflag:$0x9] =	stream.linear.gather [hbm4b:s24+s3], $0x40, $0x38;
	[tilespmem:$0x1C400] =	vst v63  }
0x6f: {  	_ =	swait.ge [sflag:s16], $0x2000  }
0x70: {  	[sflag:s16] =	ssyncset.done $0x0  }
0x71: {  	[sflag:s16] =	ssyncadd.s32 $0xFFFFE000  }
0x72: {  	_ =	swait.ge [sflag:s17], $0x2000  }
0x73: {  	[sflag:s17] =	ssyncset.done $0x0  }
0x74: {  	[sflag:s17] =	ssyncadd.s32 $0xFFFFE000  }
0x75: {  	_ =	swait.ge [sflag:s18], $0x40  }
0x76: {  	[sflag:s18] =	ssyncset.done $0x0  }
0x77: {  	[sflag:s18] =	ssyncadd.s32 $0xFFFFFFC0  }
0x78: {  	_ =	swait.ge [sflag:s18], $0x40  }
0x79: {  	[sflag:s18] =	ssyncset.done $0x0  }
0x7a: {  	[sflag:s18] =	ssyncadd.s32 $0xFFFFFFC0  }
0x7b: {  	[tilespmem:s1], [sflag:$0x1] =	stream.indirect.gather [hbm4b:s4+s0], $0x80, s3, s0, $0xb8;
	[tilespmem:$0x1C400] =	vst v63  }
0x7c: {  	_ = 	snop  }
0x7d: {  	[spmem:s2] =	stream.indirect.scatter.add.f32 [tilespmem:s9], [sflag:$0x7], $0x80, s30, s0, $0xb8;
	[tilespmem:$0x1C400] =	vst v63  }
0x7e: {  	s22 =	rddreg [dreg:$0x18]  }
0x7f: {  	[tilespmem:s26], [sflag:$0xA] =	stream.linear.gather [hbm4b:s22+s3], $0x40, $0x38;
	[tilespmem:$0x1C400] =	vst v63  }
0x80: {  	s23 =	rddreg [dreg:$0x19]  }
0x81: {  	[tilespmem:s28], [sflag:$0xA] =	stream.linear.gather [hbm4b:s23+s3], $0x40, $0x38;
	[tilespmem:$0x1C400] =	vst v63  }
0x82: {  	_ =	swait.ge [sflag:s19], $0x2000  }
0x83: {  	[sflag:s19] =	ssyncset.done $0x0  }
0x84: {  	[sflag:s19] =	ssyncadd.s32 $0xFFFFE000  }
0x85: {  	_ =	swait.ge [sflag:s20], $0x2000  }
0x86: {  	[sflag:s20] =	ssyncset.done $0x0  }
0x87: {  	[sflag:s20] =	ssyncadd.s32 $0xFFFFE000  }
0x88: {  	_ =	swait.ge [sflag:s31], $0x40  }
0x89: {  	[sflag:s31] =	ssyncset.done $0x0  }
0x8a: {  	[sflag:s31] =	ssyncadd.s32 $0xFFFFFFC0  }
0x8b: {  	_ =	swait.ge [sflag:s31], $0x40  }
0x8c: {  	[sflag:s31] =	ssyncset.done $0x0  }
0x8d: {  	[sflag:s31] =	ssyncadd.s32 $0xFFFFFFC0  }
0x8e: {  	[tilespmem:s5], [sflag:$0x2] =	stream.indirect.gather [hbm4b:s4+s0], $0x80, s26, s0, $0xb8;
	[tilespmem:$0x1C400] =	vst v63  }
0x8f: {  	_ = 	snop  }
0x90: {  	[spmem:s2] =	stream.indirect.scatter.add.f32 [tilespmem:s15], [sflag:$0x8], $0x80, s11, s0, $0xb8;
	[tilespmem:$0x1C400] =	vst v63  }
0x91: {  	s24 =	rddreg [dreg:$0x1b]  }
0x92: {  	[tilespmem:s29], [sflag:$0xB] =	stream.linear.gather [hbm4b:s24+s3], $0x40, $0x38;
	[tilespmem:$0x1C400] =	vst v63  }
0x93: {  	s22 =	rddreg [dreg:$0x1a]  }
0x94: {  	[tilespmem:s30], [sflag:$0xB] =	stream.linear.gather [hbm4b:s22+s3], $0x40, $0x38;
	[tilespmem:$0x1C400] =	vst v63  }
0x95: {  	_ =	swait.ge [sflag:s21], $0x2000  }
0x96: {  	[sflag:s21] =	ssyncset.done $0x0  }
0x97: {  	[sflag:s21] =	ssyncadd.s32 $0xFFFFE000  }
0x98: {  	_ =	swait.ge [sflag:s6], $0x2000  }
0x99: {  	[sflag:s6] =	ssyncset.done $0x0  }
0x9a: {  	[sflag:s6] =	ssyncadd.s32 $0xFFFFE000  }
0x9b: {  	_ =	swait.ge [sflag:s8], $0x40  }
0x9c: {  	[sflag:s8] =	ssyncset.done $0x0  }
0x9d: {  	[sflag:s8] =	ssyncadd.s32 $0xFFFFFFC0  }
0x9e: {  	_ =	swait.ge [sflag:s8], $0x40  }
0x9f: {  	[sflag:s8] =	ssyncset.done $0x0  }
0xa0: {  	[sflag:s8] =	ssyncadd.s32 $0xFFFFFFC0  }
0xa1: {  	[tilespmem:s9], [sflag:$0x3] =	stream.indirect.gather [hbm4b:s4+s0], $0x80, s29, s0, $0xb8;
	[tilespmem:$0x1C400] =	vst v63  }
0xa2: {  	s23 =	rddreg [dreg:$0xa]  }
0xa3: {  	[spmem:s2] =	stream.indirect.scatter.add.f32 [tilespmem:s1], [sflag:$0x5], $0x80, s25, s0, $0xb8;
	[tilespmem:$0x1C400] =	vst v63  }
0xa4: {  	s24 =	rddreg [dreg:$0x9];
	s7 =	sadd.s32 $0x0, s23  }
0xa5: {  	[tilespmem:s10], [sflag:$0xC] =	stream.linear.gather [hbm4b:s7+s3], $0x40, $0x38;
	[tilespmem:$0x1C400] =	vst v63  }
0xa6: {  	s22 =	sadd.s32 $0x0, s24  }
0xa7: {  	[tilespmem:s11], [sflag:$0xC] =	stream.linear.gather [hbm4b:s22+s3], $0x40, $0x38;
	[tilespmem:$0x1C400] =	vst v63  }
0xa8: {  	_ =	swait.ge [sflag:s12], $0x2000  }
0xa9: {  	[sflag:s12] =	ssyncset.done $0x0  }
0xaa: {  	[sflag:s12] =	ssyncadd.s32 $0xFFFFE000  }
0xab: {  	_ =	swait.ge [sflag:s13], $0x2000  }
0xac: {  	[sflag:s13] =	ssyncset.done $0x0  }
0xad: {  	[sflag:s13] =	ssyncadd.s32 $0xFFFFE000  }
0xae: {  	_ =	swait.ge [sflag:s14], $0x40  }
0xaf: {  	[sflag:s14] =	ssyncset.done $0x0  }
0xb0: {  	[sflag:s14] =	ssyncadd.s32 $0xFFFFFFC0  }
0xb1: {  	_ =	swait.ge [sflag:s14], $0x40  }
0xb2: {  	[sflag:s14] =	ssyncset.done $0x0  }
0xb3: {  	[sflag:s14] =	ssyncadd.s32 $0xFFFFFFC0  }
0xb4: {  	[tilespmem:s15], [sflag:$0x4] =	stream.indirect.gather [hbm4b:s4+s0], $0x80, s10, s0, $0xb8;
	[tilespmem:$0x1C400] =	vst v63  }
0xb5: {  	s23 =	rddreg [dreg:$0x8]  }
0xb6: {  	[spmem:s2] =	stream.indirect.scatter.add.f32 [tilespmem:s5], [sflag:$0x6], $0x80, s28, s0, $0xb8;
	[tilespmem:$0x1C400] =	vst v63  }
0xb7: {  	s24 =	rddreg [dreg:$0x7];
	s7 =	sadd.s32 $0x0, s23  }
0xb8: {  	[tilespmem:s3], [sflag:$0x9] =	stream.linear.gather [hbm4b:s7+s3], $0x40, $0x38;
	[tilespmem:$0x1C400] =	vst v63  }
0xb9: {  	s22 =	sadd.s32 $0x0, s24  }
0xba: {  	[tilespmem:s25], [sflag:$0x9] =	stream.linear.gather [hbm4b:s22+s3], $0x40, $0x38;
	[tilespmem:$0x1C400] =	vst v63  }
0xbb: {  	_ =	swait.ge [sflag:s16], $0x2000  }
0xbc: {  	[sflag:s16] =	ssyncset.done $0x0  }
0xbd: {  	[sflag:s16] =	ssyncadd.s32 $0xFFFFE000  }
0xbe: {  	_ =	swait.ge [sflag:s17], $0x2000  }
0xbf: {  	[sflag:s17] =	ssyncset.done $0x0  }
0xc0: {  	[sflag:s17] =	ssyncadd.s32 $0xFFFFE000  }
0xc1: {  	_ =	swait.ge [sflag:s18], $0x40  }
0xc2: {  	[sflag:s18] =	ssyncset.done $0x0  }
0xc3: {  	[sflag:s18] =	ssyncadd.s32 $0xFFFFFFC0  }
0xc4: {  	_ =	swait.ge [sflag:s18], $0x40  }
0xc5: {  	[sflag:s18] =	ssyncset.done $0x0  }
0xc6: {  	[sflag:s18] =	ssyncadd.s32 $0xFFFFFFC0  }
0xc7: {  	[tilespmem:s1], [sflag:$0x1] =	stream.indirect.gather [hbm4b:s4+s0], $0x80, s3, s0, $0xb8;
	[tilespmem:$0x1C400] =	vst v63  }
0xc8: {  	s23 =	rddreg [dreg:$0x6]  }
0xc9: {  	[spmem:s2] =	stream.indirect.scatter.add.f32 [tilespmem:s9], [sflag:$0x7], $0x80, s30, s0, $0xb8;
	[tilespmem:$0x1C400] =	vst v63  }
0xca: {  	s24 =	rddreg [dreg:$0x5];
	s7 =	sadd.s32 $0x0, s23  }
0xcb: {  	[tilespmem:s26], [sflag:$0xA] =	stream.linear.gather [hbm4b:s7+s3], $0x40, $0x38;
	[tilespmem:$0x1C400] =	vst v63  }
0xcc: {  	s22 =	sadd.s32 $0x0, s24  }
0xcd: {  	[tilespmem:s28], [sflag:$0xA] =	stream.linear.gather [hbm4b:s22+s3], $0x40, $0x38;
	[tilespmem:$0x1C400] =	vst v63  }
0xce: {  	_ =	swait.ge [sflag:s19], $0x2000  }
0xcf: {  	[sflag:s19] =	ssyncset.done $0x0  }
0xd0: {  	[sflag:s19] =	ssyncadd.s32 $0xFFFFE000  }
0xd1: {  	_ =	swait.ge [sflag:s20], $0x2000  }
0xd2: {  	[sflag:s20] =	ssyncset.done $0x0  }
0xd3: {  	[sflag:s20] =	ssyncadd.s32 $0xFFFFE000  }
0xd4: {  	_ =	swait.ge [sflag:s31], $0x40  }
0xd5: {  	[sflag:s31] =	ssyncset.done $0x0  }
0xd6: {  	[sflag:s31] =	ssyncadd.s32 $0xFFFFFFC0  }
0xd7: {  	_ =	swait.ge [sflag:s31], $0x40  }
0xd8: {  	[sflag:s31] =	ssyncset.done $0x0  }
0xd9: {  	[sflag:s31] =	ssyncadd.s32 $0xFFFFFFC0  }
0xda: {  	[tilespmem:s5], [sflag:$0x2] =	stream.indirect.gather [hbm4b:s4+s0], $0x80, s26, s0, $0xb8;
	[tilespmem:$0x1C400] =	vst v63  }
0xdb: {  	s23 =	rddreg [dreg:$0x4]  }
0xdc: {  	[spmem:s2] =	stream.indirect.scatter.add.f32 [tilespmem:s15], [sflag:$0x8], $0x80, s11, s0, $0xb8;
	[tilespmem:$0x1C400] =	vst v63  }
0xdd: {  	s24 =	rddreg [dreg:$0x3];
	s7 =	sadd.s32 $0x0, s23  }
0xde: {  	[tilespmem:s29], [sflag:$0xB] =	stream.linear.gather [hbm4b:s7+s3], $0x40, $0x38;
	[tilespmem:$0x1C400] =	vst v63  }
0xdf: {  	s23 =	sadd.s32 $0x0, s24;
	s7 =	simm.s32 $0x20  }
.LBB2_2:
0xe0: {  	[tilespmem:s30], [sflag:$0xB] =	stream.linear.gather [hbm4b:s23+s3], $0x40, $0x38;
	[tilespmem:$0x1C400] =	vst v63  }
0xe1: {  	_ =	swait.ge [sflag:s21], $0x2000  }
0xe2: {  	[sflag:s21] =	ssyncset.done $0x0  }
0xe3: {  	[sflag:s21] =	ssyncadd.s32 $0xFFFFE000  }
0xe4: {  	_ =	swait.ge [sflag:s6], $0x2000  }
0xe5: {  	[sflag:s6] =	ssyncset.done $0x0  }
0xe6: {  	[sflag:s6] =	ssyncadd.s32 $0xFFFFE000  }
0xe7: {  	_ =	swait.ge [sflag:s8], $0x40  }
0xe8: {  	[sflag:s8] =	ssyncset.done $0x0  }
0xe9: {  	[sflag:s8] =	ssyncadd.s32 $0xFFFFFFC0  }
0xea: {  	_ =	swait.ge [sflag:s8], $0x40  }
0xeb: {  	[sflag:s8] =	ssyncset.done $0x0  }
0xec: {  	[sflag:s8] =	ssyncadd.s32 $0xFFFFFFC0  }
0xed: {  	[tilespmem:s9], [sflag:$0x3] =	stream.indirect.gather [hbm4b:s4+s0], $0x80, s29, s0, $0xb8;
	[tilespmem:$0x1C400] =	vst v63  }
0xee: {  	s23 =	smov.u32 s7;
	s24 =	rddreg [dreg:$0xa]  }
0xef: {  	[spmem:s2] =	stream.indirect.scatter.add.f32 [tilespmem:s1], [sflag:$0x5], $0x80, s25, s0, $0xb8;
	[tilespmem:$0x1C400] =	vst v63  }
0xf0: {  	s22 =	rddreg [dreg:$0x9];
	s24 =	sadd.s32 s23, s24  }
0xf1: {  	[tilespmem:s10], [sflag:$0xC] =	stream.linear.gather [hbm4b:s24+s3], $0x40, $0x38;
	[tilespmem:$0x1C400] =	vst v63  }
0xf2: {  	s22 =	sadd.s32 s23, s22  }
0xf3: {  	[tilespmem:s11], [sflag:$0xC] =	stream.linear.gather [hbm4b:s22+s3], $0x40, $0x38;
	[tilespmem:$0x1C400] =	vst v63  }
0xf4: {  	_ =	swait.ge [sflag:s12], $0x2000  }
0xf5: {  	[sflag:s12] =	ssyncset.done $0x0  }
0xf6: {  	[sflag:s12] =	ssyncadd.s32 $0xFFFFE000  }
0xf7: {  	_ =	swait.ge [sflag:s13], $0x2000  }
0xf8: {  	[sflag:s13] =	ssyncset.done $0x0  }
0xf9: {  	[sflag:s13] =	ssyncadd.s32 $0xFFFFE000  }
0xfa: {  	_ =	swait.ge [sflag:s14], $0x40  }
0xfb: {  	[sflag:s14] =	ssyncset.done $0x0  }
0xfc: {  	[sflag:s14] =	ssyncadd.s32 $0xFFFFFFC0  }
0xfd: {  	_ =	swait.ge [sflag:s14], $0x40  }
0xfe: {  	[sflag:s14] =	ssyncset.done $0x0  }
0xff: {  	[sflag:s14] =	ssyncadd.s32 $0xFFFFFFC0  }
0x100: {  	[tilespmem:s15], [sflag:$0x4] =	stream.indirect.gather [hbm4b:s4+s0], $0x80, s10, s0, $0xb8;
	[tilespmem:$0x1C400] =	vst v63  }
0x101: {  	s22 =	rddreg [dreg:$0x8]  }
0x102: {  	[spmem:s2] =	stream.indirect.scatter.add.f32 [tilespmem:s5], [sflag:$0x6], $0x80, s28, s0, $0xb8;
	[tilespmem:$0x1C400] =	vst v63  }
0x103: {  	s24 =	rddreg [dreg:$0x7];
	s22 =	sadd.s32 s23, s22  }
0x104: {  	[tilespmem:s3], [sflag:$0x9] =	stream.linear.gather [hbm4b:s22+s3], $0x40, $0x38;
	[tilespmem:$0x1C400] =	vst v63  }
0x105: {  	s24 =	sadd.s32 s23, s24  }
0x106: {  	[tilespmem:s25], [sflag:$0x9] =	stream.linear.gather [hbm4b:s24+s3], $0x40, $0x38;
	[tilespmem:$0x1C400] =	vst v63  }
0x107: {  	_ =	swait.ge [sflag:s16], $0x2000  }
0x108: {  	[sflag:s16] =	ssyncset.done $0x0  }
0x109: {  	[sflag:s16] =	ssyncadd.s32 $0xFFFFE000  }
0x10a: {  	_ =	swait.ge [sflag:s17], $0x2000  }
0x10b: {  	[sflag:s17] =	ssyncset.done $0x0  }
0x10c: {  	[sflag:s17] =	ssyncadd.s32 $0xFFFFE000  }
0x10d: {  	_ =	swait.ge [sflag:s18], $0x40  }
0x10e: {  	[sflag:s18] =	ssyncset.done $0x0  }
0x10f: {  	[sflag:s18] =	ssyncadd.s32 $0xFFFFFFC0  }
0x110: {  	_ =	swait.ge [sflag:s18], $0x40  }
0x111: {  	[sflag:s18] =	ssyncset.done $0x0  }
0x112: {  	[sflag:s18] =	ssyncadd.s32 $0xFFFFFFC0  }
0x113: {  	[tilespmem:s1], [sflag:$0x1] =	stream.indirect.gather [hbm4b:s4+s0], $0x80, s3, s0, $0xb8;
	[tilespmem:$0x1C400] =	vst v63  }
0x114: {  	s22 =	rddreg [dreg:$0x6]  }
0x115: {  	[spmem:s2] =	stream.indirect.scatter.add.f32 [tilespmem:s9], [sflag:$0x7], $0x80, s30, s0, $0xb8;
	[tilespmem:$0x1C400] =	vst v63  }
0x116: {  	s24 =	rddreg [dreg:$0x5];
	s22 =	sadd.s32 s23, s22  }
0x117: {  	[tilespmem:s26], [sflag:$0xA] =	stream.linear.gather [hbm4b:s22+s3], $0x40, $0x38;
	[tilespmem:$0x1C400] =	vst v63  }
0x118: {  	s24 =	sadd.s32 s23, s24  }
0x119: {  	[tilespmem:s28], [sflag:$0xA] =	stream.linear.gather [hbm4b:s24+s3], $0x40, $0x38;
	[tilespmem:$0x1C400] =	vst v63  }
0x11a: {  	_ =	swait.ge [sflag:s19], $0x2000  }
0x11b: {  	[sflag:s19] =	ssyncset.done $0x0  }
0x11c: {  	[sflag:s19] =	ssyncadd.s32 $0xFFFFE000  }
0x11d: {  	_ =	swait.ge [sflag:s20], $0x2000  }
0x11e: {  	[sflag:s20] =	ssyncset.done $0x0  }
0x11f: {  	[sflag:s20] =	ssyncadd.s32 $0xFFFFE000  }
0x120: {  	_ =	swait.ge [sflag:s31], $0x40  }
0x121: {  	[sflag:s31] =	ssyncset.done $0x0  }
0x122: {  	[sflag:s31] =	ssyncadd.s32 $0xFFFFFFC0  }
0x123: {  	_ =	swait.ge [sflag:s31], $0x40  }
0x124: {  	[sflag:s31] =	ssyncset.done $0x0  }
0x125: {  	p0 =	sne.s32 s7, $0x4C0;
	[sflag:s31] =	ssyncadd.s32 $0xFFFFFFC0  }
0x126: {  	[tilespmem:s5], [sflag:$0x2] =	stream.indirect.gather [hbm4b:s4+s0], $0x80, s26, s0, $0xb8;
	[tilespmem:$0x1C400] =	vst v63  }
.Ltmp0:
0x127: {  	s22 =	rddreg [dreg:$0x4];
	(pc) =	sbr.rel @p0 .LBB2_2-.Ltmp0, $4  }
0x128: {  	s24 =	rddreg [dreg:$0x3]  }
0x129: {  	[spmem:s2] =	stream.indirect.scatter.add.f32 [tilespmem:s15], [sflag:$0x8], $0x80, s11, s0, $0xb8;
	[tilespmem:$0x1C400] =	vst v63  }
0x12a: {  	s7 =	sadd.s32 $0x20, s7;
	s22 =	sadd.s32 s23, s22;
	s23 =	sadd.s32 s23, s24  }
0x12b: {  	[tilespmem:s29], [sflag:$0xB] =	stream.linear.gather [hbm4b:s22+s3], $0x40, $0x38;
	[tilespmem:$0x1C400] =	vst v63  }
0x12c: {  	[tilespmem:s30], [sflag:$0xB] =	stream.linear.gather [hbm4b:s23+s3], $0x40, $0x38;
	[tilespmem:$0x1C400] =	vst v63  }
0x12d: {  	_ =	swait.ge [sflag:s21], $0x2000  }
0x12e: {  	[sflag:s21] =	ssyncset.done $0x0  }
0x12f: {  	[sflag:s21] =	ssyncadd.s32 $0xFFFFE000  }
0x130: {  	_ =	swait.ge [sflag:s6], $0x2000  }
0x131: {  	[sflag:s6] =	ssyncset.done $0x0  }
0x132: {  	[sflag:s6] =	ssyncadd.s32 $0xFFFFE000  }
0x133: {  	_ =	swait.ge [sflag:s13], $0x2000  }
0x134: {  	[sflag:s13] =	ssyncset.done $0x0  }
0x135: {  	[sflag:s13] =	ssyncadd.s32 $0xFFFFE000  }
0x136: {  	_ =	swait.ge [sflag:s8], $0x40  }
0x137: {  	[sflag:s8] =	ssyncset.done $0x0  }
0x138: {  	[sflag:s8] =	ssyncadd.s32 $0xFFFFFFC0  }
0x139: {  	_ =	swait.ge [sflag:s8], $0x40  }
0x13a: {  	[sflag:s8] =	ssyncset.done $0x0  }
0x13b: {  	[sflag:s8] =	ssyncadd.s32 $0xFFFFFFC0  }
0x13c: {  	[bflag:$0x0] =	sbarrier.arrive $0xFFFF  }
0x13d: {  	s22 =	rddreg [dreg:$0xd]  }
0x13e: {  	s7 =	rddreg [dreg:$0x1c]  }
0x13f: {  	s23 =	simm.s32 $0xD;
	s24 =	rddreg [dreg:$0x1f]  }
0x140: {  	[hbm:s7], [sflag:s22] =	dma.local [spmem:s24], $0x2800  }
0x141: {  	_ =	swait.ge [sflag:s23], $0x2800  }
0x142: {  	s24 =	rddreg [dreg:$0x1e]  }
0x143: {  	s7 =	rddreg [dreg:$0x1d];
	s24 =	sadd.s32 $0x1, s24  }
0x144: {  	p0 =	sne.s32 s24, s7  }
.Ltmp1:
0x145: {  	_ = 	snop;
	(pc) =	sbr.rel @p0 .LBB2_1-.Ltmp1, $3  }
0x146: {  	_ =	sdelay $0x1  }
0x147: {  	[sflag:s23] =	ssyncset.done $0x0  }
0x148: {  	[sflag:s23] =	ssyncadd.s32 $0xFFFFD800  }
0x149: {  	_ =	sfence.sel $0x180000  }
0x14a: {  	[bflag:$0x0] =	sbarrier.arrive $0xFFFF  }
0x14b: {  	_ =	strace $0x9000004D  }
0x14c: {  	s0 =	stileid.u32;
	[bflag:$0x2] =	sbarrier.arrive $0xFFFF  }
0x14d: {  	p0 =	sne.s32 s0, $0x0;
	s0 =	rddreg [dreg:$0x2]  }
0x14e: {  	s0 =	sadd.s32 @!p0 $0x100000, s0  }
0x14f: {  	[sflag:s0] =	ssyncadd.tile.s32 @!p0 $0x1;
	_ =	shalt  }
.Lfunc_end2:
_tile_overlayer_lowered:
.L_overlay_start_2:
0x150: {  	(tag) =	ssettag $0x2  }
0x151: {  	s0 =	rddreg [dreg:$0x0];
	s2 =	stileid.u32  }
0x152: {  	s1 =	rddreg [dreg:$0x1];
	p0 =	sne.s32 s2, $0x0  }
0x153: {  	s3 =	rddreg [dreg:$0x2];
	[bflag:$0x3] =	sbarrier.arrive $0xFFFF;
	s2 =	simm.s32 @!p0 $0x1C0D  }
0x154: {  	[timem:s3], [sflag:s2] =	dma.local @!p0 [hbm:s0], s1  }
0x155: {  	s0 =	simm.s32 @!p0 $0xD  }
0x156: {  	_ =	swait.ge @!p0 [sflag:s0], s1  }
0x157: {  	s1 =	ssub.s32 @!p0 $0x0, s1;
	[sflag:s0] =	ssyncset.done @!p0 $0x0  }
0x158: {  	[sflag:s0] =	ssyncadd.s32 @!p0 s1  }
0x159: {  	[bflag:$0x3] =	sbarrier.arrive $0xFFFF  }
0x15a: {  	_ =	shalt  }

// kernel: kernel.18.cloned.1.call-start
scs
__scs_entry_jumppad:
0x0: {  	(pc) =	sbr.rel $0x88, $3  }
0x1: {  	(tag) =	ssettag $0x0;
	lr =	simm.s32 $0x1  }
0x2: {  	[smem:$0x3F8A] =	sst lr;
	_ =	strace $0xD0000000  }
0x3: {  	_ = 	snop  }
0x4: {  	_ = 	snop  }
0x5: {  	_ = 	snop  }
0x6: {  	_ = 	snop  }
0x7: {  	_ = 	snop  }
__scs_overlays_trampoline_lowered:
0x8: {  	[smem:$0x3F99] =	sst s0  }
0x9: {  	[smem:$0x3F9A] =	sst s1  }
0xa: {  	[smem:$0x3F9B] =	sst s2  }
0xb: {  	[smem:$0x3F9C] =	sst s3  }
0xc: {  	[smem:$0x3F9D] =	sst s4  }
0xd: {  	[smem:$0x3F9E] =	sst s5  }
0xe: {  	[smem:$0x3F9F] =	sst s6  }
0xf: {  	[smem:$0x3FA0] =	sst s7  }
0x10: {  	[smem:$0x3FA1] =	sst s8  }
0x11: {  	[smem:$0x3FA2] =	sst s9;
	s0 =	simm.s32 @!p0 $0x0  }
0x12: {  	s1 =	sld [smem:$0x3F88];
	s0 =	simm.s32 @p0 $0x1  }
0x13: {  	[smem:$0x3FA3] =	sst s0;
	s0 =	simm.s32 @!p1 $0x0  }
0x14: {  	s2 =	sld [smem:$0x3F87];
	s0 =	simm.s32 @p1 $0x1  }
0x15: {  	[smem:$0x3FA4] =	sst s0;
	s0 =	simm.s32 @!p2 $0x0  }
0x16: {  	s3 =	sld [smem:$0x3FDB];
	s0 =	simm.s32 @p2 $0x1  }
0x17: {  	s4 =	simm.s32 $0x1BF5;
	[smem:$0x3FA6] =	sst s0  }
0x18: {  	s0 =	sld [smem:$0x3F89];
	_ =	swait.ge [sflag:s4], $0x0  }
0x19: {  	s7 =	sld [smem:$0x3F8A]  }
0x1a: {  	s8 =	sadd.s32 $0xFFFFE003, lr  }
0x1b: {  	s9 =	sadd.s32 $0xFFFFFEF7, lr;
	s5 =	simm.s32 $0xFFFFFFFF;
	p2 =	slt.u32 s8, $0xFFFFF086  }
0x1c: {  	p1 =	slt.u32 s9, $0xF7A;
	s5 =	simm.s32 @!p2 $0x0  }
0x1d: {  	s5 =	simm.s32 @p1 $0x1;
	p0 =	seq.s32 s7, s2  }
0x1e: {  	s7 =	smul.u32 @!p0 $0xF7A, s2;
	p2 =	seq.s32 @!p0 s5, $0x0  }
0x1f: {  	s9 =	smul.u32 $0xF7A, s1;
	s8 =	simm.s32 @!p0 $0x1BF5;
	p2 =	por !p2, p0  }
0x20: {  	[sflag:s8] =	ssyncset.s32 @!p0 $0xFFFFF086;
	s6 =	sadd.s32 @!p0 s3, s7;
	s7 =	simm.s32 @!p0 $0x108  }
0x21: {  	s3 =	sadd.s32 s3, s9;
	s6 =	sadd.s32 @!p0 $0x88, s6;
	s7 =	simm.s32 @p2 $0x1082  }
0x22: {  	[simem:s7], [sflag:s8] =	dma.local @!p0 [hbm:s6], $0xF7A  }
0x23: {  	s9 =	sor.u32 $0xD0000000, s2;
	s6 =	simm.s32 $0x108;
	_ =	swait.ge @!p0 [sflag:s8], $0x0  }
0x24: {  	s3 =	sadd.s32 $0x88, s3;
	s6 =	simm.s32 @!p1 $0x1082;
	[sflag:s4] =	ssyncset.s32 $0xFFFFF086  }
0x25: {  	[simem:s6], [sflag:s4] =	dma.local [hbm:s3], $0xF7A  }
0x26: {  	[smem:$0x3F8A] =	sst s1;
	(tag) =	ssettag s2;
	_ =	strace s9  }
0x27: {  	s1 =	sld [smem:$0x3F9A]  }
0x28: {  	s2 =	sld [smem:$0x3F9B]  }
0x29: {  	s4 =	sld [smem:$0x3F9D]  }
0x2a: {  	p0 =	seq.s32 s5, $0x0;
	s5 =	sld [smem:$0x3F9E]  }
0x2b: {  	s6 =	sld [smem:$0x3F9F]  }
0x2c: {  	s7 =	sld [smem:$0x3FA0]  }
0x2d: {  	s3 =	simm.s32 $0x108;
	s8 =	sld [smem:$0x3FA1]  }
0x2e: {  	s3 =	simm.s32 @!p0 $0x1082;
	s9 =	sld [smem:$0x3FA2]  }
0x2f: {  	lr =	sadd.s32 s0, s3;
	s0 =	sld [smem:$0x3F99]  }
0x30: {  	s3 =	sld [smem:$0x3F9C]  }
0x31: {  	[smem:$0x3FA5] =	sst s10  }
0x32: {  	s10 =	sld [smem:$0x3FA3];
	_ =	sdelay $0x3  }
0x33: {  	p0 =	seq.s32 s10, $0x1;
	s10 =	sld [smem:$0x3FA5];
	_ =	sdelay $0x3  }
0x34: {  	[smem:$0x3FA5] =	sst s10  }
0x35: {  	s10 =	sld [smem:$0x3FA4];
	_ =	sdelay $0x3  }
0x36: {  	p1 =	seq.s32 s10, $0x1;
	s10 =	sld [smem:$0x3FA5];
	_ =	sdelay $0x3  }
0x37: {  	[smem:$0x3FA5] =	sst s10  }
0x38: {  	s10 =	sld [smem:$0x3FA6]  }
0x39: {  	_ = 	snop;
	(pc) =	sbr.ind lr, $3  }
0x3a: {  	_ = 	snop  }
0x3b: {  	_ = 	snop  }
0x3c: {  	p2 =	seq.s32 s10, $0x1;
	s10 =	sld [smem:$0x3FA5]  }
0x3d: {  	_ =	shalt  }
0x3e: {  	_ =	shalt  }
0x3f: {  	_ =	shalt  }
0x40: {  	_ =	shalt  }
0x41: {  	_ =	shalt  }
0x42: {  	_ =	shalt  }
0x43: {  	_ =	shalt  }
0x44: {  	_ =	shalt  }
0x45: {  	_ =	shalt  }
0x46: {  	_ =	shalt  }
0x47: {  	_ =	shalt  }
0x48: {  	_ =	shalt  }
0x49: {  	_ =	shalt  }
0x4a: {  	_ =	shalt  }
0x4b: {  	_ =	shalt  }
0x4c: {  	_ =	shalt  }
0x4d: {  	_ =	shalt  }
0x4e: {  	_ =	shalt  }
0x4f: {  	_ =	shalt  }
0x50: {  	_ =	shalt  }
0x51: {  	_ =	shalt  }
0x52: {  	_ =	shalt  }
0x53: {  	_ =	shalt  }
0x54: {  	_ =	shalt  }
0x55: {  	_ =	shalt  }
0x56: {  	_ =	shalt  }
0x57: {  	_ =	shalt  }
0x58: {  	_ =	shalt  }
0x59: {  	_ =	shalt  }
0x5a: {  	_ =	shalt  }
0x5b: {  	_ =	shalt  }
0x5c: {  	_ =	shalt  }
0x5d: {  	_ =	shalt  }
0x5e: {  	_ =	shalt  }
0x5f: {  	_ =	shalt  }
0x60: {  	_ =	shalt  }
0x61: {  	_ =	shalt  }
0x62: {  	_ =	shalt  }
0x63: {  	_ =	shalt  }
0x64: {  	_ =	shalt  }
0x65: {  	_ =	shalt  }
0x66: {  	_ =	shalt  }
0x67: {  	_ =	shalt  }
0x68: {  	_ =	shalt  }
0x69: {  	_ =	shalt  }
0x6a: {  	_ =	shalt  }
0x6b: {  	_ =	shalt  }
0x6c: {  	_ =	shalt  }
0x6d: {  	_ =	shalt  }
0x6e: {  	_ =	shalt  }
0x6f: {  	_ =	shalt  }
0x70: {  	_ =	shalt  }
0x71: {  	_ =	shalt  }
0x72: {  	_ =	shalt  }
0x73: {  	_ =	shalt  }
0x74: {  	_ =	shalt  }
0x75: {  	_ =	shalt  }
0x76: {  	_ =	shalt  }
0x77: {  	_ =	shalt  }
0x78: {  	_ =	shalt  }
0x79: {  	_ =	shalt  }
0x7a: {  	_ =	shalt  }
0x7b: {  	_ =	shalt  }
0x7c: {  	_ =	shalt  }
0x7d: {  	_ =	shalt  }
0x7e: {  	_ =	shalt  }
0x7f: {  	_ =	shalt  }
0x80: {  	_ =	shalt  }
0x81: {  	_ =	shalt  }
0x82: {  	_ =	shalt  }
0x83: {  	_ =	shalt  }
0x84: {  	_ =	shalt  }
0x85: {  	_ =	shalt  }
0x86: {  	_ =	shalt  }
0x87: {  	_ =	shalt  }
.Lfunc_end0:
.L_simem_size_0:
called_computation.3_lowered:
.L_overlay_start_0:
0x88: {  	s2 =	sld [smem:$0x3FD9]  }
0x89: {  	s3 =	sld [smem:$0x3FFE];
	_ =	sdelay $0x1  }
0x8a: {  	s1 =	srdreg.scid  }
0x8b: {  	s0 =	sand.u32 $0x1, s1  }
0x8c: {  	s16 =	sshll.u32 s0, $0xA;
	s2 =	sadd.s32 s3, s2  }
0x8d: {  	s2 =	sadd.s32 s2, s16  }
0x8e: {  	[smem:$0x3FB1] =	sst s2  }
0x8f: {  	_ = 	snop  }
0x90: {  	(tm) =	ssettm $0x1  }
0x91: {  	s17 =	sld [smem:$0x3FFB];
	_ =	sdelay $0x3  }
0x92: {  	_ =	strace s17  }
0x93: {  	s2 =	sld [smem:$0x3FFC];
	_ =	sdelay $0x3  }
0x94: {  	_ =	strace s2  }
0x95: {  	s2 =	sld [smem:$0x3FFD];
	_ =	sdelay $0x3  }
0x96: {  	_ =	strace s2  }
0x97: {  	_ =	strace $0x8FFFFFFF  }
0x98: {  	s18 =	sld [smem:$0x3FDB];
	_ =	sdelay $0x1  }
0x99: {  	s19 =	simm.s32 $_scs_section_size  }
0x9a: {  	s4 =	simm.s32 $_size__tile_overlayer_lowered;
	s5 =	simm.s32 $_tile_overlayer_lowered  }
0x9b: {  	s22 =	simm.s32 $0x1BFF;
	s21 =	sshll.u32 s5, $0x1;
	s2 =	sadd.s32 s19, s18  }
0x9c: {  	s6 =	simm.s32 $0x0;
	s20 =	sshll.u32 s4, $0x1;
	s4 =	sadd.s32 s21, s2  }
0x9d: {  	[timem:s6], [sflag:s22] =	dma.local [hbm:s4], s20  }
0x9e: {  	_ =	swait.ge [sflag:s22], s20  }
0x9f: {  	s3 =	ssub.s32 $0x0, s20;
	[sflag:s22] =	ssyncset.done $0x0  }
0xa0: {  	[sflag:s22] =	ssyncadd.s32 s3;
	_ =	sdelay $0x1  }
0xa1: {  	s23 =	simm.s32 $0x1B8B  }
0xa2: {  	_ =	swait.ge [sflag:s23], $0x1  }
0xa3: {  	[sflag:s23] =	ssyncset.done $0x0  }
0xa4: {  	s25 =	simm.s32 $0x1B8E;
	s24 =	sld [smem:$0x3FFE];
	[sflag:s23] =	ssyncadd.s32 $0xFFFFFFFF  }
0xa5: {  	s26 =	simm.s32 $execute0_lowered;
	[smem:$0x3FD2] =	sst s25  }
0xa6: {  	s4 =	sshll.u32 s26, $0x1;
	_ =	strace $0x8000004F;
	[dreg:$0x1] =	wrdreg $0xFFFFFFFF  }
0xa7: {  	s28 =	simm.s32 $_size_execute0_lowered;
	s2 =	sadd.s32 s2, s4;
	[dreg:$0x0] =	wrdreg $0x0  }
0xa8: {  	s4 =	sshll.u32 s28, $0x1;
	[dreg:$0x2] =	wrdreg s2  }
0xa9: {  	[dreg:$0x3] =	wrdreg s4  }
0xaa: {  	[dreg:$0x4] =	wrdreg $0xC0  }
0xab: {  	_ =	task [dreg:s6], $0x5FFFF  }
0xac: {  	[dreg:$0x1] =	wrdreg $0xFFFFFFFF  }
0xad: {  	[dreg:$0x0] =	wrdreg $0x60  }
0xae: {  	[dreg:$0x2] =	wrdreg s24  }
0xaf: {  	[dreg:$0x3] =	wrdreg $0x84000  }
0xb0: {  	[dreg:$0x4] =	wrdreg $0x9  }
0xb1: {  	_ =	task.clear_ibuf [dreg:s6], $0x5FFFF;
	_ =	strace $0x9000004F  }
0xb2: {  	s29 =	simm.s32 $0x9;
	_ =	strace $0x80000051  }
0xb3: {  	_ =	swait.ge [sflag:s29], $0x1  }
0xb4: {  	[sflag:s29] =	ssyncadd.s32 $0xFFFFFFFF  }
0xb5: {  	_ =	strace $0x90000051  }
0xb6: {  	_ =	sfence  }
0xb7: {  	s30 =	sld [smem:$0x0];
	_ =	sdelay $0x2  }
0xb8: {  	s31 =	sshll.u32 s1, $0xD;
	s1 =	sshrl.u32 s1, $0x2  }
0xb9: {  	s3 =	sand.u32 $0x4000, s31;
	s1 =	sadd.s32 s1, s30  }
0xba: {  	s0 =	sor.u32 s3, s0;
	s1 =	sshll.u32 s1, $0x11  }
0xbb: {  	s0 =	sor.u32 s1, s0  }
0xbc: {  	s0 =	sadd.s32 $0x8F2B, s0  }
0xbd: {  	[sflag:s0] =	ssyncadd.remote.s32 $0x1  }
0xbe: {  	_ =	sfence.sel $0xFFFF  }
0xbf: {  	[dreg:$0x0] =	wrdreg $0xFFFFFFFF;
	(pc) =	sbr.abs _section_cstart, $3  }
0xc0: {  	[dreg:$0x1] =	wrdreg $0xFFFFFFFF  }
0xc1: {  	_ =	task.clear_ibuf [dreg:s6], $0x2FFFF;
	_ =	strace $0x9FFFFFFF  }
0xc2: {  	(tm) =	ssettm $0x7FFFFFFF  }
0xc3: {  	_ =	shalt  }
tec
execute0_lowered:
.L_overlay_start_1:
0x0: {  	(tag) =	ssettag $0x1  }
0x1: {  	s1 =	rddreg [dreg:$0x0]  }
0x2: {  	s2 =	rddreg [dreg:$0x1]  }
0x3: {  	s3 =	simm.s32 $0x0;
	s12 =	stileid.u32;
	s0 =	srdreg.scid  }
0x4: {  	s28 =	simm.s32 $0x280;
	s29 =	simm.s32 $0x100;
	s30 =	simm.s32 $0x300  }
0x5: {  	s31 =	simm.s32 $0xA;
	[smem:$0x7FF] =	sst s3;
	s5 =	smul.u32 $0x14000, s12  }
0x6: {  	s6 =	sand.u32 $0x1, s0;
	s4 =	sadd.s32 $0x8000, s1;
	s0 =	sadd.s32 $0x8F200, s1  }
0x7: {  	s9 =	sadd.s32 $0x85000, s1;
	s25 =	smul.u32 $0x50000, s12;
	s10 =	sshll.u32 s12, $0x1  }
0x8: {  	s14 =	sshll.u32 s12, $0x6;
	s15 =	smul.u32 $0x5000, s12;
	_ =	strace $0x80000050  }
0x9: {  	s7 =	smul.u32 $0x140000, s6;
	s26 =	ssub.s32 $0x2, s6;
	s10 =	sor.u32 s6, s10  }
0xa: {  	s22 =	sor.u32 $0x1C0D, s14;
	s6 =	smul.u32 $0x2800, s6;
	s8 =	sshrl.u32 s5, $0x3  }
0xb: {  	s11 =	sshrl.u32 s26, $0x1;
	s10 =	smul.u32 $0x2800, s10;
	[dreg:$0xd] =	wrdreg s22  }
0xc: {  	s8 =	sadd.s32 s8, s1;
	s5 =	sadd.s32 s5, s7;
	s7 =	sshrl.u32 s25, $0x2  }
0xd: {  	s6 =	sadd.s32 s6, s15;
	s5 =	sshrl.u32 s5, $0x3;
	s7 =	sadd.s32 s7, s2  }
0xe: {  	s13 =	sadd.s32 $0x58000, s8;
	s8 =	sshrl.u32 s10, $0x3;
	s24 =	sor.u32 $0x280, s6  }
0xf: {  	s12 =	sor.u32 $0x240, s6;
	s1 =	sadd.s32 s5, s1;
	[dreg:$0xb] =	wrdreg s7  }
0x10: {  	s5 =	ssub.s32 s26, s11;
	[dreg:$0xc] =	wrdreg s13;
	s16 =	sor.u32 $0x8, s8  }
0x11: {  	s17 =	sadd.s32 s0, s8;
	s18 =	sadd.s32 s9, s8;
	s20 =	sor.u32 $0x10, s8  }
0x12: {  	s23 =	sor.u32 $0x18, s8;
	s26 =	sshrl.u32 s24, $0x3;
	[dreg:$0xe] =	wrdreg s17  }
0x13: {  	s13 =	sshrl.u32 s12, $0x3;
	[dreg:$0xf] =	wrdreg s18;
	s19 =	sadd.s32 s0, s16  }
0x14: {  	s14 =	sor.u32 $0x20, s8;
	s7 =	sadd.s32 s9, s16;
	[dreg:$0x10] =	wrdreg s19  }
0x15: {  	s12 =	simm.s32 $0x5;
	s21 =	sadd.s32 s0, s20;
	[dreg:$0x11] =	wrdreg s7  }
0x16: {  	s25 =	sadd.s32 s0, s23;
	s10 =	sadd.s32 s9, s23;
	[dreg:$0x12] =	wrdreg s21  }
0x17: {  	s11 =	sadd.s32 s26, s9;
	s15 =	sadd.s32 s13, s9;
	[dreg:$0x14] =	wrdreg s25  }
0x18: {  	s16 =	sadd.s32 s0, s14;
	s17 =	sor.u32 $0x200, s6;
	[dreg:$0x15] =	wrdreg s10  }
0x19: {  	s6 =	sor.u32 $0x1C0, s6;
	s23 =	sor.u32 $0x30, s8;
	[dreg:$0x3] =	wrdreg s11  }
0x1a: {  	s1 =	sadd.s32 $0x99400, s1;
	s7 =	sadd.s32 s9, s20;
	[dreg:$0x16] =	wrdreg s16  }
0x1b: {  	[dreg:$0x5] =	wrdreg s15;
	s11 =	sadd.s32 s9, s14;
	s10 =	sadd.s32 s13, s0  }
0x1c: {  	s6 =	sshrl.u32 s6, $0x3;
	s19 =	sor.u32 $0x28, s8;
	[dreg:$0x1c] =	wrdreg s1  }
0x1d: {  	s25 =	sadd.s32 s9, s23;
	s1 =	simm.s32 $0x400;
	[dreg:$0x13] =	wrdreg s7  }
0x1e: {  	s8 =	simm.s32 $0xB;
	s13 =	simm.s32 $0x2;
	[dreg:$0x17] =	wrdreg s11  }
0x1f: {  	s14 =	simm.s32 $0xC;
	s15 =	simm.s32 $0x6400;
	[dreg:$0x6] =	wrdreg s10  }
0x20: {  	s16 =	simm.s32 $0x6;
	s7 =	sadd.s32 s26, s0;
	[dreg:$0x1a] =	wrdreg s25  }
0x21: {  	s20 =	sadd.s32 s6, s9;
	s21 =	sadd.s32 s0, s19;
	[dreg:$0x4] =	wrdreg s7  }
0x22: {  	s24 =	sadd.s32 s9, s19;
	s26 =	smax.u32 s5, $0x1;
	[dreg:$0x9] =	wrdreg s20  }
0x23: {  	s25 =	simm.s32 $0x200;
	s5 =	simm.s32 $0x2400;
	[dreg:$0x18] =	wrdreg s21  }
0x24: {  	s10 =	simm.s32 $0x180;
	s11 =	simm.s32 $0x380;
	[dreg:$0x19] =	wrdreg s24  }
0x25: {  	s19 =	simm.s32 $0x7;
	s7 =	sshrl.u32 s17, $0x3;
	[dreg:$0x1d] =	wrdreg s26  }
0x26: {  	s26 =	simm.s32 $0x80;
	s17 =	simm.s32 $0x3;
	s20 =	simm.s32 $0x4  }
0x27: {  	s21 =	simm.s32 $0x8;
	s24 =	simm.s32 $0x0;
	s18 =	sadd.s32 s7, s9  }
0x28: {  	s7 =	sadd.s32 s7, s0;
	s9 =	simm.s32 $0x4400;
	[dreg:$0x7] =	wrdreg s18  }
0x29: {  	[dreg:$0x8] =	wrdreg s7;
	s7 =	sadd.s32 s0, s23;
	s0 =	sadd.s32 s6, s0  }
0x2a: {  	s23 =	simm.s32 $0xD;
	s6 =	simm.s32 $0x1;
	[dreg:$0x1b] =	wrdreg s7  }
0x2b: {  	s18 =	simm.s32 $0x9;
	[dreg:$0xa] =	wrdreg s0;
	s0 =	simm.s32 $0x40  }
.LBB2_1:
0x2c: {  	[dreg:$0x1e] =	wrdreg s24  }
0x2d: {  	s7 =	rddreg [dreg:$0xb]  }
0x2e: {  	s24 =	sshrl.u32 s7, $0x3;
	s7 =	rddreg [dreg:$0xc]  }
0x2f: {  	[dreg:$0x1f] =	wrdreg s24  }
0x30: {  	[spmem:s24], [sflag:s22] =	dma.local [hbm:s7], $0x2800  }
0x31: {  	_ =	swait.ge [sflag:s23], $0x2800  }
0x32: {  	[sflag:s23] =	ssyncset.done $0x0  }
0x33: {  	s24 =	rddreg [dreg:$0xe];
	[sflag:s23] =	ssyncadd.s32 $0xFFFFD800  }
0x34: {  	[tilespmem:s3], [sflag:$0xD] =	stream.linear.gather [hbm4b:s24+s3], $0x40, $0x38;
	[tilespmem:$0x1C400] =	vst v63  }
0x35: {  	_ =	swait.ge [sflag:s23], $0x40  }
0x36: {  	[sflag:s23] =	ssyncset.done $0x0  }
0x37: {  	s22 =	rddreg [dreg:$0xf];
	[sflag:s23] =	ssyncadd.s32 $0xFFFFFFC0  }
0x38: {  	[tilespmem:s25], [sflag:$0xD] =	stream.linear.gather [hbm4b:s22+s3], $0x40, $0x38;
	[tilespmem:$0x1C400] =	vst v63  }
0x39: {  	_ =	swait.ge [sflag:s23], $0x40  }
0x3a: {  	[sflag:s23] =	ssyncset.done $0x0  }
0x3b: {  	[sflag:s23] =	ssyncadd.s32 $0xFFFFFFC0;
	s23 =	rddreg [dreg:$0x10]  }
0x3c: {  	[tilespmem:s26], [sflag:$0xA] =	stream.linear.gather [hbm4b:s23+s3], $0x40, $0x38;
	[tilespmem:$0x1C400] =	vst v63  }
0x3d: {  	s24 =	rddreg [dreg:$0x11]  }
0x3e: {  	[tilespmem:s28], [sflag:$0xA] =	stream.linear.gather [hbm4b:s24+s3], $0x40, $0x38;
	[tilespmem:$0x1C400] =	vst v63  }
0x3f: {  	s22 =	rddreg [dreg:$0x12]  }
0x40: {  	[tilespmem:s29], [sflag:$0xB] =	stream.linear.gather [hbm4b:s22+s3], $0x40, $0x38;
	[tilespmem:$0x1C400] =	vst v63  }
0x41: {  	s23 =	rddreg [dreg:$0x13]  }
0x42: {  	[tilespmem:s30], [sflag:$0xB] =	stream.linear.gather [hbm4b:s23+s3], $0x40, $0x38;
	[tilespmem:$0x1C400] =	vst v63  }
0x43: {  	_ =	swait.ge [sflag:s31], $0x40  }
0x44: {  	[sflag:s31] =	ssyncset.done $0x0  }
0x45: {  	[sflag:s31] =	ssyncadd.s32 $0xFFFFFFC0  }
0x46: {  	_ =	swait.ge [sflag:s31], $0x40  }
0x47: {  	[sflag:s31] =	ssyncset.done $0x0  }
0x48: {  	[sflag:s31] =	ssyncadd.s32 $0xFFFFFFC0  }
0x49: {  	[tilespmem:s1], [sflag:$0x1] =	stream.indirect.gather [hbm4b:s4+s0], $0x80, s3, s0, $0xb8;
	[tilespmem:$0x1C400] =	vst v63  }
0x4a: {  	_ = 	snop  }
0x4b: {  	[tilespmem:s5], [sflag:$0x2] =	stream.indirect.gather [hbm4b:s4+s0], $0x80, s26, s0, $0xb8;
	[tilespmem:$0x1C400] =	vst v63  }
0x4c: {  	_ =	swait.ge [sflag:s6], $0x2000  }
0x4d: {  	[sflag:s6] =	ssyncset.done $0x0  }
0x4e: {  	[sflag:s6] =	ssyncadd.s32 $0xFFFFE000  }
0x4f: {  	_ =	swait.ge [sflag:s8], $0x40  }
0x50: {  	[sflag:s8] =	ssyncset.done $0x0  }
0x51: {  	[sflag:s8] =	ssyncadd.s32 $0xFFFFFFC0  }
0x52: {  	_ =	swait.ge [sflag:s8], $0x40  }
0x53: {  	[sflag:s8] =	ssyncset.done $0x0  }
0x54: {  	[sflag:s8] =	ssyncadd.s32 $0xFFFFFFC0  }
0x55: {  	[tilespmem:s9], [sflag:$0x3] =	stream.indirect.gather [hbm4b:s4+s0], $0x80, s29, s0, $0xb8;
	[tilespmem:$0x1C400] =	vst v63  }
0x56: {  	_ = 	snop  }
0x57: {  	[spmem:s2] =	stream.indirect.scatter.add.f32 [tilespmem:s1], [sflag:$0x5], $0x80, s25, s0, $0xb8;
	[tilespmem:$0x1C400] =	vst v63  }
0x58: {  	s24 =	rddreg [dreg:$0x14]  }
0x59: {  	[tilespmem:s10], [sflag:$0xC] =	stream.linear.gather [hbm4b:s24+s3], $0x40, $0x38;
	[tilespmem:$0x1C400] =	vst v63  }
0x5a: {  	s22 =	rddreg [dreg:$0x15]  }
0x5b: {  	[tilespmem:s11], [sflag:$0xC] =	stream.linear.gather [hbm4b:s22+s3], $0x40, $0x38;
	[tilespmem:$0x1C400] =	vst v63  }
0x5c: {  	_ =	swait.ge [sflag:s12], $0x2000  }
0x5d: {  	[sflag:s12] =	ssyncset.done $0x0  }
0x5e: {  	[sflag:s12] =	ssyncadd.s32 $0xFFFFE000  }
0x5f: {  	_ =	swait.ge [sflag:s13], $0x2000  }
0x60: {  	[sflag:s13] =	ssyncset.done $0x0  }
0x61: {  	[sflag:s13] =	ssyncadd.s32 $0xFFFFE000  }
0x62: {  	_ =	swait.ge [sflag:s14], $0x40  }
0x63: {  	[sflag:s14] =	ssyncset.done $0x0  }
0x64: {  	[sflag:s14] =	ssyncadd.s32 $0xFFFFFFC0  }
0x65: {  	_ =	swait.ge [sflag:s14], $0x40  }
0x66: {  	[sflag:s14] =	ssyncset.done $0x0  }
0x67: {  	[sflag:s14] =	ssyncadd.s32 $0xFFFFFFC0  }
0x68: {  	[tilespmem:s15], [sflag:$0x4] =	stream.indirect.gather [hbm4b:s4+s0], $0x80, s10, s0, $0xb8;
	[tilespmem:$0x1C400] =	vst v63  }
0x69: {  	_ = 	snop  }
0x6a: {  	[spmem:s2] =	stream.indirect.scatter.add.f32 [tilespmem:s5], [sflag:$0x6], $0x80, s28, s0, $0xb8;
	[tilespmem:$0x1C400] =	vst v63  }
0x6b: {  	s23 =	rddreg [dreg:$0x16]  }
0x6c: {  	[tilespmem:s3], [sflag:$0x9] =	stream.linear.gather [hbm4b:s23+s3], $0x40, $0x38;
	[tilespmem:$0x1C400] =	vst v63  }
0x6d: {  	s24 =	rddreg [dreg:$0x17]  }
0x6e: {  	[tilespmem:s25], [sflag:$0x9] =	stream.linear.gather [hbm4b:s24+s3], $0x40, $0x38;
	[tilespmem:$0x1C400] =	vst v63  }
0x6f: {  	_ =	swait.ge [sflag:s16], $0x2000  }
0x70: {  	[sflag:s16] =	ssyncset.done $0x0  }
0x71: {  	[sflag:s16] =	ssyncadd.s32 $0xFFFFE000  }
0x72: {  	_ =	swait.ge [sflag:s17], $0x2000  }
0x73: {  	[sflag:s17] =	ssyncset.done $0x0  }
0x74: {  	[sflag:s17] =	ssyncadd.s32 $0xFFFFE000  }
0x75: {  	_ =	swait.ge [sflag:s18], $0x40  }
0x76: {  	[sflag:s18] =	ssyncset.done $0x0  }
0x77: {  	[sflag:s18] =	ssyncadd.s32 $0xFFFFFFC0  }
0x78: {  	_ =	swait.ge [sflag:s18], $0x40  }
0x79: {  	[sflag:s18] =	ssyncset.done $0x0  }
0x7a: {  	[sflag:s18] =	ssyncadd.s32 $0xFFFFFFC0  }
0x7b: {  	[tilespmem:s1], [sflag:$0x1] =	stream.indirect.gather [hbm4b:s4+s0], $0x80, s3, s0, $0xb8;
	[tilespmem:$0x1C400] =	vst v63  }
0x7c: {  	_ = 	snop  }
0x7d: {  	[spmem:s2] =	stream.indirect.scatter.add.f32 [tilespmem:s9], [sflag:$0x7], $0x80, s30, s0, $0xb8;
	[tilespmem:$0x1C400] =	vst v63  }
0x7e: {  	s22 =	rddreg [dreg:$0x18]  }
0x7f: {  	[tilespmem:s26], [sflag:$0xA] =	stream.linear.gather [hbm4b:s22+s3], $0x40, $0x38;
	[tilespmem:$0x1C400] =	vst v63  }
0x80: {  	s23 =	rddreg [dreg:$0x19]  }
0x81: {  	[tilespmem:s28], [sflag:$0xA] =	stream.linear.gather [hbm4b:s23+s3], $0x40, $0x38;
	[tilespmem:$0x1C400] =	vst v63  }
0x82: {  	_ =	swait.ge [sflag:s19], $0x2000  }
0x83: {  	[sflag:s19] =	ssyncset.done $0x0  }
0x84: {  	[sflag:s19] =	ssyncadd.s32 $0xFFFFE000  }
0x85: {  	_ =	swait.ge [sflag:s20], $0x2000  }
0x86: {  	[sflag:s20] =	ssyncset.done $0x0  }
0x87: {  	[sflag:s20] =	ssyncadd.s32 $0xFFFFE000  }
0x88: {  	_ =	swait.ge [sflag:s31], $0x40  }
0x89: {  	[sflag:s31] =	ssyncset.done $0x0  }
0x8a: {  	[sflag:s31] =	ssyncadd.s32 $0xFFFFFFC0  }
0x8b: {  	_ =	swait.ge [sflag:s31], $0x40  }
0x8c: {  	[sflag:s31] =	ssyncset.done $0x0  }
0x8d: {  	[sflag:s31] =	ssyncadd.s32 $0xFFFFFFC0  }
0x8e: {  	[tilespmem:s5], [sflag:$0x2] =	stream.indirect.gather [hbm4b:s4+s0], $0x80, s26, s0, $0xb8;
	[tilespmem:$0x1C400] =	vst v63  }
0x8f: {  	_ = 	snop  }
0x90: {  	[spmem:s2] =	stream.indirect.scatter.add.f32 [tilespmem:s15], [sflag:$0x8], $0x80, s11, s0, $0xb8;
	[tilespmem:$0x1C400] =	vst v63  }
0x91: {  	s24 =	rddreg [dreg:$0x1b]  }
0x92: {  	[tilespmem:s29], [sflag:$0xB] =	stream.linear.gather [hbm4b:s24+s3], $0x40, $0x38;
	[tilespmem:$0x1C400] =	vst v63  }
0x93: {  	s22 =	rddreg [dreg:$0x1a]  }
0x94: {  	[tilespmem:s30], [sflag:$0xB] =	stream.linear.gather [hbm4b:s22+s3], $0x40, $0x38;
	[tilespmem:$0x1C400] =	vst v63  }
0x95: {  	_ =	swait.ge [sflag:s21], $0x2000  }
0x96: {  	[sflag:s21] =	ssyncset.done $0x0  }
0x97: {  	[sflag:s21] =	ssyncadd.s32 $0xFFFFE000  }
0x98: {  	_ =	swait.ge [sflag:s6], $0x2000  }
0x99: {  	[sflag:s6] =	ssyncset.done $0x0  }
0x9a: {  	[sflag:s6] =	ssyncadd.s32 $0xFFFFE000  }
0x9b: {  	_ =	swait.ge [sflag:s8], $0x40  }
0x9c: {  	[sflag:s8] =	ssyncset.done $0x0  }
0x9d: {  	[sflag:s8] =	ssyncadd.s32 $0xFFFFFFC0  }
0x9e: {  	_ =	swait.ge [sflag:s8], $0x40  }
0x9f: {  	[sflag:s8] =	ssyncset.done $0x0  }
0xa0: {  	[sflag:s8] =	ssyncadd.s32 $0xFFFFFFC0  }
0xa1: {  	[tilespmem:s9], [sflag:$0x3] =	stream.indirect.gather [hbm4b:s4+s0], $0x80, s29, s0, $0xb8;
	[tilespmem:$0x1C400] =	vst v63  }
0xa2: {  	s23 =	rddreg [dreg:$0xa]  }
0xa3: {  	[spmem:s2] =	stream.indirect.scatter.add.f32 [tilespmem:s1], [sflag:$0x5], $0x80, s25, s0, $0xb8;
	[tilespmem:$0x1C400] =	vst v63  }
0xa4: {  	s24 =	rddreg [dreg:$0x9];
	s7 =	sadd.s32 $0x0, s23  }
0xa5: {  	[tilespmem:s10], [sflag:$0xC] =	stream.linear.gather [hbm4b:s7+s3], $0x40, $0x38;
	[tilespmem:$0x1C400] =	vst v63  }
0xa6: {  	s22 =	sadd.s32 $0x0, s24  }
0xa7: {  	[tilespmem:s11], [sflag:$0xC] =	stream.linear.gather [hbm4b:s22+s3], $0x40, $0x38;
	[tilespmem:$0x1C400] =	vst v63  }
0xa8: {  	_ =	swait.ge [sflag:s12], $0x2000  }
0xa9: {  	[sflag:s12] =	ssyncset.done $0x0  }
0xaa: {  	[sflag:s12] =	ssyncadd.s32 $0xFFFFE000  }
0xab: {  	_ =	swait.ge [sflag:s13], $0x2000  }
0xac: {  	[sflag:s13] =	ssyncset.done $0x0  }
0xad: {  	[sflag:s13] =	ssyncadd.s32 $0xFFFFE000  }
0xae: {  	_ =	swait.ge [sflag:s14], $0x40  }
0xaf: {  	[sflag:s14] =	ssyncset.done $0x0  }
0xb0: {  	[sflag:s14] =	ssyncadd.s32 $0xFFFFFFC0  }
0xb1: {  	_ =	swait.ge [sflag:s14], $0x40  }
0xb2: {  	[sflag:s14] =	ssyncset.done $0x0  }
0xb3: {  	[sflag:s14] =	ssyncadd.s32 $0xFFFFFFC0  }
0xb4: {  	[tilespmem:s15], [sflag:$0x4] =	stream.indirect.gather [hbm4b:s4+s0], $0x80, s10, s0, $0xb8;
	[tilespmem:$0x1C400] =	vst v63  }
0xb5: {  	s23 =	rddreg [dreg:$0x8]  }
0xb6: {  	[spmem:s2] =	stream.indirect.scatter.add.f32 [tilespmem:s5], [sflag:$0x6], $0x80, s28, s0, $0xb8;
	[tilespmem:$0x1C400] =	vst v63  }
0xb7: {  	s24 =	rddreg [dreg:$0x7];
	s7 =	sadd.s32 $0x0, s23  }
0xb8: {  	[tilespmem:s3], [sflag:$0x9] =	stream.linear.gather [hbm4b:s7+s3], $0x40, $0x38;
	[tilespmem:$0x1C400] =	vst v63  }
0xb9: {  	s22 =	sadd.s32 $0x0, s24  }
0xba: {  	[tilespmem:s25], [sflag:$0x9] =	stream.linear.gather [hbm4b:s22+s3], $0x40, $0x38;
	[tilespmem:$0x1C400] =	vst v63  }
0xbb: {  	_ =	swait.ge [sflag:s16], $0x2000  }
0xbc: {  	[sflag:s16] =	ssyncset.done $0x0  }
0xbd: {  	[sflag:s16] =	ssyncadd.s32 $0xFFFFE000  }
0xbe: {  	_ =	swait.ge [sflag:s17], $0x2000  }
0xbf: {  	[sflag:s17] =	ssyncset.done $0x0  }
0xc0: {  	[sflag:s17] =	ssyncadd.s32 $0xFFFFE000  }
0xc1: {  	_ =	swait.ge [sflag:s18], $0x40  }
0xc2: {  	[sflag:s18] =	ssyncset.done $0x0  }
0xc3: {  	[sflag:s18] =	ssyncadd.s32 $0xFFFFFFC0  }
0xc4: {  	_ =	swait.ge [sflag:s18], $0x40  }
0xc5: {  	[sflag:s18] =	ssyncset.done $0x0  }
0xc6: {  	[sflag:s18] =	ssyncadd.s32 $0xFFFFFFC0  }
0xc7: {  	[tilespmem:s1], [sflag:$0x1] =	stream.indirect.gather [hbm4b:s4+s0], $0x80, s3, s0, $0xb8;
	[tilespmem:$0x1C400] =	vst v63  }
0xc8: {  	s23 =	rddreg [dreg:$0x6]  }
0xc9: {  	[spmem:s2] =	stream.indirect.scatter.add.f32 [tilespmem:s9], [sflag:$0x7], $0x80, s30, s0, $0xb8;
	[tilespmem:$0x1C400] =	vst v63  }
0xca: {  	s24 =	rddreg [dreg:$0x5];
	s7 =	sadd.s32 $0x0, s23  }
0xcb: {  	[tilespmem:s26], [sflag:$0xA] =	stream.linear.gather [hbm4b:s7+s3], $0x40, $0x38;
	[tilespmem:$0x1C400] =	vst v63  }
0xcc: {  	s22 =	sadd.s32 $0x0, s24  }
0xcd: {  	[tilespmem:s28], [sflag:$0xA] =	stream.linear.gather [hbm4b:s22+s3], $0x40, $0x38;
	[tilespmem:$0x1C400] =	vst v63  }
0xce: {  	_ =	swait.ge [sflag:s19], $0x2000  }
0xcf: {  	[sflag:s19] =	ssyncset.done $0x0  }
0xd0: {  	[sflag:s19] =	ssyncadd.s32 $0xFFFFE000  }
0xd1: {  	_ =	swait.ge [sflag:s20], $0x2000  }
0xd2: {  	[sflag:s20] =	ssyncset.done $0x0  }
0xd3: {  	[sflag:s20] =	ssyncadd.s32 $0xFFFFE000  }
0xd4: {  	_ =	swait.ge [sflag:s31], $0x40  }
0xd5: {  	[sflag:s31] =	ssyncset.done $0x0  }
0xd6: {  	[sflag:s31] =	ssyncadd.s32 $0xFFFFFFC0  }
0xd7: {  	_ =	swait.ge [sflag:s31], $0x40  }
0xd8: {  	[sflag:s31] =	ssyncset.done $0x0  }
0xd9: {  	[sflag:s31] =	ssyncadd.s32 $0xFFFFFFC0  }
0xda: {  	[tilespmem:s5], [sflag:$0x2] =	stream.indirect.gather [hbm4b:s4+s0], $0x80, s26, s0, $0xb8;
	[tilespmem:$0x1C400] =	vst v63  }
0xdb: {  	s23 =	rddreg [dreg:$0x4]  }
0xdc: {  	[spmem:s2] =	stream.indirect.scatter.add.f32 [tilespmem:s15], [sflag:$0x8], $0x80, s11, s0, $0xb8;
	[tilespmem:$0x1C400] =	vst v63  }
0xdd: {  	s24 =	rddreg [dreg:$0x3];
	s7 =	sadd.s32 $0x0, s23  }
0xde: {  	[tilespmem:s29], [sflag:$0xB] =	stream.linear.gather [hbm4b:s7+s3], $0x40, $0x38;
	[tilespmem:$0x1C400] =	vst v63  }
0xdf: {  	s23 =	sadd.s32 $0x0, s24;
	s7 =	simm.s32 $0x20  }
.LBB2_2:
0xe0: {  	[tilespmem:s30], [sflag:$0xB] =	stream.linear.gather [hbm4b:s23+s3], $0x40, $0x38;
	[tilespmem:$0x1C400] =	vst v63  }
0xe1: {  	_ =	swait.ge [sflag:s21], $0x2000  }
0xe2: {  	[sflag:s21] =	ssyncset.done $0x0  }
0xe3: {  	[sflag:s21] =	ssyncadd.s32 $0xFFFFE000  }
0xe4: {  	_ =	swait.ge [sflag:s6], $0x2000  }
0xe5: {  	[sflag:s6] =	ssyncset.done $0x0  }
0xe6: {  	[sflag:s6] =	ssyncadd.s32 $0xFFFFE000  }
0xe7: {  	_ =	swait.ge [sflag:s8], $0x40  }
0xe8: {  	[sflag:s8] =	ssyncset.done $0x0  }
0xe9: {  	[sflag:s8] =	ssyncadd.s32 $0xFFFFFFC0  }
0xea: {  	_ =	swait.ge [sflag:s8], $0x40  }
0xeb: {  	[sflag:s8] =	ssyncset.done $0x0  }
0xec: {  	[sflag:s8] =	ssyncadd.s32 $0xFFFFFFC0  }
0xed: {  	[tilespmem:s9], [sflag:$0x3] =	stream.indirect.gather [hbm4b:s4+s0], $0x80, s29, s0, $0xb8;
	[tilespmem:$0x1C400] =	vst v63  }
0xee: {  	s23 =	smov.u32 s7;
	s24 =	rddreg [dreg:$0xa]  }
0xef: {  	[spmem:s2] =	stream.indirect.scatter.add.f32 [tilespmem:s1], [sflag:$0x5], $0x80, s25, s0, $0xb8;
	[tilespmem:$0x1C400] =	vst v63  }
0xf0: {  	s22 =	rddreg [dreg:$0x9];
	s24 =	sadd.s32 s23, s24  }
0xf1: {  	[tilespmem:s10], [sflag:$0xC] =	stream.linear.gather [hbm4b:s24+s3], $0x40, $0x38;
	[tilespmem:$0x1C400] =	vst v63  }
0xf2: {  	s22 =	sadd.s32 s23, s22  }
0xf3: {  	[tilespmem:s11], [sflag:$0xC] =	stream.linear.gather [hbm4b:s22+s3], $0x40, $0x38;
	[tilespmem:$0x1C400] =	vst v63  }
0xf4: {  	_ =	swait.ge [sflag:s12], $0x2000  }
0xf5: {  	[sflag:s12] =	ssyncset.done $0x0  }
0xf6: {  	[sflag:s12] =	ssyncadd.s32 $0xFFFFE000  }
0xf7: {  	_ =	swait.ge [sflag:s13], $0x2000  }
0xf8: {  	[sflag:s13] =	ssyncset.done $0x0  }
0xf9: {  	[sflag:s13] =	ssyncadd.s32 $0xFFFFE000  }
0xfa: {  	_ =	swait.ge [sflag:s14], $0x40  }
0xfb: {  	[sflag:s14] =	ssyncset.done $0x0  }
0xfc: {  	[sflag:s14] =	ssyncadd.s32 $0xFFFFFFC0  }
0xfd: {  	_ =	swait.ge [sflag:s14], $0x40  }
0xfe: {  	[sflag:s14] =	ssyncset.done $0x0  }
0xff: {  	[sflag:s14] =	ssyncadd.s32 $0xFFFFFFC0  }
0x100: {  	[tilespmem:s15], [sflag:$0x4] =	stream.indirect.gather [hbm4b:s4+s0], $0x80, s10, s0, $0xb8;
	[tilespmem:$0x1C400] =	vst v63  }
0x101: {  	s22 =	rddreg [dreg:$0x8]  }
0x102: {  	[spmem:s2] =	stream.indirect.scatter.add.f32 [tilespmem:s5], [sflag:$0x6], $0x80, s28, s0, $0xb8;
	[tilespmem:$0x1C400] =	vst v63  }
0x103: {  	s24 =	rddreg [dreg:$0x7];
	s22 =	sadd.s32 s23, s22  }
0x104: {  	[tilespmem:s3], [sflag:$0x9] =	stream.linear.gather [hbm4b:s22+s3], $0x40, $0x38;
	[tilespmem:$0x1C400] =	vst v63  }
0x105: {  	s24 =	sadd.s32 s23, s24  }
0x106: {  	[tilespmem:s25], [sflag:$0x9] =	stream.linear.gather [hbm4b:s24+s3], $0x40, $0x38;
	[tilespmem:$0x1C400] =	vst v63  }
0x107: {  	_ =	swait.ge [sflag:s16], $0x2000  }
0x108: {  	[sflag:s16] =	ssyncset.done $0x0  }
0x109: {  	[sflag:s16] =	ssyncadd.s32 $0xFFFFE000  }
0x10a: {  	_ =	swait.ge [sflag:s17], $0x2000  }
0x10b: {  	[sflag:s17] =	ssyncset.done $0x0  }
0x10c: {  	[sflag:s17] =	ssyncadd.s32 $0xFFFFE000  }
0x10d: {  	_ =	swait.ge [sflag:s18], $0x40  }
0x10e: {  	[sflag:s18] =	ssyncset.done $0x0  }
0x10f: {  	[sflag:s18] =	ssyncadd.s32 $0xFFFFFFC0  }
0x110: {  	_ =	swait.ge [sflag:s18], $0x40  }
0x111: {  	[sflag:s18] =	ssyncset.done $0x0  }
0x112: {  	[sflag:s18] =	ssyncadd.s32 $0xFFFFFFC0  }
0x113: {  	[tilespmem:s1], [sflag:$0x1] =	stream.indirect.gather [hbm4b:s4+s0], $0x80, s3, s0, $0xb8;
	[tilespmem:$0x1C400] =	vst v63  }
0x114: {  	s22 =	rddreg [dreg:$0x6]  }
0x115: {  	[spmem:s2] =	stream.indirect.scatter.add.f32 [tilespmem:s9], [sflag:$0x7], $0x80, s30, s0, $0xb8;
	[tilespmem:$0x1C400] =	vst v63  }
0x116: {  	s24 =	rddreg [dreg:$0x5];
	s22 =	sadd.s32 s23, s22  }
0x117: {  	[tilespmem:s26], [sflag:$0xA] =	stream.linear.gather [hbm4b:s22+s3], $0x40, $0x38;
	[tilespmem:$0x1C400] =	vst v63  }
0x118: {  	s24 =	sadd.s32 s23, s24  }
0x119: {  	[tilespmem:s28], [sflag:$0xA] =	stream.linear.gather [hbm4b:s24+s3], $0x40, $0x38;
	[tilespmem:$0x1C400] =	vst v63  }
0x11a: {  	_ =	swait.ge [sflag:s19], $0x2000  }
0x11b: {  	[sflag:s19] =	ssyncset.done $0x0  }
0x11c: {  	[sflag:s19] =	ssyncadd.s32 $0xFFFFE000  }
0x11d: {  	_ =	swait.ge [sflag:s20], $0x2000  }
0x11e: {  	[sflag:s20] =	ssyncset.done $0x0  }
0x11f: {  	[sflag:s20] =	ssyncadd.s32 $0xFFFFE000  }
0x120: {  	_ =	swait.ge [sflag:s31], $0x40  }
0x121: {  	[sflag:s31] =	ssyncset.done $0x0  }
0x122: {  	[sflag:s31] =	ssyncadd.s32 $0xFFFFFFC0  }
0x123: {  	_ =	swait.ge [sflag:s31], $0x40  }
0x124: {  	[sflag:s31] =	ssyncset.done $0x0  }
0x125: {  	p0 =	sne.s32 s7, $0x4C0;
	[sflag:s31] =	ssyncadd.s32 $0xFFFFFFC0  }
0x126: {  	[tilespmem:s5], [sflag:$0x2] =	stream.indirect.gather [hbm4b:s4+s0], $0x80, s26, s0, $0xb8;
	[tilespmem:$0x1C400] =	vst v63  }
.Ltmp0:
0x127: {  	s22 =	rddreg [dreg:$0x4];
	(pc) =	sbr.rel @p0 .LBB2_2-.Ltmp0, $4  }
0x128: {  	s24 =	rddreg [dreg:$0x3]  }
0x129: {  	[spmem:s2] =	stream.indirect.scatter.add.f32 [tilespmem:s15], [sflag:$0x8], $0x80, s11, s0, $0xb8;
	[tilespmem:$0x1C400] =	vst v63  }
0x12a: {  	s7 =	sadd.s32 $0x20, s7;
	s22 =	sadd.s32 s23, s22;
	s23 =	sadd.s32 s23, s24  }
0x12b: {  	[tilespmem:s29], [sflag:$0xB] =	stream.linear.gather [hbm4b:s22+s3], $0x40, $0x38;
	[tilespmem:$0x1C400] =	vst v63  }
0x12c: {  	[tilespmem:s30], [sflag:$0xB] =	stream.linear.gather [hbm4b:s23+s3], $0x40, $0x38;
	[tilespmem:$0x1C400] =	vst v63  }
0x12d: {  	_ =	swait.ge [sflag:s21], $0x2000  }
0x12e: {  	[sflag:s21] =	ssyncset.done $0x0  }
0x12f: {  	[sflag:s21] =	ssyncadd.s32 $0xFFFFE000  }
0x130: {  	_ =	swait.ge [sflag:s6], $0x2000  }
0x131: {  	[sflag:s6] =	ssyncset.done $0x0  }
0x132: {  	[sflag:s6] =	ssyncadd.s32 $0xFFFFE000  }
0x133: {  	_ =	swait.ge [sflag:s13], $0x2000  }
0x134: {  	[sflag:s13] =	ssyncset.done $0x0  }
0x135: {  	[sflag:s13] =	ssyncadd.s32 $0xFFFFE000  }
0x136: {  	_ =	swait.ge [sflag:s8], $0x40  }
0x137: {  	[sflag:s8] =	ssyncset.done $0x0  }
0x138: {  	[sflag:s8] =	ssyncadd.s32 $0xFFFFFFC0  }
0x139: {  	_ =	swait.ge [sflag:s8], $0x40  }
0x13a: {  	[sflag:s8] =	ssyncset.done $0x0  }
0x13b: {  	[sflag:s8] =	ssyncadd.s32 $0xFFFFFFC0  }
0x13c: {  	[bflag:$0x0] =	sbarrier.arrive $0xFFFF  }
0x13d: {  	s22 =	rddreg [dreg:$0xd]  }
0x13e: {  	s7 =	rddreg [dreg:$0x1c]  }
0x13f: {  	s23 =	simm.s32 $0xD;
	s24 =	rddreg [dreg:$0x1f]  }
0x140: {  	[hbm:s7], [sflag:s22] =	dma.local [spmem:s24], $0x2800  }
0x141: {  	_ =	swait.ge [sflag:s23], $0x2800  }
0x142: {  	s24 =	rddreg [dreg:$0x1e]  }
0x143: {  	s7 =	rddreg [dreg:$0x1d];
	s24 =	sadd.s32 $0x1, s24  }
0x144: {  	p0 =	sne.s32 s24, s7  }
.Ltmp1:
0x145: {  	_ = 	snop;
	(pc) =	sbr.rel @p0 .LBB2_1-.Ltmp1, $3  }
0x146: {  	_ =	sdelay $0x1  }
0x147: {  	[sflag:s23] =	ssyncset.done $0x0  }
0x148: {  	[sflag:s23] =	ssyncadd.s32 $0xFFFFD800  }
0x149: {  	_ =	sfence.sel $0x180000  }
0x14a: {  	[bflag:$0x0] =	sbarrier.arrive $0xFFFF  }
0x14b: {  	_ =	strace $0x90000050  }
0x14c: {  	s0 =	stileid.u32;
	[bflag:$0x2] =	sbarrier.arrive $0xFFFF  }
0x14d: {  	p0 =	sne.s32 s0, $0x0;
	s0 =	rddreg [dreg:$0x2]  }
0x14e: {  	s0 =	sadd.s32 @!p0 $0x100000, s0  }
0x14f: {  	[sflag:s0] =	ssyncadd.tile.s32 @!p0 $0x1;
	_ =	shalt  }
.Lfunc_end2:
_tile_overlayer_lowered:
.L_overlay_start_2:
0x150: {  	(tag) =	ssettag $0x2  }
0x151: {  	s0 =	rddreg [dreg:$0x0];
	s2 =	stileid.u32  }
0x152: {  	s1 =	rddreg [dreg:$0x1];
	p0 =	sne.s32 s2, $0x0  }
0x153: {  	s3 =	rddreg [dreg:$0x2];
	[bflag:$0x3] =	sbarrier.arrive $0xFFFF;
	s2 =	simm.s32 @!p0 $0x1C0D  }
0x154: {  	[timem:s3], [sflag:s2] =	dma.local @!p0 [hbm:s0], s1  }
0x155: {  	s0 =	simm.s32 @!p0 $0xD  }
0x156: {  	_ =	swait.ge @!p0 [sflag:s0], s1  }
0x157: {  	s1 =	ssub.s32 @!p0 $0x0, s1;
	[sflag:s0] =	ssyncset.done @!p0 $0x0  }
0x158: {  	[sflag:s0] =	ssyncadd.s32 @!p0 s1  }
0x159: {  	[bflag:$0x3] =	sbarrier.arrive $0xFFFF  }
0x15a: {  	_ =	shalt  }

// kernel: kernel.9.cloned.1.call-start
scs
__scs_entry_jumppad:
0x0: {  	(pc) =	sbr.rel $0x88, $3  }
0x1: {  	(tag) =	ssettag $0x0;
	lr =	simm.s32 $0x1  }
0x2: {  	[smem:$0x3F8A] =	sst lr;
	_ =	strace $0xD0000000  }
0x3: {  	_ = 	snop  }
0x4: {  	_ = 	snop  }
0x5: {  	_ = 	snop  }
0x6: {  	_ = 	snop  }
0x7: {  	_ = 	snop  }
__scs_overlays_trampoline_lowered:
0x8: {  	[smem:$0x3F99] =	sst s0  }
0x9: {  	[smem:$0x3F9A] =	sst s1  }
0xa: {  	[smem:$0x3F9B] =	sst s2  }
0xb: {  	[smem:$0x3F9C] =	sst s3  }
0xc: {  	[smem:$0x3F9D] =	sst s4  }
0xd: {  	[smem:$0x3F9E] =	sst s5  }
0xe: {  	[smem:$0x3F9F] =	sst s6  }
0xf: {  	[smem:$0x3FA0] =	sst s7  }
0x10: {  	[smem:$0x3FA1] =	sst s8  }
0x11: {  	[smem:$0x3FA2] =	sst s9;
	s0 =	simm.s32 @!p0 $0x0  }
0x12: {  	s1 =	sld [smem:$0x3F88];
	s0 =	simm.s32 @p0 $0x1  }
0x13: {  	[smem:$0x3FA3] =	sst s0;
	s0 =	simm.s32 @!p1 $0x0  }
0x14: {  	s2 =	sld [smem:$0x3F87];
	s0 =	simm.s32 @p1 $0x1  }
0x15: {  	[smem:$0x3FA4] =	sst s0;
	s0 =	simm.s32 @!p2 $0x0  }
0x16: {  	s3 =	sld [smem:$0x3FDB];
	s0 =	simm.s32 @p2 $0x1  }
0x17: {  	s4 =	simm.s32 $0x1BF5;
	[smem:$0x3FA6] =	sst s0  }
0x18: {  	s0 =	sld [smem:$0x3F89];
	_ =	swait.ge [sflag:s4], $0x0  }
0x19: {  	s7 =	sld [smem:$0x3F8A]  }
0x1a: {  	s8 =	sadd.s32 $0xFFFFE003, lr  }
0x1b: {  	s9 =	sadd.s32 $0xFFFFFEF7, lr;
	s5 =	simm.s32 $0xFFFFFFFF;
	p2 =	slt.u32 s8, $0xFFFFF086  }
0x1c: {  	p1 =	slt.u32 s9, $0xF7A;
	s5 =	simm.s32 @!p2 $0x0  }
0x1d: {  	s5 =	simm.s32 @p1 $0x1;
	p0 =	seq.s32 s7, s2  }
0x1e: {  	s7 =	smul.u32 @!p0 $0xF7A, s2;
	p2 =	seq.s32 @!p0 s5, $0x0  }
0x1f: {  	s9 =	smul.u32 $0xF7A, s1;
	s8 =	simm.s32 @!p0 $0x1BF5;
	p2 =	por !p2, p0  }
0x20: {  	[sflag:s8] =	ssyncset.s32 @!p0 $0xFFFFF086;
	s6 =	sadd.s32 @!p0 s3, s7;
	s7 =	simm.s32 @!p0 $0x108  }
0x21: {  	s3 =	sadd.s32 s3, s9;
	s6 =	sadd.s32 @!p0 $0x88, s6;
	s7 =	simm.s32 @p2 $0x1082  }
0x22: {  	[simem:s7], [sflag:s8] =	dma.local @!p0 [hbm:s6], $0xF7A  }
0x23: {  	s9 =	sor.u32 $0xD0000000, s2;
	s6 =	simm.s32 $0x108;
	_ =	swait.ge @!p0 [sflag:s8], $0x0  }
0x24: {  	s3 =	sadd.s32 $0x88, s3;
	s6 =	simm.s32 @!p1 $0x1082;
	[sflag:s4] =	ssyncset.s32 $0xFFFFF086  }
0x25: {  	[simem:s6], [sflag:s4] =	dma.local [hbm:s3], $0xF7A  }
0x26: {  	[smem:$0x3F8A] =	sst s1;
	(tag) =	ssettag s2;
	_ =	strace s9  }
0x27: {  	s1 =	sld [smem:$0x3F9A]  }
0x28: {  	s2 =	sld [smem:$0x3F9B]  }
0x29: {  	s4 =	sld [smem:$0x3F9D]  }
0x2a: {  	p0 =	seq.s32 s5, $0x0;
	s5 =	sld [smem:$0x3F9E]  }
0x2b: {  	s6 =	sld [smem:$0x3F9F]  }
0x2c: {  	s7 =	sld [smem:$0x3FA0]  }
0x2d: {  	s3 =	simm.s32 $0x108;
	s8 =	sld [smem:$0x3FA1]  }
0x2e: {  	s3 =	simm.s32 @!p0 $0x1082;
	s9 =	sld [smem:$0x3FA2]  }
0x2f: {  	lr =	sadd.s32 s0, s3;
	s0 =	sld [smem:$0x3F99]  }
0x30: {  	s3 =	sld [smem:$0x3F9C]  }
0x31: {  	[smem:$0x3FA5] =	sst s10  }
0x32: {  	s10 =	sld [smem:$0x3FA3];
	_ =	sdelay $0x3  }
0x33: {  	p0 =	seq.s32 s10, $0x1;
	s10 =	sld [smem:$0x3FA5];
	_ =	sdelay $0x3  }
0x34: {  	[smem:$0x3FA5] =	sst s10  }
0x35: {  	s10 =	sld [smem:$0x3FA4];
	_ =	sdelay $0x3  }
0x36: {  	p1 =	seq.s32 s10, $0x1;
	s10 =	sld [smem:$0x3FA5];
	_ =	sdelay $0x3  }
0x37: {  	[smem:$0x3FA5] =	sst s10  }
0x38: {  	s10 =	sld [smem:$0x3FA6]  }
0x39: {  	_ = 	snop;
	(pc) =	sbr.ind lr, $3  }
0x3a: {  	_ = 	snop  }
0x3b: {  	_ = 	snop  }
0x3c: {  	p2 =	seq.s32 s10, $0x1;
	s10 =	sld [smem:$0x3FA5]  }
0x3d: {  	_ =	shalt  }
0x3e: {  	_ =	shalt  }
0x3f: {  	_ =	shalt  }
0x40: {  	_ =	shalt  }
0x41: {  	_ =	shalt  }
0x42: {  	_ =	shalt  }
0x43: {  	_ =	shalt  }
0x44: {  	_ =	shalt  }
0x45: {  	_ =	shalt  }
0x46: {  	_ =	shalt  }
0x47: {  	_ =	shalt  }
0x48: {  	_ =	shalt  }
0x49: {  	_ =	shalt  }
0x4a: {  	_ =	shalt  }
0x4b: {  	_ =	shalt  }
0x4c: {  	_ =	shalt  }
0x4d: {  	_ =	shalt  }
0x4e: {  	_ =	shalt  }
0x4f: {  	_ =	shalt  }
0x50: {  	_ =	shalt  }
0x51: {  	_ =	shalt  }
0x52: {  	_ =	shalt  }
0x53: {  	_ =	shalt  }
0x54: {  	_ =	shalt  }
0x55: {  	_ =	shalt  }
0x56: {  	_ =	shalt  }
0x57: {  	_ =	shalt  }
0x58: {  	_ =	shalt  }
0x59: {  	_ =	shalt  }
0x5a: {  	_ =	shalt  }
0x5b: {  	_ =	shalt  }
0x5c: {  	_ =	shalt  }
0x5d: {  	_ =	shalt  }
0x5e: {  	_ =	shalt  }
0x5f: {  	_ =	shalt  }
0x60: {  	_ =	shalt  }
0x61: {  	_ =	shalt  }
0x62: {  	_ =	shalt  }
0x63: {  	_ =	shalt  }
0x64: {  	_ =	shalt  }
0x65: {  	_ =	shalt  }
0x66: {  	_ =	shalt  }
0x67: {  	_ =	shalt  }
0x68: {  	_ =	shalt  }
0x69: {  	_ =	shalt  }
0x6a: {  	_ =	shalt  }
0x6b: {  	_ =	shalt  }
0x6c: {  	_ =	shalt  }
0x6d: {  	_ =	shalt  }
0x6e: {  	_ =	shalt  }
0x6f: {  	_ =	shalt  }
0x70: {  	_ =	shalt  }
0x71: {  	_ =	shalt  }
0x72: {  	_ =	shalt  }
0x73: {  	_ =	shalt  }
0x74: {  	_ =	shalt  }
0x75: {  	_ =	shalt  }
0x76: {  	_ =	shalt  }
0x77: {  	_ =	shalt  }
0x78: {  	_ =	shalt  }
0x79: {  	_ =	shalt  }
0x7a: {  	_ =	shalt  }
0x7b: {  	_ =	shalt  }
0x7c: {  	_ =	shalt  }
0x7d: {  	_ =	shalt  }
0x7e: {  	_ =	shalt  }
0x7f: {  	_ =	shalt  }
0x80: {  	_ =	shalt  }
0x81: {  	_ =	shalt  }
0x82: {  	_ =	shalt  }
0x83: {  	_ =	shalt  }
0x84: {  	_ =	shalt  }
0x85: {  	_ =	shalt  }
0x86: {  	_ =	shalt  }
0x87: {  	_ =	shalt  }
.Lfunc_end0:
.L_simem_size_0:
called_computation_lowered:
.L_overlay_start_0:
0x88: {  	s2 =	sld [smem:$0x3FD9]  }
0x89: {  	s3 =	sld [smem:$0x3FFE];
	_ =	sdelay $0x1  }
0x8a: {  	s1 =	srdreg.scid  }
0x8b: {  	s0 =	sand.u32 $0x1, s1  }
0x8c: {  	s17 =	sshll.u32 s0, $0xA;
	s2 =	sadd.s32 s3, s2  }
0x8d: {  	s2 =	sadd.s32 s2, s17  }
0x8e: {  	[smem:$0x3FB1] =	sst s2  }
0x8f: {  	_ = 	snop  }
0x90: {  	(tm) =	ssettm $0x1  }
0x91: {  	s18 =	sld [smem:$0x3FFB];
	_ =	sdelay $0x3  }
0x92: {  	_ =	strace s18  }
0x93: {  	s2 =	sld [smem:$0x3FFC];
	_ =	sdelay $0x3  }
0x94: {  	_ =	strace s2  }
0x95: {  	s2 =	sld [smem:$0x3FFD];
	_ =	sdelay $0x3  }
0x96: {  	_ =	strace s2  }
0x97: {  	_ =	strace $0x8FFFFFFF  }
0x98: {  	s19 =	sld [smem:$0x3FDB];
	_ =	sdelay $0x1  }
0x99: {  	s20 =	simm.s32 $_scs_section_size  }
0x9a: {  	s4 =	simm.s32 $_size__tile_overlayer_lowered;
	s5 =	simm.s32 $_tile_overlayer_lowered  }
0x9b: {  	s6 =	simm.s32 $0x1BFF;
	s21 =	sshll.u32 s5, $0x1;
	s3 =	sadd.s32 s20, s19  }
0x9c: {  	s22 =	simm.s32 $0x0;
	s4 =	sshll.u32 s4, $0x1;
	s5 =	sadd.s32 s21, s3  }
0x9d: {  	[timem:s22], [sflag:s6] =	dma.local [hbm:s5], s4  }
0x9e: {  	_ =	swait.ge [sflag:s6], s4  }
0x9f: {  	s4 =	ssub.s32 $0x0, s4;
	[sflag:s6] =	ssyncset.done $0x0  }
0xa0: {  	[sflag:s6] =	ssyncadd.s32 s4;
	_ =	sdelay $0x1  }
0xa1: {  	s23 =	simm.s32 $0x1B8B  }
0xa2: {  	_ =	swait.ge [sflag:s23], $0x1  }
0xa3: {  	[sflag:s23] =	ssyncset.done $0x0  }
0xa4: {  	[sflag:s23] =	ssyncadd.s32 $0xFFFFFFFF  }
0xa5: {  	s4 =	sld [smem:$0x0]  }
0xa6: {  	s5 =	sand.u32 $0xFFFFFFFE, s1  }
0xa7: {  	p0 =	sne.s32 s1, s5  }
0xa8: {  	s5 =	sshll.u32 @p0 s5, $0xE  }
0xa9: {  	s5 =	sadd.s32 @p0 $0x11B8D, s5;
	s6 =	sshll.u32 @p0 s4, $0x11  }
0xaa: {  	s5 =	sor.u32 @p0 s6, s5  }
0xab: {  	[sflag:s5] =	ssyncadd.remote.s32 @p0 $0x1;
	_ =	sdelay $0x1  }
0xac: {  	s5 =	simm.s32 @p0 $0x1B8D  }
0xad: {  	_ =	swait.eq @p0 [sflag:s5], $0x1  }
0xae: {  	[sflag:s5] =	ssyncadd.s32 @p0 $0xFFFFFFFF  }
0xaf: {  	s6 =	sshll.u32 @!p0 s1, $0xE  }
0xb0: {  	s6 =	sor.u32 @!p0 $0x4000, s6;
	s5 =	simm.s32 @!p0 $0x1B8D  }
0xb1: {  	s4 =	sshll.u32 @!p0 s4, $0x11;
	s6 =	sadd.s32 @!p0 $0x11B8D, s6;
	_ =	swait.eq @!p0 [sflag:s5], $0x1  }
0xb2: {  	s4 =	sor.u32 @!p0 s4, s6;
	[sflag:s5] =	ssyncadd.s32 @!p0 $0xFFFFFFFF  }
0xb3: {  	s25 =	simm.s32 $0x1B8E;
	s24 =	sld [smem:$0x3FFE];
	[sflag:s4] =	ssyncadd.remote.s32 @!p0 $0x1  }
0xb4: {  	s26 =	simm.s32 $execute0_lowered;
	[smem:$0x3FD2] =	sst s25  }
0xb5: {  	s5 =	sshll.u32 s26, $0x1;
	_ =	strace $0x80000049;
	[dreg:$0x1] =	wrdreg $0xFFFFFFFF  }
0xb6: {  	s28 =	simm.s32 $_size_execute0_lowered;
	s3 =	sadd.s32 s3, s5;
	[dreg:$0x0] =	wrdreg $0x0  }
0xb7: {  	s5 =	sshll.u32 s28, $0x1;
	[dreg:$0x2] =	wrdreg s3  }
0xb8: {  	[dreg:$0x3] =	wrdreg s5  }
0xb9: {  	[dreg:$0x4] =	wrdreg $0xC0  }
0xba: {  	_ =	task [dreg:s22], $0x5FFFF  }
0xbb: {  	[dreg:$0x1] =	wrdreg $0xFFFFFFFF  }
0xbc: {  	[dreg:$0x0] =	wrdreg $0x60  }
0xbd: {  	[dreg:$0x2] =	wrdreg s24  }
0xbe: {  	[dreg:$0x3] =	wrdreg $0x81000  }
0xbf: {  	[dreg:$0x4] =	wrdreg $0x9  }
0xc0: {  	_ =	task.clear_ibuf [dreg:s22], $0x5FFFF;
	_ =	strace $0x90000049  }
0xc1: {  	s29 =	simm.s32 $0x9;
	_ =	strace $0x8000004B  }
0xc2: {  	_ =	swait.ge [sflag:s29], $0x1  }
0xc3: {  	[sflag:s29] =	ssyncadd.s32 $0xFFFFFFFF  }
0xc4: {  	_ =	strace $0x9000004B  }
0xc5: {  	_ =	sfence  }
0xc6: {  	s30 =	sld [smem:$0x0];
	_ =	sdelay $0x2  }
0xc7: {  	s31 =	sshll.u32 s1, $0xD;
	s1 =	sshrl.u32 s1, $0x2  }
0xc8: {  	s4 =	sand.u32 $0x4000, s31;
	s1 =	sadd.s32 s1, s30  }
0xc9: {  	s0 =	sor.u32 s4, s0;
	s1 =	sshll.u32 s1, $0x11  }
0xca: {  	s0 =	sor.u32 s1, s0  }
0xcb: {  	s0 =	sadd.s32 $0x8F2B, s0  }
0xcc: {  	[sflag:s0] =	ssyncadd.remote.s32 $0x1  }
0xcd: {  	_ =	sfence.sel $0xFFFF  }
0xce: {  	[dreg:$0x0] =	wrdreg $0xFFFFFFFF;
	(pc) =	sbr.abs _section_cstart, $3  }
0xcf: {  	[dreg:$0x1] =	wrdreg $0xFFFFFFFF  }
0xd0: {  	_ =	task.clear_ibuf [dreg:s22], $0x2FFFF;
	_ =	strace $0x9FFFFFFF  }
0xd1: {  	(tm) =	ssettm $0x7FFFFFFF  }
tec
execute0_lowered:
.L_overlay_start_1:
0x0: {  	(tag) =	ssettag $0x1  }
0x1: {  	s5 =	rddreg [dreg:$0x0]  }
0x2: {  	s2 =	rddreg [dreg:$0x1];
	s3 =	simm.s32 $0x0  }
0x3: {  	s0 =	stileid.u32;
	s4 =	srdreg.scid;
	s20 =	simm.s32 $0x4  }
0x4: {  	s6 =	smul.u32 $0x14000, s0;
	s8 =	sand.u32 $0x1, s4;
	s4 =	sadd.s32 $0x120400, s5  }
0x5: {  	[smem:$0x7FF] =	sst s3;
	s18 =	sadd.s32 $0x602400, s5;
	s22 =	smul.u32 $0x50000, s0  }
0x6: {  	s14 =	sadd.s32 $0x85000, s5;
	s24 =	sshll.u32 s0, $0x1;
	s15 =	smul.u32 $0x5000, s0  }
0x7: {  	s26 =	sshll.u32 s0, $0x6;
	_ =	strace $0x8000004A;
	s7 =	smul.u32 $0x140000, s8  }
0x8: {  	s23 =	ssub.s32 $0x2, s8;
	s12 =	sor.u32 s8, s24;
	s30 =	smul.u32 $0x2800, s8  }
0x9: {  	s24 =	simm.s32 $0x3;
	s9 =	sshrl.u32 s6, $0x3;
	s13 =	smul.u32 $0x2800, s12  }
0xa: {  	s11 =	sshrl.u32 s23, $0x1;
	s25 =	sshrl.u32 s22, $0x2;
	s28 =	smul.u32 $0x28000, s12  }
0xb: {  	p0 =	seq.s32 s12, $0x1F;
	s22 =	simm.s32 $0x100;
	s6 =	sadd.s32 s6, s7  }
0xc: {  	s21 =	sadd.s32 s9, s5;
	s11 =	ssub.s32 s23, s11;
	s16 =	sadd.s32 s25, s2  }
0xd: {  	s12 =	sadd.s32 s30, s15;
	s23 =	simm.s32 $0x2;
	s25 =	simm.s32 $0x0  }
0xe: {  	s6 =	sshrl.u32 s6, $0x3;
	s29 =	sshrl.u32 s13, $0x3;
	s8 =	sadd.s32 s4, s28  }
0xf: {  	s11 =	smax.u32 s11, $0x1;
	s13 =	simm.s32 @p0 $0x0;
	s4 =	smov.u32 @p0 s18  }
0x10: {  	s15 =	sor.u32 $0x180, s12;
	s17 =	sor.u32 $0x100, s12;
	s16 =	sshrl.u32 s16, $0x3  }
0x11: {  	s10 =	sadd.s32 s6, s5;
	s5 =	sadd.s32 $0x62BC00, s21;
	s6 =	sor.u32 $0x1C05, s26  }
0x12: {  	s7 =	sadd.s32 s14, s29;
	s15 =	sshrl.u32 s15, $0x3;
	s17 =	sshrl.u32 s17, $0x3  }
0x13: {  	s19 =	sshll.u32 s13, $0x4;
	s8 =	smov.u32 @p0 s18;
	s18 =	simm.s32 $0x80  }
0x14: {  	s21 =	simm.s32 $0x4100;
	s9 =	sadd.s32 $0x10, s7;
	s10 =	sadd.s32 $0x653C00, s10  }
0x15: {  	s13 =	sadd.s32 s15, s14;
	s14 =	sadd.s32 s17, s14;
	s31 =	sadd.s32 s19, s4  }
0x16: {  	s17 =	simm.s32 $0x5;
	s19 =	simm.s32 $0x1;
	s15 =	sadd.s32 $0x800, s31  }
.LBB2_1:
0x17: {  	[spmem:s16], [sflag:s6] =	dma.local [hbm:s5], $0x2800  }
0x18: {  	_ =	swait.ge [sflag:s17], $0x2800  }
0x19: {  	[sflag:s17] =	ssyncset.done $0x0  }
0x1a: {  	[sflag:s17] =	ssyncadd.s32 $0xFFFFD800  }
0x1b: {  	[tilespmem:s3], [sflag:$0x5] =	stream.linear.gather [hbm4b:s7+s3], $0x80, $0x38;
	[tilespmem:$0xA900] =	vst v63  }
0x1c: {  	_ =	swait.ge [sflag:s17], $0x80  }
0x1d: {  	[sflag:s17] =	ssyncset.done $0x0  }
0x1e: {  	[sflag:s17] =	ssyncadd.s32 $0xFFFFFF80  }
0x1f: {  	[tilespmem:s22], [sflag:$0x1] =	stream.linear.gather [hbm4b:s8+s3], $0x4000, $0x38;
	[tilespmem:$0xA900] =	vst v63  }
0x20: {  	_ = 	snop  }
0x21: {  	[tilespmem:s18], [sflag:$0x4] =	stream.linear.gather [hbm4b:s9+s3], $0x80, $0x38;
	[tilespmem:$0xA900] =	vst v63  }
0x22: {  	_ =	swait.ge [sflag:s19], $0x4000  }
0x23: {  	[sflag:s19] =	ssyncset.done $0x0  }
0x24: {  	[sflag:s19] =	ssyncadd.s32 $0xFFFFC000  }
0x25: {  	_ =	swait.ge [sflag:s20], $0x80  }
0x26: {  	[sflag:s20] =	ssyncset.done $0x0  }
0x27: {  	[sflag:s20] =	ssyncadd.s32 $0xFFFFFF80  }
0x28: {  	[tilespmem:s21], [sflag:$0x2] =	stream.linear.gather [hbm4b:s15+s3], $0x4000, $0x38;
	[tilespmem:$0xA900] =	vst v63  }
0x29: {  	_ = 	snop  }
0x2a: {  	[spmem:s2] =	stream.indirect.scatter.add.f32 [tilespmem:s22], [sflag:$0x5], $0x10, s3, s18, $0xb8;
	[tilespmem:$0xA900] =	vst v63  }
0x2b: {  	_ =	swait.ge [sflag:s17], $0x800  }
0x2c: {  	[sflag:s17] =	ssyncset.done $0x0  }
0x2d: {  	[sflag:s17] =	ssyncadd.s32 $0xFFFFF800  }
0x2e: {  	[tilespmem:s3], [sflag:$0x3] =	stream.linear.gather [hbm4b:s14+s3], $0x80, $0x38;
	[tilespmem:$0xA900] =	vst v63  }
0x2f: {  	_ =	swait.ge [sflag:s23], $0x4000  }
0x30: {  	[sflag:s23] =	ssyncset.done $0x0  }
0x31: {  	s26 =	sadd.s32 $0x100, s12;
	[sflag:s23] =	ssyncadd.s32 $0xFFFFC000  }
0x32: {  	s26 =	smov.u32 @p0 s22;
	_ =	swait.ge [sflag:s24], $0x80  }
0x33: {  	s26 =	sshll.u32 s26, $0x4;
	[sflag:s24] =	ssyncset.done $0x0  }
0x34: {  	s26 =	sadd.s32 s4, s26;
	[sflag:s24] =	ssyncadd.s32 $0xFFFFFF80  }
0x35: {  	[tilespmem:s22], [sflag:$0x1] =	stream.linear.gather [hbm4b:s26+s3], $0x4000, $0x38;
	[tilespmem:$0xA900] =	vst v63  }
0x36: {  	_ = 	snop  }
0x37: {  	[spmem:s2] =	stream.indirect.scatter.add.f32 [tilespmem:s21], [sflag:$0x5], $0x10, s18, s18, $0xb8;
	[tilespmem:$0xA900] =	vst v63  }
0x38: {  	s28 =	sadd.s32 $0x1000, s15;
	_ =	swait.ge [sflag:s17], $0x800  }
0x39: {  	s29 =	sadd.s32 $0x20, s13;
	s30 =	sadd.s32 $0x20, s14;
	[sflag:s17] =	ssyncset.done $0x0  }
0x3a: {  	s31 =	smov.u32 s13;
	s26 =	simm.s32 $0x200;
	[sflag:s17] =	ssyncadd.s32 $0xFFFFF800  }
.LBB2_2:
0x3b: {  	[tilespmem:s18], [sflag:$0x4] =	stream.linear.gather [hbm4b:s31+s3], $0x80, $0x38;
	[tilespmem:$0xA900] =	vst v63  }
0x3c: {  	s0 =	smov.u32 s26;
	s31 =	smov.u32 s29  }
0x3d: {  	p1 =	sne.s32 s26, $0x2800;
	s26 =	sadd.s32 $0x100, s26;
	_ =	swait.ge [sflag:s19], $0x4000  }
0x3e: {  	[sflag:s19] =	ssyncset.done $0x0  }
0x3f: {  	[sflag:s19] =	ssyncadd.s32 $0xFFFFC000  }
0x40: {  	_ =	swait.ge [sflag:s20], $0x80  }
0x41: {  	[sflag:s20] =	ssyncset.done $0x0  }
0x42: {  	[sflag:s20] =	ssyncadd.s32 $0xFFFFFF80  }
0x43: {  	[tilespmem:s21], [sflag:$0x2] =	stream.linear.gather [hbm4b:s28+s3], $0x4000, $0x38;
	[tilespmem:$0xA900] =	vst v63  }
0x44: {  	_ = 	snop  }
0x45: {  	[spmem:s2] =	stream.indirect.scatter.add.f32 [tilespmem:s22], [sflag:$0x5], $0x10, s3, s18, $0xb8;
	[tilespmem:$0xA900] =	vst v63  }
0x46: {  	_ =	swait.ge [sflag:s17], $0x800  }
0x47: {  	[sflag:s17] =	ssyncset.done $0x0  }
0x48: {  	[sflag:s17] =	ssyncadd.s32 $0xFFFFF800  }
0x49: {  	[tilespmem:s3], [sflag:$0x3] =	stream.linear.gather [hbm4b:s30+s3], $0x80, $0x38;
	[tilespmem:$0xA900] =	vst v63  }
0x4a: {  	_ =	swait.ge [sflag:s23], $0x4000  }
0x4b: {  	[sflag:s23] =	ssyncset.done $0x0  }
0x4c: {  	s1 =	sadd.s32 s0, s12;
	[sflag:s23] =	ssyncadd.s32 $0xFFFFC000  }
0x4d: {  	s1 =	smov.u32 @p0 s0;
	_ =	swait.ge [sflag:s24], $0x80  }
0x4e: {  	s0 =	sshll.u32 s1, $0x4;
	[sflag:s24] =	ssyncset.done $0x0  }
0x4f: {  	s0 =	sadd.s32 s4, s0;
	[sflag:s24] =	ssyncadd.s32 $0xFFFFFF80  }
0x50: {  	[tilespmem:s22], [sflag:$0x1] =	stream.linear.gather [hbm4b:s0+s3], $0x4000, $0x38;
	[tilespmem:$0xA900] =	vst v63  }
.Ltmp0:
0x51: {  	(pc) =	sbr.rel @p1 .LBB2_2-.Ltmp0, $4  }
0x52: {  	[spmem:s2] =	stream.indirect.scatter.add.f32 [tilespmem:s21], [sflag:$0x5], $0x10, s18, s18, $0xb8;
	[tilespmem:$0xA900] =	vst v63  }
0x53: {  	_ =	swait.ge [sflag:s17], $0x800  }
0x54: {  	s28 =	sadd.s32 $0x1000, s28;
	[sflag:s17] =	ssyncset.done $0x0  }
0x55: {  	s29 =	sadd.s32 $0x20, s29;
	s30 =	sadd.s32 $0x20, s30;
	[sflag:s17] =	ssyncadd.s32 $0xFFFFF800  }
0x56: {  	[tilespmem:s18], [sflag:$0x4] =	stream.linear.gather [hbm4b:s31+s3], $0x80, $0x38;
	[tilespmem:$0xA900] =	vst v63  }
0x57: {  	_ =	swait.ge [sflag:s19], $0x4000  }
0x58: {  	[sflag:s19] =	ssyncset.done $0x0  }
0x59: {  	[sflag:s19] =	ssyncadd.s32 $0xFFFFC000  }
0x5a: {  	_ =	swait.ge [sflag:s20], $0x80  }
0x5b: {  	s25 =	sadd.s32 $0x1, s25;
	[sflag:s20] =	ssyncset.done $0x0  }
0x5c: {  	p1 =	sne.s32 s25, s11;
	[sflag:s20] =	ssyncadd.s32 $0xFFFFFF80  }
.Ltmp1:
0x5d: {  	[bflag:$0x0] =	sbarrier.arrive $0xFFFF;
	(pc) =	sbr.rel @p1 .LBB2_1-.Ltmp1, $4  }
0x5e: {  	[hbm:s10], [sflag:s6] =	dma.local [spmem:s16], $0x2800  }
0x5f: {  	_ =	swait.ge [sflag:s17], $0x2800  }
0x60: {  	[sflag:s17] =	ssyncset.done $0x0  }
0x61: {  	[sflag:s17] =	ssyncadd.s32 $0xFFFFD800  }
0x62: {  	_ =	sfence.sel $0x180000  }
0x63: {  	[bflag:$0x0] =	sbarrier.arrive $0xFFFF  }
0x64: {  	_ =	strace $0x9000004A  }
0x65: {  	s0 =	stileid.u32;
	[bflag:$0x2] =	sbarrier.arrive $0xFFFF  }
0x66: {  	p0 =	sne.s32 s0, $0x0;
	s0 =	rddreg [dreg:$0x2]  }
0x67: {  	s0 =	sadd.s32 @!p0 $0x100000, s0  }
0x68: {  	[sflag:s0] =	ssyncadd.tile.s32 @!p0 $0x1;
	_ =	shalt  }
.Lfunc_end2:
_tile_overlayer_lowered:
.L_overlay_start_2:
0x69: {  	(tag) =	ssettag $0x2  }
0x6a: {  	s0 =	rddreg [dreg:$0x0];
	s2 =	stileid.u32  }
0x6b: {  	s1 =	rddreg [dreg:$0x1];
	p0 =	sne.s32 s2, $0x0  }
0x6c: {  	s3 =	rddreg [dreg:$0x2];
	[bflag:$0x3] =	sbarrier.arrive $0xFFFF;
	s2 =	simm.s32 @!p0 $0x1C05  }
0x6d: {  	[timem:s3], [sflag:s2] =	dma.local @!p0 [hbm:s0], s1  }
0x6e: {  	s0 =	simm.s32 @!p0 $0x5  }
0x6f: {  	_ =	swait.ge @!p0 [sflag:s0], s1  }
0x70: {  	s1 =	ssub.s32 @!p0 $0x0, s1;
	[sflag:s0] =	ssyncset.done @!p0 $0x0  }
0x71: {  	[sflag:s0] =	ssyncadd.s32 @!p0 s1  }
0x72: {  	[bflag:$0x3] =	sbarrier.arrive $0xFFFF  }
0x73: {  	_ =	shalt  }

</sc_bundles>
